<compile_context>
chip_gen: v7x
topology: tpu7x:2x2x1
jax: 0.10.2.dev20260603
libtpu: 0.0.44.dev20260713+nightly
codegen_flags: <defaults>
</compile_context>

<pallas_src>
import functools

import jax
import jax.numpy as jnp
from jax import lax
from jax.experimental import pallas as pl
from jax.experimental.pallas import tpu as pltpu
from jax.experimental.pallas import tpu_sc as plsc

_N1 = 10000
_E1 = 640000
_N2 = 199
_F = 128
_B = 16
_K = 50

_N1P = 10240

_NC = 2
_NS = 16
_NW = _NC * _NS
_EPW = _E1 // _NW
_CH = 80
_NCH = _EPW // _CH
_RPT = _N1P // _NS

_N2P = 256
_E2P = 3200

_NEG = float("-inf")


_NR = 3
_RNG = 3584
_NACC = _NR * _RNG
_RRT = _RNG // _NS
_SENT = -1


def _sc_mesh():
  return plsc.VectorSubcoreMesh(
      core_axis_name="c", subcore_axis_name="s",
      num_cores=_NC, num_subcores=_NS)


def _make_seg_kernel():
  scratch = [
      pltpu.VMEM((_EPW,), jnp.int32),
      pltpu.VMEM((_EPW,), jnp.int32),
      pltpu.VMEM((_CH,), jnp.int32),
      pltpu.VMEM((_CH,), jnp.int32),
      pltpu.VMEM((_CH,), jnp.int32),
      pltpu.VMEM((_CH,), jnp.int32),
      pltpu.VMEM((_CH, _F), jnp.float32),
      pltpu.VMEM((_CH, _F), jnp.float32),
      pltpu.SemaphoreType.DMA,
      pltpu.SemaphoreType.DMA,
      pltpu.VMEM((_RRT, _F), jnp.float32),
      pltpu.VMEM_SHARED((_RNG, _F), jnp.float32),
  ]

  def body(x_hbm, src_hbm, dst_hbm, zf_hbm, msum_hbm,
           src_all, dst_all, sadj0, dadj0, sadj1, dadj1, rows0, rows1,
           sem0, sem1, bounce, accf):
    c = lax.axis_index("c")
    s = lax.axis_index("s")
    w = s * _NC + c

    pltpu.sync_copy(src_hbm.at[pl.ds(w * _EPW, _EPW)], src_all)
    pltpu.sync_copy(dst_hbm.at[pl.ds(w * _EPW, _EPW)], dst_all)
    pltpu.sync_copy(zf_hbm, bounce)

    def adj(off, lo, hi, sadj_v, dadj_v):
      @pl.loop(0, _CH // 16)
      def _adj(j):
        sl = pl.ds(off + j * 16, 16)
        dv = dst_all[sl]
        sv = src_all[sl]
        m = (dv >= lo) & (dv < hi)
        osl = pl.ds(j * 16, 16)
        sadj_v[osl] = jnp.where(m, sv, _SENT)
        dadj_v[osl] = jnp.where(m, dv - lo, _SENT)

    for p in range(_NR):
      lo = p * _RNG
      hi = lo + _RNG
      pltpu.sync_copy(bounce, accf.at[pl.ds(s * _RRT, _RRT)])
      plsc.subcore_barrier()

      @pl.loop(0, _NCH // 2)
      def _step(i):
        o0 = (2 * i) * _CH
        o1 = (2 * i + 1) * _CH
        adj(o0, lo, hi, sadj0, dadj0)
        g0 = pltpu.async_copy(
            x_hbm.at[plsc.Indices(sadj0, ignored_value=_SENT)], rows0, sem0)
        adj(o1, lo, hi, sadj1, dadj1)
        g1 = pltpu.async_copy(
            x_hbm.at[plsc.Indices(sadj1, ignored_value=_SENT)], rows1, sem1)
        g0.wait()
        pltpu.sync_copy(
            rows0, accf.at[plsc.Indices(dadj0, ignored_value=_SENT)], add=True)
        g1.wait()
        pltpu.sync_copy(
            rows1, accf.at[plsc.Indices(dadj1, ignored_value=_SENT)], add=True)

      plsc.subcore_barrier()
      pltpu.sync_copy(accf.at[pl.ds(s * _RRT, _RRT)], bounce)
      pltpu.sync_copy(bounce,
                      msum_hbm.at[pl.ds(c * _NACC + lo + s * _RRT, _RRT)])
      plsc.subcore_barrier()
      if p + 1 < _NR:
        pltpu.sync_copy(zf_hbm, bounce)

  return pl.kernel(
      body,
      out_type=jax.ShapeDtypeStruct((_NC * _NACC, _F), jnp.float32),
      mesh=_sc_mesh(),
      scratch_types=scratch,
  )


def _make_cnt_kernel():
  scratch = [
      pltpu.VMEM((_EPW,), jnp.int32),
      pltpu.VMEM((_CH,), jnp.int32),
      pltpu.VMEM((_CH, _F), jnp.float32),
      pltpu.VMEM((_RRT, _F), jnp.float32),
      pltpu.VMEM_SHARED((_RNG, _F), jnp.float32),
  ]

  def body(dst_hbm, zf_hbm, ones_hbm, cnt_hbm,
           dst_all, dadj_v, ones_v, bounce, accc):
    c = lax.axis_index("c")
    s = lax.axis_index("s")
    w = s * _NC + c

    pltpu.sync_copy(dst_hbm.at[pl.ds(w * _EPW, _EPW)], dst_all)
    pltpu.sync_copy(ones_hbm, ones_v)
    pltpu.sync_copy(zf_hbm, bounce)
    for p in range(_NR):
      lo = p * _RNG
      hi = lo + _RNG
      pltpu.sync_copy(bounce, accc.at[pl.ds(s * _RRT, _RRT)])
      plsc.subcore_barrier()

      @pl.loop(0, _NCH)
      def _step(i):
        @pl.loop(0, _CH // 16)
        def _adj(j):
          sl = pl.ds(i * _CH + j * 16, 16)
          dv = dst_all[sl]
          m = (dv >= lo) & (dv < hi)
          dadj_v[pl.ds(j * 16, 16)] = jnp.where(m, dv - lo, _SENT)

        pltpu.sync_copy(
            ones_v,
            accc.at[plsc.Indices(dadj_v, ignored_value=_SENT)], add=True)

      plsc.subcore_barrier()
      pltpu.sync_copy(accc.at[pl.ds(s * _RRT, _RRT)], bounce)
      pltpu.sync_copy(bounce,
                      cnt_hbm.at[pl.ds(c * _NACC + lo + s * _RRT, _RRT)])
      plsc.subcore_barrier()
      if p + 1 < _NR:
        pltpu.sync_copy(zf_hbm, bounce)

  return pl.kernel(
      body,
      out_type=jax.ShapeDtypeStruct((_NC * _NACC, _F), jnp.float32),
      mesh=_sc_mesh(),
      scratch_types=scratch,
  )


_seg_cache = {}


def _seg_sum(*args):
  if "seg" not in _seg_cache:
    _seg_cache["seg"] = _make_seg_kernel()
  return _seg_cache["seg"](*args)


def _seg_cnt(*args):
  if "cnt" not in _seg_cache:
    _seg_cache["cnt"] = _make_cnt_kernel()
  return _seg_cache["cnt"](*args)


def _tc_layer(msum_p, cnt_p, x, Wl, bl, Wr):
  n, f = x.shape
  fo = Wl.shape[1]
  blk = 2000
  grid = n // blk

  def body(ms_ref, cp_ref, x_ref, wl_ref, bl_ref, wr_ref, o_ref):
    ms = ms_ref[0] + ms_ref[1]
    cnt = cp_ref[0][:, 0:1] + cp_ref[1][:, 0:1]
    mean = ms / jnp.maximum(cnt, 1.0)
    h = (jnp.dot(mean, wl_ref[...], preferred_element_type=jnp.float32)
         + bl_ref[...]
         + jnp.dot(x_ref[...], wr_ref[...], preferred_element_type=jnp.float32))
    o_ref[...] = jnp.maximum(h, 0.0)

  return pl.pallas_call(
      body,
      grid=(grid,),
      in_specs=[
          pl.BlockSpec((2, blk, f), lambda i: (0, i, 0)),
          pl.BlockSpec((2, blk, f), lambda i: (0, i, 0)),
          pl.BlockSpec((blk, f), lambda i: (i, 0)),
          pl.BlockSpec((f, fo), lambda i: (0, 0)),
          pl.BlockSpec((1, fo), lambda i: (0, 0)),
          pl.BlockSpec((f, fo), lambda i: (0, 0)),
      ],
      out_specs=pl.BlockSpec((blk, fo), lambda i: (i, 0)),
      out_shape=jax.ShapeDtypeStruct((n, fo), jnp.float32),
  )(msum_p, cnt_p, x, Wl, bl, Wr)


def _tc_graph2(x2p, ei2p, Wl1, bl1, Wr1, Wl2, bl2, Wr2):
  def body(x_ref, ei_ref, wl1_ref, bl1_ref, wr1_ref, wl2_ref, bl2_ref,
           wr2_ref, o_ref):
    src = ei_ref[0:1, :]
    dst = ei_ref[1:2, :]
    ionn = lax.broadcasted_iota(jnp.int32, (_N2P, _E2P), 0)
    dm = (dst == ionn).astype(jnp.float32)
    sm = (src == ionn).astype(jnp.float32)
    a = lax.dot_general(dm, sm, (((1,), (1,)), ((), ())),
                        preferred_element_type=jnp.float32,
                        precision=lax.Precision.HIGHEST)
    cnt2 = jnp.maximum(jnp.sum(a, axis=1, keepdims=True), 1.0)
    x2 = x_ref[...]
    ms1 = jnp.dot(a, x2, preferred_element_type=jnp.float32,
                  precision=lax.Precision.HIGHEST)
    h = jnp.maximum(
        jnp.dot(ms1 / cnt2, wl1_ref[...], preferred_element_type=jnp.float32)
        + bl1_ref[...]
        + jnp.dot(x2, wr1_ref[...], preferred_element_type=jnp.float32), 0.0)
    ms2 = jnp.dot(a, h, preferred_element_type=jnp.float32,
                  precision=lax.Precision.HIGHEST)
    o_ref[...] = jnp.maximum(
        jnp.dot(ms2 / cnt2, wl2_ref[...], preferred_element_type=jnp.float32)
        + bl2_ref[...]
        + jnp.dot(h, wr2_ref[...], preferred_element_type=jnp.float32), 0.0)

  return pl.pallas_call(
      body,
      out_shape=jax.ShapeDtypeStruct((_N2P, 64), jnp.float32),
  )(x2p, ei2p, Wl1, bl1, Wr1, Wl2, bl2, Wr2)


def _tc_topk(out1p, out2, batchp):
  def body(o1_ref, o2_ref, b_ref, idx_ref):
    o1 = o1_ref[...]
    o2k = o2_ref[_N2 - 1:_N2, :]
    ones = jnp.ones((1, 64), jnp.float32)
    dotrow = lax.dot_general(o2k, o1, (((1,), (1,)), ((), ())),
                             preferred_element_type=jnp.float32)
    n1row = lax.dot_general(ones, o1 * o1, (((1,), (1,)), ((), ())),
                            preferred_element_type=jnp.float32,
                            precision=lax.Precision.HIGHEST)
    n2k = jnp.sum(o2k * o2k, axis=1, keepdims=True)
    key = jnp.sqrt(jnp.maximum(n1row + n2k - 2.0 * dotrow, 0.0) + 1e-12)
    brow = b_ref[0:1, :]
    iob = lax.broadcasted_iota(jnp.int32, (_B, _N1P), 0)
    inseg = brow == iob
    km = jnp.where(inseg, key, _NEG)
    cnt = jnp.sum(inseg.astype(jnp.int32), axis=1, keepdims=True)
    ipos = lax.broadcasted_iota(jnp.int32, (_B, _N1P), 1)
    cols = []
    for _ in range(_K):
      m = jnp.max(km, axis=1, keepdims=True)
      cand = jnp.where(km == m, ipos, jnp.int32(2**30))
      am = jnp.min(cand, axis=1, keepdims=True)
      cols.append(am)
      km = jnp.where(ipos == am, _NEG, km)
    cols.append(cnt)
    cols.append(jnp.zeros((_B, 64 - _K - 1), jnp.int32))
    idx_ref[...] = jnp.concatenate(cols, axis=1)

  return pl.pallas_call(
      body,
      out_shape=jax.ShapeDtypeStruct((_B, 64), jnp.int32),
  )(out1p, out2, batchp)


def _tc_head(out1p, out2, idxcnt, w1p, b1, g1, be1, w2, b2, g2, be2, w3, b3):
  def ln(x, g, b):
    mu = jnp.mean(x, axis=-1, keepdims=True)
    v = jnp.mean((x - mu) ** 2, axis=-1, keepdims=True)
    return (x - mu) * jax.lax.rsqrt(v + 1e-5) * g + b

  def body(o1_ref, o2_ref, ic_ref, w1_ref, b1_ref, g1_ref, be1_ref,
           w2_ref, b2_ref, g2_ref, be2_ref, w3_ref, b3_ref, o_ref, g_scr):
    for b in range(_B):
      def gather_j(j, _, b=b):
        r = ic_ref[b, j]
        g_scr[pl.ds(j * _B + b, 1), :] = o1_ref[pl.ds(r, 1), :]
        return 0
      lax.fori_loop(0, _K, gather_j, 0)

    g = g_scr[...]
    o2 = o2_ref[...]
    d = lax.dot_general(g, o2, (((1,), (1,)), ((), ())),
                        preferred_element_type=jnp.float32)
    n1 = jnp.sum(g * g, axis=1, keepdims=True)
    n2row = lax.dot_general(jnp.ones((1, 64), jnp.float32), o2 * o2,
                            (((1,), (1,)), ((), ())),
                            preferred_element_type=jnp.float32,
                            precision=lax.Precision.HIGHEST)
    dist = jnp.sqrt(jnp.maximum(n1 + n2row - 2.0 * d, 0.0) + 1e-12)

    ii = lax.broadcasted_iota(jnp.int32, (_K * _B, 1), 0)
    jj = ii // _B
    bb = lax.rem(ii, _B)
    cntcol = jnp.zeros((_K * _B, 1), jnp.int32)
    for b in range(_B):
      cntcol = jnp.where(bb == b, ic_ref[b, _K], cntcol)
    top = jnp.where(jj < cntcol, dist, 0.0)

    y = jnp.zeros((_B, 128), jnp.float32)
    for j in range(_K):
      y = y + jnp.dot(top[j * _B:(j + 1) * _B, :], w1_ref[j],
                      preferred_element_type=jnp.float32)
    y = jnp.maximum(ln(y + b1_ref[...], g1_ref[...], be1_ref[...]), 0.0)
    y = jnp.dot(y, w2_ref[...], preferred_element_type=jnp.float32) + b2_ref[...]
    y = jnp.maximum(ln(y, g2_ref[...], be2_ref[...]), 0.0)
    y = jnp.dot(y, w3_ref[...], preferred_element_type=jnp.float32)[:, 0:1]
    y = y + b3_ref[...]
    o_ref[...] = 1.0 / (1.0 + jnp.exp(-y))

  return pl.pallas_call(
      body,
      in_specs=[
          pl.BlockSpec((_N1P, 64), lambda: (0, 0)),
          pl.BlockSpec((_N2P, 64), lambda: (0, 0)),
          pl.BlockSpec(memory_space=pltpu.SMEM),
          pl.BlockSpec((_K, _N2P, 128), lambda: (0, 0, 0)),
          pl.BlockSpec((1, 128), lambda: (0, 0)),
          pl.BlockSpec((1, 128), lambda: (0, 0)),
          pl.BlockSpec((1, 128), lambda: (0, 0)),
          pl.BlockSpec((128, 64), lambda: (0, 0)),
          pl.BlockSpec((1, 64), lambda: (0, 0)),
          pl.BlockSpec((1, 64), lambda: (0, 0)),
          pl.BlockSpec((1, 64), lambda: (0, 0)),
          pl.BlockSpec((64, 1), lambda: (0, 0)),
          pl.BlockSpec((1, 1), lambda: (0, 0)),
      ],
      out_specs=pl.BlockSpec((_B, 1), lambda: (0, 0)),
      out_shape=jax.ShapeDtypeStruct((_B, 1), jnp.float32),
      scratch_shapes=[pltpu.VMEM((_K * _B, 64), jnp.float32)],
  )(out1p, out2, idxcnt, w1p, b1, g1, be1, w2, b2, g2, be2, w3, b3)


def kernel(x1, edge_index1, batch1, x2, edge_index2, Wl1, bl1, Wr1, Wl2, bl2,
           Wr2, fc1_w, fc1_b, g1, be1, fc2_w, fc2_b, g2, be2, fc3_w, fc3_b):
  src1 = edge_index1[0]
  dst1 = edge_index1[1]
  zf = jnp.zeros((_RRT, _F), jnp.float32)
  onesr = jnp.ones((_CH, _F), jnp.float32)

  cnt1 = _seg_cnt(dst1, zf, onesr).reshape(_NC, _NACC, _F)
  msum1 = _seg_sum(x1, src1, dst1, zf).reshape(_NC, _NACC, _F)

  bl1r = bl1.reshape(1, -1)
  bl2r = bl2.reshape(1, -1)
  h1 = _tc_layer(msum1, cnt1, x1, Wl1, bl1r, Wr1)

  msum2 = _seg_sum(h1, src1, dst1, zf).reshape(_NC, _NACC, _F)
  out1 = _tc_layer(msum2, cnt1, h1, Wl2, bl2r, Wr2)

  x2p = jnp.pad(x2, ((0, _N2P - _N2), (0, 0)))
  ei2p = jnp.pad(edge_index2, ((0, 6), (0, _E2P - edge_index2.shape[1])),
                 constant_values=-1)
  out2 = _tc_graph2(x2p, ei2p, Wl1, bl1r, Wr1, Wl2, bl2r, Wr2)

  out1p = jnp.pad(out1, ((0, _N1P - _N1), (0, 0)))
  batchp = jnp.broadcast_to(
      jnp.pad(batch1, (0, _N1P - _N1), constant_values=_B).reshape(1, _N1P),
      (8, _N1P))
  idxcnt = _tc_topk(out1p, out2, batchp)

  w1p = jnp.pad(fc1_w.reshape(_K, _N2, 128), ((0, 0), (0, _N2P - _N2), (0, 0)))
  return _tc_head(out1p, out2, idxcnt, w1p,
                  fc1_b.reshape(1, -1), g1.reshape(1, -1), be1.reshape(1, -1),
                  fc2_w, fc2_b.reshape(1, -1), g2.reshape(1, -1),
                  be2.reshape(1, -1), fc3_w, fc3_b.reshape(1, -1))

# --- scband reference (transcript-rebuilt; emitter-appended) ---
"""Pipeline reference for scband-siamese-gnn-sage-31954556682876 (READ-ONLY COPY).

The authoritative reference and input builder live on the scoring server;
editing this copy changes nothing except your own understanding.
"""

import jax, jax.numpy as jnp
import numpy as np

N1 = 10000; E1 = 640000; N2 = 199; E2 = 3184; F = 128; B = 16; K = 50

def setup_inputs(seed: int = 0):
    key = jax.random.key(seed)
    k = lambda i: jax.random.fold_in(key, i)
    inp = {}
    inp['x1'] = jax.random.normal(k(0), (N1, F), jnp.float32)
    inp['edge_index1'] = jax.random.randint(k(1), (2, E1), 0, N1, jnp.int32)
    inp['batch1'] = jnp.sort(jax.random.randint(k(2), (N1,), 0, B, jnp.int32))
    inp['x2'] = jax.random.normal(k(3), (N2, F), jnp.float32)
    inp['edge_index2'] = jax.random.randint(k(4), (2, E2), 0, N2, jnp.int32)
    s = 0.05
    inp['Wl1'] = jax.random.normal(k(5), (F, 128), jnp.float32) * s
    inp['bl1'] = jnp.zeros((128,), jnp.float32)
    inp['Wr1'] = jax.random.normal(k(6), (F, 128), jnp.float32) * s
    inp['Wl2'] = jax.random.normal(k(7), (128, 64), jnp.float32) * s
    inp['bl2'] = jnp.zeros((64,), jnp.float32)
    inp['Wr2'] = jax.random.normal(k(8), (128, 64), jnp.float32) * s
    inp['fc1_w'] = jax.random.normal(k(9), (K * N2, 128), jnp.float32) * 0.01
    inp['fc1_b'] = jnp.zeros((128,), jnp.float32)
    inp['g1'] = jnp.ones((128,), jnp.float32)
    inp['be1'] = jnp.zeros((128,), jnp.float32)
    inp['fc2_w'] = jax.random.normal(k(10), (128, 64), jnp.float32) * s
    inp['fc2_b'] = jnp.zeros((64,), jnp.float32)
    inp['g2'] = jnp.ones((64,), jnp.float32)
    inp['be2'] = jnp.zeros((64,), jnp.float32)
    inp['fc3_w'] = jax.random.normal(k(11), (64, 1), jnp.float32) * s
    inp['fc3_b'] = jnp.zeros((1,), jnp.float32)
    return inp

def _sage(x, ei, Wl, bl, Wr):
    src, dst = ei[0], ei[1]
    n = x.shape[0]
    msum = jax.ops.segment_sum(x[src], dst, num_segments=n)
    cnt = jax.ops.segment_sum(jnp.ones((ei.shape[1],), x.dtype), dst, num_segments=n)
    mean = msum / jnp.maximum(cnt, 1.0)[:, None]
    return mean @ Wl + bl + x @ Wr

def _gnn(x, ei, Wl1, bl1, Wr1, Wl2, bl2, Wr2):
    h = jax.nn.relu(_sage(x, ei, Wl1, bl1, Wr1))
    return jax.nn.relu(_sage(h, ei, Wl2, bl2, Wr2))

def _ln(x, g, b):
    mu = x.mean(-1, keepdims=True)
    v = ((x - mu) ** 2).mean(-1, keepdims=True)
    return (x - mu) / jnp.sqrt(v + 1e-5) * g + b

def _sort_aggr(x, batch):
    n, d = x.shape
    fill = jax.lax.stop_gradient(x.min()) - 1.0
    counts = jnp.bincount(batch, length=B)
    starts = jnp.concatenate([jnp.zeros((1,), counts.dtype), jnp.cumsum(counts)[:-1]])
    pos = jnp.arange(n) - starts[batch]
    dense = jnp.full((B, n, d), fill, x.dtype).at[batch, pos].set(x)
    perm = jnp.argsort(-dense[:, :, -1], axis=1)[:, :K]
    top = jnp.take_along_axis(dense, perm[:, :, None], axis=1)
    top = jnp.where(top == fill, 0.0, top)
    return top.reshape(B, K * d)

def reference(x1, edge_index1, batch1, x2, edge_index2, Wl1, bl1, Wr1, Wl2, bl2, Wr2, fc1_w, fc1_b, g1, be1, fc2_w, fc2_b, g2, be2, fc3_w, fc3_b):
    out1 = _gnn(x1, edge_index1, Wl1, bl1, Wr1, Wl2, bl2, Wr2)
    out2 = _gnn(x2, edge_index2, Wl1, bl1, Wr1, Wl2, bl2, Wr2)
    d2 = jnp.sum(out1 ** 2, 1)[:, None] + jnp.sum(out2 ** 2, 1)[None, :] - 2.0 * (out1 @ out2.T)
    dist = jnp.sqrt(jnp.maximum(d2, 0.0) + 1e-12)
    h = _sort_aggr(dist, batch1)
    h = jax.nn.relu(_ln(h @ fc1_w + fc1_b, g1, be1))
    h = jax.nn.relu(_ln(h @ fc2_w + fc2_b, g2, be2))
    return jax.nn.sigmoid(h @ fc3_w + fc3_b)

if __name__ == "__main__":
    import jax
    _d = setup_inputs()
    print(jax.jit(kernel)(*tuple(_d.values())))

</pallas_src>

<mosaic_0001>
#map = affine_map<(d0, d1) -> (0, 0)>
#map1 = affine_map<(d0, d1) -> (0)>
module attributes {stable_mosaic.version = 14 : i64} {
  func.func @body(%arg0: i32, %arg1: i32, %arg2: memref<10000x128xf32, #tpu.memory_space<hbm>>, %arg3: memref<640000xi32, #tpu.memory_space<hbm>>, %arg4: memref<640000xi32, #tpu.memory_space<hbm>>, %arg5: memref<224x128xf32, #tpu.memory_space<hbm>>, %arg6: memref<21504x128xf32, #tpu.memory_space<hbm>>, %arg7: memref<20000xi32, #tpu.memory_space<vmem>>, %arg8: memref<20000xi32, #tpu.memory_space<vmem>>, %arg9: memref<80xi32, #tpu.memory_space<vmem>>, %arg10: memref<80xi32, #tpu.memory_space<vmem>>, %arg11: memref<80xi32, #tpu.memory_space<vmem>>, %arg12: memref<80xi32, #tpu.memory_space<vmem>>, %arg13: memref<80x128xf32, #tpu.memory_space<vmem>>, %arg14: memref<80x128xf32, #tpu.memory_space<vmem>>, %arg15: memref<!tpu.dma_semaphore, #tpu.memory_space<semaphore_mem>>, %arg16: memref<!tpu.dma_semaphore, #tpu.memory_space<semaphore_mem>>, %arg17: memref<224x128xf32, #tpu.memory_space<vmem>>, %arg18: memref<3584x128xf32, #tpu.memory_space<vmem_shared>>) attributes {dimension_semantics = [#tpu.dimension_semantics<core_parallel>, #tpu.dimension_semantics<subcore_parallel>], iteration_bounds = array<i64: 2, 16>, scalar_prefetch = 0 : i64, scratch_operands = 12 : i64, tpu.core_type = #tpu.core_type<sc_vector_subcore>, window_params = [{transform_indices = #map}, {transform_indices = #map1}, {transform_indices = #map1}, {transform_indices = #map}, {transform_indices = #map}]} {
    %mul3A = arith.constant 2 : i32
    %mul3A_0 = arith.muli %arg1, %mul3A : i32
    %add3A = arith.addi %mul3A_0, %arg0 : i32
    %mul3A_1 = arith.constant 20000 : i32
    %mul3A_2 = arith.muli %add3A, %mul3A_1 : i32
    "tpu.region"() ({
      %run_scoped3A = tpu.sem_alloc : memref<!tpu.dma_semaphore, #tpu.memory_space<semaphore_mem>>
      %dma_start3A = tpu.memref_slice %arg3[%mul3A_2] : memref<640000xi32, #tpu.memory_space<hbm>> -> memref<20000xi32, #tpu.memory_space<hbm>>
      %dma_start3A_60 = tpu.memref_slice %arg3[%mul3A_2] : memref<640000xi32, #tpu.memory_space<hbm>> -> memref<20000xi32, #tpu.memory_space<hbm>>
      tpu.enqueue_dma source(%dma_start3A_60 : memref<20000xi32, #tpu.memory_space<hbm>>) target(%arg7 : memref<20000xi32, #tpu.memory_space<vmem>>) target_semaphore(%run_scoped3A : memref<!tpu.dma_semaphore, #tpu.memory_space<semaphore_mem>>)
      %dma_wait3A = tpu.memref_slice %arg3[%mul3A_2] : memref<640000xi32, #tpu.memory_space<hbm>> -> memref<20000xi32, #tpu.memory_space<hbm>>
      %dma_wait3A_61 = tpu.memref_slice %arg3[%mul3A_2] : memref<640000xi32, #tpu.memory_space<hbm>> -> memref<20000xi32, #tpu.memory_space<hbm>>
      tpu.wait_dma2 semaphore(%run_scoped3A : memref<!tpu.dma_semaphore, #tpu.memory_space<semaphore_mem>>) src(%dma_wait3A_61 : memref<20000xi32, #tpu.memory_space<hbm>>) dst(%arg7 : memref<20000xi32, #tpu.memory_space<vmem>>)
      tpu.yield
    }) : () -> ()
    %mul3A_3 = arith.constant 20000 : i32
    %mul3A_4 = arith.muli %add3A, %mul3A_3 : i32
    "tpu.region"() ({
      %run_scoped3A = tpu.sem_alloc : memref<!tpu.dma_semaphore, #tpu.memory_space<semaphore_mem>>
      %dma_start3A = tpu.memref_slice %arg4[%mul3A_4] : memref<640000xi32, #tpu.memory_space<hbm>> -> memref<20000xi32, #tpu.memory_space<hbm>>
      %dma_start3A_60 = tpu.memref_slice %arg4[%mul3A_4] : memref<640000xi32, #tpu.memory_space<hbm>> -> memref<20000xi32, #tpu.memory_space<hbm>>
      tpu.enqueue_dma source(%dma_start3A_60 : memref<20000xi32, #tpu.memory_space<hbm>>) target(%arg8 : memref<20000xi32, #tpu.memory_space<vmem>>) target_semaphore(%run_scoped3A : memref<!tpu.dma_semaphore, #tpu.memory_space<semaphore_mem>>)
      %dma_wait3A = tpu.memref_slice %arg4[%mul3A_4] : memref<640000xi32, #tpu.memory_space<hbm>> -> memref<20000xi32, #tpu.memory_space<hbm>>
      %dma_wait3A_61 = tpu.memref_slice %arg4[%mul3A_4] : memref<640000xi32, #tpu.memory_space<hbm>> -> memref<20000xi32, #tpu.memory_space<hbm>>
      tpu.wait_dma2 semaphore(%run_scoped3A : memref<!tpu.dma_semaphore, #tpu.memory_space<semaphore_mem>>) src(%dma_wait3A_61 : memref<20000xi32, #tpu.memory_space<hbm>>) dst(%arg8 : memref<20000xi32, #tpu.memory_space<vmem>>)
      tpu.yield
    }) : () -> ()
    "tpu.region"() ({
      %run_scoped3A = tpu.sem_alloc : memref<!tpu.dma_semaphore, #tpu.memory_space<semaphore_mem>>
      tpu.enqueue_dma source(%arg5 : memref<224x128xf32, #tpu.memory_space<hbm>>) target(%arg17 : memref<224x128xf32, #tpu.memory_space<vmem>>) target_semaphore(%run_scoped3A : memref<!tpu.dma_semaphore, #tpu.memory_space<semaphore_mem>>)
      tpu.wait_dma2 semaphore(%run_scoped3A : memref<!tpu.dma_semaphore, #tpu.memory_space<semaphore_mem>>) src(%arg5 : memref<224x128xf32, #tpu.memory_space<hbm>>) dst(%arg17 : memref<224x128xf32, #tpu.memory_space<vmem>>)
      tpu.yield
    }) : () -> ()
    %mul3A_5 = arith.constant 224 : i32
    %mul3A_6 = arith.muli %arg1, %mul3A_5 : i32
    "tpu.region"() ({
      %run_scoped3A = tpu.sem_alloc : memref<!tpu.dma_semaphore, #tpu.memory_space<semaphore_mem>>
      %dma_start3A = arith.constant 0 : i32
      %dma_start3A_60 = tpu.memref_slice %arg18[%mul3A_6, %dma_start3A] : memref<3584x128xf32, #tpu.memory_space<vmem_shared>> -> memref<224x128xf32, #tpu.memory_space<vmem_shared>>
      %dma_start3A_61 = arith.constant 0 : i32
      %dma_start3A_62 = tpu.memref_slice %arg18[%mul3A_6, %dma_start3A_61] : memref<3584x128xf32, #tpu.memory_space<vmem_shared>> -> memref<224x128xf32, #tpu.memory_space<vmem_shared>>
      tpu.enqueue_dma source(%arg17 : memref<224x128xf32, #tpu.memory_space<vmem>>) target(%dma_start3A_62 : memref<224x128xf32, #tpu.memory_space<vmem_shared>>) target_semaphore(%run_scoped3A : memref<!tpu.dma_semaphore, #tpu.memory_space<semaphore_mem>>)
      %dma_wait3A = arith.constant 0 : i32
      %dma_wait3A_63 = tpu.memref_slice %arg18[%mul3A_6, %dma_wait3A] : memref<3584x128xf32, #tpu.memory_space<vmem_shared>> -> memref<224x128xf32, #tpu.memory_space<vmem_shared>>
      %dma_wait3A_64 = arith.constant 0 : i32
      %dma_wait3A_65 = tpu.memref_slice %arg18[%mul3A_6, %dma_wait3A_64] : memref<3584x128xf32, #tpu.memory_space<vmem_shared>> -> memref<224x128xf32, #tpu.memory_space<vmem_shared>>
      tpu.wait_dma2 semaphore(%run_scoped3A : memref<!tpu.dma_semaphore, #tpu.memory_space<semaphore_mem>>) src(%arg17 : memref<224x128xf32, #tpu.memory_space<vmem>>) dst(%dma_wait3A_65 : memref<224x128xf32, #tpu.memory_space<vmem_shared>>)
      tpu.yield
    }) : () -> ()
    %barrier3A = arith.constant 0 : index
    tpu.barrier barrier_id(%barrier3A)
    %scan3A = arith.constant 0 : i32
    %scan3A_7 = arith.constant 125 : i32
    %scan3A_8 = arith.addi %scan3A, %scan3A_7 : i32
    %scan3A_9 = arith.constant 1 : i32
    scf.for %scan3A_60 = %scan3A to %scan3A_8 step %scan3A_9  : i32 {
      %mul3A_61 = arith.constant 1 : i32
      %mul3A_62 = arith.muli %scan3A_60, %mul3A_61 : i32
      %add3A_63 = arith.constant 0 : i32
      %add3A_64 = arith.addi %add3A_63, %mul3A_62 : i32
      %mul3A_65 = arith.constant 2 : i32
      %mul3A_66 = arith.muli %mul3A_65, %add3A_64 : i32
      %mul3A_67 = arith.constant 80 : i32
      %mul3A_68 = arith.muli %mul3A_66, %mul3A_67 : i32
      %mul3A_69 = arith.constant 2 : i32
      %mul3A_70 = arith.muli %mul3A_69, %add3A_64 : i32
      %add3A_71 = arith.constant 1 : i32
      %add3A_72 = arith.addi %mul3A_70, %add3A_71 : i32
      %mul3A_73 = arith.constant 80 : i32
      %mul3A_74 = arith.muli %add3A_72, %mul3A_73 : i32
      %scan3A_75 = arith.constant 0 : i32
      %scan3A_76 = arith.constant 5 : i32
      %scan3A_77 = arith.addi %scan3A_75, %scan3A_76 : i32
      %scan3A_78 = arith.constant 1 : i32
      scf.for %scan3A_97 = %scan3A_75 to %scan3A_77 step %scan3A_78  : i32 {
        %mul3A_98 = arith.constant 1 : i32
        %mul3A_99 = arith.muli %scan3A_97, %mul3A_98 : i32
        %add3A_100 = arith.constant 0 : i32
        %add3A_101 = arith.addi %add3A_100, %mul3A_99 : i32
        %mul3A_102 = arith.constant 16 : i32
        %mul3A_103 = arith.muli %add3A_101, %mul3A_102 : i32
        %add3A_104 = arith.addi %mul3A_68, %mul3A_103 : i32
        %get3A = arith.index_cast %add3A_104 : i32 to index
        %get3A_105 = tpu.vector_load %arg8[%get3A] {strides = array<i32>} : memref<20000xi32, #tpu.memory_space<vmem>>, vector<16xi32>,
        %get3A_106 = vector.shape_cast %get3A_105 : vector<16xi32> to vector<16xi32>
        %get3A_107 = arith.index_cast %add3A_104 : i32 to index
        %get3A_108 = tpu.vector_load %arg7[%get3A_107] {strides = array<i32>} : memref<20000xi32, #tpu.memory_space<vmem>>, vector<16xi32>,
        %get3A_109 = vector.shape_cast %get3A_108 : vector<16xi32> to vector<16xi32>
        %ge3A = arith.constant 0 : i32
        %ge3A_110 = vector.broadcast %ge3A : i32 to vector<16xi32>
        %ge3A_111 = arith.cmpi sge, %get3A_106, %ge3A_110 : vector<16xi32>
        %lt3A = arith.constant 3584 : i32
        %lt3A_112 = vector.broadcast %lt3A : i32 to vector<16xi32>
        %lt3A_113 = arith.cmpi slt, %get3A_106, %lt3A_112 : vector<16xi32>
        %and3A = arith.andi %ge3A_111, %lt3A_113 : vector<16xi1>
        %mul3A_114 = arith.constant 16 : i32
        %mul3A_115 = arith.muli %add3A_101, %mul3A_114 : i32
        %jit3A = arith.constant -1 : i32
        %broadcast_in_dim3A = vector.broadcast %jit3A : i32 to vector<16xi32>
        %select_n3A = arith.select %and3A, %get3A_109, %broadcast_in_dim3A : vector<16xi1>, vector<16xi32>
        %swap3A = arith.index_cast %mul3A_115 : i32 to index
        %swap3A_116 = tpu.vector_load %arg9[%swap3A] {strides = array<i32>} : memref<80xi32, #tpu.memory_space<vmem>>, vector<16xi32>,
        %swap3A_117 = vector.shape_cast %swap3A_116 : vector<16xi32> to vector<16xi32>
        %swap3A_118 = vector.shape_cast %select_n3A : vector<16xi32> to vector<16xi32>
        tpu.vector_store %arg9[%swap3A], %swap3A_118 {strides = array<i32>} : memref<80xi32, #tpu.memory_space<vmem>>, vector<16xi32>,
        %sub3A = arith.constant 0 : i32
        %sub3A_119 = vector.broadcast %sub3A : i32 to vector<16xi32>
        %sub3A_120 = arith.subi %get3A_106, %sub3A_119 : vector<16xi32>
        %jit3A_121 = arith.constant -1 : i32
        %broadcast_in_dim3A_122 = vector.broadcast %jit3A_121 : i32 to vector<16xi32>
        %select_n3A_123 = arith.select %and3A, %sub3A_120, %broadcast_in_dim3A_122 : vector<16xi1>, vector<16xi32>
        %swap3A_124 = arith.index_cast %mul3A_115 : i32 to index
        %swap3A_125 = tpu.vector_load %arg10[%swap3A_124] {strides = array<i32>} : memref<80xi32, #tpu.memory_space<vmem>>, vector<16xi32>,
        %swap3A_126 = vector.shape_cast %swap3A_125 : vector<16xi32> to vector<16xi32>
        %swap3A_127 = vector.shape_cast %select_n3A_123 : vector<16xi32> to vector<16xi32>
        tpu.vector_store %arg10[%swap3A_124], %swap3A_127 {strides = array<i32>} : memref<80xi32, #tpu.memory_space<vmem>>, vector<16xi32>,
      }
      %scan3A_79 = arith.constant 5 : i32
      %dma_start3A = arith.constant 0 : i32
      %dma_start3A_80 = arith.constant 0 : i32
      %dma_start3A_81 = tpu.memref_slice %arg2[%dma_start3A, %dma_start3A_80] : memref<10000x128xf32, #tpu.memory_space<hbm>> -> memref<10000x128xf32, #tpu.memory_space<hbm>>
      %dma_start3A_82 = arith.constant -1 : i32
      tpu.enqueue_indirect_dma source(%dma_start3A_81 : memref<10000x128xf32, #tpu.memory_space<hbm>>) target(%arg13 : memref<80x128xf32, #tpu.memory_space<vmem>>) offsets(%arg9 : memref<80xi32, #tpu.memory_space<vmem>>) offset_filter(%dma_start3A_82) semaphore(%arg15 : memref<!tpu.dma_semaphore, #tpu.memory_space<semaphore_mem>>)
      %scan3A_83 = arith.constant 0 : i32
      %scan3A_84 = arith.constant 5 : i32
      %scan3A_85 = arith.addi %scan3A_83, %scan3A_84 : i32
      %scan3A_86 = arith.constant 1 : i32
      scf.for %scan3A_97 = %scan3A_83 to %scan3A_85 step %scan3A_86  : i32 {
        %mul3A_98 = arith.constant 1 : i32
        %mul3A_99 = arith.muli %scan3A_97, %mul3A_98 : i32
        %add3A_100 = arith.constant 0 : i32
        %add3A_101 = arith.addi %add3A_100, %mul3A_99 : i32
        %mul3A_102 = arith.constant 16 : i32
        %mul3A_103 = arith.muli %add3A_101, %mul3A_102 : i32
        %add3A_104 = arith.addi %mul3A_74, %mul3A_103 : i32
        %get3A = arith.index_cast %add3A_104 : i32 to index
        %get3A_105 = tpu.vector_load %arg8[%get3A] {strides = array<i32>} : memref<20000xi32, #tpu.memory_space<vmem>>, vector<16xi32>,
        %get3A_106 = vector.shape_cast %get3A_105 : vector<16xi32> to vector<16xi32>
        %get3A_107 = arith.index_cast %add3A_104 : i32 to index
        %get3A_108 = tpu.vector_load %arg7[%get3A_107] {strides = array<i32>} : memref<20000xi32, #tpu.memory_space<vmem>>, vector<16xi32>,
        %get3A_109 = vector.shape_cast %get3A_108 : vector<16xi32> to vector<16xi32>
        %ge3A = arith.constant 0 : i32
        %ge3A_110 = vector.broadcast %ge3A : i32 to vector<16xi32>
        %ge3A_111 = arith.cmpi sge, %get3A_106, %ge3A_110 : vector<16xi32>
        %lt3A = arith.constant 3584 : i32
        %lt3A_112 = vector.broadcast %lt3A : i32 to vector<16xi32>
        %lt3A_113 = arith.cmpi slt, %get3A_106, %lt3A_112 : vector<16xi32>
        %and3A = arith.andi %ge3A_111, %lt3A_113 : vector<16xi1>
        %mul3A_114 = arith.constant 16 : i32
        %mul3A_115 = arith.muli %add3A_101, %mul3A_114 : i32
        %jit3A = arith.constant -1 : i32
        %broadcast_in_dim3A = vector.broadcast %jit3A : i32 to vector<16xi32>
        %select_n3A = arith.select %and3A, %get3A_109, %broadcast_in_dim3A : vector<16xi1>, vector<16xi32>
        %swap3A = arith.index_cast %mul3A_115 : i32 to index
        %swap3A_116 = tpu.vector_load %arg11[%swap3A] {strides = array<i32>} : memref<80xi32, #tpu.memory_space<vmem>>, vector<16xi32>,
        %swap3A_117 = vector.shape_cast %swap3A_116 : vector<16xi32> to vector<16xi32>
        %swap3A_118 = vector.shape_cast %select_n3A : vector<16xi32> to vector<16xi32>
        tpu.vector_store %arg11[%swap3A], %swap3A_118 {strides = array<i32>} : memref<80xi32, #tpu.memory_space<vmem>>, vector<16xi32>,
        %sub3A = arith.constant 0 : i32
        %sub3A_119 = vector.broadcast %sub3A : i32 to vector<16xi32>
        %sub3A_120 = arith.subi %get3A_106, %sub3A_119 : vector<16xi32>
        %jit3A_121 = arith.constant -1 : i32
        %broadcast_in_dim3A_122 = vector.broadcast %jit3A_121 : i32 to vector<16xi32>
        %select_n3A_123 = arith.select %and3A, %sub3A_120, %broadcast_in_dim3A_122 : vector<16xi1>, vector<16xi32>
        %swap3A_124 = arith.index_cast %mul3A_115 : i32 to index
        %swap3A_125 = tpu.vector_load %arg12[%swap3A_124] {strides = array<i32>} : memref<80xi32, #tpu.memory_space<vmem>>, vector<16xi32>,
        %swap3A_126 = vector.shape_cast %swap3A_125 : vector<16xi32> to vector<16xi32>
        %swap3A_127 = vector.shape_cast %select_n3A_123 : vector<16xi32> to vector<16xi32>
        tpu.vector_store %arg12[%swap3A_124], %swap3A_127 {strides = array<i32>} : memref<80xi32, #tpu.memory_space<vmem>>, vector<16xi32>,
      }
      %scan3A_87 = arith.constant 5 : i32
      %dma_start3A_88 = arith.constant 0 : i32
      %dma_start3A_89 = arith.constant 0 : i32
      %dma_start3A_90 = tpu.memref_slice %arg2[%dma_start3A_88, %dma_start3A_89] : memref<10000x128xf32, #tpu.memory_space<hbm>> -> memref<10000x128xf32, #tpu.memory_space<hbm>>
      %dma_start3A_91 = arith.constant -1 : i32
      tpu.enqueue_indirect_dma source(%dma_start3A_90 : memref<10000x128xf32, #tpu.memory_space<hbm>>) target(%arg14 : memref<80x128xf32, #tpu.memory_space<vmem>>) offsets(%arg11 : memref<80xi32, #tpu.memory_space<vmem>>) offset_filter(%dma_start3A_91) semaphore(%arg16 : memref<!tpu.dma_semaphore, #tpu.memory_space<semaphore_mem>>)
      %dma_wait3A = arith.constant 0 : i32
      %dma_wait3A_92 = arith.constant 0 : i32
      %dma_wait3A_93 = tpu.memref_slice %arg2[%dma_wait3A, %dma_wait3A_92] : memref<10000x128xf32, #tpu.memory_space<hbm>> -> memref<10000x128xf32, #tpu.memory_space<hbm>>
      tpu.wait_indirect_dma semaphore(%arg15 : memref<!tpu.dma_semaphore, #tpu.memory_space<semaphore_mem>>) src(%dma_wait3A_93 : memref<10000x128xf32, #tpu.memory_space<hbm>>) dst(%arg13 : memref<80x128xf32, #tpu.memory_space<vmem>>)
      "tpu.region"() ({
        %run_scoped3A = tpu.sem_alloc : memref<!tpu.dma_semaphore, #tpu.memory_space<semaphore_mem>>
        %dma_start3A_97 = arith.constant 0 : i32
        %dma_start3A_98 = arith.constant 0 : i32
        %dma_start3A_99 = tpu.memref_slice %arg18[%dma_start3A_97, %dma_start3A_98] : memref<3584x128xf32, #tpu.memory_space<vmem_shared>> -> memref<3584x128xf32, #tpu.memory_space<vmem_shared>>
        %dma_start3A_100 = arith.constant -1 : i32
        tpu.enqueue_indirect_dma source(%arg13 : memref<80x128xf32, #tpu.memory_space<vmem>>) target(%dma_start3A_99 : memref<3584x128xf32, #tpu.memory_space<vmem_shared>>) offsets(%arg10 : memref<80xi32, #tpu.memory_space<vmem>>) offset_filter(%dma_start3A_100) semaphore(%run_scoped3A : memref<!tpu.dma_semaphore, #tpu.memory_space<semaphore_mem>>) {add = true}
        %dma_wait3A_101 = arith.constant 0 : i32
        %dma_wait3A_102 = arith.constant 0 : i32
        %dma_wait3A_103 = tpu.memref_slice %arg18[%dma_wait3A_101, %dma_wait3A_102] : memref<3584x128xf32, #tpu.memory_space<vmem_shared>> -> memref<3584x128xf32, #tpu.memory_space<vmem_shared>>
        tpu.wait_indirect_dma semaphore(%run_scoped3A : memref<!tpu.dma_semaphore, #tpu.memory_space<semaphore_mem>>) src(%arg13 : memref<80x128xf32, #tpu.memory_space<vmem>>) dst(%dma_wait3A_103 : memref<3584x128xf32, #tpu.memory_space<vmem_shared>>)
        tpu.yield
      }) : () -> ()
      %dma_wait3A_94 = arith.constant 0 : i32
      %dma_wait3A_95 = arith.constant 0 : i32
      %dma_wait3A_96 = tpu.memref_slice %arg2[%dma_wait3A_94, %dma_wait3A_95] : memref<10000x128xf32, #tpu.memory_space<hbm>> -> memref<10000x128xf32, #tpu.memory_space<hbm>>
      tpu.wait_indirect_dma semaphore(%arg16 : memref<!tpu.dma_semaphore, #tpu.memory_space<semaphore_mem>>) src(%dma_wait3A_96 : memref<10000x128xf32, #tpu.memory_space<hbm>>) dst(%arg14 : memref<80x128xf32, #tpu.memory_space<vmem>>)
      "tpu.region"() ({
        %run_scoped3A = tpu.sem_alloc : memref<!tpu.dma_semaphore, #tpu.memory_space<semaphore_mem>>
        %dma_start3A_97 = arith.constant 0 : i32
        %dma_start3A_98 = arith.constant 0 : i32
        %dma_start3A_99 = tpu.memref_slice %arg18[%dma_start3A_97, %dma_start3A_98] : memref<3584x128xf32, #tpu.memory_space<vmem_shared>> -> memref<3584x128xf32, #tpu.memory_space<vmem_shared>>
        %dma_start3A_100 = arith.constant -1 : i32
        tpu.enqueue_indirect_dma source(%arg14 : memref<80x128xf32, #tpu.memory_space<vmem>>) target(%dma_start3A_99 : memref<3584x128xf32, #tpu.memory_space<vmem_shared>>) offsets(%arg12 : memref<80xi32, #tpu.memory_space<vmem>>) offset_filter(%dma_start3A_100) semaphore(%run_scoped3A : memref<!tpu.dma_semaphore, #tpu.memory_space<semaphore_mem>>) {add = true}
        %dma_wait3A_101 = arith.constant 0 : i32
        %dma_wait3A_102 = arith.constant 0 : i32
        %dma_wait3A_103 = tpu.memref_slice %arg18[%dma_wait3A_101, %dma_wait3A_102] : memref<3584x128xf32, #tpu.memory_space<vmem_shared>> -> memref<3584x128xf32, #tpu.memory_space<vmem_shared>>
        tpu.wait_indirect_dma semaphore(%run_scoped3A : memref<!tpu.dma_semaphore, #tpu.memory_space<semaphore_mem>>) src(%arg14 : memref<80x128xf32, #tpu.memory_space<vmem>>) dst(%dma_wait3A_103 : memref<3584x128xf32, #tpu.memory_space<vmem_shared>>)
        tpu.yield
      }) : () -> ()
    }
    %scan3A_10 = arith.constant 125 : i32
    %barrier3A_11 = arith.constant 0 : index
    tpu.barrier barrier_id(%barrier3A_11)
    %mul3A_12 = arith.constant 224 : i32
    %mul3A_13 = arith.muli %arg1, %mul3A_12 : i32
    "tpu.region"() ({
      %run_scoped3A = tpu.sem_alloc : memref<!tpu.dma_semaphore, #tpu.memory_space<semaphore_mem>>
      %dma_start3A = arith.constant 0 : i32
      %dma_start3A_60 = tpu.memref_slice %arg18[%mul3A_13, %dma_start3A] : memref<3584x128xf32, #tpu.memory_space<vmem_shared>> -> memref<224x128xf32, #tpu.memory_space<vmem_shared>>
      %dma_start3A_61 = arith.constant 0 : i32
      %dma_start3A_62 = tpu.memref_slice %arg18[%mul3A_13, %dma_start3A_61] : memref<3584x128xf32, #tpu.memory_space<vmem_shared>> -> memref<224x128xf32, #tpu.memory_space<vmem_shared>>
      tpu.enqueue_dma source(%dma_start3A_62 : memref<224x128xf32, #tpu.memory_space<vmem_shared>>) target(%arg17 : memref<224x128xf32, #tpu.memory_space<vmem>>) target_semaphore(%run_scoped3A : memref<!tpu.dma_semaphore, #tpu.memory_space<semaphore_mem>>)
      %dma_wait3A = arith.constant 0 : i32
      %dma_wait3A_63 = tpu.memref_slice %arg18[%mul3A_13, %dma_wait3A] : memref<3584x128xf32, #tpu.memory_space<vmem_shared>> -> memref<224x128xf32, #tpu.memory_space<vmem_shared>>
      %dma_wait3A_64 = arith.constant 0 : i32
      %dma_wait3A_65 = tpu.memref_slice %arg18[%mul3A_13, %dma_wait3A_64] : memref<3584x128xf32, #tpu.memory_space<vmem_shared>> -> memref<224x128xf32, #tpu.memory_space<vmem_shared>>
      tpu.wait_dma2 semaphore(%run_scoped3A : memref<!tpu.dma_semaphore, #tpu.memory_space<semaphore_mem>>) src(%dma_wait3A_65 : memref<224x128xf32, #tpu.memory_space<vmem_shared>>) dst(%arg17 : memref<224x128xf32, #tpu.memory_space<vmem>>)
      tpu.yield
    }) : () -> ()
    %mul3A_14 = arith.constant 10752 : i32
    %mul3A_15 = arith.muli %arg0, %mul3A_14 : i32
    %add3A_16 = arith.constant 0 : i32
    %add3A_17 = arith.addi %mul3A_15, %add3A_16 : i32
    %mul3A_18 = arith.constant 224 : i32
    %mul3A_19 = arith.muli %arg1, %mul3A_18 : i32
    %add3A_20 = arith.addi %add3A_17, %mul3A_19 : i32
    "tpu.region"() ({
      %run_scoped3A = tpu.sem_alloc : memref<!tpu.dma_semaphore, #tpu.memory_space<semaphore_mem>>
      %dma_start3A = arith.constant 0 : i32
      %dma_start3A_60 = tpu.memref_slice %arg6[%add3A_20, %dma_start3A] : memref<21504x128xf32, #tpu.memory_space<hbm>> -> memref<224x128xf32, #tpu.memory_space<hbm>>
      %dma_start3A_61 = arith.constant 0 : i32
      %dma_start3A_62 = tpu.memref_slice %arg6[%add3A_20, %dma_start3A_61] : memref<21504x128xf32, #tpu.memory_space<hbm>> -> memref<224x128xf32, #tpu.memory_space<hbm>>
      tpu.enqueue_dma source(%arg17 : memref<224x128xf32, #tpu.memory_space<vmem>>) target(%dma_start3A_62 : memref<224x128xf32, #tpu.memory_space<hbm>>) target_semaphore(%run_scoped3A : memref<!tpu.dma_semaphore, #tpu.memory_space<semaphore_mem>>)
      %dma_wait3A = arith.constant 0 : i32
      %dma_wait3A_63 = tpu.memref_slice %arg6[%add3A_20, %dma_wait3A] : memref<21504x128xf32, #tpu.memory_space<hbm>> -> memref<224x128xf32, #tpu.memory_space<hbm>>
      %dma_wait3A_64 = arith.constant 0 : i32
      %dma_wait3A_65 = tpu.memref_slice %arg6[%add3A_20, %dma_wait3A_64] : memref<21504x128xf32, #tpu.memory_space<hbm>> -> memref<224x128xf32, #tpu.memory_space<hbm>>
      tpu.wait_dma2 semaphore(%run_scoped3A : memref<!tpu.dma_semaphore, #tpu.memory_space<semaphore_mem>>) src(%arg17 : memref<224x128xf32, #tpu.memory_space<vmem>>) dst(%dma_wait3A_65 : memref<224x128xf32, #tpu.memory_space<hbm>>)
      tpu.yield
    }) : () -> ()
    %barrier3A_21 = arith.constant 0 : index
    tpu.barrier barrier_id(%barrier3A_21)
    "tpu.region"() ({
      %run_scoped3A = tpu.sem_alloc : memref<!tpu.dma_semaphore, #tpu.memory_space<semaphore_mem>>
      tpu.enqueue_dma source(%arg5 : memref<224x128xf32, #tpu.memory_space<hbm>>) target(%arg17 : memref<224x128xf32, #tpu.memory_space<vmem>>) target_semaphore(%run_scoped3A : memref<!tpu.dma_semaphore, #tpu.memory_space<semaphore_mem>>)
      tpu.wait_dma2 semaphore(%run_scoped3A : memref<!tpu.dma_semaphore, #tpu.memory_space<semaphore_mem>>) src(%arg5 : memref<224x128xf32, #tpu.memory_space<hbm>>) dst(%arg17 : memref<224x128xf32, #tpu.memory_space<vmem>>)
      tpu.yield
    }) : () -> ()
    %mul3A_22 = arith.constant 224 : i32
    %mul3A_23 = arith.muli %arg1, %mul3A_22 : i32
    "tpu.region"() ({
      %run_scoped3A = tpu.sem_alloc : memref<!tpu.dma_semaphore, #tpu.memory_space<semaphore_mem>>
      %dma_start3A = arith.constant 0 : i32
      %dma_start3A_60 = tpu.memref_slice %arg18[%mul3A_23, %dma_start3A] : memref<3584x128xf32, #tpu.memory_space<vmem_shared>> -> memref<224x128xf32, #tpu.memory_space<vmem_shared>>
      %dma_start3A_61 = arith.constant 0 : i32
      %dma_start3A_62 = tpu.memref_slice %arg18[%mul3A_23, %dma_start3A_61] : memref<3584x128xf32, #tpu.memory_space<vmem_shared>> -> memref<224x128xf32, #tpu.memory_space<vmem_shared>>
      tpu.enqueue_dma source(%arg17 : memref<224x128xf32, #tpu.memory_space<vmem>>) target(%dma_start3A_62 : memref<224x128xf32, #tpu.memory_space<vmem_shared>>) target_semaphore(%run_scoped3A : memref<!tpu.dma_semaphore, #tpu.memory_space<semaphore_mem>>)
      %dma_wait3A = arith.constant 0 : i32
      %dma_wait3A_63 = tpu.memref_slice %arg18[%mul3A_23, %dma_wait3A] : memref<3584x128xf32, #tpu.memory_space<vmem_shared>> -> memref<224x128xf32, #tpu.memory_space<vmem_shared>>
      %dma_wait3A_64 = arith.constant 0 : i32
      %dma_wait3A_65 = tpu.memref_slice %arg18[%mul3A_23, %dma_wait3A_64] : memref<3584x128xf32, #tpu.memory_space<vmem_shared>> -> memref<224x128xf32, #tpu.memory_space<vmem_shared>>
      tpu.wait_dma2 semaphore(%run_scoped3A : memref<!tpu.dma_semaphore, #tpu.memory_space<semaphore_mem>>) src(%arg17 : memref<224x128xf32, #tpu.memory_space<vmem>>) dst(%dma_wait3A_65 : memref<224x128xf32, #tpu.memory_space<vmem_shared>>)
      tpu.yield
    }) : () -> ()
    %barrier3A_24 = arith.constant 0 : index
    tpu.barrier barrier_id(%barrier3A_24)
    %scan3A_25 = arith.constant 0 : i32
    %scan3A_26 = arith.constant 125 : i32
    %scan3A_27 = arith.addi %scan3A_25, %scan3A_26 : i32
    %scan3A_28 = arith.constant 1 : i32
    scf.for %scan3A_60 = %scan3A_25 to %scan3A_27 step %scan3A_28  : i32 {
      %mul3A_61 = arith.constant 1 : i32
      %mul3A_62 = arith.muli %scan3A_60, %mul3A_61 : i32
      %add3A_63 = arith.constant 0 : i32
      %add3A_64 = arith.addi %add3A_63, %mul3A_62 : i32
      %mul3A_65 = arith.constant 2 : i32
      %mul3A_66 = arith.muli %mul3A_65, %add3A_64 : i32
      %mul3A_67 = arith.constant 80 : i32
      %mul3A_68 = arith.muli %mul3A_66, %mul3A_67 : i32
      %mul3A_69 = arith.constant 2 : i32
      %mul3A_70 = arith.muli %mul3A_69, %add3A_64 : i32
      %add3A_71 = arith.constant 1 : i32
      %add3A_72 = arith.addi %mul3A_70, %add3A_71 : i32
      %mul3A_73 = arith.constant 80 : i32
      %mul3A_74 = arith.muli %add3A_72, %mul3A_73 : i32
      %scan3A_75 = arith.constant 0 : i32
      %scan3A_76 = arith.constant 5 : i32
      %scan3A_77 = arith.addi %scan3A_75, %scan3A_76 : i32
      %scan3A_78 = arith.constant 1 : i32
      scf.for %scan3A_97 = %scan3A_75 to %scan3A_77 step %scan3A_78  : i32 {
        %mul3A_98 = arith.constant 1 : i32
        %mul3A_99 = arith.muli %scan3A_97, %mul3A_98 : i32
        %add3A_100 = arith.constant 0 : i32
        %add3A_101 = arith.addi %add3A_100, %mul3A_99 : i32
        %mul3A_102 = arith.constant 16 : i32
        %mul3A_103 = arith.muli %add3A_101, %mul3A_102 : i32
        %add3A_104 = arith.addi %mul3A_68, %mul3A_103 : i32
        %get3A = arith.index_cast %add3A_104 : i32 to index
        %get3A_105 = tpu.vector_load %arg8[%get3A] {strides = array<i32>} : memref<20000xi32, #tpu.memory_space<vmem>>, vector<16xi32>,
        %get3A_106 = vector.shape_cast %get3A_105 : vector<16xi32> to vector<16xi32>
        %get3A_107 = arith.index_cast %add3A_104 : i32 to index
        %get3A_108 = tpu.vector_load %arg7[%get3A_107] {strides = array<i32>} : memref<20000xi32, #tpu.memory_space<vmem>>, vector<16xi32>,
        %get3A_109 = vector.shape_cast %get3A_108 : vector<16xi32> to vector<16xi32>
        %ge3A = arith.constant 3584 : i32
        %ge3A_110 = vector.broadcast %ge3A : i32 to vector<16xi32>
        %ge3A_111 = arith.cmpi sge, %get3A_106, %ge3A_110 : vector<16xi32>
        %lt3A = arith.constant 7168 : i32
        %lt3A_112 = vector.broadcast %lt3A : i32 to vector<16xi32>
        %lt3A_113 = arith.cmpi slt, %get3A_106, %lt3A_112 : vector<16xi32>
        %and3A = arith.andi %ge3A_111, %lt3A_113 : vector<16xi1>
        %mul3A_114 = arith.constant 16 : i32
        %mul3A_115 = arith.muli %add3A_101, %mul3A_114 : i32
        %jit3A = arith.constant -1 : i32
        %broadcast_in_dim3A = vector.broadcast %jit3A : i32 to vector<16xi32>
        %select_n3A = arith.select %and3A, %get3A_109, %broadcast_in_dim3A : vector<16xi1>, vector<16xi32>
        %swap3A = arith.index_cast %mul3A_115 : i32 to index
        %swap3A_116 = tpu.vector_load %arg9[%swap3A] {strides = array<i32>} : memref<80xi32, #tpu.memory_space<vmem>>, vector<16xi32>,
        %swap3A_117 = vector.shape_cast %swap3A_116 : vector<16xi32> to vector<16xi32>
        %swap3A_118 = vector.shape_cast %select_n3A : vector<16xi32> to vector<16xi32>
        tpu.vector_store %arg9[%swap3A], %swap3A_118 {strides = array<i32>} : memref<80xi32, #tpu.memory_space<vmem>>, vector<16xi32>,
        %sub3A = arith.constant 3584 : i32
        %sub3A_119 = vector.broadcast %sub3A : i32 to vector<16xi32>
        %sub3A_120 = arith.subi %get3A_106, %sub3A_119 : vector<16xi32>
        %jit3A_121 = arith.constant -1 : i32
        %broadcast_in_dim3A_122 = vector.broadcast %jit3A_121 : i32 to vector<16xi32>
        %select_n3A_123 = arith.select %and3A, %sub3A_120, %broadcast_in_dim3A_122 : vector<16xi1>, vector<16xi32>
        %swap3A_124 = arith.index_cast %mul3A_115 : i32 to index
        %swap3A_125 = tpu.vector_load %arg10[%swap3A_124] {strides = array<i32>} : memref<80xi32, #tpu.memory_space<vmem>>, vector<16xi32>,
        %swap3A_126 = vector.shape_cast %swap3A_125 : vector<16xi32> to vector<16xi32>
        %swap3A_127 = vector.shape_cast %select_n3A_123 : vector<16xi32> to vector<16xi32>
        tpu.vector_store %arg10[%swap3A_124], %swap3A_127 {strides = array<i32>} : memref<80xi32, #tpu.memory_space<vmem>>, vector<16xi32>,
      }
      %scan3A_79 = arith.constant 5 : i32
      %dma_start3A = arith.constant 0 : i32
      %dma_start3A_80 = arith.constant 0 : i32
      %dma_start3A_81 = tpu.memref_slice %arg2[%dma_start3A, %dma_start3A_80] : memref<10000x128xf32, #tpu.memory_space<hbm>> -> memref<10000x128xf32, #tpu.memory_space<hbm>>
      %dma_start3A_82 = arith.constant -1 : i32
      tpu.enqueue_indirect_dma source(%dma_start3A_81 : memref<10000x128xf32, #tpu.memory_space<hbm>>) target(%arg13 : memref<80x128xf32, #tpu.memory_space<vmem>>) offsets(%arg9 : memref<80xi32, #tpu.memory_space<vmem>>) offset_filter(%dma_start3A_82) semaphore(%arg15 : memref<!tpu.dma_semaphore, #tpu.memory_space<semaphore_mem>>)
      %scan3A_83 = arith.constant 0 : i32
      %scan3A_84 = arith.constant 5 : i32
      %scan3A_85 = arith.addi %scan3A_83, %scan3A_84 : i32
      %scan3A_86 = arith.constant 1 : i32
      scf.for %scan3A_97 = %scan3A_83 to %scan3A_85 step %scan3A_86  : i32 {
        %mul3A_98 = arith.constant 1 : i32
        %mul3A_99 = arith.muli %scan3A_97, %mul3A_98 : i32
        %add3A_100 = arith.constant 0 : i32
        %add3A_101 = arith.addi %add3A_100, %mul3A_99 : i32
        %mul3A_102 = arith.constant 16 : i32
        %mul3A_103 = arith.muli %add3A_101, %mul3A_102 : i32
        %add3A_104 = arith.addi %mul3A_74, %mul3A_103 : i32
        %get3A = arith.index_cast %add3A_104 : i32 to index
        %get3A_105 = tpu.vector_load %arg8[%get3A] {strides = array<i32>} : memref<20000xi32, #tpu.memory_space<vmem>>, vector<16xi32>,
        %get3A_106 = vector.shape_cast %get3A_105 : vector<16xi32> to vector<16xi32>
        %get3A_107 = arith.index_cast %add3A_104 : i32 to index
        %get3A_108 = tpu.vector_load %arg7[%get3A_107] {strides = array<i32>} : memref<20000xi32, #tpu.memory_space<vmem>>, vector<16xi32>,
        %get3A_109 = vector.shape_cast %get3A_108 : vector<16xi32> to vector<16xi32>
        %ge3A = arith.constant 3584 : i32
        %ge3A_110 = vector.broadcast %ge3A : i32 to vector<16xi32>
        %ge3A_111 = arith.cmpi sge, %get3A_106, %ge3A_110 : vector<16xi32>
        %lt3A = arith.constant 7168 : i32
        %lt3A_112 = vector.broadcast %lt3A : i32 to vector<16xi32>
        %lt3A_113 = arith.cmpi slt, %get3A_106, %lt3A_112 : vector<16xi32>
        %and3A = arith.andi %ge3A_111, %lt3A_113 : vector<16xi1>
        %mul3A_114 = arith.constant 16 : i32
        %mul3A_115 = arith.muli %add3A_101, %mul3A_114 : i32
        %jit3A = arith.constant -1 : i32
        %broadcast_in_dim3A = vector.broadcast %jit3A : i32 to vector<16xi32>
        %select_n3A = arith.select %and3A, %get3A_109, %broadcast_in_dim3A : vector<16xi1>, vector<16xi32>
        %swap3A = arith.index_cast %mul3A_115 : i32 to index
        %swap3A_116 = tpu.vector_load %arg11[%swap3A] {strides = array<i32>} : memref<80xi32, #tpu.memory_space<vmem>>, vector<16xi32>,
        %swap3A_117 = vector.shape_cast %swap3A_116 : vector<16xi32> to vector<16xi32>
        %swap3A_118 = vector.shape_cast %select_n3A : vector<16xi32> to vector<16xi32>
        tpu.vector_store %arg11[%swap3A], %swap3A_118 {strides = array<i32>} : memref<80xi32, #tpu.memory_space<vmem>>, vector<16xi32>,
        %sub3A = arith.constant 3584 : i32
        %sub3A_119 = vector.broadcast %sub3A : i32 to vector<16xi32>
        %sub3A_120 = arith.subi %get3A_106, %sub3A_119 : vector<16xi32>
        %jit3A_121 = arith.constant -1 : i32
        %broadcast_in_dim3A_122 = vector.broadcast %jit3A_121 : i32 to vector<16xi32>
        %select_n3A_123 = arith.select %and3A, %sub3A_120, %broadcast_in_dim3A_122 : vector<16xi1>, vector<16xi32>
        %swap3A_124 = arith.index_cast %mul3A_115 : i32 to index
        %swap3A_125 = tpu.vector_load %arg12[%swap3A_124] {strides = array<i32>} : memref<80xi32, #tpu.memory_space<vmem>>, vector<16xi32>,
        %swap3A_126 = vector.shape_cast %swap3A_125 : vector<16xi32> to vector<16xi32>
        %swap3A_127 = vector.shape_cast %select_n3A_123 : vector<16xi32> to vector<16xi32>
        tpu.vector_store %arg12[%swap3A_124], %swap3A_127 {strides = array<i32>} : memref<80xi32, #tpu.memory_space<vmem>>, vector<16xi32>,
      }
      %scan3A_87 = arith.constant 5 : i32
      %dma_start3A_88 = arith.constant 0 : i32
      %dma_start3A_89 = arith.constant 0 : i32
      %dma_start3A_90 = tpu.memref_slice %arg2[%dma_start3A_88, %dma_start3A_89] : memref<10000x128xf32, #tpu.memory_space<hbm>> -> memref<10000x128xf32, #tpu.memory_space<hbm>>
      %dma_start3A_91 = arith.constant -1 : i32
      tpu.enqueue_indirect_dma source(%dma_start3A_90 : memref<10000x128xf32, #tpu.memory_space<hbm>>) target(%arg14 : memref<80x128xf32, #tpu.memory_space<vmem>>) offsets(%arg11 : memref<80xi32, #tpu.memory_space<vmem>>) offset_filter(%dma_start3A_91) semaphore(%arg16 : memref<!tpu.dma_semaphore, #tpu.memory_space<semaphore_mem>>)
      %dma_wait3A = arith.constant 0 : i32
      %dma_wait3A_92 = arith.constant 0 : i32
      %dma_wait3A_93 = tpu.memref_slice %arg2[%dma_wait3A, %dma_wait3A_92] : memref<10000x128xf32, #tpu.memory_space<hbm>> -> memref<10000x128xf32, #tpu.memory_space<hbm>>
      tpu.wait_indirect_dma semaphore(%arg15 : memref<!tpu.dma_semaphore, #tpu.memory_space<semaphore_mem>>) src(%dma_wait3A_93 : memref<10000x128xf32, #tpu.memory_space<hbm>>) dst(%arg13 : memref<80x128xf32, #tpu.memory_space<vmem>>)
      "tpu.region"() ({
        %run_scoped3A = tpu.sem_alloc : memref<!tpu.dma_semaphore, #tpu.memory_space<semaphore_mem>>
        %dma_start3A_97 = arith.constant 0 : i32
        %dma_start3A_98 = arith.constant 0 : i32
        %dma_start3A_99 = tpu.memref_slice %arg18[%dma_start3A_97, %dma_start3A_98] : memref<3584x128xf32, #tpu.memory_space<vmem_shared>> -> memref<3584x128xf32, #tpu.memory_space<vmem_shared>>
        %dma_start3A_100 = arith.constant -1 : i32
        tpu.enqueue_indirect_dma source(%arg13 : memref<80x128xf32, #tpu.memory_space<vmem>>) target(%dma_start3A_99 : memref<3584x128xf32, #tpu.memory_space<vmem_shared>>) offsets(%arg10 : memref<80xi32, #tpu.memory_space<vmem>>) offset_filter(%dma_start3A_100) semaphore(%run_scoped3A : memref<!tpu.dma_semaphore, #tpu.memory_space<semaphore_mem>>) {add = true}
        %dma_wait3A_101 = arith.constant 0 : i32
        %dma_wait3A_102 = arith.constant 0 : i32
        %dma_wait3A_103 = tpu.memref_slice %arg18[%dma_wait3A_101, %dma_wait3A_102] : memref<3584x128xf32, #tpu.memory_space<vmem_shared>> -> memref<3584x128xf32, #tpu.memory_space<vmem_shared>>
        tpu.wait_indirect_dma semaphore(%run_scoped3A : memref<!tpu.dma_semaphore, #tpu.memory_space<semaphore_mem>>) src(%arg13 : memref<80x128xf32, #tpu.memory_space<vmem>>) dst(%dma_wait3A_103 : memref<3584x128xf32, #tpu.memory_space<vmem_shared>>)
        tpu.yield
      }) : () -> ()
      %dma_wait3A_94 = arith.constant 0 : i32
      %dma_wait3A_95 = arith.constant 0 : i32
      %dma_wait3A_96 = tpu.memref_slice %arg2[%dma_wait3A_94, %dma_wait3A_95] : memref<10000x128xf32, #tpu.memory_space<hbm>> -> memref<10000x128xf32, #tpu.memory_space<hbm>>
      tpu.wait_indirect_dma semaphore(%arg16 : memref<!tpu.dma_semaphore, #tpu.memory_space<semaphore_mem>>) src(%dma_wait3A_96 : memref<10000x128xf32, #tpu.memory_space<hbm>>) dst(%arg14 : memref<80x128xf32, #tpu.memory_space<vmem>>)
      "tpu.region"() ({
        %run_scoped3A = tpu.sem_alloc : memref<!tpu.dma_semaphore, #tpu.memory_space<semaphore_mem>>
        %dma_start3A_97 = arith.constant 0 : i32
        %dma_start3A_98 = arith.constant 0 : i32
        %dma_start3A_99 = tpu.memref_slice %arg18[%dma_start3A_97, %dma_start3A_98] : memref<3584x128xf32, #tpu.memory_space<vmem_shared>> -> memref<3584x128xf32, #tpu.memory_space<vmem_shared>>
        %dma_start3A_100 = arith.constant -1 : i32
        tpu.enqueue_indirect_dma source(%arg14 : memref<80x128xf32, #tpu.memory_space<vmem>>) target(%dma_start3A_99 : memref<3584x128xf32, #tpu.memory_space<vmem_shared>>) offsets(%arg12 : memref<80xi32, #tpu.memory_space<vmem>>) offset_filter(%dma_start3A_100) semaphore(%run_scoped3A : memref<!tpu.dma_semaphore, #tpu.memory_space<semaphore_mem>>) {add = true}
        %dma_wait3A_101 = arith.constant 0 : i32
        %dma_wait3A_102 = arith.constant 0 : i32
        %dma_wait3A_103 = tpu.memref_slice %arg18[%dma_wait3A_101, %dma_wait3A_102] : memref<3584x128xf32, #tpu.memory_space<vmem_shared>> -> memref<3584x128xf32, #tpu.memory_space<vmem_shared>>
        tpu.wait_indirect_dma semaphore(%run_scoped3A : memref<!tpu.dma_semaphore, #tpu.memory_space<semaphore_mem>>) src(%arg14 : memref<80x128xf32, #tpu.memory_space<vmem>>) dst(%dma_wait3A_103 : memref<3584x128xf32, #tpu.memory_space<vmem_shared>>)
        tpu.yield
      }) : () -> ()
    }
    %scan3A_29 = arith.constant 125 : i32
    %barrier3A_30 = arith.constant 0 : index
    tpu.barrier barrier_id(%barrier3A_30)
    %mul3A_31 = arith.constant 224 : i32
    %mul3A_32 = arith.muli %arg1, %mul3A_31 : i32
    "tpu.region"() ({
      %run_scoped3A = tpu.sem_alloc : memref<!tpu.dma_semaphore, #tpu.memory_space<semaphore_mem>>
      %dma_start3A = arith.constant 0 : i32
      %dma_start3A_60 = tpu.memref_slice %arg18[%mul3A_32, %dma_start3A] : memref<3584x128xf32, #tpu.memory_space<vmem_shared>> -> memref<224x128xf32, #tpu.memory_space<vmem_shared>>
      %dma_start3A_61 = arith.constant 0 : i32
      %dma_start3A_62 = tpu.memref_slice %arg18[%mul3A_32, %dma_start3A_61] : memref<3584x128xf32, #tpu.memory_space<vmem_shared>> -> memref<224x128xf32, #tpu.memory_space<vmem_shared>>
      tpu.enqueue_dma source(%dma_start3A_62 : memref<224x128xf32, #tpu.memory_space<vmem_shared>>) target(%arg17 : memref<224x128xf32, #tpu.memory_space<vmem>>) target_semaphore(%run_scoped3A : memref<!tpu.dma_semaphore, #tpu.memory_space<semaphore_mem>>)
      %dma_wait3A = arith.constant 0 : i32
      %dma_wait3A_63 = tpu.memref_slice %arg18[%mul3A_32, %dma_wait3A] : memref<3584x128xf32, #tpu.memory_space<vmem_shared>> -> memref<224x128xf32, #tpu.memory_space<vmem_shared>>
      %dma_wait3A_64 = arith.constant 0 : i32
      %dma_wait3A_65 = tpu.memref_slice %arg18[%mul3A_32, %dma_wait3A_64] : memref<3584x128xf32, #tpu.memory_space<vmem_shared>> -> memref<224x128xf32, #tpu.memory_space<vmem_shared>>
      tpu.wait_dma2 semaphore(%run_scoped3A : memref<!tpu.dma_semaphore, #tpu.memory_space<semaphore_mem>>) src(%dma_wait3A_65 : memref<224x128xf32, #tpu.memory_space<vmem_shared>>) dst(%arg17 : memref<224x128xf32, #tpu.memory_space<vmem>>)
      tpu.yield
    }) : () -> ()
    %mul3A_33 = arith.constant 10752 : i32
    %mul3A_34 = arith.muli %arg0, %mul3A_33 : i32
    %add3A_35 = arith.constant 3584 : i32
    %add3A_36 = arith.addi %mul3A_34, %add3A_35 : i32
    %mul3A_37 = arith.constant 224 : i32
    %mul3A_38 = arith.muli %arg1, %mul3A_37 : i32
    %add3A_39 = arith.addi %add3A_36, %mul3A_38 : i32
    "tpu.region"() ({
      %run_scoped3A = tpu.sem_alloc : memref<!tpu.dma_semaphore, #tpu.memory_space<semaphore_mem>>
      %dma_start3A = arith.constant 0 : i32
      %dma_start3A_60 = tpu.memref_slice %arg6[%add3A_39, %dma_start3A] : memref<21504x128xf32, #tpu.memory_space<hbm>> -> memref<224x128xf32, #tpu.memory_space<hbm>>
      %dma_start3A_61 = arith.constant 0 : i32
      %dma_start3A_62 = tpu.memref_slice %arg6[%add3A_39, %dma_start3A_61] : memref<21504x128xf32, #tpu.memory_space<hbm>> -> memref<224x128xf32, #tpu.memory_space<hbm>>
      tpu.enqueue_dma source(%arg17 : memref<224x128xf32, #tpu.memory_space<vmem>>) target(%dma_start3A_62 : memref<224x128xf32, #tpu.memory_space<hbm>>) target_semaphore(%run_scoped3A : memref<!tpu.dma_semaphore, #tpu.memory_space<semaphore_mem>>)
      %dma_wait3A = arith.constant 0 : i32
      %dma_wait3A_63 = tpu.memref_slice %arg6[%add3A_39, %dma_wait3A] : memref<21504x128xf32, #tpu.memory_space<hbm>> -> memref<224x128xf32, #tpu.memory_space<hbm>>
      %dma_wait3A_64 = arith.constant 0 : i32
      %dma_wait3A_65 = tpu.memref_slice %arg6[%add3A_39, %dma_wait3A_64] : memref<21504x128xf32, #tpu.memory_space<hbm>> -> memref<224x128xf32, #tpu.memory_space<hbm>>
      tpu.wait_dma2 semaphore(%run_scoped3A : memref<!tpu.dma_semaphore, #tpu.memory_space<semaphore_mem>>) src(%arg17 : memref<224x128xf32, #tpu.memory_space<vmem>>) dst(%dma_wait3A_65 : memref<224x128xf32, #tpu.memory_space<hbm>>)
      tpu.yield
    }) : () -> ()
    %barrier3A_40 = arith.constant 0 : index
    tpu.barrier barrier_id(%barrier3A_40)
    "tpu.region"() ({
      %run_scoped3A = tpu.sem_alloc : memref<!tpu.dma_semaphore, #tpu.memory_space<semaphore_mem>>
      tpu.enqueue_dma source(%arg5 : memref<224x128xf32, #tpu.memory_space<hbm>>) target(%arg17 : memref<224x128xf32, #tpu.memory_space<vmem>>) target_semaphore(%run_scoped3A : memref<!tpu.dma_semaphore, #tpu.memory_space<semaphore_mem>>)
      tpu.wait_dma2 semaphore(%run_scoped3A : memref<!tpu.dma_semaphore, #tpu.memory_space<semaphore_mem>>) src(%arg5 : memref<224x128xf32, #tpu.memory_space<hbm>>) dst(%arg17 : memref<224x128xf32, #tpu.memory_space<vmem>>)
      tpu.yield
    }) : () -> ()
    %mul3A_41 = arith.constant 224 : i32
    %mul3A_42 = arith.muli %arg1, %mul3A_41 : i32
    "tpu.region"() ({
      %run_scoped3A = tpu.sem_alloc : memref<!tpu.dma_semaphore, #tpu.memory_space<semaphore_mem>>
      %dma_start3A = arith.constant 0 : i32
      %dma_start3A_60 = tpu.memref_slice %arg18[%mul3A_42, %dma_start3A] : memref<3584x128xf32, #tpu.memory_space<vmem_shared>> -> memref<224x128xf32, #tpu.memory_space<vmem_shared>>
      %dma_start3A_61 = arith.constant 0 : i32
      %dma_start3A_62 = tpu.memref_slice %arg18[%mul3A_42, %dma_start3A_61] : memref<3584x128xf32, #tpu.memory_space<vmem_shared>> -> memref<224x128xf32, #tpu.memory_space<vmem_shared>>
      tpu.enqueue_dma source(%arg17 : memref<224x128xf32, #tpu.memory_space<vmem>>) target(%dma_start3A_62 : memref<224x128xf32, #tpu.memory_space<vmem_shared>>) target_semaphore(%run_scoped3A : memref<!tpu.dma_semaphore, #tpu.memory_space<semaphore_mem>>)
      %dma_wait3A = arith.constant 0 : i32
      %dma_wait3A_63 = tpu.memref_slice %arg18[%mul3A_42, %dma_wait3A] : memref<3584x128xf32, #tpu.memory_space<vmem_shared>> -> memref<224x128xf32, #tpu.memory_space<vmem_shared>>
      %dma_wait3A_64 = arith.constant 0 : i32
      %dma_wait3A_65 = tpu.memref_slice %arg18[%mul3A_42, %dma_wait3A_64] : memref<3584x128xf32, #tpu.memory_space<vmem_shared>> -> memref<224x128xf32, #tpu.memory_space<vmem_shared>>
      tpu.wait_dma2 semaphore(%run_scoped3A : memref<!tpu.dma_semaphore, #tpu.memory_space<semaphore_mem>>) src(%arg17 : memref<224x128xf32, #tpu.memory_space<vmem>>) dst(%dma_wait3A_65 : memref<224x128xf32, #tpu.memory_space<vmem_shared>>)
      tpu.yield
    }) : () -> ()
    %barrier3A_43 = arith.constant 0 : index
    tpu.barrier barrier_id(%barrier3A_43)
    %scan3A_44 = arith.constant 0 : i32
    %scan3A_45 = arith.constant 125 : i32
    %scan3A_46 = arith.addi %scan3A_44, %scan3A_45 : i32
    %scan3A_47 = arith.constant 1 : i32
    scf.for %scan3A_60 = %scan3A_44 to %scan3A_46 step %scan3A_47  : i32 {
      %mul3A_61 = arith.constant 1 : i32
      %mul3A_62 = arith.muli %scan3A_60, %mul3A_61 : i32
      %add3A_63 = arith.constant 0 : i32
      %add3A_64 = arith.addi %add3A_63, %mul3A_62 : i32
      %mul3A_65 = arith.constant 2 : i32
      %mul3A_66 = arith.muli %mul3A_65, %add3A_64 : i32
      %mul3A_67 = arith.constant 80 : i32
      %mul3A_68 = arith.muli %mul3A_66, %mul3A_67 : i32
      %mul3A_69 = arith.constant 2 : i32
      %mul3A_70 = arith.muli %mul3A_69, %add3A_64 : i32
      %add3A_71 = arith.constant 1 : i32
      %add3A_72 = arith.addi %mul3A_70, %add3A_71 : i32
      %mul3A_73 = arith.constant 80 : i32
      %mul3A_74 = arith.muli %add3A_72, %mul3A_73 : i32
      %scan3A_75 = arith.constant 0 : i32
      %scan3A_76 = arith.constant 5 : i32
      %scan3A_77 = arith.addi %scan3A_75, %scan3A_76 : i32
      %scan3A_78 = arith.constant 1 : i32
      scf.for %scan3A_97 = %scan3A_75 to %scan3A_77 step %scan3A_78  : i32 {
        %mul3A_98 = arith.constant 1 : i32
        %mul3A_99 = arith.muli %scan3A_97, %mul3A_98 : i32
        %add3A_100 = arith.constant 0 : i32
        %add3A_101 = arith.addi %add3A_100, %mul3A_99 : i32
        %mul3A_102 = arith.constant 16 : i32
        %mul3A_103 = arith.muli %add3A_101, %mul3A_102 : i32
        %add3A_104 = arith.addi %mul3A_68, %mul3A_103 : i32
        %get3A = arith.index_cast %add3A_104 : i32 to index
        %get3A_105 = tpu.vector_load %arg8[%get3A] {strides = array<i32>} : memref<20000xi32, #tpu.memory_space<vmem>>, vector<16xi32>,
        %get3A_106 = vector.shape_cast %get3A_105 : vector<16xi32> to vector<16xi32>
        %get3A_107 = arith.index_cast %add3A_104 : i32 to index
        %get3A_108 = tpu.vector_load %arg7[%get3A_107] {strides = array<i32>} : memref<20000xi32, #tpu.memory_space<vmem>>, vector<16xi32>,
        %get3A_109 = vector.shape_cast %get3A_108 : vector<16xi32> to vector<16xi32>
        %ge3A = arith.constant 7168 : i32
        %ge3A_110 = vector.broadcast %ge3A : i32 to vector<16xi32>
        %ge3A_111 = arith.cmpi sge, %get3A_106, %ge3A_110 : vector<16xi32>
        %lt3A = arith.constant 10752 : i32
        %lt3A_112 = vector.broadcast %lt3A : i32 to vector<16xi32>
        %lt3A_113 = arith.cmpi slt, %get3A_106, %lt3A_112 : vector<16xi32>
        %and3A = arith.andi %ge3A_111, %lt3A_113 : vector<16xi1>
        %mul3A_114 = arith.constant 16 : i32
        %mul3A_115 = arith.muli %add3A_101, %mul3A_114 : i32
        %jit3A = arith.constant -1 : i32
        %broadcast_in_dim3A = vector.broadcast %jit3A : i32 to vector<16xi32>
        %select_n3A = arith.select %and3A, %get3A_109, %broadcast_in_dim3A : vector<16xi1>, vector<16xi32>
        %swap3A = arith.index_cast %mul3A_115 : i32 to index
        %swap3A_116 = tpu.vector_load %arg9[%swap3A] {strides = array<i32>} : memref<80xi32, #tpu.memory_space<vmem>>, vector<16xi32>,
        %swap3A_117 = vector.shape_cast %swap3A_116 : vector<16xi32> to vector<16xi32>
        %swap3A_118 = vector.shape_cast %select_n3A : vector<16xi32> to vector<16xi32>
        tpu.vector_store %arg9[%swap3A], %swap3A_118 {strides = array<i32>} : memref<80xi32, #tpu.memory_space<vmem>>, vector<16xi32>,
        %sub3A = arith.constant 7168 : i32
        %sub3A_119 = vector.broadcast %sub3A : i32 to vector<16xi32>
        %sub3A_120 = arith.subi %get3A_106, %sub3A_119 : vector<16xi32>
        %jit3A_121 = arith.constant -1 : i32
        %broadcast_in_dim3A_122 = vector.broadcast %jit3A_121 : i32 to vector<16xi32>
        %select_n3A_123 = arith.select %and3A, %sub3A_120, %broadcast_in_dim3A_122 : vector<16xi1>, vector<16xi32>
        %swap3A_124 = arith.index_cast %mul3A_115 : i32 to index
        %swap3A_125 = tpu.vector_load %arg10[%swap3A_124] {strides = array<i32>} : memref<80xi32, #tpu.memory_space<vmem>>, vector<16xi32>,
        %swap3A_126 = vector.shape_cast %swap3A_125 : vector<16xi32> to vector<16xi32>
        %swap3A_127 = vector.shape_cast %select_n3A_123 : vector<16xi32> to vector<16xi32>
        tpu.vector_store %arg10[%swap3A_124], %swap3A_127 {strides = array<i32>} : memref<80xi32, #tpu.memory_space<vmem>>, vector<16xi32>,
      }
      %scan3A_79 = arith.constant 5 : i32
      %dma_start3A = arith.constant 0 : i32
      %dma_start3A_80 = arith.constant 0 : i32
      %dma_start3A_81 = tpu.memref_slice %arg2[%dma_start3A, %dma_start3A_80] : memref<10000x128xf32, #tpu.memory_space<hbm>> -> memref<10000x128xf32, #tpu.memory_space<hbm>>
      %dma_start3A_82 = arith.constant -1 : i32
      tpu.enqueue_indirect_dma source(%dma_start3A_81 : memref<10000x128xf32, #tpu.memory_space<hbm>>) target(%arg13 : memref<80x128xf32, #tpu.memory_space<vmem>>) offsets(%arg9 : memref<80xi32, #tpu.memory_space<vmem>>) offset_filter(%dma_start3A_82) semaphore(%arg15 : memref<!tpu.dma_semaphore, #tpu.memory_space<semaphore_mem>>)
      %scan3A_83 = arith.constant 0 : i32
      %scan3A_84 = arith.constant 5 : i32
      %scan3A_85 = arith.addi %scan3A_83, %scan3A_84 : i32
      %scan3A_86 = arith.constant 1 : i32
      scf.for %scan3A_97 = %scan3A_83 to %scan3A_85 step %scan3A_86  : i32 {
        %mul3A_98 = arith.constant 1 : i32
        %mul3A_99 = arith.muli %scan3A_97, %mul3A_98 : i32
        %add3A_100 = arith.constant 0 : i32
        %add3A_101 = arith.addi %add3A_100, %mul3A_99 : i32
        %mul3A_102 = arith.constant 16 : i32
        %mul3A_103 = arith.muli %add3A_101, %mul3A_102 : i32
        %add3A_104 = arith.addi %mul3A_74, %mul3A_103 : i32
        %get3A = arith.index_cast %add3A_104 : i32 to index
        %get3A_105 = tpu.vector_load %arg8[%get3A] {strides = array<i32>} : memref<20000xi32, #tpu.memory_space<vmem>>, vector<16xi32>,
        %get3A_106 = vector.shape_cast %get3A_105 : vector<16xi32> to vector<16xi32>
        %get3A_107 = arith.index_cast %add3A_104 : i32 to index
        %get3A_108 = tpu.vector_load %arg7[%get3A_107] {strides = array<i32>} : memref<20000xi32, #tpu.memory_space<vmem>>, vector<16xi32>,
        %get3A_109 = vector.shape_cast %get3A_108 : vector<16xi32> to vector<16xi32>
        %ge3A = arith.constant 7168 : i32
        %ge3A_110 = vector.broadcast %ge3A : i32 to vector<16xi32>
        %ge3A_111 = arith.cmpi sge, %get3A_106, %ge3A_110 : vector<16xi32>
        %lt3A = arith.constant 10752 : i32
        %lt3A_112 = vector.broadcast %lt3A : i32 to vector<16xi32>
        %lt3A_113 = arith.cmpi slt, %get3A_106, %lt3A_112 : vector<16xi32>
        %and3A = arith.andi %ge3A_111, %lt3A_113 : vector<16xi1>
        %mul3A_114 = arith.constant 16 : i32
        %mul3A_115 = arith.muli %add3A_101, %mul3A_114 : i32
        %jit3A = arith.constant -1 : i32
        %broadcast_in_dim3A = vector.broadcast %jit3A : i32 to vector<16xi32>
        %select_n3A = arith.select %and3A, %get3A_109, %broadcast_in_dim3A : vector<16xi1>, vector<16xi32>
        %swap3A = arith.index_cast %mul3A_115 : i32 to index
        %swap3A_116 = tpu.vector_load %arg11[%swap3A] {strides = array<i32>} : memref<80xi32, #tpu.memory_space<vmem>>, vector<16xi32>,
        %swap3A_117 = vector.shape_cast %swap3A_116 : vector<16xi32> to vector<16xi32>
        %swap3A_118 = vector.shape_cast %select_n3A : vector<16xi32> to vector<16xi32>
        tpu.vector_store %arg11[%swap3A], %swap3A_118 {strides = array<i32>} : memref<80xi32, #tpu.memory_space<vmem>>, vector<16xi32>,
        %sub3A = arith.constant 7168 : i32
        %sub3A_119 = vector.broadcast %sub3A : i32 to vector<16xi32>
        %sub3A_120 = arith.subi %get3A_106, %sub3A_119 : vector<16xi32>
        %jit3A_121 = arith.constant -1 : i32
        %broadcast_in_dim3A_122 = vector.broadcast %jit3A_121 : i32 to vector<16xi32>
        %select_n3A_123 = arith.select %and3A, %sub3A_120, %broadcast_in_dim3A_122 : vector<16xi1>, vector<16xi32>
        %swap3A_124 = arith.index_cast %mul3A_115 : i32 to index
        %swap3A_125 = tpu.vector_load %arg12[%swap3A_124] {strides = array<i32>} : memref<80xi32, #tpu.memory_space<vmem>>, vector<16xi32>,
        %swap3A_126 = vector.shape_cast %swap3A_125 : vector<16xi32> to vector<16xi32>
        %swap3A_127 = vector.shape_cast %select_n3A_123 : vector<16xi32> to vector<16xi32>
        tpu.vector_store %arg12[%swap3A_124], %swap3A_127 {strides = array<i32>} : memref<80xi32, #tpu.memory_space<vmem>>, vector<16xi32>,
      }
      %scan3A_87 = arith.constant 5 : i32
      %dma_start3A_88 = arith.constant 0 : i32
      %dma_start3A_89 = arith.constant 0 : i32
      %dma_start3A_90 = tpu.memref_slice %arg2[%dma_start3A_88, %dma_start3A_89] : memref<10000x128xf32, #tpu.memory_space<hbm>> -> memref<10000x128xf32, #tpu.memory_space<hbm>>
      %dma_start3A_91 = arith.constant -1 : i32
      tpu.enqueue_indirect_dma source(%dma_start3A_90 : memref<10000x128xf32, #tpu.memory_space<hbm>>) target(%arg14 : memref<80x128xf32, #tpu.memory_space<vmem>>) offsets(%arg11 : memref<80xi32, #tpu.memory_space<vmem>>) offset_filter(%dma_start3A_91) semaphore(%arg16 : memref<!tpu.dma_semaphore, #tpu.memory_space<semaphore_mem>>)
      %dma_wait3A = arith.constant 0 : i32
      %dma_wait3A_92 = arith.constant 0 : i32
      %dma_wait3A_93 = tpu.memref_slice %arg2[%dma_wait3A, %dma_wait3A_92] : memref<10000x128xf32, #tpu.memory_space<hbm>> -> memref<10000x128xf32, #tpu.memory_space<hbm>>
      tpu.wait_indirect_dma semaphore(%arg15 : memref<!tpu.dma_semaphore, #tpu.memory_space<semaphore_mem>>) src(%dma_wait3A_93 : memref<10000x128xf32, #tpu.memory_space<hbm>>) dst(%arg13 : memref<80x128xf32, #tpu.memory_space<vmem>>)
      "tpu.region"() ({
        %run_scoped3A = tpu.sem_alloc : memref<!tpu.dma_semaphore, #tpu.memory_space<semaphore_mem>>
        %dma_start3A_97 = arith.constant 0 : i32
        %dma_start3A_98 = arith.constant 0 : i32
        %dma_start3A_99 = tpu.memref_slice %arg18[%dma_start3A_97, %dma_start3A_98] : memref<3584x128xf32, #tpu.memory_space<vmem_shared>> -> memref<3584x128xf32, #tpu.memory_space<vmem_shared>>
        %dma_start3A_100 = arith.constant -1 : i32
        tpu.enqueue_indirect_dma source(%arg13 : memref<80x128xf32, #tpu.memory_space<vmem>>) target(%dma_start3A_99 : memref<3584x128xf32, #tpu.memory_space<vmem_shared>>) offsets(%arg10 : memref<80xi32, #tpu.memory_space<vmem>>) offset_filter(%dma_start3A_100) semaphore(%run_scoped3A : memref<!tpu.dma_semaphore, #tpu.memory_space<semaphore_mem>>) {add = true}
        %dma_wait3A_101 = arith.constant 0 : i32
        %dma_wait3A_102 = arith.constant 0 : i32
        %dma_wait3A_103 = tpu.memref_slice %arg18[%dma_wait3A_101, %dma_wait3A_102] : memref<3584x128xf32, #tpu.memory_space<vmem_shared>> -> memref<3584x128xf32, #tpu.memory_space<vmem_shared>>
        tpu.wait_indirect_dma semaphore(%run_scoped3A : memref<!tpu.dma_semaphore, #tpu.memory_space<semaphore_mem>>) src(%arg13 : memref<80x128xf32, #tpu.memory_space<vmem>>) dst(%dma_wait3A_103 : memref<3584x128xf32, #tpu.memory_space<vmem_shared>>)
        tpu.yield
      }) : () -> ()
      %dma_wait3A_94 = arith.constant 0 : i32
      %dma_wait3A_95 = arith.constant 0 : i32
      %dma_wait3A_96 = tpu.memref_slice %arg2[%dma_wait3A_94, %dma_wait3A_95] : memref<10000x128xf32, #tpu.memory_space<hbm>> -> memref<10000x128xf32, #tpu.memory_space<hbm>>
      tpu.wait_indirect_dma semaphore(%arg16 : memref<!tpu.dma_semaphore, #tpu.memory_space<semaphore_mem>>) src(%dma_wait3A_96 : memref<10000x128xf32, #tpu.memory_space<hbm>>) dst(%arg14 : memref<80x128xf32, #tpu.memory_space<vmem>>)
      "tpu.region"() ({
        %run_scoped3A = tpu.sem_alloc : memref<!tpu.dma_semaphore, #tpu.memory_space<semaphore_mem>>
        %dma_start3A_97 = arith.constant 0 : i32
        %dma_start3A_98 = arith.constant 0 : i32
        %dma_start3A_99 = tpu.memref_slice %arg18[%dma_start3A_97, %dma_start3A_98] : memref<3584x128xf32, #tpu.memory_space<vmem_shared>> -> memref<3584x128xf32, #tpu.memory_space<vmem_shared>>
        %dma_start3A_100 = arith.constant -1 : i32
        tpu.enqueue_indirect_dma source(%arg14 : memref<80x128xf32, #tpu.memory_space<vmem>>) target(%dma_start3A_99 : memref<3584x128xf32, #tpu.memory_space<vmem_shared>>) offsets(%arg12 : memref<80xi32, #tpu.memory_space<vmem>>) offset_filter(%dma_start3A_100) semaphore(%run_scoped3A : memref<!tpu.dma_semaphore, #tpu.memory_space<semaphore_mem>>) {add = true}
        %dma_wait3A_101 = arith.constant 0 : i32
        %dma_wait3A_102 = arith.constant 0 : i32
        %dma_wait3A_103 = tpu.memref_slice %arg18[%dma_wait3A_101, %dma_wait3A_102] : memref<3584x128xf32, #tpu.memory_space<vmem_shared>> -> memref<3584x128xf32, #tpu.memory_space<vmem_shared>>
        tpu.wait_indirect_dma semaphore(%run_scoped3A : memref<!tpu.dma_semaphore, #tpu.memory_space<semaphore_mem>>) src(%arg14 : memref<80x128xf32, #tpu.memory_space<vmem>>) dst(%dma_wait3A_103 : memref<3584x128xf32, #tpu.memory_space<vmem_shared>>)
        tpu.yield
      }) : () -> ()
    }
    %scan3A_48 = arith.constant 125 : i32
    %barrier3A_49 = arith.constant 0 : index
    tpu.barrier barrier_id(%barrier3A_49)
    %mul3A_50 = arith.constant 224 : i32
    %mul3A_51 = arith.muli %arg1, %mul3A_50 : i32
    "tpu.region"() ({
      %run_scoped3A = tpu.sem_alloc : memref<!tpu.dma_semaphore, #tpu.memory_space<semaphore_mem>>
      %dma_start3A = arith.constant 0 : i32
      %dma_start3A_60 = tpu.memref_slice %arg18[%mul3A_51, %dma_start3A] : memref<3584x128xf32, #tpu.memory_space<vmem_shared>> -> memref<224x128xf32, #tpu.memory_space<vmem_shared>>
      %dma_start3A_61 = arith.constant 0 : i32
      %dma_start3A_62 = tpu.memref_slice %arg18[%mul3A_51, %dma_start3A_61] : memref<3584x128xf32, #tpu.memory_space<vmem_shared>> -> memref<224x128xf32, #tpu.memory_space<vmem_shared>>
      tpu.enqueue_dma source(%dma_start3A_62 : memref<224x128xf32, #tpu.memory_space<vmem_shared>>) target(%arg17 : memref<224x128xf32, #tpu.memory_space<vmem>>) target_semaphore(%run_scoped3A : memref<!tpu.dma_semaphore, #tpu.memory_space<semaphore_mem>>)
      %dma_wait3A = arith.constant 0 : i32
      %dma_wait3A_63 = tpu.memref_slice %arg18[%mul3A_51, %dma_wait3A] : memref<3584x128xf32, #tpu.memory_space<vmem_shared>> -> memref<224x128xf32, #tpu.memory_space<vmem_shared>>
      %dma_wait3A_64 = arith.constant 0 : i32
      %dma_wait3A_65 = tpu.memref_slice %arg18[%mul3A_51, %dma_wait3A_64] : memref<3584x128xf32, #tpu.memory_space<vmem_shared>> -> memref<224x128xf32, #tpu.memory_space<vmem_shared>>
      tpu.wait_dma2 semaphore(%run_scoped3A : memref<!tpu.dma_semaphore, #tpu.memory_space<semaphore_mem>>) src(%dma_wait3A_65 : memref<224x128xf32, #tpu.memory_space<vmem_shared>>) dst(%arg17 : memref<224x128xf32, #tpu.memory_space<vmem>>)
      tpu.yield
    }) : () -> ()
    %mul3A_52 = arith.constant 10752 : i32
    %mul3A_53 = arith.muli %arg0, %mul3A_52 : i32
    %add3A_54 = arith.constant 7168 : i32
    %add3A_55 = arith.addi %mul3A_53, %add3A_54 : i32
    %mul3A_56 = arith.constant 224 : i32
    %mul3A_57 = arith.muli %arg1, %mul3A_56 : i32
    %add3A_58 = arith.addi %add3A_55, %mul3A_57 : i32
    "tpu.region"() ({
      %run_scoped3A = tpu.sem_alloc : memref<!tpu.dma_semaphore, #tpu.memory_space<semaphore_mem>>
      %dma_start3A = arith.constant 0 : i32
      %dma_start3A_60 = tpu.memref_slice %arg6[%add3A_58, %dma_start3A] : memref<21504x128xf32, #tpu.memory_space<hbm>> -> memref<224x128xf32, #tpu.memory_space<hbm>>
      %dma_start3A_61 = arith.constant 0 : i32
      %dma_start3A_62 = tpu.memref_slice %arg6[%add3A_58, %dma_start3A_61] : memref<21504x128xf32, #tpu.memory_space<hbm>> -> memref<224x128xf32, #tpu.memory_space<hbm>>
      tpu.enqueue_dma source(%arg17 : memref<224x128xf32, #tpu.memory_space<vmem>>) target(%dma_start3A_62 : memref<224x128xf32, #tpu.memory_space<hbm>>) target_semaphore(%run_scoped3A : memref<!tpu.dma_semaphore, #tpu.memory_space<semaphore_mem>>)
      %dma_wait3A = arith.constant 0 : i32
      %dma_wait3A_63 = tpu.memref_slice %arg6[%add3A_58, %dma_wait3A] : memref<21504x128xf32, #tpu.memory_space<hbm>> -> memref<224x128xf32, #tpu.memory_space<hbm>>
      %dma_wait3A_64 = arith.constant 0 : i32
      %dma_wait3A_65 = tpu.memref_slice %arg6[%add3A_58, %dma_wait3A_64] : memref<21504x128xf32, #tpu.memory_space<hbm>> -> memref<224x128xf32, #tpu.memory_space<hbm>>
      tpu.wait_dma2 semaphore(%run_scoped3A : memref<!tpu.dma_semaphore, #tpu.memory_space<semaphore_mem>>) src(%arg17 : memref<224x128xf32, #tpu.memory_space<vmem>>) dst(%dma_wait3A_65 : memref<224x128xf32, #tpu.memory_space<hbm>>)
      tpu.yield
    }) : () -> ()
    %barrier3A_59 = arith.constant 0 : index
    tpu.barrier barrier_id(%barrier3A_59)
    return
  }
}

#map = affine_map<(d0, d1) -> (0)>
#map1 = affine_map<(d0, d1) -> (0, 0)>
module attributes {stable_mosaic.version = 14 : i64} {
  func.func @body(%arg0: i32, %arg1: i32, %arg2: memref<640000xi32, #tpu.memory_space<hbm>>, %arg3: memref<224x128xf32, #tpu.memory_space<hbm>>, %arg4: memref<80x128xf32, #tpu.memory_space<hbm>>, %arg5: memref<21504x128xf32, #tpu.memory_space<hbm>>, %arg6: memref<20000xi32, #tpu.memory_space<vmem>>, %arg7: memref<80xi32, #tpu.memory_space<vmem>>, %arg8: memref<80x128xf32, #tpu.memory_space<vmem>>, %arg9: memref<224x128xf32, #tpu.memory_space<vmem>>, %arg10: memref<3584x128xf32, #tpu.memory_space<vmem_shared>>) attributes {dimension_semantics = [#tpu.dimension_semantics<core_parallel>, #tpu.dimension_semantics<subcore_parallel>], iteration_bounds = array<i64: 2, 16>, scalar_prefetch = 0 : i64, scratch_operands = 5 : i64, tpu.core_type = #tpu.core_type<sc_vector_subcore>, window_params = [{transform_indices = #map}, {transform_indices = #map1}, {transform_indices = #map1}, {transform_indices = #map1}]} {
    %mul3A = arith.constant 2 : i32
    %mul3A_0 = arith.muli %arg1, %mul3A : i32
    %add3A = arith.addi %mul3A_0, %arg0 : i32
    %mul3A_1 = arith.constant 20000 : i32
    %mul3A_2 = arith.muli %add3A, %mul3A_1 : i32
    "tpu.region"() ({
      %run_scoped3A = tpu.sem_alloc : memref<!tpu.dma_semaphore, #tpu.memory_space<semaphore_mem>>
      %dma_start3A = tpu.memref_slice %arg2[%mul3A_2] : memref<640000xi32, #tpu.memory_space<hbm>> -> memref<20000xi32, #tpu.memory_space<hbm>>
      %dma_start3A_58 = tpu.memref_slice %arg2[%mul3A_2] : memref<640000xi32, #tpu.memory_space<hbm>> -> memref<20000xi32, #tpu.memory_space<hbm>>
      tpu.enqueue_dma source(%dma_start3A_58 : memref<20000xi32, #tpu.memory_space<hbm>>) target(%arg6 : memref<20000xi32, #tpu.memory_space<vmem>>) target_semaphore(%run_scoped3A : memref<!tpu.dma_semaphore, #tpu.memory_space<semaphore_mem>>)
      %dma_wait3A = tpu.memref_slice %arg2[%mul3A_2] : memref<640000xi32, #tpu.memory_space<hbm>> -> memref<20000xi32, #tpu.memory_space<hbm>>
      %dma_wait3A_59 = tpu.memref_slice %arg2[%mul3A_2] : memref<640000xi32, #tpu.memory_space<hbm>> -> memref<20000xi32, #tpu.memory_space<hbm>>
      tpu.wait_dma2 semaphore(%run_scoped3A : memref<!tpu.dma_semaphore, #tpu.memory_space<semaphore_mem>>) src(%dma_wait3A_59 : memref<20000xi32, #tpu.memory_space<hbm>>) dst(%arg6 : memref<20000xi32, #tpu.memory_space<vmem>>)
      tpu.yield
    }) : () -> ()
    "tpu.region"() ({
      %run_scoped3A = tpu.sem_alloc : memref<!tpu.dma_semaphore, #tpu.memory_space<semaphore_mem>>
      tpu.enqueue_dma source(%arg4 : memref<80x128xf32, #tpu.memory_space<hbm>>) target(%arg8 : memref<80x128xf32, #tpu.memory_space<vmem>>) target_semaphore(%run_scoped3A : memref<!tpu.dma_semaphore, #tpu.memory_space<semaphore_mem>>)
      tpu.wait_dma2 semaphore(%run_scoped3A : memref<!tpu.dma_semaphore, #tpu.memory_space<semaphore_mem>>) src(%arg4 : memref<80x128xf32, #tpu.memory_space<hbm>>) dst(%arg8 : memref<80x128xf32, #tpu.memory_space<vmem>>)
      tpu.yield
    }) : () -> ()
    "tpu.region"() ({
      %run_scoped3A = tpu.sem_alloc : memref<!tpu.dma_semaphore, #tpu.memory_space<semaphore_mem>>
      tpu.enqueue_dma source(%arg3 : memref<224x128xf32, #tpu.memory_space<hbm>>) target(%arg9 : memref<224x128xf32, #tpu.memory_space<vmem>>) target_semaphore(%run_scoped3A : memref<!tpu.dma_semaphore, #tpu.memory_space<semaphore_mem>>)
      tpu.wait_dma2 semaphore(%run_scoped3A : memref<!tpu.dma_semaphore, #tpu.memory_space<semaphore_mem>>) src(%arg3 : memref<224x128xf32, #tpu.memory_space<hbm>>) dst(%arg9 : memref<224x128xf32, #tpu.memory_space<vmem>>)
      tpu.yield
    }) : () -> ()
    %mul3A_3 = arith.constant 224 : i32
    %mul3A_4 = arith.muli %arg1, %mul3A_3 : i32
    "tpu.region"() ({
      %run_scoped3A = tpu.sem_alloc : memref<!tpu.dma_semaphore, #tpu.memory_space<semaphore_mem>>
      %dma_start3A = arith.constant 0 : i32
      %dma_start3A_58 = tpu.memref_slice %arg10[%mul3A_4, %dma_start3A] : memref<3584x128xf32, #tpu.memory_space<vmem_shared>> -> memref<224x128xf32, #tpu.memory_space<vmem_shared>>
      %dma_start3A_59 = arith.constant 0 : i32
      %dma_start3A_60 = tpu.memref_slice %arg10[%mul3A_4, %dma_start3A_59] : memref<3584x128xf32, #tpu.memory_space<vmem_shared>> -> memref<224x128xf32, #tpu.memory_space<vmem_shared>>
      tpu.enqueue_dma source(%arg9 : memref<224x128xf32, #tpu.memory_space<vmem>>) target(%dma_start3A_60 : memref<224x128xf32, #tpu.memory_space<vmem_shared>>) target_semaphore(%run_scoped3A : memref<!tpu.dma_semaphore, #tpu.memory_space<semaphore_mem>>)
      %dma_wait3A = arith.constant 0 : i32
      %dma_wait3A_61 = tpu.memref_slice %arg10[%mul3A_4, %dma_wait3A] : memref<3584x128xf32, #tpu.memory_space<vmem_shared>> -> memref<224x128xf32, #tpu.memory_space<vmem_shared>>
      %dma_wait3A_62 = arith.constant 0 : i32
      %dma_wait3A_63 = tpu.memref_slice %arg10[%mul3A_4, %dma_wait3A_62] : memref<3584x128xf32, #tpu.memory_space<vmem_shared>> -> memref<224x128xf32, #tpu.memory_space<vmem_shared>>
      tpu.wait_dma2 semaphore(%run_scoped3A : memref<!tpu.dma_semaphore, #tpu.memory_space<semaphore_mem>>) src(%arg9 : memref<224x128xf32, #tpu.memory_space<vmem>>) dst(%dma_wait3A_63 : memref<224x128xf32, #tpu.memory_space<vmem_shared>>)
      tpu.yield
    }) : () -> ()
    %barrier3A = arith.constant 0 : index
    tpu.barrier barrier_id(%barrier3A)
    %scan3A = arith.constant 0 : i32
    %scan3A_5 = arith.constant 250 : i32
    %scan3A_6 = arith.addi %scan3A, %scan3A_5 : i32
    %scan3A_7 = arith.constant 1 : i32
    scf.for %scan3A_58 = %scan3A to %scan3A_6 step %scan3A_7  : i32 {
      %mul3A_59 = arith.constant 1 : i32
      %mul3A_60 = arith.muli %scan3A_58, %mul3A_59 : i32
      %add3A_61 = arith.constant 0 : i32
      %add3A_62 = arith.addi %add3A_61, %mul3A_60 : i32
      %scan3A_63 = arith.constant 0 : i32
      %scan3A_64 = arith.constant 5 : i32
      %scan3A_65 = arith.addi %scan3A_63, %scan3A_64 : i32
      %scan3A_66 = arith.constant 1 : i32
      scf.for %scan3A_68 = %scan3A_63 to %scan3A_65 step %scan3A_66  : i32 {
        %mul3A_69 = arith.constant 1 : i32
        %mul3A_70 = arith.muli %scan3A_68, %mul3A_69 : i32
        %add3A_71 = arith.constant 0 : i32
        %add3A_72 = arith.addi %add3A_71, %mul3A_70 : i32
        %mul3A_73 = arith.constant 80 : i32
        %mul3A_74 = arith.muli %add3A_62, %mul3A_73 : i32
        %mul3A_75 = arith.constant 16 : i32
        %mul3A_76 = arith.muli %add3A_72, %mul3A_75 : i32
        %add3A_77 = arith.addi %mul3A_74, %mul3A_76 : i32
        %get3A = arith.index_cast %add3A_77 : i32 to index
        %get3A_78 = tpu.vector_load %arg6[%get3A] {strides = array<i32>} : memref<20000xi32, #tpu.memory_space<vmem>>, vector<16xi32>,
        %get3A_79 = vector.shape_cast %get3A_78 : vector<16xi32> to vector<16xi32>
        %ge3A = arith.constant 0 : i32
        %ge3A_80 = vector.broadcast %ge3A : i32 to vector<16xi32>
        %ge3A_81 = arith.cmpi sge, %get3A_79, %ge3A_80 : vector<16xi32>
        %lt3A = arith.constant 3584 : i32
        %lt3A_82 = vector.broadcast %lt3A : i32 to vector<16xi32>
        %lt3A_83 = arith.cmpi slt, %get3A_79, %lt3A_82 : vector<16xi32>
        %and3A = arith.andi %ge3A_81, %lt3A_83 : vector<16xi1>
        %sub3A = arith.constant 0 : i32
        %sub3A_84 = vector.broadcast %sub3A : i32 to vector<16xi32>
        %sub3A_85 = arith.subi %get3A_79, %sub3A_84 : vector<16xi32>
        %jit3A = arith.constant -1 : i32
        %broadcast_in_dim3A = vector.broadcast %jit3A : i32 to vector<16xi32>
        %select_n3A = arith.select %and3A, %sub3A_85, %broadcast_in_dim3A : vector<16xi1>, vector<16xi32>
        %mul3A_86 = arith.constant 16 : i32
        %mul3A_87 = arith.muli %add3A_72, %mul3A_86 : i32
        %swap3A = arith.index_cast %mul3A_87 : i32 to index
        %swap3A_88 = tpu.vector_load %arg7[%swap3A] {strides = array<i32>} : memref<80xi32, #tpu.memory_space<vmem>>, vector<16xi32>,
        %swap3A_89 = vector.shape_cast %swap3A_88 : vector<16xi32> to vector<16xi32>
        %swap3A_90 = vector.shape_cast %select_n3A : vector<16xi32> to vector<16xi32>
        tpu.vector_store %arg7[%swap3A], %swap3A_90 {strides = array<i32>} : memref<80xi32, #tpu.memory_space<vmem>>, vector<16xi32>,
      }
      %scan3A_67 = arith.constant 5 : i32
      "tpu.region"() ({
        %run_scoped3A = tpu.sem_alloc : memref<!tpu.dma_semaphore, #tpu.memory_space<semaphore_mem>>
        %dma_start3A = arith.constant 0 : i32
        %dma_start3A_68 = arith.constant 0 : i32
        %dma_start3A_69 = tpu.memref_slice %arg10[%dma_start3A, %dma_start3A_68] : memref<3584x128xf32, #tpu.memory_space<vmem_shared>> -> memref<3584x128xf32, #tpu.memory_space<vmem_shared>>
        %dma_start3A_70 = arith.constant -1 : i32
        tpu.enqueue_indirect_dma source(%arg8 : memref<80x128xf32, #tpu.memory_space<vmem>>) target(%dma_start3A_69 : memref<3584x128xf32, #tpu.memory_space<vmem_shared>>) offsets(%arg7 : memref<80xi32, #tpu.memory_space<vmem>>) offset_filter(%dma_start3A_70) semaphore(%run_scoped3A : memref<!tpu.dma_semaphore, #tpu.memory_space<semaphore_mem>>) {add = true}
        %dma_wait3A = arith.constant 0 : i32
        %dma_wait3A_71 = arith.constant 0 : i32
        %dma_wait3A_72 = tpu.memref_slice %arg10[%dma_wait3A, %dma_wait3A_71] : memref<3584x128xf32, #tpu.memory_space<vmem_shared>> -> memref<3584x128xf32, #tpu.memory_space<vmem_shared>>
        tpu.wait_indirect_dma semaphore(%run_scoped3A : memref<!tpu.dma_semaphore, #tpu.memory_space<semaphore_mem>>) src(%arg8 : memref<80x128xf32, #tpu.memory_space<vmem>>) dst(%dma_wait3A_72 : memref<3584x128xf32, #tpu.memory_space<vmem_shared>>)
        tpu.yield
      }) : () -> ()
    }
    %scan3A_8 = arith.constant 250 : i32
    %barrier3A_9 = arith.constant 0 : index
    tpu.barrier barrier_id(%barrier3A_9)
    %mul3A_10 = arith.constant 224 : i32
    %mul3A_11 = arith.muli %arg1, %mul3A_10 : i32
    "tpu.region"() ({
      %run_scoped3A = tpu.sem_alloc : memref<!tpu.dma_semaphore, #tpu.memory_space<semaphore_mem>>
      %dma_start3A = arith.constant 0 : i32
      %dma_start3A_58 = tpu.memref_slice %arg10[%mul3A_11, %dma_start3A] : memref<3584x128xf32, #tpu.memory_space<vmem_shared>> -> memref<224x128xf32, #tpu.memory_space<vmem_shared>>
      %dma_start3A_59 = arith.constant 0 : i32
      %dma_start3A_60 = tpu.memref_slice %arg10[%mul3A_11, %dma_start3A_59] : memref<3584x128xf32, #tpu.memory_space<vmem_shared>> -> memref<224x128xf32, #tpu.memory_space<vmem_shared>>
      tpu.enqueue_dma source(%dma_start3A_60 : memref<224x128xf32, #tpu.memory_space<vmem_shared>>) target(%arg9 : memref<224x128xf32, #tpu.memory_space<vmem>>) target_semaphore(%run_scoped3A : memref<!tpu.dma_semaphore, #tpu.memory_space<semaphore_mem>>)
      %dma_wait3A = arith.constant 0 : i32
      %dma_wait3A_61 = tpu.memref_slice %arg10[%mul3A_11, %dma_wait3A] : memref<3584x128xf32, #tpu.memory_space<vmem_shared>> -> memref<224x128xf32, #tpu.memory_space<vmem_shared>>
      %dma_wait3A_62 = arith.constant 0 : i32
      %dma_wait3A_63 = tpu.memref_slice %arg10[%mul3A_11, %dma_wait3A_62] : memref<3584x128xf32, #tpu.memory_space<vmem_shared>> -> memref<224x128xf32, #tpu.memory_space<vmem_shared>>
      tpu.wait_dma2 semaphore(%run_scoped3A : memref<!tpu.dma_semaphore, #tpu.memory_space<semaphore_mem>>) src(%dma_wait3A_63 : memref<224x128xf32, #tpu.memory_space<vmem_shared>>) dst(%arg9 : memref<224x128xf32, #tpu.memory_space<vmem>>)
      tpu.yield
    }) : () -> ()
    %mul3A_12 = arith.constant 10752 : i32
    %mul3A_13 = arith.muli %arg0, %mul3A_12 : i32
    %add3A_14 = arith.constant 0 : i32
    %add3A_15 = arith.addi %mul3A_13, %add3A_14 : i32
    %mul3A_16 = arith.constant 224 : i32
    %mul3A_17 = arith.muli %arg1, %mul3A_16 : i32
    %add3A_18 = arith.addi %add3A_15, %mul3A_17 : i32
    "tpu.region"() ({
      %run_scoped3A = tpu.sem_alloc : memref<!tpu.dma_semaphore, #tpu.memory_space<semaphore_mem>>
      %dma_start3A = arith.constant 0 : i32
      %dma_start3A_58 = tpu.memref_slice %arg5[%add3A_18, %dma_start3A] : memref<21504x128xf32, #tpu.memory_space<hbm>> -> memref<224x128xf32, #tpu.memory_space<hbm>>
      %dma_start3A_59 = arith.constant 0 : i32
      %dma_start3A_60 = tpu.memref_slice %arg5[%add3A_18, %dma_start3A_59] : memref<21504x128xf32, #tpu.memory_space<hbm>> -> memref<224x128xf32, #tpu.memory_space<hbm>>
      tpu.enqueue_dma source(%arg9 : memref<224x128xf32, #tpu.memory_space<vmem>>) target(%dma_start3A_60 : memref<224x128xf32, #tpu.memory_space<hbm>>) target_semaphore(%run_scoped3A : memref<!tpu.dma_semaphore, #tpu.memory_space<semaphore_mem>>)
      %dma_wait3A = arith.constant 0 : i32
      %dma_wait3A_61 = tpu.memref_slice %arg5[%add3A_18, %dma_wait3A] : memref<21504x128xf32, #tpu.memory_space<hbm>> -> memref<224x128xf32, #tpu.memory_space<hbm>>
      %dma_wait3A_62 = arith.constant 0 : i32
      %dma_wait3A_63 = tpu.memref_slice %arg5[%add3A_18, %dma_wait3A_62] : memref<21504x128xf32, #tpu.memory_space<hbm>> -> memref<224x128xf32, #tpu.memory_space<hbm>>
      tpu.wait_dma2 semaphore(%run_scoped3A : memref<!tpu.dma_semaphore, #tpu.memory_space<semaphore_mem>>) src(%arg9 : memref<224x128xf32, #tpu.memory_space<vmem>>) dst(%dma_wait3A_63 : memref<224x128xf32, #tpu.memory_space<hbm>>)
      tpu.yield
    }) : () -> ()
    %barrier3A_19 = arith.constant 0 : index
    tpu.barrier barrier_id(%barrier3A_19)
    "tpu.region"() ({
      %run_scoped3A = tpu.sem_alloc : memref<!tpu.dma_semaphore, #tpu.memory_space<semaphore_mem>>
      tpu.enqueue_dma source(%arg3 : memref<224x128xf32, #tpu.memory_space<hbm>>) target(%arg9 : memref<224x128xf32, #tpu.memory_space<vmem>>) target_semaphore(%run_scoped3A : memref<!tpu.dma_semaphore, #tpu.memory_space<semaphore_mem>>)
      tpu.wait_dma2 semaphore(%run_scoped3A : memref<!tpu.dma_semaphore, #tpu.memory_space<semaphore_mem>>) src(%arg3 : memref<224x128xf32, #tpu.memory_space<hbm>>) dst(%arg9 : memref<224x128xf32, #tpu.memory_space<vmem>>)
      tpu.yield
    }) : () -> ()
    %mul3A_20 = arith.constant 224 : i32
    %mul3A_21 = arith.muli %arg1, %mul3A_20 : i32
    "tpu.region"() ({
      %run_scoped3A = tpu.sem_alloc : memref<!tpu.dma_semaphore, #tpu.memory_space<semaphore_mem>>
      %dma_start3A = arith.constant 0 : i32
      %dma_start3A_58 = tpu.memref_slice %arg10[%mul3A_21, %dma_start3A] : memref<3584x128xf32, #tpu.memory_space<vmem_shared>> -> memref<224x128xf32, #tpu.memory_space<vmem_shared>>
      %dma_start3A_59 = arith.constant 0 : i32
      %dma_start3A_60 = tpu.memref_slice %arg10[%mul3A_21, %dma_start3A_59] : memref<3584x128xf32, #tpu.memory_space<vmem_shared>> -> memref<224x128xf32, #tpu.memory_space<vmem_shared>>
      tpu.enqueue_dma source(%arg9 : memref<224x128xf32, #tpu.memory_space<vmem>>) target(%dma_start3A_60 : memref<224x128xf32, #tpu.memory_space<vmem_shared>>) target_semaphore(%run_scoped3A : memref<!tpu.dma_semaphore, #tpu.memory_space<semaphore_mem>>)
      %dma_wait3A = arith.constant 0 : i32
      %dma_wait3A_61 = tpu.memref_slice %arg10[%mul3A_21, %dma_wait3A] : memref<3584x128xf32, #tpu.memory_space<vmem_shared>> -> memref<224x128xf32, #tpu.memory_space<vmem_shared>>
      %dma_wait3A_62 = arith.constant 0 : i32
      %dma_wait3A_63 = tpu.memref_slice %arg10[%mul3A_21, %dma_wait3A_62] : memref<3584x128xf32, #tpu.memory_space<vmem_shared>> -> memref<224x128xf32, #tpu.memory_space<vmem_shared>>
      tpu.wait_dma2 semaphore(%run_scoped3A : memref<!tpu.dma_semaphore, #tpu.memory_space<semaphore_mem>>) src(%arg9 : memref<224x128xf32, #tpu.memory_space<vmem>>) dst(%dma_wait3A_63 : memref<224x128xf32, #tpu.memory_space<vmem_shared>>)
      tpu.yield
    }) : () -> ()
    %barrier3A_22 = arith.constant 0 : index
    tpu.barrier barrier_id(%barrier3A_22)
    %scan3A_23 = arith.constant 0 : i32
    %scan3A_24 = arith.constant 250 : i32
    %scan3A_25 = arith.addi %scan3A_23, %scan3A_24 : i32
    %scan3A_26 = arith.constant 1 : i32
    scf.for %scan3A_58 = %scan3A_23 to %scan3A_25 step %scan3A_26  : i32 {
      %mul3A_59 = arith.constant 1 : i32
      %mul3A_60 = arith.muli %scan3A_58, %mul3A_59 : i32
      %add3A_61 = arith.constant 0 : i32
      %add3A_62 = arith.addi %add3A_61, %mul3A_60 : i32
      %scan3A_63 = arith.constant 0 : i32
      %scan3A_64 = arith.constant 5 : i32
      %scan3A_65 = arith.addi %scan3A_63, %scan3A_64 : i32
      %scan3A_66 = arith.constant 1 : i32
      scf.for %scan3A_68 = %scan3A_63 to %scan3A_65 step %scan3A_66  : i32 {
        %mul3A_69 = arith.constant 1 : i32
        %mul3A_70 = arith.muli %scan3A_68, %mul3A_69 : i32
        %add3A_71 = arith.constant 0 : i32
        %add3A_72 = arith.addi %add3A_71, %mul3A_70 : i32
        %mul3A_73 = arith.constant 80 : i32
        %mul3A_74 = arith.muli %add3A_62, %mul3A_73 : i32
        %mul3A_75 = arith.constant 16 : i32
        %mul3A_76 = arith.muli %add3A_72, %mul3A_75 : i32
        %add3A_77 = arith.addi %mul3A_74, %mul3A_76 : i32
        %get3A = arith.index_cast %add3A_77 : i32 to index
        %get3A_78 = tpu.vector_load %arg6[%get3A] {strides = array<i32>} : memref<20000xi32, #tpu.memory_space<vmem>>, vector<16xi32>,
        %get3A_79 = vector.shape_cast %get3A_78 : vector<16xi32> to vector<16xi32>
        %ge3A = arith.constant 3584 : i32
        %ge3A_80 = vector.broadcast %ge3A : i32 to vector<16xi32>
        %ge3A_81 = arith.cmpi sge, %get3A_79, %ge3A_80 : vector<16xi32>
        %lt3A = arith.constant 7168 : i32
        %lt3A_82 = vector.broadcast %lt3A : i32 to vector<16xi32>
        %lt3A_83 = arith.cmpi slt, %get3A_79, %lt3A_82 : vector<16xi32>
        %and3A = arith.andi %ge3A_81, %lt3A_83 : vector<16xi1>
        %sub3A = arith.constant 3584 : i32
        %sub3A_84 = vector.broadcast %sub3A : i32 to vector<16xi32>
        %sub3A_85 = arith.subi %get3A_79, %sub3A_84 : vector<16xi32>
        %jit3A = arith.constant -1 : i32
        %broadcast_in_dim3A = vector.broadcast %jit3A : i32 to vector<16xi32>
        %select_n3A = arith.select %and3A, %sub3A_85, %broadcast_in_dim3A : vector<16xi1>, vector<16xi32>
        %mul3A_86 = arith.constant 16 : i32
        %mul3A_87 = arith.muli %add3A_72, %mul3A_86 : i32
        %swap3A = arith.index_cast %mul3A_87 : i32 to index
        %swap3A_88 = tpu.vector_load %arg7[%swap3A] {strides = array<i32>} : memref<80xi32, #tpu.memory_space<vmem>>, vector<16xi32>,
        %swap3A_89 = vector.shape_cast %swap3A_88 : vector<16xi32> to vector<16xi32>
        %swap3A_90 = vector.shape_cast %select_n3A : vector<16xi32> to vector<16xi32>
        tpu.vector_store %arg7[%swap3A], %swap3A_90 {strides = array<i32>} : memref<80xi32, #tpu.memory_space<vmem>>, vector<16xi32>,
      }
      %scan3A_67 = arith.constant 5 : i32
      "tpu.region"() ({
        %run_scoped3A = tpu.sem_alloc : memref<!tpu.dma_semaphore, #tpu.memory_space<semaphore_mem>>
        %dma_start3A = arith.constant 0 : i32
        %dma_start3A_68 = arith.constant 0 : i32
        %dma_start3A_69 = tpu.memref_slice %arg10[%dma_start3A, %dma_start3A_68] : memref<3584x128xf32, #tpu.memory_space<vmem_shared>> -> memref<3584x128xf32, #tpu.memory_space<vmem_shared>>
        %dma_start3A_70 = arith.constant -1 : i32
        tpu.enqueue_indirect_dma source(%arg8 : memref<80x128xf32, #tpu.memory_space<vmem>>) target(%dma_start3A_69 : memref<3584x128xf32, #tpu.memory_space<vmem_shared>>) offsets(%arg7 : memref<80xi32, #tpu.memory_space<vmem>>) offset_filter(%dma_start3A_70) semaphore(%run_scoped3A : memref<!tpu.dma_semaphore, #tpu.memory_space<semaphore_mem>>) {add = true}
        %dma_wait3A = arith.constant 0 : i32
        %dma_wait3A_71 = arith.constant 0 : i32
        %dma_wait3A_72 = tpu.memref_slice %arg10[%dma_wait3A, %dma_wait3A_71] : memref<3584x128xf32, #tpu.memory_space<vmem_shared>> -> memref<3584x128xf32, #tpu.memory_space<vmem_shared>>
        tpu.wait_indirect_dma semaphore(%run_scoped3A : memref<!tpu.dma_semaphore, #tpu.memory_space<semaphore_mem>>) src(%arg8 : memref<80x128xf32, #tpu.memory_space<vmem>>) dst(%dma_wait3A_72 : memref<3584x128xf32, #tpu.memory_space<vmem_shared>>)
        tpu.yield
      }) : () -> ()
    }
    %scan3A_27 = arith.constant 250 : i32
    %barrier3A_28 = arith.constant 0 : index
    tpu.barrier barrier_id(%barrier3A_28)
    %mul3A_29 = arith.constant 224 : i32
    %mul3A_30 = arith.muli %arg1, %mul3A_29 : i32
    "tpu.region"() ({
      %run_scoped3A = tpu.sem_alloc : memref<!tpu.dma_semaphore, #tpu.memory_space<semaphore_mem>>
      %dma_start3A = arith.constant 0 : i32
      %dma_start3A_58 = tpu.memref_slice %arg10[%mul3A_30, %dma_start3A] : memref<3584x128xf32, #tpu.memory_space<vmem_shared>> -> memref<224x128xf32, #tpu.memory_space<vmem_shared>>
      %dma_start3A_59 = arith.constant 0 : i32
      %dma_start3A_60 = tpu.memref_slice %arg10[%mul3A_30, %dma_start3A_59] : memref<3584x128xf32, #tpu.memory_space<vmem_shared>> -> memref<224x128xf32, #tpu.memory_space<vmem_shared>>
      tpu.enqueue_dma source(%dma_start3A_60 : memref<224x128xf32, #tpu.memory_space<vmem_shared>>) target(%arg9 : memref<224x128xf32, #tpu.memory_space<vmem>>) target_semaphore(%run_scoped3A : memref<!tpu.dma_semaphore, #tpu.memory_space<semaphore_mem>>)
      %dma_wait3A = arith.constant 0 : i32
      %dma_wait3A_61 = tpu.memref_slice %arg10[%mul3A_30, %dma_wait3A] : memref<3584x128xf32, #tpu.memory_space<vmem_shared>> -> memref<224x128xf32, #tpu.memory_space<vmem_shared>>
      %dma_wait3A_62 = arith.constant 0 : i32
      %dma_wait3A_63 = tpu.memref_slice %arg10[%mul3A_30, %dma_wait3A_62] : memref<3584x128xf32, #tpu.memory_space<vmem_shared>> -> memref<224x128xf32, #tpu.memory_space<vmem_shared>>
      tpu.wait_dma2 semaphore(%run_scoped3A : memref<!tpu.dma_semaphore, #tpu.memory_space<semaphore_mem>>) src(%dma_wait3A_63 : memref<224x128xf32, #tpu.memory_space<vmem_shared>>) dst(%arg9 : memref<224x128xf32, #tpu.memory_space<vmem>>)
      tpu.yield
    }) : () -> ()
    %mul3A_31 = arith.constant 10752 : i32
    %mul3A_32 = arith.muli %arg0, %mul3A_31 : i32
    %add3A_33 = arith.constant 3584 : i32
    %add3A_34 = arith.addi %mul3A_32, %add3A_33 : i32
    %mul3A_35 = arith.constant 224 : i32
    %mul3A_36 = arith.muli %arg1, %mul3A_35 : i32
    %add3A_37 = arith.addi %add3A_34, %mul3A_36 : i32
    "tpu.region"() ({
      %run_scoped3A = tpu.sem_alloc : memref<!tpu.dma_semaphore, #tpu.memory_space<semaphore_mem>>
      %dma_start3A = arith.constant 0 : i32
      %dma_start3A_58 = tpu.memref_slice %arg5[%add3A_37, %dma_start3A] : memref<21504x128xf32, #tpu.memory_space<hbm>> -> memref<224x128xf32, #tpu.memory_space<hbm>>
      %dma_start3A_59 = arith.constant 0 : i32
      %dma_start3A_60 = tpu.memref_slice %arg5[%add3A_37, %dma_start3A_59] : memref<21504x128xf32, #tpu.memory_space<hbm>> -> memref<224x128xf32, #tpu.memory_space<hbm>>
      tpu.enqueue_dma source(%arg9 : memref<224x128xf32, #tpu.memory_space<vmem>>) target(%dma_start3A_60 : memref<224x128xf32, #tpu.memory_space<hbm>>) target_semaphore(%run_scoped3A : memref<!tpu.dma_semaphore, #tpu.memory_space<semaphore_mem>>)
      %dma_wait3A = arith.constant 0 : i32
      %dma_wait3A_61 = tpu.memref_slice %arg5[%add3A_37, %dma_wait3A] : memref<21504x128xf32, #tpu.memory_space<hbm>> -> memref<224x128xf32, #tpu.memory_space<hbm>>
      %dma_wait3A_62 = arith.constant 0 : i32
      %dma_wait3A_63 = tpu.memref_slice %arg5[%add3A_37, %dma_wait3A_62] : memref<21504x128xf32, #tpu.memory_space<hbm>> -> memref<224x128xf32, #tpu.memory_space<hbm>>
      tpu.wait_dma2 semaphore(%run_scoped3A : memref<!tpu.dma_semaphore, #tpu.memory_space<semaphore_mem>>) src(%arg9 : memref<224x128xf32, #tpu.memory_space<vmem>>) dst(%dma_wait3A_63 : memref<224x128xf32, #tpu.memory_space<hbm>>)
      tpu.yield
    }) : () -> ()
    %barrier3A_38 = arith.constant 0 : index
    tpu.barrier barrier_id(%barrier3A_38)
    "tpu.region"() ({
      %run_scoped3A = tpu.sem_alloc : memref<!tpu.dma_semaphore, #tpu.memory_space<semaphore_mem>>
      tpu.enqueue_dma source(%arg3 : memref<224x128xf32, #tpu.memory_space<hbm>>) target(%arg9 : memref<224x128xf32, #tpu.memory_space<vmem>>) target_semaphore(%run_scoped3A : memref<!tpu.dma_semaphore, #tpu.memory_space<semaphore_mem>>)
      tpu.wait_dma2 semaphore(%run_scoped3A : memref<!tpu.dma_semaphore, #tpu.memory_space<semaphore_mem>>) src(%arg3 : memref<224x128xf32, #tpu.memory_space<hbm>>) dst(%arg9 : memref<224x128xf32, #tpu.memory_space<vmem>>)
      tpu.yield
    }) : () -> ()
    %mul3A_39 = arith.constant 224 : i32
    %mul3A_40 = arith.muli %arg1, %mul3A_39 : i32
    "tpu.region"() ({
      %run_scoped3A = tpu.sem_alloc : memref<!tpu.dma_semaphore, #tpu.memory_space<semaphore_mem>>
      %dma_start3A = arith.constant 0 : i32
      %dma_start3A_58 = tpu.memref_slice %arg10[%mul3A_40, %dma_start3A] : memref<3584x128xf32, #tpu.memory_space<vmem_shared>> -> memref<224x128xf32, #tpu.memory_space<vmem_shared>>
      %dma_start3A_59 = arith.constant 0 : i32
      %dma_start3A_60 = tpu.memref_slice %arg10[%mul3A_40, %dma_start3A_59] : memref<3584x128xf32, #tpu.memory_space<vmem_shared>> -> memref<224x128xf32, #tpu.memory_space<vmem_shared>>
      tpu.enqueue_dma source(%arg9 : memref<224x128xf32, #tpu.memory_space<vmem>>) target(%dma_start3A_60 : memref<224x128xf32, #tpu.memory_space<vmem_shared>>) target_semaphore(%run_scoped3A : memref<!tpu.dma_semaphore, #tpu.memory_space<semaphore_mem>>)
      %dma_wait3A = arith.constant 0 : i32
      %dma_wait3A_61 = tpu.memref_slice %arg10[%mul3A_40, %dma_wait3A] : memref<3584x128xf32, #tpu.memory_space<vmem_shared>> -> memref<224x128xf32, #tpu.memory_space<vmem_shared>>
      %dma_wait3A_62 = arith.constant 0 : i32
      %dma_wait3A_63 = tpu.memref_slice %arg10[%mul3A_40, %dma_wait3A_62] : memref<3584x128xf32, #tpu.memory_space<vmem_shared>> -> memref<224x128xf32, #tpu.memory_space<vmem_shared>>
      tpu.wait_dma2 semaphore(%run_scoped3A : memref<!tpu.dma_semaphore, #tpu.memory_space<semaphore_mem>>) src(%arg9 : memref<224x128xf32, #tpu.memory_space<vmem>>) dst(%dma_wait3A_63 : memref<224x128xf32, #tpu.memory_space<vmem_shared>>)
      tpu.yield
    }) : () -> ()
    %barrier3A_41 = arith.constant 0 : index
    tpu.barrier barrier_id(%barrier3A_41)
    %scan3A_42 = arith.constant 0 : i32
    %scan3A_43 = arith.constant 250 : i32
    %scan3A_44 = arith.addi %scan3A_42, %scan3A_43 : i32
    %scan3A_45 = arith.constant 1 : i32
    scf.for %scan3A_58 = %scan3A_42 to %scan3A_44 step %scan3A_45  : i32 {
      %mul3A_59 = arith.constant 1 : i32
      %mul3A_60 = arith.muli %scan3A_58, %mul3A_59 : i32
      %add3A_61 = arith.constant 0 : i32
      %add3A_62 = arith.addi %add3A_61, %mul3A_60 : i32
      %scan3A_63 = arith.constant 0 : i32
      %scan3A_64 = arith.constant 5 : i32
      %scan3A_65 = arith.addi %scan3A_63, %scan3A_64 : i32
      %scan3A_66 = arith.constant 1 : i32
      scf.for %scan3A_68 = %scan3A_63 to %scan3A_65 step %scan3A_66  : i32 {
        %mul3A_69 = arith.constant 1 : i32
        %mul3A_70 = arith.muli %scan3A_68, %mul3A_69 : i32
        %add3A_71 = arith.constant 0 : i32
        %add3A_72 = arith.addi %add3A_71, %mul3A_70 : i32
        %mul3A_73 = arith.constant 80 : i32
        %mul3A_74 = arith.muli %add3A_62, %mul3A_73 : i32
        %mul3A_75 = arith.constant 16 : i32
        %mul3A_76 = arith.muli %add3A_72, %mul3A_75 : i32
        %add3A_77 = arith.addi %mul3A_74, %mul3A_76 : i32
        %get3A = arith.index_cast %add3A_77 : i32 to index
        %get3A_78 = tpu.vector_load %arg6[%get3A] {strides = array<i32>} : memref<20000xi32, #tpu.memory_space<vmem>>, vector<16xi32>,
        %get3A_79 = vector.shape_cast %get3A_78 : vector<16xi32> to vector<16xi32>
        %ge3A = arith.constant 7168 : i32
        %ge3A_80 = vector.broadcast %ge3A : i32 to vector<16xi32>
        %ge3A_81 = arith.cmpi sge, %get3A_79, %ge3A_80 : vector<16xi32>
        %lt3A = arith.constant 10752 : i32
        %lt3A_82 = vector.broadcast %lt3A : i32 to vector<16xi32>
        %lt3A_83 = arith.cmpi slt, %get3A_79, %lt3A_82 : vector<16xi32>
        %and3A = arith.andi %ge3A_81, %lt3A_83 : vector<16xi1>
        %sub3A = arith.constant 7168 : i32
        %sub3A_84 = vector.broadcast %sub3A : i32 to vector<16xi32>
        %sub3A_85 = arith.subi %get3A_79, %sub3A_84 : vector<16xi32>
        %jit3A = arith.constant -1 : i32
        %broadcast_in_dim3A = vector.broadcast %jit3A : i32 to vector<16xi32>
        %select_n3A = arith.select %and3A, %sub3A_85, %broadcast_in_dim3A : vector<16xi1>, vector<16xi32>
        %mul3A_86 = arith.constant 16 : i32
        %mul3A_87 = arith.muli %add3A_72, %mul3A_86 : i32
        %swap3A = arith.index_cast %mul3A_87 : i32 to index
        %swap3A_88 = tpu.vector_load %arg7[%swap3A] {strides = array<i32>} : memref<80xi32, #tpu.memory_space<vmem>>, vector<16xi32>,
        %swap3A_89 = vector.shape_cast %swap3A_88 : vector<16xi32> to vector<16xi32>
        %swap3A_90 = vector.shape_cast %select_n3A : vector<16xi32> to vector<16xi32>
        tpu.vector_store %arg7[%swap3A], %swap3A_90 {strides = array<i32>} : memref<80xi32, #tpu.memory_space<vmem>>, vector<16xi32>,
      }
      %scan3A_67 = arith.constant 5 : i32
      "tpu.region"() ({
        %run_scoped3A = tpu.sem_alloc : memref<!tpu.dma_semaphore, #tpu.memory_space<semaphore_mem>>
        %dma_start3A = arith.constant 0 : i32
        %dma_start3A_68 = arith.constant 0 : i32
        %dma_start3A_69 = tpu.memref_slice %arg10[%dma_start3A, %dma_start3A_68] : memref<3584x128xf32, #tpu.memory_space<vmem_shared>> -> memref<3584x128xf32, #tpu.memory_space<vmem_shared>>
        %dma_start3A_70 = arith.constant -1 : i32
        tpu.enqueue_indirect_dma source(%arg8 : memref<80x128xf32, #tpu.memory_space<vmem>>) target(%dma_start3A_69 : memref<3584x128xf32, #tpu.memory_space<vmem_shared>>) offsets(%arg7 : memref<80xi32, #tpu.memory_space<vmem>>) offset_filter(%dma_start3A_70) semaphore(%run_scoped3A : memref<!tpu.dma_semaphore, #tpu.memory_space<semaphore_mem>>) {add = true}
        %dma_wait3A = arith.constant 0 : i32
        %dma_wait3A_71 = arith.constant 0 : i32
        %dma_wait3A_72 = tpu.memref_slice %arg10[%dma_wait3A, %dma_wait3A_71] : memref<3584x128xf32, #tpu.memory_space<vmem_shared>> -> memref<3584x128xf32, #tpu.memory_space<vmem_shared>>
        tpu.wait_indirect_dma semaphore(%run_scoped3A : memref<!tpu.dma_semaphore, #tpu.memory_space<semaphore_mem>>) src(%arg8 : memref<80x128xf32, #tpu.memory_space<vmem>>) dst(%dma_wait3A_72 : memref<3584x128xf32, #tpu.memory_space<vmem_shared>>)
        tpu.yield
      }) : () -> ()
    }
    %scan3A_46 = arith.constant 250 : i32
    %barrier3A_47 = arith.constant 0 : index
    tpu.barrier barrier_id(%barrier3A_47)
    %mul3A_48 = arith.constant 224 : i32
    %mul3A_49 = arith.muli %arg1, %mul3A_48 : i32
    "tpu.region"() ({
      %run_scoped3A = tpu.sem_alloc : memref<!tpu.dma_semaphore, #tpu.memory_space<semaphore_mem>>
      %dma_start3A = arith.constant 0 : i32
      %dma_start3A_58 = tpu.memref_slice %arg10[%mul3A_49, %dma_start3A] : memref<3584x128xf32, #tpu.memory_space<vmem_shared>> -> memref<224x128xf32, #tpu.memory_space<vmem_shared>>
      %dma_start3A_59 = arith.constant 0 : i32
      %dma_start3A_60 = tpu.memref_slice %arg10[%mul3A_49, %dma_start3A_59] : memref<3584x128xf32, #tpu.memory_space<vmem_shared>> -> memref<224x128xf32, #tpu.memory_space<vmem_shared>>
      tpu.enqueue_dma source(%dma_start3A_60 : memref<224x128xf32, #tpu.memory_space<vmem_shared>>) target(%arg9 : memref<224x128xf32, #tpu.memory_space<vmem>>) target_semaphore(%run_scoped3A : memref<!tpu.dma_semaphore, #tpu.memory_space<semaphore_mem>>)
      %dma_wait3A = arith.constant 0 : i32
      %dma_wait3A_61 = tpu.memref_slice %arg10[%mul3A_49, %dma_wait3A] : memref<3584x128xf32, #tpu.memory_space<vmem_shared>> -> memref<224x128xf32, #tpu.memory_space<vmem_shared>>
      %dma_wait3A_62 = arith.constant 0 : i32
      %dma_wait3A_63 = tpu.memref_slice %arg10[%mul3A_49, %dma_wait3A_62] : memref<3584x128xf32, #tpu.memory_space<vmem_shared>> -> memref<224x128xf32, #tpu.memory_space<vmem_shared>>
      tpu.wait_dma2 semaphore(%run_scoped3A : memref<!tpu.dma_semaphore, #tpu.memory_space<semaphore_mem>>) src(%dma_wait3A_63 : memref<224x128xf32, #tpu.memory_space<vmem_shared>>) dst(%arg9 : memref<224x128xf32, #tpu.memory_space<vmem>>)
      tpu.yield
    }) : () -> ()
    %mul3A_50 = arith.constant 10752 : i32
    %mul3A_51 = arith.muli %arg0, %mul3A_50 : i32
    %add3A_52 = arith.constant 7168 : i32
    %add3A_53 = arith.addi %mul3A_51, %add3A_52 : i32
    %mul3A_54 = arith.constant 224 : i32
    %mul3A_55 = arith.muli %arg1, %mul3A_54 : i32
    %add3A_56 = arith.addi %add3A_53, %mul3A_55 : i32
    "tpu.region"() ({
      %run_scoped3A = tpu.sem_alloc : memref<!tpu.dma_semaphore, #tpu.memory_space<semaphore_mem>>
      %dma_start3A = arith.constant 0 : i32
      %dma_start3A_58 = tpu.memref_slice %arg5[%add3A_56, %dma_start3A] : memref<21504x128xf32, #tpu.memory_space<hbm>> -> memref<224x128xf32, #tpu.memory_space<hbm>>
      %dma_start3A_59 = arith.constant 0 : i32
      %dma_start3A_60 = tpu.memref_slice %arg5[%add3A_56, %dma_start3A_59] : memref<21504x128xf32, #tpu.memory_space<hbm>> -> memref<224x128xf32, #tpu.memory_space<hbm>>
      tpu.enqueue_dma source(%arg9 : memref<224x128xf32, #tpu.memory_space<vmem>>) target(%dma_start3A_60 : memref<224x128xf32, #tpu.memory_space<hbm>>) target_semaphore(%run_scoped3A : memref<!tpu.dma_semaphore, #tpu.memory_space<semaphore_mem>>)
      %dma_wait3A = arith.constant 0 : i32
      %dma_wait3A_61 = tpu.memref_slice %arg5[%add3A_56, %dma_wait3A] : memref<21504x128xf32, #tpu.memory_space<hbm>> -> memref<224x128xf32, #tpu.memory_space<hbm>>
      %dma_wait3A_62 = arith.constant 0 : i32
      %dma_wait3A_63 = tpu.memref_slice %arg5[%add3A_56, %dma_wait3A_62] : memref<21504x128xf32, #tpu.memory_space<hbm>> -> memref<224x128xf32, #tpu.memory_space<hbm>>
      tpu.wait_dma2 semaphore(%run_scoped3A : memref<!tpu.dma_semaphore, #tpu.memory_space<semaphore_mem>>) src(%arg9 : memref<224x128xf32, #tpu.memory_space<vmem>>) dst(%dma_wait3A_63 : memref<224x128xf32, #tpu.memory_space<hbm>>)
      tpu.yield
    }) : () -> ()
    %barrier3A_57 = arith.constant 0 : index
    tpu.barrier barrier_id(%barrier3A_57)
    return
  }
}

#map = affine_map<(d0, d1) -> (0, 0)>
#map1 = affine_map<(d0, d1) -> (0)>
module attributes {stable_mosaic.version = 14 : i64} {
  func.func @body(%arg0: i32, %arg1: i32, %arg2: memref<10000x128xf32, #tpu.memory_space<hbm>>, %arg3: memref<640000xi32, #tpu.memory_space<hbm>>, %arg4: memref<640000xi32, #tpu.memory_space<hbm>>, %arg5: memref<224x128xf32, #tpu.memory_space<hbm>>, %arg6: memref<21504x128xf32, #tpu.memory_space<hbm>>, %arg7: memref<20000xi32, #tpu.memory_space<vmem>>, %arg8: memref<20000xi32, #tpu.memory_space<vmem>>, %arg9: memref<80xi32, #tpu.memory_space<vmem>>, %arg10: memref<80xi32, #tpu.memory_space<vmem>>, %arg11: memref<80xi32, #tpu.memory_space<vmem>>, %arg12: memref<80xi32, #tpu.memory_space<vmem>>, %arg13: memref<80x128xf32, #tpu.memory_space<vmem>>, %arg14: memref<80x128xf32, #tpu.memory_space<vmem>>, %arg15: memref<!tpu.dma_semaphore, #tpu.memory_space<semaphore_mem>>, %arg16: memref<!tpu.dma_semaphore, #tpu.memory_space<semaphore_mem>>, %arg17: memref<224x128xf32, #tpu.memory_space<vmem>>, %arg18: memref<3584x128xf32, #tpu.memory_space<vmem_shared>>) attributes {dimension_semantics = [#tpu.dimension_semantics<core_parallel>, #tpu.dimension_semantics<subcore_parallel>], iteration_bounds = array<i64: 2, 16>, scalar_prefetch = 0 : i64, scratch_operands = 12 : i64, tpu.core_type = #tpu.core_type<sc_vector_subcore>, window_params = [{transform_indices = #map}, {transform_indices = #map1}, {transform_indices = #map1}, {transform_indices = #map}, {transform_indices = #map}]} {
    %mul3A = arith.constant 2 : i32
    %mul3A_0 = arith.muli %arg1, %mul3A : i32
    %add3A = arith.addi %mul3A_0, %arg0 : i32
    %mul3A_1 = arith.constant 20000 : i32
    %mul3A_2 = arith.muli %add3A, %mul3A_1 : i32
    "tpu.region"() ({
      %run_scoped3A = tpu.sem_alloc : memref<!tpu.dma_semaphore, #tpu.memory_space<semaphore_mem>>
      %dma_start3A = tpu.memref_slice %arg3[%mul3A_2] : memref<640000xi32, #tpu.memory_space<hbm>> -> memref<20000xi32, #tpu.memory_space<hbm>>
      %dma_start3A_60 = tpu.memref_slice %arg3[%mul3A_2] : memref<640000xi32, #tpu.memory_space<hbm>> -> memref<20000xi32, #tpu.memory_space<hbm>>
      tpu.enqueue_dma source(%dma_start3A_60 : memref<20000xi32, #tpu.memory_space<hbm>>) target(%arg7 : memref<20000xi32, #tpu.memory_space<vmem>>) target_semaphore(%run_scoped3A : memref<!tpu.dma_semaphore, #tpu.memory_space<semaphore_mem>>)
      %dma_wait3A = tpu.memref_slice %arg3[%mul3A_2] : memref<640000xi32, #tpu.memory_space<hbm>> -> memref<20000xi32, #tpu.memory_space<hbm>>
      %dma_wait3A_61 = tpu.memref_slice %arg3[%mul3A_2] : memref<640000xi32, #tpu.memory_space<hbm>> -> memref<20000xi32, #tpu.memory_space<hbm>>
      tpu.wait_dma2 semaphore(%run_scoped3A : memref<!tpu.dma_semaphore, #tpu.memory_space<semaphore_mem>>) src(%dma_wait3A_61 : memref<20000xi32, #tpu.memory_space<hbm>>) dst(%arg7 : memref<20000xi32, #tpu.memory_space<vmem>>)
      tpu.yield
    }) : () -> ()
    %mul3A_3 = arith.constant 20000 : i32
    %mul3A_4 = arith.muli %add3A, %mul3A_3 : i32
    "tpu.region"() ({
      %run_scoped3A = tpu.sem_alloc : memref<!tpu.dma_semaphore, #tpu.memory_space<semaphore_mem>>
      %dma_start3A = tpu.memref_slice %arg4[%mul3A_4] : memref<640000xi32, #tpu.memory_space<hbm>> -> memref<20000xi32, #tpu.memory_space<hbm>>
      %dma_start3A_60 = tpu.memref_slice %arg4[%mul3A_4] : memref<640000xi32, #tpu.memory_space<hbm>> -> memref<20000xi32, #tpu.memory_space<hbm>>
      tpu.enqueue_dma source(%dma_start3A_60 : memref<20000xi32, #tpu.memory_space<hbm>>) target(%arg8 : memref<20000xi32, #tpu.memory_space<vmem>>) target_semaphore(%run_scoped3A : memref<!tpu.dma_semaphore, #tpu.memory_space<semaphore_mem>>)
      %dma_wait3A = tpu.memref_slice %arg4[%mul3A_4] : memref<640000xi32, #tpu.memory_space<hbm>> -> memref<20000xi32, #tpu.memory_space<hbm>>
      %dma_wait3A_61 = tpu.memref_slice %arg4[%mul3A_4] : memref<640000xi32, #tpu.memory_space<hbm>> -> memref<20000xi32, #tpu.memory_space<hbm>>
      tpu.wait_dma2 semaphore(%run_scoped3A : memref<!tpu.dma_semaphore, #tpu.memory_space<semaphore_mem>>) src(%dma_wait3A_61 : memref<20000xi32, #tpu.memory_space<hbm>>) dst(%arg8 : memref<20000xi32, #tpu.memory_space<vmem>>)
      tpu.yield
    }) : () -> ()
    "tpu.region"() ({
      %run_scoped3A = tpu.sem_alloc : memref<!tpu.dma_semaphore, #tpu.memory_space<semaphore_mem>>
      tpu.enqueue_dma source(%arg5 : memref<224x128xf32, #tpu.memory_space<hbm>>) target(%arg17 : memref<224x128xf32, #tpu.memory_space<vmem>>) target_semaphore(%run_scoped3A : memref<!tpu.dma_semaphore, #tpu.memory_space<semaphore_mem>>)
      tpu.wait_dma2 semaphore(%run_scoped3A : memref<!tpu.dma_semaphore, #tpu.memory_space<semaphore_mem>>) src(%arg5 : memref<224x128xf32, #tpu.memory_space<hbm>>) dst(%arg17 : memref<224x128xf32, #tpu.memory_space<vmem>>)
      tpu.yield
    }) : () -> ()
    %mul3A_5 = arith.constant 224 : i32
    %mul3A_6 = arith.muli %arg1, %mul3A_5 : i32
    "tpu.region"() ({
      %run_scoped3A = tpu.sem_alloc : memref<!tpu.dma_semaphore, #tpu.memory_space<semaphore_mem>>
      %dma_start3A = arith.constant 0 : i32
      %dma_start3A_60 = tpu.memref_slice %arg18[%mul3A_6, %dma_start3A] : memref<3584x128xf32, #tpu.memory_space<vmem_shared>> -> memref<224x128xf32, #tpu.memory_space<vmem_shared>>
      %dma_start3A_61 = arith.constant 0 : i32
      %dma_start3A_62 = tpu.memref_slice %arg18[%mul3A_6, %dma_start3A_61] : memref<3584x128xf32, #tpu.memory_space<vmem_shared>> -> memref<224x128xf32, #tpu.memory_space<vmem_shared>>
      tpu.enqueue_dma source(%arg17 : memref<224x128xf32, #tpu.memory_space<vmem>>) target(%dma_start3A_62 : memref<224x128xf32, #tpu.memory_space<vmem_shared>>) target_semaphore(%run_scoped3A : memref<!tpu.dma_semaphore, #tpu.memory_space<semaphore_mem>>)
      %dma_wait3A = arith.constant 0 : i32
      %dma_wait3A_63 = tpu.memref_slice %arg18[%mul3A_6, %dma_wait3A] : memref<3584x128xf32, #tpu.memory_space<vmem_shared>> -> memref<224x128xf32, #tpu.memory_space<vmem_shared>>
      %dma_wait3A_64 = arith.constant 0 : i32
      %dma_wait3A_65 = tpu.memref_slice %arg18[%mul3A_6, %dma_wait3A_64] : memref<3584x128xf32, #tpu.memory_space<vmem_shared>> -> memref<224x128xf32, #tpu.memory_space<vmem_shared>>
      tpu.wait_dma2 semaphore(%run_scoped3A : memref<!tpu.dma_semaphore, #tpu.memory_space<semaphore_mem>>) src(%arg17 : memref<224x128xf32, #tpu.memory_space<vmem>>) dst(%dma_wait3A_65 : memref<224x128xf32, #tpu.memory_space<vmem_shared>>)
      tpu.yield
    }) : () -> ()
    %barrier3A = arith.constant 0 : index
    tpu.barrier barrier_id(%barrier3A)
    %scan3A = arith.constant 0 : i32
    %scan3A_7 = arith.constant 125 : i32
    %scan3A_8 = arith.addi %scan3A, %scan3A_7 : i32
    %scan3A_9 = arith.constant 1 : i32
    scf.for %scan3A_60 = %scan3A to %scan3A_8 step %scan3A_9  : i32 {
      %mul3A_61 = arith.constant 1 : i32
      %mul3A_62 = arith.muli %scan3A_60, %mul3A_61 : i32
      %add3A_63 = arith.constant 0 : i32
      %add3A_64 = arith.addi %add3A_63, %mul3A_62 : i32
      %mul3A_65 = arith.constant 2 : i32
      %mul3A_66 = arith.muli %mul3A_65, %add3A_64 : i32
      %mul3A_67 = arith.constant 80 : i32
      %mul3A_68 = arith.muli %mul3A_66, %mul3A_67 : i32
      %mul3A_69 = arith.constant 2 : i32
      %mul3A_70 = arith.muli %mul3A_69, %add3A_64 : i32
      %add3A_71 = arith.constant 1 : i32
      %add3A_72 = arith.addi %mul3A_70, %add3A_71 : i32
      %mul3A_73 = arith.constant 80 : i32
      %mul3A_74 = arith.muli %add3A_72, %mul3A_73 : i32
      %scan3A_75 = arith.constant 0 : i32
      %scan3A_76 = arith.constant 5 : i32
      %scan3A_77 = arith.addi %scan3A_75, %scan3A_76 : i32
      %scan3A_78 = arith.constant 1 : i32
      scf.for %scan3A_97 = %scan3A_75 to %scan3A_77 step %scan3A_78  : i32 {
        %mul3A_98 = arith.constant 1 : i32
        %mul3A_99 = arith.muli %scan3A_97, %mul3A_98 : i32
        %add3A_100 = arith.constant 0 : i32
        %add3A_101 = arith.addi %add3A_100, %mul3A_99 : i32
        %mul3A_102 = arith.constant 16 : i32
        %mul3A_103 = arith.muli %add3A_101, %mul3A_102 : i32
        %add3A_104 = arith.addi %mul3A_68, %mul3A_103 : i32
        %get3A = arith.index_cast %add3A_104 : i32 to index
        %get3A_105 = tpu.vector_load %arg8[%get3A] {strides = array<i32>} : memref<20000xi32, #tpu.memory_space<vmem>>, vector<16xi32>,
        %get3A_106 = vector.shape_cast %get3A_105 : vector<16xi32> to vector<16xi32>
        %get3A_107 = arith.index_cast %add3A_104 : i32 to index
        %get3A_108 = tpu.vector_load %arg7[%get3A_107] {strides = array<i32>} : memref<20000xi32, #tpu.memory_space<vmem>>, vector<16xi32>,
        %get3A_109 = vector.shape_cast %get3A_108 : vector<16xi32> to vector<16xi32>
        %ge3A = arith.constant 0 : i32
        %ge3A_110 = vector.broadcast %ge3A : i32 to vector<16xi32>
        %ge3A_111 = arith.cmpi sge, %get3A_106, %ge3A_110 : vector<16xi32>
        %lt3A = arith.constant 3584 : i32
        %lt3A_112 = vector.broadcast %lt3A : i32 to vector<16xi32>
        %lt3A_113 = arith.cmpi slt, %get3A_106, %lt3A_112 : vector<16xi32>
        %and3A = arith.andi %ge3A_111, %lt3A_113 : vector<16xi1>
        %mul3A_114 = arith.constant 16 : i32
        %mul3A_115 = arith.muli %add3A_101, %mul3A_114 : i32
        %jit3A = arith.constant -1 : i32
        %broadcast_in_dim3A = vector.broadcast %jit3A : i32 to vector<16xi32>
        %select_n3A = arith.select %and3A, %get3A_109, %broadcast_in_dim3A : vector<16xi1>, vector<16xi32>
        %swap3A = arith.index_cast %mul3A_115 : i32 to index
        %swap3A_116 = tpu.vector_load %arg9[%swap3A] {strides = array<i32>} : memref<80xi32, #tpu.memory_space<vmem>>, vector<16xi32>,
        %swap3A_117 = vector.shape_cast %swap3A_116 : vector<16xi32> to vector<16xi32>
        %swap3A_118 = vector.shape_cast %select_n3A : vector<16xi32> to vector<16xi32>
        tpu.vector_store %arg9[%swap3A], %swap3A_118 {strides = array<i32>} : memref<80xi32, #tpu.memory_space<vmem>>, vector<16xi32>,
        %sub3A = arith.constant 0 : i32
        %sub3A_119 = vector.broadcast %sub3A : i32 to vector<16xi32>
        %sub3A_120 = arith.subi %get3A_106, %sub3A_119 : vector<16xi32>
        %jit3A_121 = arith.constant -1 : i32
        %broadcast_in_dim3A_122 = vector.broadcast %jit3A_121 : i32 to vector<16xi32>
        %select_n3A_123 = arith.select %and3A, %sub3A_120, %broadcast_in_dim3A_122 : vector<16xi1>, vector<16xi32>
        %swap3A_124 = arith.index_cast %mul3A_115 : i32 to index
        %swap3A_125 = tpu.vector_load %arg10[%swap3A_124] {strides = array<i32>} : memref<80xi32, #tpu.memory_space<vmem>>, vector<16xi32>,
        %swap3A_126 = vector.shape_cast %swap3A_125 : vector<16xi32> to vector<16xi32>
        %swap3A_127 = vector.shape_cast %select_n3A_123 : vector<16xi32> to vector<16xi32>
        tpu.vector_store %arg10[%swap3A_124], %swap3A_127 {strides = array<i32>} : memref<80xi32, #tpu.memory_space<vmem>>, vector<16xi32>,
      }
      %scan3A_79 = arith.constant 5 : i32
      %dma_start3A = arith.constant 0 : i32
      %dma_start3A_80 = arith.constant 0 : i32
      %dma_start3A_81 = tpu.memref_slice %arg2[%dma_start3A, %dma_start3A_80] : memref<10000x128xf32, #tpu.memory_space<hbm>> -> memref<10000x128xf32, #tpu.memory_space<hbm>>
      %dma_start3A_82 = arith.constant -1 : i32
      tpu.enqueue_indirect_dma source(%dma_start3A_81 : memref<10000x128xf32, #tpu.memory_space<hbm>>) target(%arg13 : memref<80x128xf32, #tpu.memory_space<vmem>>) offsets(%arg9 : memref<80xi32, #tpu.memory_space<vmem>>) offset_filter(%dma_start3A_82) semaphore(%arg15 : memref<!tpu.dma_semaphore, #tpu.memory_space<semaphore_mem>>)
      %scan3A_83 = arith.constant 0 : i32
      %scan3A_84 = arith.constant 5 : i32
      %scan3A_85 = arith.addi %scan3A_83, %scan3A_84 : i32
      %scan3A_86 = arith.constant 1 : i32
      scf.for %scan3A_97 = %scan3A_83 to %scan3A_85 step %scan3A_86  : i32 {
        %mul3A_98 = arith.constant 1 : i32
        %mul3A_99 = arith.muli %scan3A_97, %mul3A_98 : i32
        %add3A_100 = arith.constant 0 : i32
        %add3A_101 = arith.addi %add3A_100, %mul3A_99 : i32
        %mul3A_102 = arith.constant 16 : i32
        %mul3A_103 = arith.muli %add3A_101, %mul3A_102 : i32
        %add3A_104 = arith.addi %mul3A_74, %mul3A_103 : i32
        %get3A = arith.index_cast %add3A_104 : i32 to index
        %get3A_105 = tpu.vector_load %arg8[%get3A] {strides = array<i32>} : memref<20000xi32, #tpu.memory_space<vmem>>, vector<16xi32>,
        %get3A_106 = vector.shape_cast %get3A_105 : vector<16xi32> to vector<16xi32>
        %get3A_107 = arith.index_cast %add3A_104 : i32 to index
        %get3A_108 = tpu.vector_load %arg7[%get3A_107] {strides = array<i32>} : memref<20000xi32, #tpu.memory_space<vmem>>, vector<16xi32>,
        %get3A_109 = vector.shape_cast %get3A_108 : vector<16xi32> to vector<16xi32>
        %ge3A = arith.constant 0 : i32
        %ge3A_110 = vector.broadcast %ge3A : i32 to vector<16xi32>
        %ge3A_111 = arith.cmpi sge, %get3A_106, %ge3A_110 : vector<16xi32>
        %lt3A = arith.constant 3584 : i32
        %lt3A_112 = vector.broadcast %lt3A : i32 to vector<16xi32>
        %lt3A_113 = arith.cmpi slt, %get3A_106, %lt3A_112 : vector<16xi32>
        %and3A = arith.andi %ge3A_111, %lt3A_113 : vector<16xi1>
        %mul3A_114 = arith.constant 16 : i32
        %mul3A_115 = arith.muli %add3A_101, %mul3A_114 : i32
        %jit3A = arith.constant -1 : i32
        %broadcast_in_dim3A = vector.broadcast %jit3A : i32 to vector<16xi32>
        %select_n3A = arith.select %and3A, %get3A_109, %broadcast_in_dim3A : vector<16xi1>, vector<16xi32>
        %swap3A = arith.index_cast %mul3A_115 : i32 to index
        %swap3A_116 = tpu.vector_load %arg11[%swap3A] {strides = array<i32>} : memref<80xi32, #tpu.memory_space<vmem>>, vector<16xi32>,
        %swap3A_117 = vector.shape_cast %swap3A_116 : vector<16xi32> to vector<16xi32>
        %swap3A_118 = vector.shape_cast %select_n3A : vector<16xi32> to vector<16xi32>
        tpu.vector_store %arg11[%swap3A], %swap3A_118 {strides = array<i32>} : memref<80xi32, #tpu.memory_space<vmem>>, vector<16xi32>,
        %sub3A = arith.constant 0 : i32
        %sub3A_119 = vector.broadcast %sub3A : i32 to vector<16xi32>
        %sub3A_120 = arith.subi %get3A_106, %sub3A_119 : vector<16xi32>
        %jit3A_121 = arith.constant -1 : i32
        %broadcast_in_dim3A_122 = vector.broadcast %jit3A_121 : i32 to vector<16xi32>
        %select_n3A_123 = arith.select %and3A, %sub3A_120, %broadcast_in_dim3A_122 : vector<16xi1>, vector<16xi32>
        %swap3A_124 = arith.index_cast %mul3A_115 : i32 to index
        %swap3A_125 = tpu.vector_load %arg12[%swap3A_124] {strides = array<i32>} : memref<80xi32, #tpu.memory_space<vmem>>, vector<16xi32>,
        %swap3A_126 = vector.shape_cast %swap3A_125 : vector<16xi32> to vector<16xi32>
        %swap3A_127 = vector.shape_cast %select_n3A_123 : vector<16xi32> to vector<16xi32>
        tpu.vector_store %arg12[%swap3A_124], %swap3A_127 {strides = array<i32>} : memref<80xi32, #tpu.memory_space<vmem>>, vector<16xi32>,
      }
      %scan3A_87 = arith.constant 5 : i32
      %dma_start3A_88 = arith.constant 0 : i32
      %dma_start3A_89 = arith.constant 0 : i32
      %dma_start3A_90 = tpu.memref_slice %arg2[%dma_start3A_88, %dma_start3A_89] : memref<10000x128xf32, #tpu.memory_space<hbm>> -> memref<10000x128xf32, #tpu.memory_space<hbm>>
      %dma_start3A_91 = arith.constant -1 : i32
      tpu.enqueue_indirect_dma source(%dma_start3A_90 : memref<10000x128xf32, #tpu.memory_space<hbm>>) target(%arg14 : memref<80x128xf32, #tpu.memory_space<vmem>>) offsets(%arg11 : memref<80xi32, #tpu.memory_space<vmem>>) offset_filter(%dma_start3A_91) semaphore(%arg16 : memref<!tpu.dma_semaphore, #tpu.memory_space<semaphore_mem>>)
      %dma_wait3A = arith.constant 0 : i32
      %dma_wait3A_92 = arith.constant 0 : i32
      %dma_wait3A_93 = tpu.memref_slice %arg2[%dma_wait3A, %dma_wait3A_92] : memref<10000x128xf32, #tpu.memory_space<hbm>> -> memref<10000x128xf32, #tpu.memory_space<hbm>>
      tpu.wait_indirect_dma semaphore(%arg15 : memref<!tpu.dma_semaphore, #tpu.memory_space<semaphore_mem>>) src(%dma_wait3A_93 : memref<10000x128xf32, #tpu.memory_space<hbm>>) dst(%arg13 : memref<80x128xf32, #tpu.memory_space<vmem>>)
      "tpu.region"() ({
        %run_scoped3A = tpu.sem_alloc : memref<!tpu.dma_semaphore, #tpu.memory_space<semaphore_mem>>
        %dma_start3A_97 = arith.constant 0 : i32
        %dma_start3A_98 = arith.constant 0 : i32
        %dma_start3A_99 = tpu.memref_slice %arg18[%dma_start3A_97, %dma_start3A_98] : memref<3584x128xf32, #tpu.memory_space<vmem_shared>> -> memref<3584x128xf32, #tpu.memory_space<vmem_shared>>
        %dma_start3A_100 = arith.constant -1 : i32
        tpu.enqueue_indirect_dma source(%arg13 : memref<80x128xf32, #tpu.memory_space<vmem>>) target(%dma_start3A_99 : memref<3584x128xf32, #tpu.memory_space<vmem_shared>>) offsets(%arg10 : memref<80xi32, #tpu.memory_space<vmem>>) offset_filter(%dma_start3A_100) semaphore(%run_scoped3A : memref<!tpu.dma_semaphore, #tpu.memory_space<semaphore_mem>>) {add = true}
        %dma_wait3A_101 = arith.constant 0 : i32
        %dma_wait3A_102 = arith.constant 0 : i32
        %dma_wait3A_103 = tpu.memref_slice %arg18[%dma_wait3A_101, %dma_wait3A_102] : memref<3584x128xf32, #tpu.memory_space<vmem_shared>> -> memref<3584x128xf32, #tpu.memory_space<vmem_shared>>
        tpu.wait_indirect_dma semaphore(%run_scoped3A : memref<!tpu.dma_semaphore, #tpu.memory_space<semaphore_mem>>) src(%arg13 : memref<80x128xf32, #tpu.memory_space<vmem>>) dst(%dma_wait3A_103 : memref<3584x128xf32, #tpu.memory_space<vmem_shared>>)
        tpu.yield
      }) : () -> ()
      %dma_wait3A_94 = arith.constant 0 : i32
      %dma_wait3A_95 = arith.constant 0 : i32
      %dma_wait3A_96 = tpu.memref_slice %arg2[%dma_wait3A_94, %dma_wait3A_95] : memref<10000x128xf32, #tpu.memory_space<hbm>> -> memref<10000x128xf32, #tpu.memory_space<hbm>>
      tpu.wait_indirect_dma semaphore(%arg16 : memref<!tpu.dma_semaphore, #tpu.memory_space<semaphore_mem>>) src(%dma_wait3A_96 : memref<10000x128xf32, #tpu.memory_space<hbm>>) dst(%arg14 : memref<80x128xf32, #tpu.memory_space<vmem>>)
      "tpu.region"() ({
        %run_scoped3A = tpu.sem_alloc : memref<!tpu.dma_semaphore, #tpu.memory_space<semaphore_mem>>
        %dma_start3A_97 = arith.constant 0 : i32
        %dma_start3A_98 = arith.constant 0 : i32
        %dma_start3A_99 = tpu.memref_slice %arg18[%dma_start3A_97, %dma_start3A_98] : memref<3584x128xf32, #tpu.memory_space<vmem_shared>> -> memref<3584x128xf32, #tpu.memory_space<vmem_shared>>
        %dma_start3A_100 = arith.constant -1 : i32
        tpu.enqueue_indirect_dma source(%arg14 : memref<80x128xf32, #tpu.memory_space<vmem>>) target(%dma_start3A_99 : memref<3584x128xf32, #tpu.memory_space<vmem_shared>>) offsets(%arg12 : memref<80xi32, #tpu.memory_space<vmem>>) offset_filter(%dma_start3A_100) semaphore(%run_scoped3A : memref<!tpu.dma_semaphore, #tpu.memory_space<semaphore_mem>>) {add = true}
        %dma_wait3A_101 = arith.constant 0 : i32
        %dma_wait3A_102 = arith.constant 0 : i32
        %dma_wait3A_103 = tpu.memref_slice %arg18[%dma_wait3A_101, %dma_wait3A_102] : memref<3584x128xf32, #tpu.memory_space<vmem_shared>> -> memref<3584x128xf32, #tpu.memory_space<vmem_shared>>
        tpu.wait_indirect_dma semaphore(%run_scoped3A : memref<!tpu.dma_semaphore, #tpu.memory_space<semaphore_mem>>) src(%arg14 : memref<80x128xf32, #tpu.memory_space<vmem>>) dst(%dma_wait3A_103 : memref<3584x128xf32, #tpu.memory_space<vmem_shared>>)
        tpu.yield
      }) : () -> ()
    }
    %scan3A_10 = arith.constant 125 : i32
    %barrier3A_11 = arith.constant 0 : index
    tpu.barrier barrier_id(%barrier3A_11)
    %mul3A_12 = arith.constant 224 : i32
    %mul3A_13 = arith.muli %arg1, %mul3A_12 : i32
    "tpu.region"() ({
      %run_scoped3A = tpu.sem_alloc : memref<!tpu.dma_semaphore, #tpu.memory_space<semaphore_mem>>
      %dma_start3A = arith.constant 0 : i32
      %dma_start3A_60 = tpu.memref_slice %arg18[%mul3A_13, %dma_start3A] : memref<3584x128xf32, #tpu.memory_space<vmem_shared>> -> memref<224x128xf32, #tpu.memory_space<vmem_shared>>
      %dma_start3A_61 = arith.constant 0 : i32
      %dma_start3A_62 = tpu.memref_slice %arg18[%mul3A_13, %dma_start3A_61] : memref<3584x128xf32, #tpu.memory_space<vmem_shared>> -> memref<224x128xf32, #tpu.memory_space<vmem_shared>>
      tpu.enqueue_dma source(%dma_start3A_62 : memref<224x128xf32, #tpu.memory_space<vmem_shared>>) target(%arg17 : memref<224x128xf32, #tpu.memory_space<vmem>>) target_semaphore(%run_scoped3A : memref<!tpu.dma_semaphore, #tpu.memory_space<semaphore_mem>>)
      %dma_wait3A = arith.constant 0 : i32
      %dma_wait3A_63 = tpu.memref_slice %arg18[%mul3A_13, %dma_wait3A] : memref<3584x128xf32, #tpu.memory_space<vmem_shared>> -> memref<224x128xf32, #tpu.memory_space<vmem_shared>>
      %dma_wait3A_64 = arith.constant 0 : i32
      %dma_wait3A_65 = tpu.memref_slice %arg18[%mul3A_13, %dma_wait3A_64] : memref<3584x128xf32, #tpu.memory_space<vmem_shared>> -> memref<224x128xf32, #tpu.memory_space<vmem_shared>>
      tpu.wait_dma2 semaphore(%run_scoped3A : memref<!tpu.dma_semaphore, #tpu.memory_space<semaphore_mem>>) src(%dma_wait3A_65 : memref<224x128xf32, #tpu.memory_space<vmem_shared>>) dst(%arg17 : memref<224x128xf32, #tpu.memory_space<vmem>>)
      tpu.yield
    }) : () -> ()
    %mul3A_14 = arith.constant 10752 : i32
    %mul3A_15 = arith.muli %arg0, %mul3A_14 : i32
    %add3A_16 = arith.constant 0 : i32
    %add3A_17 = arith.addi %mul3A_15, %add3A_16 : i32
    %mul3A_18 = arith.constant 224 : i32
    %mul3A_19 = arith.muli %arg1, %mul3A_18 : i32
    %add3A_20 = arith.addi %add3A_17, %mul3A_19 : i32
    "tpu.region"() ({
      %run_scoped3A = tpu.sem_alloc : memref<!tpu.dma_semaphore, #tpu.memory_space<semaphore_mem>>
      %dma_start3A = arith.constant 0 : i32
      %dma_start3A_60 = tpu.memref_slice %arg6[%add3A_20, %dma_start3A] : memref<21504x128xf32, #tpu.memory_space<hbm>> -> memref<224x128xf32, #tpu.memory_space<hbm>>
      %dma_start3A_61 = arith.constant 0 : i32
      %dma_start3A_62 = tpu.memref_slice %arg6[%add3A_20, %dma_start3A_61] : memref<21504x128xf32, #tpu.memory_space<hbm>> -> memref<224x128xf32, #tpu.memory_space<hbm>>
      tpu.enqueue_dma source(%arg17 : memref<224x128xf32, #tpu.memory_space<vmem>>) target(%dma_start3A_62 : memref<224x128xf32, #tpu.memory_space<hbm>>) target_semaphore(%run_scoped3A : memref<!tpu.dma_semaphore, #tpu.memory_space<semaphore_mem>>)
      %dma_wait3A = arith.constant 0 : i32
      %dma_wait3A_63 = tpu.memref_slice %arg6[%add3A_20, %dma_wait3A] : memref<21504x128xf32, #tpu.memory_space<hbm>> -> memref<224x128xf32, #tpu.memory_space<hbm>>
      %dma_wait3A_64 = arith.constant 0 : i32
      %dma_wait3A_65 = tpu.memref_slice %arg6[%add3A_20, %dma_wait3A_64] : memref<21504x128xf32, #tpu.memory_space<hbm>> -> memref<224x128xf32, #tpu.memory_space<hbm>>
      tpu.wait_dma2 semaphore(%run_scoped3A : memref<!tpu.dma_semaphore, #tpu.memory_space<semaphore_mem>>) src(%arg17 : memref<224x128xf32, #tpu.memory_space<vmem>>) dst(%dma_wait3A_65 : memref<224x128xf32, #tpu.memory_space<hbm>>)
      tpu.yield
    }) : () -> ()
    %barrier3A_21 = arith.constant 0 : index
    tpu.barrier barrier_id(%barrier3A_21)
    "tpu.region"() ({
      %run_scoped3A = tpu.sem_alloc : memref<!tpu.dma_semaphore, #tpu.memory_space<semaphore_mem>>
      tpu.enqueue_dma source(%arg5 : memref<224x128xf32, #tpu.memory_space<hbm>>) target(%arg17 : memref<224x128xf32, #tpu.memory_space<vmem>>) target_semaphore(%run_scoped3A : memref<!tpu.dma_semaphore, #tpu.memory_space<semaphore_mem>>)
      tpu.wait_dma2 semaphore(%run_scoped3A : memref<!tpu.dma_semaphore, #tpu.memory_space<semaphore_mem>>) src(%arg5 : memref<224x128xf32, #tpu.memory_space<hbm>>) dst(%arg17 : memref<224x128xf32, #tpu.memory_space<vmem>>)
      tpu.yield
    }) : () -> ()
    %mul3A_22 = arith.constant 224 : i32
    %mul3A_23 = arith.muli %arg1, %mul3A_22 : i32
    "tpu.region"() ({
      %run_scoped3A = tpu.sem_alloc : memref<!tpu.dma_semaphore, #tpu.memory_space<semaphore_mem>>
      %dma_start3A = arith.constant 0 : i32
      %dma_start3A_60 = tpu.memref_slice %arg18[%mul3A_23, %dma_start3A] : memref<3584x128xf32, #tpu.memory_space<vmem_shared>> -> memref<224x128xf32, #tpu.memory_space<vmem_shared>>
      %dma_start3A_61 = arith.constant 0 : i32
      %dma_start3A_62 = tpu.memref_slice %arg18[%mul3A_23, %dma_start3A_61] : memref<3584x128xf32, #tpu.memory_space<vmem_shared>> -> memref<224x128xf32, #tpu.memory_space<vmem_shared>>
      tpu.enqueue_dma source(%arg17 : memref<224x128xf32, #tpu.memory_space<vmem>>) target(%dma_start3A_62 : memref<224x128xf32, #tpu.memory_space<vmem_shared>>) target_semaphore(%run_scoped3A : memref<!tpu.dma_semaphore, #tpu.memory_space<semaphore_mem>>)
      %dma_wait3A = arith.constant 0 : i32
      %dma_wait3A_63 = tpu.memref_slice %arg18[%mul3A_23, %dma_wait3A] : memref<3584x128xf32, #tpu.memory_space<vmem_shared>> -> memref<224x128xf32, #tpu.memory_space<vmem_shared>>
      %dma_wait3A_64 = arith.constant 0 : i32
      %dma_wait3A_65 = tpu.memref_slice %arg18[%mul3A_23, %dma_wait3A_64] : memref<3584x128xf32, #tpu.memory_space<vmem_shared>> -> memref<224x128xf32, #tpu.memory_space<vmem_shared>>
      tpu.wait_dma2 semaphore(%run_scoped3A : memref<!tpu.dma_semaphore, #tpu.memory_space<semaphore_mem>>) src(%arg17 : memref<224x128xf32, #tpu.memory_space<vmem>>) dst(%dma_wait3A_65 : memref<224x128xf32, #tpu.memory_space<vmem_shared>>)
      tpu.yield
    }) : () -> ()
    %barrier3A_24 = arith.constant 0 : index
    tpu.barrier barrier_id(%barrier3A_24)
    %scan3A_25 = arith.constant 0 : i32
    %scan3A_26 = arith.constant 125 : i32
    %scan3A_27 = arith.addi %scan3A_25, %scan3A_26 : i32
    %scan3A_28 = arith.constant 1 : i32
    scf.for %scan3A_60 = %scan3A_25 to %scan3A_27 step %scan3A_28  : i32 {
      %mul3A_61 = arith.constant 1 : i32
      %mul3A_62 = arith.muli %scan3A_60, %mul3A_61 : i32
      %add3A_63 = arith.constant 0 : i32
      %add3A_64 = arith.addi %add3A_63, %mul3A_62 : i32
      %mul3A_65 = arith.constant 2 : i32
      %mul3A_66 = arith.muli %mul3A_65, %add3A_64 : i32
      %mul3A_67 = arith.constant 80 : i32
      %mul3A_68 = arith.muli %mul3A_66, %mul3A_67 : i32
      %mul3A_69 = arith.constant 2 : i32
      %mul3A_70 = arith.muli %mul3A_69, %add3A_64 : i32
      %add3A_71 = arith.constant 1 : i32
      %add3A_72 = arith.addi %mul3A_70, %add3A_71 : i32
      %mul3A_73 = arith.constant 80 : i32
      %mul3A_74 = arith.muli %add3A_72, %mul3A_73 : i32
      %scan3A_75 = arith.constant 0 : i32
      %scan3A_76 = arith.constant 5 : i32
      %scan3A_77 = arith.addi %scan3A_75, %scan3A_76 : i32
      %scan3A_78 = arith.constant 1 : i32
      scf.for %scan3A_97 = %scan3A_75 to %scan3A_77 step %scan3A_78  : i32 {
        %mul3A_98 = arith.constant 1 : i32
        %mul3A_99 = arith.muli %scan3A_97, %mul3A_98 : i32
        %add3A_100 = arith.constant 0 : i32
        %add3A_101 = arith.addi %add3A_100, %mul3A_99 : i32
        %mul3A_102 = arith.constant 16 : i32
        %mul3A_103 = arith.muli %add3A_101, %mul3A_102 : i32
        %add3A_104 = arith.addi %mul3A_68, %mul3A_103 : i32
        %get3A = arith.index_cast %add3A_104 : i32 to index
        %get3A_105 = tpu.vector_load %arg8[%get3A] {strides = array<i32>} : memref<20000xi32, #tpu.memory_space<vmem>>, vector<16xi32>,
        %get3A_106 = vector.shape_cast %get3A_105 : vector<16xi32> to vector<16xi32>
        %get3A_107 = arith.index_cast %add3A_104 : i32 to index
        %get3A_108 = tpu.vector_load %arg7[%get3A_107] {strides = array<i32>} : memref<20000xi32, #tpu.memory_space<vmem>>, vector<16xi32>,
        %get3A_109 = vector.shape_cast %get3A_108 : vector<16xi32> to vector<16xi32>
        %ge3A = arith.constant 3584 : i32
        %ge3A_110 = vector.broadcast %ge3A : i32 to vector<16xi32>
        %ge3A_111 = arith.cmpi sge, %get3A_106, %ge3A_110 : vector<16xi32>
        %lt3A = arith.constant 7168 : i32
        %lt3A_112 = vector.broadcast %lt3A : i32 to vector<16xi32>
        %lt3A_113 = arith.cmpi slt, %get3A_106, %lt3A_112 : vector<16xi32>
        %and3A = arith.andi %ge3A_111, %lt3A_113 : vector<16xi1>
        %mul3A_114 = arith.constant 16 : i32
        %mul3A_115 = arith.muli %add3A_101, %mul3A_114 : i32
        %jit3A = arith.constant -1 : i32
        %broadcast_in_dim3A = vector.broadcast %jit3A : i32 to vector<16xi32>
        %select_n3A = arith.select %and3A, %get3A_109, %broadcast_in_dim3A : vector<16xi1>, vector<16xi32>
        %swap3A = arith.index_cast %mul3A_115 : i32 to index
        %swap3A_116 = tpu.vector_load %arg9[%swap3A] {strides = array<i32>} : memref<80xi32, #tpu.memory_space<vmem>>, vector<16xi32>,
        %swap3A_117 = vector.shape_cast %swap3A_116 : vector<16xi32> to vector<16xi32>
        %swap3A_118 = vector.shape_cast %select_n3A : vector<16xi32> to vector<16xi32>
        tpu.vector_store %arg9[%swap3A], %swap3A_118 {strides = array<i32>} : memref<80xi32, #tpu.memory_space<vmem>>, vector<16xi32>,
        %sub3A = arith.constant 3584 : i32
        %sub3A_119 = vector.broadcast %sub3A : i32 to vector<16xi32>
        %sub3A_120 = arith.subi %get3A_106, %sub3A_119 : vector<16xi32>
        %jit3A_121 = arith.constant -1 : i32
        %broadcast_in_dim3A_122 = vector.broadcast %jit3A_121 : i32 to vector<16xi32>
        %select_n3A_123 = arith.select %and3A, %sub3A_120, %broadcast_in_dim3A_122 : vector<16xi1>, vector<16xi32>
        %swap3A_124 = arith.index_cast %mul3A_115 : i32 to index
        %swap3A_125 = tpu.vector_load %arg10[%swap3A_124] {strides = array<i32>} : memref<80xi32, #tpu.memory_space<vmem>>, vector<16xi32>,
        %swap3A_126 = vector.shape_cast %swap3A_125 : vector<16xi32> to vector<16xi32>
        %swap3A_127 = vector.shape_cast %select_n3A_123 : vector<16xi32> to vector<16xi32>
        tpu.vector_store %arg10[%swap3A_124], %swap3A_127 {strides = array<i32>} : memref<80xi32, #tpu.memory_space<vmem>>, vector<16xi32>,
      }
      %scan3A_79 = arith.constant 5 : i32
      %dma_start3A = arith.constant 0 : i32
      %dma_start3A_80 = arith.constant 0 : i32
      %dma_start3A_81 = tpu.memref_slice %arg2[%dma_start3A, %dma_start3A_80] : memref<10000x128xf32, #tpu.memory_space<hbm>> -> memref<10000x128xf32, #tpu.memory_space<hbm>>
      %dma_start3A_82 = arith.constant -1 : i32
      tpu.enqueue_indirect_dma source(%dma_start3A_81 : memref<10000x128xf32, #tpu.memory_space<hbm>>) target(%arg13 : memref<80x128xf32, #tpu.memory_space<vmem>>) offsets(%arg9 : memref<80xi32, #tpu.memory_space<vmem>>) offset_filter(%dma_start3A_82) semaphore(%arg15 : memref<!tpu.dma_semaphore, #tpu.memory_space<semaphore_mem>>)
      %scan3A_83 = arith.constant 0 : i32
      %scan3A_84 = arith.constant 5 : i32
      %scan3A_85 = arith.addi %scan3A_83, %scan3A_84 : i32
      %scan3A_86 = arith.constant 1 : i32
      scf.for %scan3A_97 = %scan3A_83 to %scan3A_85 step %scan3A_86  : i32 {
        %mul3A_98 = arith.constant 1 : i32
        %mul3A_99 = arith.muli %scan3A_97, %mul3A_98 : i32
        %add3A_100 = arith.constant 0 : i32
        %add3A_101 = arith.addi %add3A_100, %mul3A_99 : i32
        %mul3A_102 = arith.constant 16 : i32
        %mul3A_103 = arith.muli %add3A_101, %mul3A_102 : i32
        %add3A_104 = arith.addi %mul3A_74, %mul3A_103 : i32
        %get3A = arith.index_cast %add3A_104 : i32 to index
        %get3A_105 = tpu.vector_load %arg8[%get3A] {strides = array<i32>} : memref<20000xi32, #tpu.memory_space<vmem>>, vector<16xi32>,
        %get3A_106 = vector.shape_cast %get3A_105 : vector<16xi32> to vector<16xi32>
        %get3A_107 = arith.index_cast %add3A_104 : i32 to index
        %get3A_108 = tpu.vector_load %arg7[%get3A_107] {strides = array<i32>} : memref<20000xi32, #tpu.memory_space<vmem>>, vector<16xi32>,
        %get3A_109 = vector.shape_cast %get3A_108 : vector<16xi32> to vector<16xi32>
        %ge3A = arith.constant 3584 : i32
        %ge3A_110 = vector.broadcast %ge3A : i32 to vector<16xi32>
        %ge3A_111 = arith.cmpi sge, %get3A_106, %ge3A_110 : vector<16xi32>
        %lt3A = arith.constant 7168 : i32
        %lt3A_112 = vector.broadcast %lt3A : i32 to vector<16xi32>
        %lt3A_113 = arith.cmpi slt, %get3A_106, %lt3A_112 : vector<16xi32>
        %and3A = arith.andi %ge3A_111, %lt3A_113 : vector<16xi1>
        %mul3A_114 = arith.constant 16 : i32
        %mul3A_115 = arith.muli %add3A_101, %mul3A_114 : i32
        %jit3A = arith.constant -1 : i32
        %broadcast_in_dim3A = vector.broadcast %jit3A : i32 to vector<16xi32>
        %select_n3A = arith.select %and3A, %get3A_109, %broadcast_in_dim3A : vector<16xi1>, vector<16xi32>
        %swap3A = arith.index_cast %mul3A_115 : i32 to index
        %swap3A_116 = tpu.vector_load %arg11[%swap3A] {strides = array<i32>} : memref<80xi32, #tpu.memory_space<vmem>>, vector<16xi32>,
        %swap3A_117 = vector.shape_cast %swap3A_116 : vector<16xi32> to vector<16xi32>
        %swap3A_118 = vector.shape_cast %select_n3A : vector<16xi32> to vector<16xi32>
        tpu.vector_store %arg11[%swap3A], %swap3A_118 {strides = array<i32>} : memref<80xi32, #tpu.memory_space<vmem>>, vector<16xi32>,
        %sub3A = arith.constant 3584 : i32
        %sub3A_119 = vector.broadcast %sub3A : i32 to vector<16xi32>
        %sub3A_120 = arith.subi %get3A_106, %sub3A_119 : vector<16xi32>
        %jit3A_121 = arith.constant -1 : i32
        %broadcast_in_dim3A_122 = vector.broadcast %jit3A_121 : i32 to vector<16xi32>
        %select_n3A_123 = arith.select %and3A, %sub3A_120, %broadcast_in_dim3A_122 : vector<16xi1>, vector<16xi32>
        %swap3A_124 = arith.index_cast %mul3A_115 : i32 to index
        %swap3A_125 = tpu.vector_load %arg12[%swap3A_124] {strides = array<i32>} : memref<80xi32, #tpu.memory_space<vmem>>, vector<16xi32>,
        %swap3A_126 = vector.shape_cast %swap3A_125 : vector<16xi32> to vector<16xi32>
        %swap3A_127 = vector.shape_cast %select_n3A_123 : vector<16xi32> to vector<16xi32>
        tpu.vector_store %arg12[%swap3A_124], %swap3A_127 {strides = array<i32>} : memref<80xi32, #tpu.memory_space<vmem>>, vector<16xi32>,
      }
      %scan3A_87 = arith.constant 5 : i32
      %dma_start3A_88 = arith.constant 0 : i32
      %dma_start3A_89 = arith.constant 0 : i32
      %dma_start3A_90 = tpu.memref_slice %arg2[%dma_start3A_88, %dma_start3A_89] : memref<10000x128xf32, #tpu.memory_space<hbm>> -> memref<10000x128xf32, #tpu.memory_space<hbm>>
      %dma_start3A_91 = arith.constant -1 : i32
      tpu.enqueue_indirect_dma source(%dma_start3A_90 : memref<10000x128xf32, #tpu.memory_space<hbm>>) target(%arg14 : memref<80x128xf32, #tpu.memory_space<vmem>>) offsets(%arg11 : memref<80xi32, #tpu.memory_space<vmem>>) offset_filter(%dma_start3A_91) semaphore(%arg16 : memref<!tpu.dma_semaphore, #tpu.memory_space<semaphore_mem>>)
      %dma_wait3A = arith.constant 0 : i32
      %dma_wait3A_92 = arith.constant 0 : i32
      %dma_wait3A_93 = tpu.memref_slice %arg2[%dma_wait3A, %dma_wait3A_92] : memref<10000x128xf32, #tpu.memory_space<hbm>> -> memref<10000x128xf32, #tpu.memory_space<hbm>>
      tpu.wait_indirect_dma semaphore(%arg15 : memref<!tpu.dma_semaphore, #tpu.memory_space<semaphore_mem>>) src(%dma_wait3A_93 : memref<10000x128xf32, #tpu.memory_space<hbm>>) dst(%arg13 : memref<80x128xf32, #tpu.memory_space<vmem>>)
      "tpu.region"() ({
        %run_scoped3A = tpu.sem_alloc : memref<!tpu.dma_semaphore, #tpu.memory_space<semaphore_mem>>
        %dma_start3A_97 = arith.constant 0 : i32
        %dma_start3A_98 = arith.constant 0 : i32
        %dma_start3A_99 = tpu.memref_slice %arg18[%dma_start3A_97, %dma_start3A_98] : memref<3584x128xf32, #tpu.memory_space<vmem_shared>> -> memref<3584x128xf32, #tpu.memory_space<vmem_shared>>
        %dma_start3A_100 = arith.constant -1 : i32
        tpu.enqueue_indirect_dma source(%arg13 : memref<80x128xf32, #tpu.memory_space<vmem>>) target(%dma_start3A_99 : memref<3584x128xf32, #tpu.memory_space<vmem_shared>>) offsets(%arg10 : memref<80xi32, #tpu.memory_space<vmem>>) offset_filter(%dma_start3A_100) semaphore(%run_scoped3A : memref<!tpu.dma_semaphore, #tpu.memory_space<semaphore_mem>>) {add = true}
        %dma_wait3A_101 = arith.constant 0 : i32
        %dma_wait3A_102 = arith.constant 0 : i32
        %dma_wait3A_103 = tpu.memref_slice %arg18[%dma_wait3A_101, %dma_wait3A_102] : memref<3584x128xf32, #tpu.memory_space<vmem_shared>> -> memref<3584x128xf32, #tpu.memory_space<vmem_shared>>
        tpu.wait_indirect_dma semaphore(%run_scoped3A : memref<!tpu.dma_semaphore, #tpu.memory_space<semaphore_mem>>) src(%arg13 : memref<80x128xf32, #tpu.memory_space<vmem>>) dst(%dma_wait3A_103 : memref<3584x128xf32, #tpu.memory_space<vmem_shared>>)
        tpu.yield
      }) : () -> ()
      %dma_wait3A_94 = arith.constant 0 : i32
      %dma_wait3A_95 = arith.constant 0 : i32
      %dma_wait3A_96 = tpu.memref_slice %arg2[%dma_wait3A_94, %dma_wait3A_95] : memref<10000x128xf32, #tpu.memory_space<hbm>> -> memref<10000x128xf32, #tpu.memory_space<hbm>>
      tpu.wait_indirect_dma semaphore(%arg16 : memref<!tpu.dma_semaphore, #tpu.memory_space<semaphore_mem>>) src(%dma_wait3A_96 : memref<10000x128xf32, #tpu.memory_space<hbm>>) dst(%arg14 : memref<80x128xf32, #tpu.memory_space<vmem>>)
      "tpu.region"() ({
        %run_scoped3A = tpu.sem_alloc : memref<!tpu.dma_semaphore, #tpu.memory_space<semaphore_mem>>
        %dma_start3A_97 = arith.constant 0 : i32
        %dma_start3A_98 = arith.constant 0 : i32
        %dma_start3A_99 = tpu.memref_slice %arg18[%dma_start3A_97, %dma_start3A_98] : memref<3584x128xf32, #tpu.memory_space<vmem_shared>> -> memref<3584x128xf32, #tpu.memory_space<vmem_shared>>
        %dma_start3A_100 = arith.constant -1 : i32
        tpu.enqueue_indirect_dma source(%arg14 : memref<80x128xf32, #tpu.memory_space<vmem>>) target(%dma_start3A_99 : memref<3584x128xf32, #tpu.memory_space<vmem_shared>>) offsets(%arg12 : memref<80xi32, #tpu.memory_space<vmem>>) offset_filter(%dma_start3A_100) semaphore(%run_scoped3A : memref<!tpu.dma_semaphore, #tpu.memory_space<semaphore_mem>>) {add = true}
        %dma_wait3A_101 = arith.constant 0 : i32
        %dma_wait3A_102 = arith.constant 0 : i32
        %dma_wait3A_103 = tpu.memref_slice %arg18[%dma_wait3A_101, %dma_wait3A_102] : memref<3584x128xf32, #tpu.memory_space<vmem_shared>> -> memref<3584x128xf32, #tpu.memory_space<vmem_shared>>
        tpu.wait_indirect_dma semaphore(%run_scoped3A : memref<!tpu.dma_semaphore, #tpu.memory_space<semaphore_mem>>) src(%arg14 : memref<80x128xf32, #tpu.memory_space<vmem>>) dst(%dma_wait3A_103 : memref<3584x128xf32, #tpu.memory_space<vmem_shared>>)
        tpu.yield
      }) : () -> ()
    }
    %scan3A_29 = arith.constant 125 : i32
    %barrier3A_30 = arith.constant 0 : index
    tpu.barrier barrier_id(%barrier3A_30)
    %mul3A_31 = arith.constant 224 : i32
    %mul3A_32 = arith.muli %arg1, %mul3A_31 : i32
    "tpu.region"() ({
      %run_scoped3A = tpu.sem_alloc : memref<!tpu.dma_semaphore, #tpu.memory_space<semaphore_mem>>
      %dma_start3A = arith.constant 0 : i32
      %dma_start3A_60 = tpu.memref_slice %arg18[%mul3A_32, %dma_start3A] : memref<3584x128xf32, #tpu.memory_space<vmem_shared>> -> memref<224x128xf32, #tpu.memory_space<vmem_shared>>
      %dma_start3A_61 = arith.constant 0 : i32
      %dma_start3A_62 = tpu.memref_slice %arg18[%mul3A_32, %dma_start3A_61] : memref<3584x128xf32, #tpu.memory_space<vmem_shared>> -> memref<224x128xf32, #tpu.memory_space<vmem_shared>>
      tpu.enqueue_dma source(%dma_start3A_62 : memref<224x128xf32, #tpu.memory_space<vmem_shared>>) target(%arg17 : memref<224x128xf32, #tpu.memory_space<vmem>>) target_semaphore(%run_scoped3A : memref<!tpu.dma_semaphore, #tpu.memory_space<semaphore_mem>>)
      %dma_wait3A = arith.constant 0 : i32
      %dma_wait3A_63 = tpu.memref_slice %arg18[%mul3A_32, %dma_wait3A] : memref<3584x128xf32, #tpu.memory_space<vmem_shared>> -> memref<224x128xf32, #tpu.memory_space<vmem_shared>>
      %dma_wait3A_64 = arith.constant 0 : i32
      %dma_wait3A_65 = tpu.memref_slice %arg18[%mul3A_32, %dma_wait3A_64] : memref<3584x128xf32, #tpu.memory_space<vmem_shared>> -> memref<224x128xf32, #tpu.memory_space<vmem_shared>>
      tpu.wait_dma2 semaphore(%run_scoped3A : memref<!tpu.dma_semaphore, #tpu.memory_space<semaphore_mem>>) src(%dma_wait3A_65 : memref<224x128xf32, #tpu.memory_space<vmem_shared>>) dst(%arg17 : memref<224x128xf32, #tpu.memory_space<vmem>>)
      tpu.yield
    }) : () -> ()
    %mul3A_33 = arith.constant 10752 : i32
    %mul3A_34 = arith.muli %arg0, %mul3A_33 : i32
    %add3A_35 = arith.constant 3584 : i32
    %add3A_36 = arith.addi %mul3A_34, %add3A_35 : i32
    %mul3A_37 = arith.constant 224 : i32
    %mul3A_38 = arith.muli %arg1, %mul3A_37 : i32
    %add3A_39 = arith.addi %add3A_36, %mul3A_38 : i32
    "tpu.region"() ({
      %run_scoped3A = tpu.sem_alloc : memref<!tpu.dma_semaphore, #tpu.memory_space<semaphore_mem>>
      %dma_start3A = arith.constant 0 : i32
      %dma_start3A_60 = tpu.memref_slice %arg6[%add3A_39, %dma_start3A] : memref<21504x128xf32, #tpu.memory_space<hbm>> -> memref<224x128xf32, #tpu.memory_space<hbm>>
      %dma_start3A_61 = arith.constant 0 : i32
      %dma_start3A_62 = tpu.memref_slice %arg6[%add3A_39, %dma_start3A_61] : memref<21504x128xf32, #tpu.memory_space<hbm>> -> memref<224x128xf32, #tpu.memory_space<hbm>>
      tpu.enqueue_dma source(%arg17 : memref<224x128xf32, #tpu.memory_space<vmem>>) target(%dma_start3A_62 : memref<224x128xf32, #tpu.memory_space<hbm>>) target_semaphore(%run_scoped3A : memref<!tpu.dma_semaphore, #tpu.memory_space<semaphore_mem>>)
      %dma_wait3A = arith.constant 0 : i32
      %dma_wait3A_63 = tpu.memref_slice %arg6[%add3A_39, %dma_wait3A] : memref<21504x128xf32, #tpu.memory_space<hbm>> -> memref<224x128xf32, #tpu.memory_space<hbm>>
      %dma_wait3A_64 = arith.constant 0 : i32
      %dma_wait3A_65 = tpu.memref_slice %arg6[%add3A_39, %dma_wait3A_64] : memref<21504x128xf32, #tpu.memory_space<hbm>> -> memref<224x128xf32, #tpu.memory_space<hbm>>
      tpu.wait_dma2 semaphore(%run_scoped3A : memref<!tpu.dma_semaphore, #tpu.memory_space<semaphore_mem>>) src(%arg17 : memref<224x128xf32, #tpu.memory_space<vmem>>) dst(%dma_wait3A_65 : memref<224x128xf32, #tpu.memory_space<hbm>>)
      tpu.yield
    }) : () -> ()
    %barrier3A_40 = arith.constant 0 : index
    tpu.barrier barrier_id(%barrier3A_40)
    "tpu.region"() ({
      %run_scoped3A = tpu.sem_alloc : memref<!tpu.dma_semaphore, #tpu.memory_space<semaphore_mem>>
      tpu.enqueue_dma source(%arg5 : memref<224x128xf32, #tpu.memory_space<hbm>>) target(%arg17 : memref<224x128xf32, #tpu.memory_space<vmem>>) target_semaphore(%run_scoped3A : memref<!tpu.dma_semaphore, #tpu.memory_space<semaphore_mem>>)
      tpu.wait_dma2 semaphore(%run_scoped3A : memref<!tpu.dma_semaphore, #tpu.memory_space<semaphore_mem>>) src(%arg5 : memref<224x128xf32, #tpu.memory_space<hbm>>) dst(%arg17 : memref<224x128xf32, #tpu.memory_space<vmem>>)
      tpu.yield
    }) : () -> ()
    %mul3A_41 = arith.constant 224 : i32
    %mul3A_42 = arith.muli %arg1, %mul3A_41 : i32
    "tpu.region"() ({
      %run_scoped3A = tpu.sem_alloc : memref<!tpu.dma_semaphore, #tpu.memory_space<semaphore_mem>>
      %dma_start3A = arith.constant 0 : i32
      %dma_start3A_60 = tpu.memref_slice %arg18[%mul3A_42, %dma_start3A] : memref<3584x128xf32, #tpu.memory_space<vmem_shared>> -> memref<224x128xf32, #tpu.memory_space<vmem_shared>>
      %dma_start3A_61 = arith.constant 0 : i32
      %dma_start3A_62 = tpu.memref_slice %arg18[%mul3A_42, %dma_start3A_61] : memref<3584x128xf32, #tpu.memory_space<vmem_shared>> -> memref<224x128xf32, #tpu.memory_space<vmem_shared>>
      tpu.enqueue_dma source(%arg17 : memref<224x128xf32, #tpu.memory_space<vmem>>) target(%dma_start3A_62 : memref<224x128xf32, #tpu.memory_space<vmem_shared>>) target_semaphore(%run_scoped3A : memref<!tpu.dma_semaphore, #tpu.memory_space<semaphore_mem>>)
      %dma_wait3A = arith.constant 0 : i32
      %dma_wait3A_63 = tpu.memref_slice %arg18[%mul3A_42, %dma_wait3A] : memref<3584x128xf32, #tpu.memory_space<vmem_shared>> -> memref<224x128xf32, #tpu.memory_space<vmem_shared>>
      %dma_wait3A_64 = arith.constant 0 : i32
      %dma_wait3A_65 = tpu.memref_slice %arg18[%mul3A_42, %dma_wait3A_64] : memref<3584x128xf32, #tpu.memory_space<vmem_shared>> -> memref<224x128xf32, #tpu.memory_space<vmem_shared>>
      tpu.wait_dma2 semaphore(%run_scoped3A : memref<!tpu.dma_semaphore, #tpu.memory_space<semaphore_mem>>) src(%arg17 : memref<224x128xf32, #tpu.memory_space<vmem>>) dst(%dma_wait3A_65 : memref<224x128xf32, #tpu.memory_space<vmem_shared>>)
      tpu.yield
    }) : () -> ()
    %barrier3A_43 = arith.constant 0 : index
    tpu.barrier barrier_id(%barrier3A_43)
    %scan3A_44 = arith.constant 0 : i32
    %scan3A_45 = arith.constant 125 : i32
    %scan3A_46 = arith.addi %scan3A_44, %scan3A_45 : i32
    %scan3A_47 = arith.constant 1 : i32
    scf.for %scan3A_60 = %scan3A_44 to %scan3A_46 step %scan3A_47  : i32 {
      %mul3A_61 = arith.constant 1 : i32
      %mul3A_62 = arith.muli %scan3A_60, %mul3A_61 : i32
      %add3A_63 = arith.constant 0 : i32
      %add3A_64 = arith.addi %add3A_63, %mul3A_62 : i32
      %mul3A_65 = arith.constant 2 : i32
      %mul3A_66 = arith.muli %mul3A_65, %add3A_64 : i32
      %mul3A_67 = arith.constant 80 : i32
      %mul3A_68 = arith.muli %mul3A_66, %mul3A_67 : i32
      %mul3A_69 = arith.constant 2 : i32
      %mul3A_70 = arith.muli %mul3A_69, %add3A_64 : i32
      %add3A_71 = arith.constant 1 : i32
      %add3A_72 = arith.addi %mul3A_70, %add3A_71 : i32
      %mul3A_73 = arith.constant 80 : i32
      %mul3A_74 = arith.muli %add3A_72, %mul3A_73 : i32
      %scan3A_75 = arith.constant 0 : i32
      %scan3A_76 = arith.constant 5 : i32
      %scan3A_77 = arith.addi %scan3A_75, %scan3A_76 : i32
      %scan3A_78 = arith.constant 1 : i32
      scf.for %scan3A_97 = %scan3A_75 to %scan3A_77 step %scan3A_78  : i32 {
        %mul3A_98 = arith.constant 1 : i32
        %mul3A_99 = arith.muli %scan3A_97, %mul3A_98 : i32
        %add3A_100 = arith.constant 0 : i32
        %add3A_101 = arith.addi %add3A_100, %mul3A_99 : i32
        %mul3A_102 = arith.constant 16 : i32
        %mul3A_103 = arith.muli %add3A_101, %mul3A_102 : i32
        %add3A_104 = arith.addi %mul3A_68, %mul3A_103 : i32
        %get3A = arith.index_cast %add3A_104 : i32 to index
        %get3A_105 = tpu.vector_load %arg8[%get3A] {strides = array<i32>} : memref<20000xi32, #tpu.memory_space<vmem>>, vector<16xi32>,
        %get3A_106 = vector.shape_cast %get3A_105 : vector<16xi32> to vector<16xi32>
        %get3A_107 = arith.index_cast %add3A_104 : i32 to index
        %get3A_108 = tpu.vector_load %arg7[%get3A_107] {strides = array<i32>} : memref<20000xi32, #tpu.memory_space<vmem>>, vector<16xi32>,
        %get3A_109 = vector.shape_cast %get3A_108 : vector<16xi32> to vector<16xi32>
        %ge3A = arith.constant 7168 : i32
        %ge3A_110 = vector.broadcast %ge3A : i32 to vector<16xi32>
        %ge3A_111 = arith.cmpi sge, %get3A_106, %ge3A_110 : vector<16xi32>
        %lt3A = arith.constant 10752 : i32
        %lt3A_112 = vector.broadcast %lt3A : i32 to vector<16xi32>
        %lt3A_113 = arith.cmpi slt, %get3A_106, %lt3A_112 : vector<16xi32>
        %and3A = arith.andi %ge3A_111, %lt3A_113 : vector<16xi1>
        %mul3A_114 = arith.constant 16 : i32
        %mul3A_115 = arith.muli %add3A_101, %mul3A_114 : i32
        %jit3A = arith.constant -1 : i32
        %broadcast_in_dim3A = vector.broadcast %jit3A : i32 to vector<16xi32>
        %select_n3A = arith.select %and3A, %get3A_109, %broadcast_in_dim3A : vector<16xi1>, vector<16xi32>
        %swap3A = arith.index_cast %mul3A_115 : i32 to index
        %swap3A_116 = tpu.vector_load %arg9[%swap3A] {strides = array<i32>} : memref<80xi32, #tpu.memory_space<vmem>>, vector<16xi32>,
        %swap3A_117 = vector.shape_cast %swap3A_116 : vector<16xi32> to vector<16xi32>
        %swap3A_118 = vector.shape_cast %select_n3A : vector<16xi32> to vector<16xi32>
        tpu.vector_store %arg9[%swap3A], %swap3A_118 {strides = array<i32>} : memref<80xi32, #tpu.memory_space<vmem>>, vector<16xi32>,
        %sub3A = arith.constant 7168 : i32
        %sub3A_119 = vector.broadcast %sub3A : i32 to vector<16xi32>
        %sub3A_120 = arith.subi %get3A_106, %sub3A_119 : vector<16xi32>
        %jit3A_121 = arith.constant -1 : i32
        %broadcast_in_dim3A_122 = vector.broadcast %jit3A_121 : i32 to vector<16xi32>
        %select_n3A_123 = arith.select %and3A, %sub3A_120, %broadcast_in_dim3A_122 : vector<16xi1>, vector<16xi32>
        %swap3A_124 = arith.index_cast %mul3A_115 : i32 to index
        %swap3A_125 = tpu.vector_load %arg10[%swap3A_124] {strides = array<i32>} : memref<80xi32, #tpu.memory_space<vmem>>, vector<16xi32>,
        %swap3A_126 = vector.shape_cast %swap3A_125 : vector<16xi32> to vector<16xi32>
        %swap3A_127 = vector.shape_cast %select_n3A_123 : vector<16xi32> to vector<16xi32>
        tpu.vector_store %arg10[%swap3A_124], %swap3A_127 {strides = array<i32>} : memref<80xi32, #tpu.memory_space<vmem>>, vector<16xi32>,
      }
      %scan3A_79 = arith.constant 5 : i32
      %dma_start3A = arith.constant 0 : i32
      %dma_start3A_80 = arith.constant 0 : i32
      %dma_start3A_81 = tpu.memref_slice %arg2[%dma_start3A, %dma_start3A_80] : memref<10000x128xf32, #tpu.memory_space<hbm>> -> memref<10000x128xf32, #tpu.memory_space<hbm>>
      %dma_start3A_82 = arith.constant -1 : i32
      tpu.enqueue_indirect_dma source(%dma_start3A_81 : memref<10000x128xf32, #tpu.memory_space<hbm>>) target(%arg13 : memref<80x128xf32, #tpu.memory_space<vmem>>) offsets(%arg9 : memref<80xi32, #tpu.memory_space<vmem>>) offset_filter(%dma_start3A_82) semaphore(%arg15 : memref<!tpu.dma_semaphore, #tpu.memory_space<semaphore_mem>>)
      %scan3A_83 = arith.constant 0 : i32
      %scan3A_84 = arith.constant 5 : i32
      %scan3A_85 = arith.addi %scan3A_83, %scan3A_84 : i32
      %scan3A_86 = arith.constant 1 : i32
      scf.for %scan3A_97 = %scan3A_83 to %scan3A_85 step %scan3A_86  : i32 {
        %mul3A_98 = arith.constant 1 : i32
        %mul3A_99 = arith.muli %scan3A_97, %mul3A_98 : i32
        %add3A_100 = arith.constant 0 : i32
        %add3A_101 = arith.addi %add3A_100, %mul3A_99 : i32
        %mul3A_102 = arith.constant 16 : i32
        %mul3A_103 = arith.muli %add3A_101, %mul3A_102 : i32
        %add3A_104 = arith.addi %mul3A_74, %mul3A_103 : i32
        %get3A = arith.index_cast %add3A_104 : i32 to index
        %get3A_105 = tpu.vector_load %arg8[%get3A] {strides = array<i32>} : memref<20000xi32, #tpu.memory_space<vmem>>, vector<16xi32>,
        %get3A_106 = vector.shape_cast %get3A_105 : vector<16xi32> to vector<16xi32>
        %get3A_107 = arith.index_cast %add3A_104 : i32 to index
        %get3A_108 = tpu.vector_load %arg7[%get3A_107] {strides = array<i32>} : memref<20000xi32, #tpu.memory_space<vmem>>, vector<16xi32>,
        %get3A_109 = vector.shape_cast %get3A_108 : vector<16xi32> to vector<16xi32>
        %ge3A = arith.constant 7168 : i32
        %ge3A_110 = vector.broadcast %ge3A : i32 to vector<16xi32>
        %ge3A_111 = arith.cmpi sge, %get3A_106, %ge3A_110 : vector<16xi32>
        %lt3A = arith.constant 10752 : i32
        %lt3A_112 = vector.broadcast %lt3A : i32 to vector<16xi32>
        %lt3A_113 = arith.cmpi slt, %get3A_106, %lt3A_112 : vector<16xi32>
        %and3A = arith.andi %ge3A_111, %lt3A_113 : vector<16xi1>
        %mul3A_114 = arith.constant 16 : i32
        %mul3A_115 = arith.muli %add3A_101, %mul3A_114 : i32
        %jit3A = arith.constant -1 : i32
        %broadcast_in_dim3A = vector.broadcast %jit3A : i32 to vector<16xi32>
        %select_n3A = arith.select %and3A, %get3A_109, %broadcast_in_dim3A : vector<16xi1>, vector<16xi32>
        %swap3A = arith.index_cast %mul3A_115 : i32 to index
        %swap3A_116 = tpu.vector_load %arg11[%swap3A] {strides = array<i32>} : memref<80xi32, #tpu.memory_space<vmem>>, vector<16xi32>,
        %swap3A_117 = vector.shape_cast %swap3A_116 : vector<16xi32> to vector<16xi32>
        %swap3A_118 = vector.shape_cast %select_n3A : vector<16xi32> to vector<16xi32>
        tpu.vector_store %arg11[%swap3A], %swap3A_118 {strides = array<i32>} : memref<80xi32, #tpu.memory_space<vmem>>, vector<16xi32>,
        %sub3A = arith.constant 7168 : i32
        %sub3A_119 = vector.broadcast %sub3A : i32 to vector<16xi32>
        %sub3A_120 = arith.subi %get3A_106, %sub3A_119 : vector<16xi32>
        %jit3A_121 = arith.constant -1 : i32
        %broadcast_in_dim3A_122 = vector.broadcast %jit3A_121 : i32 to vector<16xi32>
        %select_n3A_123 = arith.select %and3A, %sub3A_120, %broadcast_in_dim3A_122 : vector<16xi1>, vector<16xi32>
        %swap3A_124 = arith.index_cast %mul3A_115 : i32 to index
        %swap3A_125 = tpu.vector_load %arg12[%swap3A_124] {strides = array<i32>} : memref<80xi32, #tpu.memory_space<vmem>>, vector<16xi32>,
        %swap3A_126 = vector.shape_cast %swap3A_125 : vector<16xi32> to vector<16xi32>
        %swap3A_127 = vector.shape_cast %select_n3A_123 : vector<16xi32> to vector<16xi32>
        tpu.vector_store %arg12[%swap3A_124], %swap3A_127 {strides = array<i32>} : memref<80xi32, #tpu.memory_space<vmem>>, vector<16xi32>,
      }
      %scan3A_87 = arith.constant 5 : i32
      %dma_start3A_88 = arith.constant 0 : i32
      %dma_start3A_89 = arith.constant 0 : i32
      %dma_start3A_90 = tpu.memref_slice %arg2[%dma_start3A_88, %dma_start3A_89] : memref<10000x128xf32, #tpu.memory_space<hbm>> -> memref<10000x128xf32, #tpu.memory_space<hbm>>
      %dma_start3A_91 = arith.constant -1 : i32
      tpu.enqueue_indirect_dma source(%dma_start3A_90 : memref<10000x128xf32, #tpu.memory_space<hbm>>) target(%arg14 : memref<80x128xf32, #tpu.memory_space<vmem>>) offsets(%arg11 : memref<80xi32, #tpu.memory_space<vmem>>) offset_filter(%dma_start3A_91) semaphore(%arg16 : memref<!tpu.dma_semaphore, #tpu.memory_space<semaphore_mem>>)
      %dma_wait3A = arith.constant 0 : i32
      %dma_wait3A_92 = arith.constant 0 : i32
      %dma_wait3A_93 = tpu.memref_slice %arg2[%dma_wait3A, %dma_wait3A_92] : memref<10000x128xf32, #tpu.memory_space<hbm>> -> memref<10000x128xf32, #tpu.memory_space<hbm>>
      tpu.wait_indirect_dma semaphore(%arg15 : memref<!tpu.dma_semaphore, #tpu.memory_space<semaphore_mem>>) src(%dma_wait3A_93 : memref<10000x128xf32, #tpu.memory_space<hbm>>) dst(%arg13 : memref<80x128xf32, #tpu.memory_space<vmem>>)
      "tpu.region"() ({
        %run_scoped3A = tpu.sem_alloc : memref<!tpu.dma_semaphore, #tpu.memory_space<semaphore_mem>>
        %dma_start3A_97 = arith.constant 0 : i32
        %dma_start3A_98 = arith.constant 0 : i32
        %dma_start3A_99 = tpu.memref_slice %arg18[%dma_start3A_97, %dma_start3A_98] : memref<3584x128xf32, #tpu.memory_space<vmem_shared>> -> memref<3584x128xf32, #tpu.memory_space<vmem_shared>>
        %dma_start3A_100 = arith.constant -1 : i32
        tpu.enqueue_indirect_dma source(%arg13 : memref<80x128xf32, #tpu.memory_space<vmem>>) target(%dma_start3A_99 : memref<3584x128xf32, #tpu.memory_space<vmem_shared>>) offsets(%arg10 : memref<80xi32, #tpu.memory_space<vmem>>) offset_filter(%dma_start3A_100) semaphore(%run_scoped3A : memref<!tpu.dma_semaphore, #tpu.memory_space<semaphore_mem>>) {add = true}
        %dma_wait3A_101 = arith.constant 0 : i32
        %dma_wait3A_102 = arith.constant 0 : i32
        %dma_wait3A_103 = tpu.memref_slice %arg18[%dma_wait3A_101, %dma_wait3A_102] : memref<3584x128xf32, #tpu.memory_space<vmem_shared>> -> memref<3584x128xf32, #tpu.memory_space<vmem_shared>>
        tpu.wait_indirect_dma semaphore(%run_scoped3A : memref<!tpu.dma_semaphore, #tpu.memory_space<semaphore_mem>>) src(%arg13 : memref<80x128xf32, #tpu.memory_space<vmem>>) dst(%dma_wait3A_103 : memref<3584x128xf32, #tpu.memory_space<vmem_shared>>)
        tpu.yield
      }) : () -> ()
      %dma_wait3A_94 = arith.constant 0 : i32
      %dma_wait3A_95 = arith.constant 0 : i32
      %dma_wait3A_96 = tpu.memref_slice %arg2[%dma_wait3A_94, %dma_wait3A_95] : memref<10000x128xf32, #tpu.memory_space<hbm>> -> memref<10000x128xf32, #tpu.memory_space<hbm>>
      tpu.wait_indirect_dma semaphore(%arg16 : memref<!tpu.dma_semaphore, #tpu.memory_space<semaphore_mem>>) src(%dma_wait3A_96 : memref<10000x128xf32, #tpu.memory_space<hbm>>) dst(%arg14 : memref<80x128xf32, #tpu.memory_space<vmem>>)
      "tpu.region"() ({
        %run_scoped3A = tpu.sem_alloc : memref<!tpu.dma_semaphore, #tpu.memory_space<semaphore_mem>>
        %dma_start3A_97 = arith.constant 0 : i32
        %dma_start3A_98 = arith.constant 0 : i32
        %dma_start3A_99 = tpu.memref_slice %arg18[%dma_start3A_97, %dma_start3A_98] : memref<3584x128xf32, #tpu.memory_space<vmem_shared>> -> memref<3584x128xf32, #tpu.memory_space<vmem_shared>>
        %dma_start3A_100 = arith.constant -1 : i32
        tpu.enqueue_indirect_dma source(%arg14 : memref<80x128xf32, #tpu.memory_space<vmem>>) target(%dma_start3A_99 : memref<3584x128xf32, #tpu.memory_space<vmem_shared>>) offsets(%arg12 : memref<80xi32, #tpu.memory_space<vmem>>) offset_filter(%dma_start3A_100) semaphore(%run_scoped3A : memref<!tpu.dma_semaphore, #tpu.memory_space<semaphore_mem>>) {add = true}
        %dma_wait3A_101 = arith.constant 0 : i32
        %dma_wait3A_102 = arith.constant 0 : i32
        %dma_wait3A_103 = tpu.memref_slice %arg18[%dma_wait3A_101, %dma_wait3A_102] : memref<3584x128xf32, #tpu.memory_space<vmem_shared>> -> memref<3584x128xf32, #tpu.memory_space<vmem_shared>>
        tpu.wait_indirect_dma semaphore(%run_scoped3A : memref<!tpu.dma_semaphore, #tpu.memory_space<semaphore_mem>>) src(%arg14 : memref<80x128xf32, #tpu.memory_space<vmem>>) dst(%dma_wait3A_103 : memref<3584x128xf32, #tpu.memory_space<vmem_shared>>)
        tpu.yield
      }) : () -> ()
    }
    %scan3A_48 = arith.constant 125 : i32
    %barrier3A_49 = arith.constant 0 : index
    tpu.barrier barrier_id(%barrier3A_49)
    %mul3A_50 = arith.constant 224 : i32
    %mul3A_51 = arith.muli %arg1, %mul3A_50 : i32
    "tpu.region"() ({
      %run_scoped3A = tpu.sem_alloc : memref<!tpu.dma_semaphore, #tpu.memory_space<semaphore_mem>>
      %dma_start3A = arith.constant 0 : i32
      %dma_start3A_60 = tpu.memref_slice %arg18[%mul3A_51, %dma_start3A] : memref<3584x128xf32, #tpu.memory_space<vmem_shared>> -> memref<224x128xf32, #tpu.memory_space<vmem_shared>>
      %dma_start3A_61 = arith.constant 0 : i32
      %dma_start3A_62 = tpu.memref_slice %arg18[%mul3A_51, %dma_start3A_61] : memref<3584x128xf32, #tpu.memory_space<vmem_shared>> -> memref<224x128xf32, #tpu.memory_space<vmem_shared>>
      tpu.enqueue_dma source(%dma_start3A_62 : memref<224x128xf32, #tpu.memory_space<vmem_shared>>) target(%arg17 : memref<224x128xf32, #tpu.memory_space<vmem>>) target_semaphore(%run_scoped3A : memref<!tpu.dma_semaphore, #tpu.memory_space<semaphore_mem>>)
      %dma_wait3A = arith.constant 0 : i32
      %dma_wait3A_63 = tpu.memref_slice %arg18[%mul3A_51, %dma_wait3A] : memref<3584x128xf32, #tpu.memory_space<vmem_shared>> -> memref<224x128xf32, #tpu.memory_space<vmem_shared>>
      %dma_wait3A_64 = arith.constant 0 : i32
      %dma_wait3A_65 = tpu.memref_slice %arg18[%mul3A_51, %dma_wait3A_64] : memref<3584x128xf32, #tpu.memory_space<vmem_shared>> -> memref<224x128xf32, #tpu.memory_space<vmem_shared>>
      tpu.wait_dma2 semaphore(%run_scoped3A : memref<!tpu.dma_semaphore, #tpu.memory_space<semaphore_mem>>) src(%dma_wait3A_65 : memref<224x128xf32, #tpu.memory_space<vmem_shared>>) dst(%arg17 : memref<224x128xf32, #tpu.memory_space<vmem>>)
      tpu.yield
    }) : () -> ()
    %mul3A_52 = arith.constant 10752 : i32
    %mul3A_53 = arith.muli %arg0, %mul3A_52 : i32
    %add3A_54 = arith.constant 7168 : i32
    %add3A_55 = arith.addi %mul3A_53, %add3A_54 : i32
    %mul3A_56 = arith.constant 224 : i32
    %mul3A_57 = arith.muli %arg1, %mul3A_56 : i32
    %add3A_58 = arith.addi %add3A_55, %mul3A_57 : i32
    "tpu.region"() ({
      %run_scoped3A = tpu.sem_alloc : memref<!tpu.dma_semaphore, #tpu.memory_space<semaphore_mem>>
      %dma_start3A = arith.constant 0 : i32
      %dma_start3A_60 = tpu.memref_slice %arg6[%add3A_58, %dma_start3A] : memref<21504x128xf32, #tpu.memory_space<hbm>> -> memref<224x128xf32, #tpu.memory_space<hbm>>
      %dma_start3A_61 = arith.constant 0 : i32
      %dma_start3A_62 = tpu.memref_slice %arg6[%add3A_58, %dma_start3A_61] : memref<21504x128xf32, #tpu.memory_space<hbm>> -> memref<224x128xf32, #tpu.memory_space<hbm>>
      tpu.enqueue_dma source(%arg17 : memref<224x128xf32, #tpu.memory_space<vmem>>) target(%dma_start3A_62 : memref<224x128xf32, #tpu.memory_space<hbm>>) target_semaphore(%run_scoped3A : memref<!tpu.dma_semaphore, #tpu.memory_space<semaphore_mem>>)
      %dma_wait3A = arith.constant 0 : i32
      %dma_wait3A_63 = tpu.memref_slice %arg6[%add3A_58, %dma_wait3A] : memref<21504x128xf32, #tpu.memory_space<hbm>> -> memref<224x128xf32, #tpu.memory_space<hbm>>
      %dma_wait3A_64 = arith.constant 0 : i32
      %dma_wait3A_65 = tpu.memref_slice %arg6[%add3A_58, %dma_wait3A_64] : memref<21504x128xf32, #tpu.memory_space<hbm>> -> memref<224x128xf32, #tpu.memory_space<hbm>>
      tpu.wait_dma2 semaphore(%run_scoped3A : memref<!tpu.dma_semaphore, #tpu.memory_space<semaphore_mem>>) src(%arg17 : memref<224x128xf32, #tpu.memory_space<vmem>>) dst(%dma_wait3A_65 : memref<224x128xf32, #tpu.memory_space<hbm>>)
      tpu.yield
    }) : () -> ()
    %barrier3A_59 = arith.constant 0 : index
    tpu.barrier barrier_id(%barrier3A_59)
    return
  }
}

module attributes {stable_mosaic.version = 14 : i64} {
  func.func @body(%arg0: i32, %arg1: memref<2x2000x128xf32, #tpu.memory_space<vmem>>, %arg2: memref<2x2000x128xf32, #tpu.memory_space<vmem>>, %arg3: memref<2000x128xf32, #tpu.memory_space<vmem>>, %arg4: memref<128x128xf32, #tpu.memory_space<vmem>>, %arg5: memref<1x128xf32, #tpu.memory_space<vmem>>, %arg6: memref<128x128xf32, #tpu.memory_space<vmem>>, %arg7: memref<2000x128xf32, #tpu.memory_space<vmem>>) attributes {dimension_semantics = [#tpu.dimension_semantics<arbitrary>], iteration_bounds = array<i64: 5>, scalar_prefetch = 0 : i64, scratch_operands = 0 : i64, tpu.core_type = #tpu.core_type<tc>, window_params = [{transform_indices = @transform_0, window_bounds = array<i64: 2, 2000, 128>}, {transform_indices = @transform_1, window_bounds = array<i64: 2, 2000, 128>}, {transform_indices = @transform_2, window_bounds = array<i64: 2000, 128>}, {pipeline_mode = #tpu.pipeline_mode<synchronous>, transform_indices = @transform_3, window_bounds = array<i64: 128, 128>}, {pipeline_mode = #tpu.pipeline_mode<synchronous>, transform_indices = @transform_4, window_bounds = array<i64: 1, 128>}, {pipeline_mode = #tpu.pipeline_mode<synchronous>, transform_indices = @transform_5, window_bounds = array<i64: 128, 128>}, {transform_indices = @transform_6, window_bounds = array<i64: 2000, 128>}]} {
    %get3A = arith.constant 0 : index
    %get3A_0 = arith.constant 0 : index
    %get3A_1 = arith.constant 0 : index
    %get3A_2 = vector.load %arg1[%get3A, %get3A_0, %get3A_1] : memref<2x2000x128xf32, #tpu.memory_space<vmem>>, vector<1x2000x128xf32>
    %get3A_3 = vector.shape_cast %get3A_2 : vector<1x2000x128xf32> to vector<2000x128xf32>
    %get3A_4 = arith.constant 1 : index
    %get3A_5 = arith.constant 0 : index
    %get3A_6 = arith.constant 0 : index
    %get3A_7 = vector.load %arg1[%get3A_4, %get3A_5, %get3A_6] : memref<2x2000x128xf32, #tpu.memory_space<vmem>>, vector<1x2000x128xf32>
    %get3A_8 = vector.shape_cast %get3A_7 : vector<1x2000x128xf32> to vector<2000x128xf32>
    %add3A = arith.addf %get3A_3, %get3A_8 : vector<2000x128xf32>
    %get3A_9 = arith.constant 0 : index
    %get3A_10 = arith.constant 0 : index
    %get3A_11 = arith.constant 0 : index
    %get3A_12 = vector.load %arg2[%get3A_9, %get3A_10, %get3A_11] : memref<2x2000x128xf32, #tpu.memory_space<vmem>>, vector<1x2000x128xf32>
    %get3A_13 = vector.shape_cast %get3A_12 : vector<1x2000x128xf32> to vector<2000x128xf32>
    %slice3A = vector.extract_strided_slice %get3A_13 {offsets = [0, 0], sizes = [2000, 1], strides = [1, 1]} : vector<2000x128xf32> to vector<2000x1xf32>
    %get3A_14 = arith.constant 1 : index
    %get3A_15 = arith.constant 0 : index
    %get3A_16 = arith.constant 0 : index
    %get3A_17 = vector.load %arg2[%get3A_14, %get3A_15, %get3A_16] : memref<2x2000x128xf32, #tpu.memory_space<vmem>>, vector<1x2000x128xf32>
    %get3A_18 = vector.shape_cast %get3A_17 : vector<1x2000x128xf32> to vector<2000x128xf32>
    %slice3A_19 = vector.extract_strided_slice %get3A_18 {offsets = [0, 0], sizes = [2000, 1], strides = [1, 1]} : vector<2000x128xf32> to vector<2000x1xf32>
    %add3A_20 = arith.addf %slice3A, %slice3A_19 : vector<2000x1xf32>
    %max3A = arith.constant 1.000000e+00 : f32
    %max3A_21 = vector.broadcast %max3A : f32 to vector<2000x1xf32>
    %max3A_22 = arith.maximumf %add3A_20, %max3A_21 : vector<2000x1xf32>
    %div3A = vector.broadcast %max3A_22 : vector<2000x1xf32> to vector<2000x128xf32>
    %div3A_23 = arith.divf %add3A, %div3A : vector<2000x128xf32>
    %get3A_24 = arith.constant 0 : index
    %get3A_25 = arith.constant 0 : index
    %get3A_26 = vector.load %arg4[%get3A_24, %get3A_25] : memref<128x128xf32, #tpu.memory_space<vmem>>, vector<128x128xf32>
    %dot_general3A = arith.constant dense<0.000000e+00> : vector<2000x128xf32>
    %dot_general3A_27 = tpu.matmul %div3A_23, %get3A_26, %dot_general3A {dimension_numbers = #tpu.dot_dimension_numbers<[1], [0], [0], [1], [0, 0, 1, 1], [], []>, transpose_lhs_hint = false} : vector<2000x128xf32>, vector<128x128xf32>, vector<2000x128xf32> -> vector<2000x128xf32>
    %get3A_28 = arith.constant 0 : index
    %get3A_29 = arith.constant 0 : index
    %get3A_30 = vector.load %arg5[%get3A_28, %get3A_29] : memref<1x128xf32, #tpu.memory_space<vmem>>, vector<1x128xf32>
    %add3A_31 = vector.broadcast %get3A_30 : vector<1x128xf32> to vector<2000x128xf32>
    %add3A_32 = arith.addf %dot_general3A_27, %add3A_31 : vector<2000x128xf32>
    %get3A_33 = arith.constant 0 : index
    %get3A_34 = arith.constant 0 : index
    %get3A_35 = vector.load %arg3[%get3A_33, %get3A_34] : memref<2000x128xf32, #tpu.memory_space<vmem>>, vector<2000x128xf32>
    %get3A_36 = arith.constant 0 : index
    %get3A_37 = arith.constant 0 : index
    %get3A_38 = vector.load %arg6[%get3A_36, %get3A_37] : memref<128x128xf32, #tpu.memory_space<vmem>>, vector<128x128xf32>
    %dot_general3A_39 = arith.constant dense<0.000000e+00> : vector<2000x128xf32>
    %dot_general3A_40 = tpu.matmul %get3A_35, %get3A_38, %dot_general3A_39 {dimension_numbers = #tpu.dot_dimension_numbers<[1], [0], [0], [1], [0, 0, 1, 1], [], []>, transpose_lhs_hint = false} : vector<2000x128xf32>, vector<128x128xf32>, vector<2000x128xf32> -> vector<2000x128xf32>
    %add3A_41 = arith.addf %add3A_32, %dot_general3A_40 : vector<2000x128xf32>
    %max3A_42 = arith.constant 0.000000e+00 : f32
    %max3A_43 = vector.broadcast %max3A_42 : f32 to vector<2000x128xf32>
    %max3A_44 = arith.maximumf %add3A_41, %max3A_43 : vector<2000x128xf32>
    %swap3A = arith.constant 0 : index
    %swap3A_45 = arith.constant 0 : index
    %swap3A_46 = vector.load %arg7[%swap3A, %swap3A_45] : memref<2000x128xf32, #tpu.memory_space<vmem>>, vector<2000x128xf32>
    tpu.vector_store %arg7[%swap3A, %swap3A_45], %max3A_44 {strides = array<i32>} : memref<2000x128xf32, #tpu.memory_space<vmem>>, vector<2000x128xf32>,
    return
  }
  func.func @transform_0(%arg0: i32) -> (i32, i32, i32) {
    %c0_i32 = arith.constant 0 : i32
    %c0_i32_0 = arith.constant 0 : i32
    %c0_i32_1 = arith.constant 0 : i32
    return %c0_i32, %arg0, %c0_i32_0 : i32, i32, i32
  }
  func.func @transform_1(%arg0: i32) -> (i32, i32, i32) {
    %c0_i32 = arith.constant 0 : i32
    %c0_i32_0 = arith.constant 0 : i32
    %c0_i32_1 = arith.constant 0 : i32
    return %c0_i32, %arg0, %c0_i32_0 : i32, i32, i32
  }
  func.func @transform_2(%arg0: i32) -> (i32, i32) {
    %c0_i32 = arith.constant 0 : i32
    %c0_i32_0 = arith.constant 0 : i32
    return %arg0, %c0_i32 : i32, i32
  }
  func.func @transform_3(%arg0: i32) -> (i32, i32) {
    %c0_i32 = arith.constant 0 : i32
    %c0_i32_0 = arith.constant 0 : i32
    %c0_i32_1 = arith.constant 0 : i32
    return %c0_i32, %c0_i32_0 : i32, i32
  }
  func.func @transform_4(%arg0: i32) -> (i32, i32) {
    %c0_i32 = arith.constant 0 : i32
    %c0_i32_0 = arith.constant 0 : i32
    %c0_i32_1 = arith.constant 0 : i32
    return %c0_i32, %c0_i32_0 : i32, i32
  }
  func.func @transform_5(%arg0: i32) -> (i32, i32) {
    %c0_i32 = arith.constant 0 : i32
    %c0_i32_0 = arith.constant 0 : i32
    %c0_i32_1 = arith.constant 0 : i32
    return %c0_i32, %c0_i32_0 : i32, i32
  }
  func.func @transform_6(%arg0: i32) -> (i32, i32) {
    %c0_i32 = arith.constant 0 : i32
    %c0_i32_0 = arith.constant 0 : i32
    return %arg0, %c0_i32 : i32, i32
  }
}

module attributes {stable_mosaic.version = 14 : i64} {
  func.func @body(%arg0: memref<256x128xf32, #tpu.memory_space<vmem>>, %arg1: memref<8x3200xi32, #tpu.memory_space<vmem>>, %arg2: memref<128x128xf32, #tpu.memory_space<vmem>>, %arg3: memref<1x128xf32, #tpu.memory_space<vmem>>, %arg4: memref<128x128xf32, #tpu.memory_space<vmem>>, %arg5: memref<128x64xf32, #tpu.memory_space<vmem>>, %arg6: memref<1x64xf32, #tpu.memory_space<vmem>>, %arg7: memref<128x64xf32, #tpu.memory_space<vmem>>, %arg8: memref<256x64xf32, #tpu.memory_space<vmem>>) attributes {dimension_semantics = [], scalar_prefetch = 0 : i64, scratch_operands = 0 : i64, tpu.core_type = #tpu.core_type<tc>} {
    %get3A = arith.constant 0 : index
    %get3A_0 = arith.constant 0 : index
    %get3A_1 = vector.load %arg1[%get3A, %get3A_0] : memref<8x3200xi32, #tpu.memory_space<vmem>>, vector<1x3200xi32>
    %get3A_2 = arith.constant 1 : index
    %get3A_3 = arith.constant 0 : index
    %get3A_4 = vector.load %arg1[%get3A_2, %get3A_3] : memref<8x3200xi32, #tpu.memory_space<vmem>>, vector<1x3200xi32>
    %iota3A = tpu.iota {dimensions = array<i32: 0>} : vector<256x3200xi32>
    %eq3A = vector.broadcast %get3A_4 : vector<1x3200xi32> to vector<256x3200xi32>
    %eq3A_5 = arith.cmpi eq, %eq3A, %iota3A : vector<256x3200xi32>
    %convert_element_type3A = arith.extui %eq3A_5 : vector<256x3200xi1> to vector<256x3200xi32>
    %convert_element_type3A_6 = arith.sitofp %convert_element_type3A : vector<256x3200xi32> to vector<256x3200xf32>
    %eq3A_7 = vector.broadcast %get3A_1 : vector<1x3200xi32> to vector<256x3200xi32>
    %eq3A_8 = arith.cmpi eq, %eq3A_7, %iota3A : vector<256x3200xi32>
    %convert_element_type3A_9 = arith.extui %eq3A_8 : vector<256x3200xi1> to vector<256x3200xi32>
    %convert_element_type3A_10 = arith.sitofp %convert_element_type3A_9 : vector<256x3200xi32> to vector<256x3200xf32>
    %dot_general3A = arith.constant dense<0.000000e+00> : vector<256x256xf32>
    %dot_general3A_11 = tpu.matmul %convert_element_type3A_6, %convert_element_type3A_10, %dot_general3A {dimension_numbers = #tpu.dot_dimension_numbers<[1], [1], [0], [0], [0, 0, 1, 0], [], []>, precision = #tpu.contract_precision<fp32>, transpose_lhs_hint = false} : vector<256x3200xf32>, vector<256x3200xf32>, vector<256x256xf32> -> vector<256x256xf32>
    %reduce_sum3A = arith.constant dense<0.000000e+00> : vector<256xf32>
    %reduce_sum3A_12 = vector.multi_reduction <add>, %dot_general3A_11, %reduce_sum3A [1] : vector<256x256xf32> to vector<256xf32>
    %broadcast_in_dim3A = vector.shape_cast %reduce_sum3A_12 : vector<256xf32> to vector<256x1xf32>
    %max3A = arith.constant 1.000000e+00 : f32
    %max3A_13 = vector.broadcast %max3A : f32 to vector<256x1xf32>
    %max3A_14 = arith.maximumf %broadcast_in_dim3A, %max3A_13 : vector<256x1xf32>
    %get3A_15 = arith.constant 0 : index
    %get3A_16 = arith.constant 0 : index
    %get3A_17 = vector.load %arg0[%get3A_15, %get3A_16] : memref<256x128xf32, #tpu.memory_space<vmem>>, vector<256x128xf32>
    %dot_general3A_18 = arith.constant dense<0.000000e+00> : vector<256x128xf32>
    %dot_general3A_19 = tpu.matmul %dot_general3A_11, %get3A_17, %dot_general3A_18 {dimension_numbers = #tpu.dot_dimension_numbers<[1], [0], [0], [1], [0, 0, 1, 1], [], []>, precision = #tpu.contract_precision<fp32>, transpose_lhs_hint = false} : vector<256x256xf32>, vector<256x128xf32>, vector<256x128xf32> -> vector<256x128xf32>
    %div3A = vector.broadcast %max3A_14 : vector<256x1xf32> to vector<256x128xf32>
    %div3A_20 = arith.divf %dot_general3A_19, %div3A : vector<256x128xf32>
    %get3A_21 = arith.constant 0 : index
    %get3A_22 = arith.constant 0 : index
    %get3A_23 = vector.load %arg2[%get3A_21, %get3A_22] : memref<128x128xf32, #tpu.memory_space<vmem>>, vector<128x128xf32>
    %dot_general3A_24 = arith.constant dense<0.000000e+00> : vector<256x128xf32>
    %dot_general3A_25 = tpu.matmul %div3A_20, %get3A_23, %dot_general3A_24 {dimension_numbers = #tpu.dot_dimension_numbers<[1], [0], [0], [1], [0, 0, 1, 1], [], []>, transpose_lhs_hint = false} : vector<256x128xf32>, vector<128x128xf32>, vector<256x128xf32> -> vector<256x128xf32>
    %get3A_26 = arith.constant 0 : index
    %get3A_27 = arith.constant 0 : index
    %get3A_28 = vector.load %arg3[%get3A_26, %get3A_27] : memref<1x128xf32, #tpu.memory_space<vmem>>, vector<1x128xf32>
    %add3A = vector.broadcast %get3A_28 : vector<1x128xf32> to vector<256x128xf32>
    %add3A_29 = arith.addf %dot_general3A_25, %add3A : vector<256x128xf32>
    %get3A_30 = arith.constant 0 : index
    %get3A_31 = arith.constant 0 : index
    %get3A_32 = vector.load %arg4[%get3A_30, %get3A_31] : memref<128x128xf32, #tpu.memory_space<vmem>>, vector<128x128xf32>
    %dot_general3A_33 = arith.constant dense<0.000000e+00> : vector<256x128xf32>
    %dot_general3A_34 = tpu.matmul %get3A_17, %get3A_32, %dot_general3A_33 {dimension_numbers = #tpu.dot_dimension_numbers<[1], [0], [0], [1], [0, 0, 1, 1], [], []>, transpose_lhs_hint = false} : vector<256x128xf32>, vector<128x128xf32>, vector<256x128xf32> -> vector<256x128xf32>
    %add3A_35 = arith.addf %add3A_29, %dot_general3A_34 : vector<256x128xf32>
    %max3A_36 = arith.constant 0.000000e+00 : f32
    %max3A_37 = vector.broadcast %max3A_36 : f32 to vector<256x128xf32>
    %max3A_38 = arith.maximumf %add3A_35, %max3A_37 : vector<256x128xf32>
    %dot_general3A_39 = arith.constant dense<0.000000e+00> : vector<256x128xf32>
    %dot_general3A_40 = tpu.matmul %dot_general3A_11, %max3A_38, %dot_general3A_39 {dimension_numbers = #tpu.dot_dimension_numbers<[1], [0], [0], [1], [0, 0, 1, 1], [], []>, precision = #tpu.contract_precision<fp32>, transpose_lhs_hint = false} : vector<256x256xf32>, vector<256x128xf32>, vector<256x128xf32> -> vector<256x128xf32>
    %div3A_41 = vector.broadcast %max3A_14 : vector<256x1xf32> to vector<256x128xf32>
    %div3A_42 = arith.divf %dot_general3A_40, %div3A_41 : vector<256x128xf32>
    %get3A_43 = arith.constant 0 : index
    %get3A_44 = arith.constant 0 : index
    %get3A_45 = vector.load %arg5[%get3A_43, %get3A_44] : memref<128x64xf32, #tpu.memory_space<vmem>>, vector<128x64xf32>
    %dot_general3A_46 = arith.constant dense<0.000000e+00> : vector<256x64xf32>
    %dot_general3A_47 = tpu.matmul %div3A_42, %get3A_45, %dot_general3A_46 {dimension_numbers = #tpu.dot_dimension_numbers<[1], [0], [0], [1], [0, 0, 1, 1], [], []>, transpose_lhs_hint = false} : vector<256x128xf32>, vector<128x64xf32>, vector<256x64xf32> -> vector<256x64xf32>
    %get3A_48 = arith.constant 0 : index
    %get3A_49 = arith.constant 0 : index
    %get3A_50 = vector.load %arg6[%get3A_48, %get3A_49] : memref<1x64xf32, #tpu.memory_space<vmem>>, vector<1x64xf32>
    %add3A_51 = vector.broadcast %get3A_50 : vector<1x64xf32> to vector<256x64xf32>
    %add3A_52 = arith.addf %dot_general3A_47, %add3A_51 : vector<256x64xf32>
    %get3A_53 = arith.constant 0 : index
    %get3A_54 = arith.constant 0 : index
    %get3A_55 = vector.load %arg7[%get3A_53, %get3A_54] : memref<128x64xf32, #tpu.memory_space<vmem>>, vector<128x64xf32>
    %dot_general3A_56 = arith.constant dense<0.000000e+00> : vector<256x64xf32>
    %dot_general3A_57 = tpu.matmul %max3A_38, %get3A_55, %dot_general3A_56 {dimension_numbers = #tpu.dot_dimension_numbers<[1], [0], [0], [1], [0, 0, 1, 1], [], []>, transpose_lhs_hint = false} : vector<256x128xf32>, vector<128x64xf32>, vector<256x64xf32> -> vector<256x64xf32>
    %add3A_58 = arith.addf %add3A_52, %dot_general3A_57 : vector<256x64xf32>
    %max3A_59 = arith.constant 0.000000e+00 : f32
    %max3A_60 = vector.broadcast %max3A_59 : f32 to vector<256x64xf32>
    %max3A_61 = arith.maximumf %add3A_58, %max3A_60 : vector<256x64xf32>
    %swap3A = arith.constant 0 : index
    %swap3A_62 = arith.constant 0 : index
    %swap3A_63 = vector.load %arg8[%swap3A, %swap3A_62] : memref<256x64xf32, #tpu.memory_space<vmem>>, vector<256x64xf32>
    tpu.vector_store %arg8[%swap3A, %swap3A_62], %max3A_61 {strides = array<i32>} : memref<256x64xf32, #tpu.memory_space<vmem>>, vector<256x64xf32>,
    return
  }
}

module attributes {stable_mosaic.version = 14 : i64} {
  func.func @body(%arg0: i32, %arg1: memref<2x2000x128xf32, #tpu.memory_space<vmem>>, %arg2: memref<2x2000x128xf32, #tpu.memory_space<vmem>>, %arg3: memref<2000x128xf32, #tpu.memory_space<vmem>>, %arg4: memref<128x64xf32, #tpu.memory_space<vmem>>, %arg5: memref<1x64xf32, #tpu.memory_space<vmem>>, %arg6: memref<128x64xf32, #tpu.memory_space<vmem>>, %arg7: memref<2000x64xf32, #tpu.memory_space<vmem>>) attributes {dimension_semantics = [#tpu.dimension_semantics<arbitrary>], iteration_bounds = array<i64: 5>, scalar_prefetch = 0 : i64, scratch_operands = 0 : i64, tpu.core_type = #tpu.core_type<tc>, window_params = [{transform_indices = @transform_0, window_bounds = array<i64: 2, 2000, 128>}, {transform_indices = @transform_1, window_bounds = array<i64: 2, 2000, 128>}, {transform_indices = @transform_2, window_bounds = array<i64: 2000, 128>}, {pipeline_mode = #tpu.pipeline_mode<synchronous>, transform_indices = @transform_3, window_bounds = array<i64: 128, 64>}, {pipeline_mode = #tpu.pipeline_mode<synchronous>, transform_indices = @transform_4, window_bounds = array<i64: 1, 64>}, {pipeline_mode = #tpu.pipeline_mode<synchronous>, transform_indices = @transform_5, window_bounds = array<i64: 128, 64>}, {transform_indices = @transform_6, window_bounds = array<i64: 2000, 64>}]} {
    %get3A = arith.constant 0 : index
    %get3A_0 = arith.constant 0 : index
    %get3A_1 = arith.constant 0 : index
    %get3A_2 = vector.load %arg1[%get3A, %get3A_0, %get3A_1] : memref<2x2000x128xf32, #tpu.memory_space<vmem>>, vector<1x2000x128xf32>
    %get3A_3 = vector.shape_cast %get3A_2 : vector<1x2000x128xf32> to vector<2000x128xf32>
    %get3A_4 = arith.constant 1 : index
    %get3A_5 = arith.constant 0 : index
    %get3A_6 = arith.constant 0 : index
    %get3A_7 = vector.load %arg1[%get3A_4, %get3A_5, %get3A_6] : memref<2x2000x128xf32, #tpu.memory_space<vmem>>, vector<1x2000x128xf32>
    %get3A_8 = vector.shape_cast %get3A_7 : vector<1x2000x128xf32> to vector<2000x128xf32>
    %add3A = arith.addf %get3A_3, %get3A_8 : vector<2000x128xf32>
    %get3A_9 = arith.constant 0 : index
    %get3A_10 = arith.constant 0 : index
    %get3A_11 = arith.constant 0 : index
    %get3A_12 = vector.load %arg2[%get3A_9, %get3A_10, %get3A_11] : memref<2x2000x128xf32, #tpu.memory_space<vmem>>, vector<1x2000x128xf32>
    %get3A_13 = vector.shape_cast %get3A_12 : vector<1x2000x128xf32> to vector<2000x128xf32>
    %slice3A = vector.extract_strided_slice %get3A_13 {offsets = [0, 0], sizes = [2000, 1], strides = [1, 1]} : vector<2000x128xf32> to vector<2000x1xf32>
    %get3A_14 = arith.constant 1 : index
    %get3A_15 = arith.constant 0 : index
    %get3A_16 = arith.constant 0 : index
    %get3A_17 = vector.load %arg2[%get3A_14, %get3A_15, %get3A_16] : memref<2x2000x128xf32, #tpu.memory_space<vmem>>, vector<1x2000x128xf32>
    %get3A_18 = vector.shape_cast %get3A_17 : vector<1x2000x128xf32> to vector<2000x128xf32>
    %slice3A_19 = vector.extract_strided_slice %get3A_18 {offsets = [0, 0], sizes = [2000, 1], strides = [1, 1]} : vector<2000x128xf32> to vector<2000x1xf32>
    %add3A_20 = arith.addf %slice3A, %slice3A_19 : vector<2000x1xf32>
    %max3A = arith.constant 1.000000e+00 : f32
    %max3A_21 = vector.broadcast %max3A : f32 to vector<2000x1xf32>
    %max3A_22 = arith.maximumf %add3A_20, %max3A_21 : vector<2000x1xf32>
    %div3A = vector.broadcast %max3A_22 : vector<2000x1xf32> to vector<2000x128xf32>
    %div3A_23 = arith.divf %add3A, %div3A : vector<2000x128xf32>
    %get3A_24 = arith.constant 0 : index
    %get3A_25 = arith.constant 0 : index
    %get3A_26 = vector.load %arg4[%get3A_24, %get3A_25] : memref<128x64xf32, #tpu.memory_space<vmem>>, vector<128x64xf32>
    %dot_general3A = arith.constant dense<0.000000e+00> : vector<2000x64xf32>
    %dot_general3A_27 = tpu.matmul %div3A_23, %get3A_26, %dot_general3A {dimension_numbers = #tpu.dot_dimension_numbers<[1], [0], [0], [1], [0, 0, 1, 1], [], []>, transpose_lhs_hint = false} : vector<2000x128xf32>, vector<128x64xf32>, vector<2000x64xf32> -> vector<2000x64xf32>
    %get3A_28 = arith.constant 0 : index
    %get3A_29 = arith.constant 0 : index
    %get3A_30 = vector.load %arg5[%get3A_28, %get3A_29] : memref<1x64xf32, #tpu.memory_space<vmem>>, vector<1x64xf32>
    %add3A_31 = vector.broadcast %get3A_30 : vector<1x64xf32> to vector<2000x64xf32>
    %add3A_32 = arith.addf %dot_general3A_27, %add3A_31 : vector<2000x64xf32>
    %get3A_33 = arith.constant 0 : index
    %get3A_34 = arith.constant 0 : index
    %get3A_35 = vector.load %arg3[%get3A_33, %get3A_34] : memref<2000x128xf32, #tpu.memory_space<vmem>>, vector<2000x128xf32>
    %get3A_36 = arith.constant 0 : index
    %get3A_37 = arith.constant 0 : index
    %get3A_38 = vector.load %arg6[%get3A_36, %get3A_37] : memref<128x64xf32, #tpu.memory_space<vmem>>, vector<128x64xf32>
    %dot_general3A_39 = arith.constant dense<0.000000e+00> : vector<2000x64xf32>
    %dot_general3A_40 = tpu.matmul %get3A_35, %get3A_38, %dot_general3A_39 {dimension_numbers = #tpu.dot_dimension_numbers<[1], [0], [0], [1], [0, 0, 1, 1], [], []>, transpose_lhs_hint = false} : vector<2000x128xf32>, vector<128x64xf32>, vector<2000x64xf32> -> vector<2000x64xf32>
    %add3A_41 = arith.addf %add3A_32, %dot_general3A_40 : vector<2000x64xf32>
    %max3A_42 = arith.constant 0.000000e+00 : f32
    %max3A_43 = vector.broadcast %max3A_42 : f32 to vector<2000x64xf32>
    %max3A_44 = arith.maximumf %add3A_41, %max3A_43 : vector<2000x64xf32>
    %swap3A = arith.constant 0 : index
    %swap3A_45 = arith.constant 0 : index
    %swap3A_46 = vector.load %arg7[%swap3A, %swap3A_45] : memref<2000x64xf32, #tpu.memory_space<vmem>>, vector<2000x64xf32>
    tpu.vector_store %arg7[%swap3A, %swap3A_45], %max3A_44 {strides = array<i32>} : memref<2000x64xf32, #tpu.memory_space<vmem>>, vector<2000x64xf32>,
    return
  }
  func.func @transform_0(%arg0: i32) -> (i32, i32, i32) {
    %c0_i32 = arith.constant 0 : i32
    %c0_i32_0 = arith.constant 0 : i32
    %c0_i32_1 = arith.constant 0 : i32
    return %c0_i32, %arg0, %c0_i32_0 : i32, i32, i32
  }
  func.func @transform_1(%arg0: i32) -> (i32, i32, i32) {
    %c0_i32 = arith.constant 0 : i32
    %c0_i32_0 = arith.constant 0 : i32
    %c0_i32_1 = arith.constant 0 : i32
    return %c0_i32, %arg0, %c0_i32_0 : i32, i32, i32
  }
  func.func @transform_2(%arg0: i32) -> (i32, i32) {
    %c0_i32 = arith.constant 0 : i32
    %c0_i32_0 = arith.constant 0 : i32
    return %arg0, %c0_i32 : i32, i32
  }
  func.func @transform_3(%arg0: i32) -> (i32, i32) {
    %c0_i32 = arith.constant 0 : i32
    %c0_i32_0 = arith.constant 0 : i32
    %c0_i32_1 = arith.constant 0 : i32
    return %c0_i32, %c0_i32_0 : i32, i32
  }
  func.func @transform_4(%arg0: i32) -> (i32, i32) {
    %c0_i32 = arith.constant 0 : i32
    %c0_i32_0 = arith.constant 0 : i32
    %c0_i32_1 = arith.constant 0 : i32
    return %c0_i32, %c0_i32_0 : i32, i32
  }
  func.func @transform_5(%arg0: i32) -> (i32, i32) {
    %c0_i32 = arith.constant 0 : i32
    %c0_i32_0 = arith.constant 0 : i32
    %c0_i32_1 = arith.constant 0 : i32
    return %c0_i32, %c0_i32_0 : i32, i32
  }
  func.func @transform_6(%arg0: i32) -> (i32, i32) {
    %c0_i32 = arith.constant 0 : i32
    %c0_i32_0 = arith.constant 0 : i32
    return %arg0, %c0_i32 : i32, i32
  }
}

module attributes {stable_mosaic.version = 14 : i64} {
  func.func @body(%arg0: memref<10240x64xf32, #tpu.memory_space<vmem>>, %arg1: memref<256x64xf32, #tpu.memory_space<vmem>>, %arg2: memref<8x10240xi32, #tpu.memory_space<vmem>>, %arg3: memref<16x64xi32, #tpu.memory_space<vmem>>) attributes {dimension_semantics = [], scalar_prefetch = 0 : i64, scratch_operands = 0 : i64, tpu.core_type = #tpu.core_type<tc>} {
    %get3A = arith.constant 0 : index
    %get3A_0 = arith.constant 0 : index
    %get3A_1 = vector.load %arg0[%get3A, %get3A_0] : memref<10240x64xf32, #tpu.memory_space<vmem>>, vector<10240x64xf32>
    %get3A_2 = arith.constant 198 : index
    %get3A_3 = arith.constant 0 : index
    %get3A_4 = vector.load %arg1[%get3A_2, %get3A_3] : memref<256x64xf32, #tpu.memory_space<vmem>>, vector<1x64xf32>
    %broadcast_in_dim3A = arith.constant 1.000000e+00 : f32
    %broadcast_in_dim3A_5 = vector.broadcast %broadcast_in_dim3A : f32 to vector<1x64xf32>
    %dot_general3A = arith.constant dense<0.000000e+00> : vector<1x10240xf32>
    %dot_general3A_6 = tpu.matmul %get3A_4, %get3A_1, %dot_general3A {dimension_numbers = #tpu.dot_dimension_numbers<[1], [1], [0], [0], [0, 0, 1, 0], [], []>, transpose_lhs_hint = false} : vector<1x64xf32>, vector<10240x64xf32>, vector<1x10240xf32> -> vector<1x10240xf32>
    %mul3A = arith.mulf %get3A_1, %get3A_1 : vector<10240x64xf32>
    %dot_general3A_7 = arith.constant dense<0.000000e+00> : vector<1x10240xf32>
    %dot_general3A_8 = tpu.matmul %broadcast_in_dim3A_5, %mul3A, %dot_general3A_7 {dimension_numbers = #tpu.dot_dimension_numbers<[1], [1], [0], [0], [0, 0, 1, 0], [], []>, precision = #tpu.contract_precision<fp32>, transpose_lhs_hint = false} : vector<1x64xf32>, vector<10240x64xf32>, vector<1x10240xf32> -> vector<1x10240xf32>
    %mul3A_9 = arith.mulf %get3A_4, %get3A_4 : vector<1x64xf32>
    %reduce_sum3A = arith.constant dense<0.000000e+00> : vector<1xf32>
    %reduce_sum3A_10 = vector.multi_reduction <add>, %mul3A_9, %reduce_sum3A [1] : vector<1x64xf32> to vector<1xf32>
    %broadcast_in_dim3A_11 = vector.shape_cast %reduce_sum3A_10 : vector<1xf32> to vector<1x1xf32>
    %add3A = vector.broadcast %broadcast_in_dim3A_11 : vector<1x1xf32> to vector<1x10240xf32>
    %add3A_12 = arith.addf %dot_general3A_8, %add3A : vector<1x10240xf32>
    %mul3A_13 = arith.constant 2.000000e+00 : f32
    %mul3A_14 = vector.broadcast %mul3A_13 : f32 to vector<1x10240xf32>
    %mul3A_15 = arith.mulf %mul3A_14, %dot_general3A_6 : vector<1x10240xf32>
    %sub3A = arith.subf %add3A_12, %mul3A_15 : vector<1x10240xf32>
    %max3A = arith.constant 0.000000e+00 : f32
    %max3A_16 = vector.broadcast %max3A : f32 to vector<1x10240xf32>
    %max3A_17 = arith.maximumf %sub3A, %max3A_16 : vector<1x10240xf32>
    %add3A_18 = arith.constant 9.99999996E-13 : f32
    %add3A_19 = vector.broadcast %add3A_18 : f32 to vector<1x10240xf32>
    %add3A_20 = arith.addf %max3A_17, %add3A_19 : vector<1x10240xf32>
    %sqrt3A = math.sqrt %add3A_20 : vector<1x10240xf32>
    %get3A_21 = arith.constant 0 : index
    %get3A_22 = arith.constant 0 : index
    %get3A_23 = vector.load %arg2[%get3A_21, %get3A_22] : memref<8x10240xi32, #tpu.memory_space<vmem>>, vector<1x10240xi32>
    %iota3A = tpu.iota {dimensions = array<i32: 0>} : vector<16x10240xi32>
    %eq3A = vector.broadcast %get3A_23 : vector<1x10240xi32> to vector<16x10240xi32>
    %eq3A_24 = arith.cmpi eq, %eq3A, %iota3A : vector<16x10240xi32>
    %jit3A = arith.constant 0xFF800000 : f32
    %broadcast_in_dim3A_25 = vector.shape_cast %sqrt3A : vector<1x10240xf32> to vector<1x10240xf32>
    %broadcast_in_dim3A_26 = vector.broadcast %broadcast_in_dim3A_25 : vector<1x10240xf32> to vector<16x10240xf32>
    %broadcast_in_dim3A_27 = vector.broadcast %jit3A : f32 to vector<16x10240xf32>
    %select_n3A = arith.select %eq3A_24, %broadcast_in_dim3A_26, %broadcast_in_dim3A_27 : vector<16x10240xi1>, vector<16x10240xf32>
    %convert_element_type3A = arith.extui %eq3A_24 : vector<16x10240xi1> to vector<16x10240xi32>
    %reduce_sum3A_28 = arith.constant dense<0> : vector<16xi32>
    %reduce_sum3A_29 = vector.multi_reduction <add>, %convert_element_type3A, %reduce_sum3A_28 [1] : vector<16x10240xi32> to vector<16xi32>
    %broadcast_in_dim3A_30 = vector.shape_cast %reduce_sum3A_29 : vector<16xi32> to vector<16x1xi32>
    %iota3A_31 = tpu.iota {dimensions = array<i32: 1>} : vector<16x10240xi32>
    %reduce_max3A = arith.constant dense<0xFF800000> : vector<16xf32>
    %reduce_max3A_32 = vector.multi_reduction <maximumf>, %select_n3A, %reduce_max3A [1] : vector<16x10240xf32> to vector<16xf32>
    %broadcast_in_dim3A_33 = vector.shape_cast %reduce_max3A_32 : vector<16xf32> to vector<16x1xf32>
    %eq3A_34 = vector.broadcast %broadcast_in_dim3A_33 : vector<16x1xf32> to vector<16x10240xf32>
    %eq3A_35 = arith.cmpf oeq, %select_n3A, %eq3A_34 : vector<16x10240xf32>
    %jit3A_36 = arith.constant 1073741824 : i32
    %broadcast_in_dim3A_37 = vector.broadcast %jit3A_36 : i32 to vector<16x10240xi32>
    %select_n3A_38 = arith.select %eq3A_35, %iota3A_31, %broadcast_in_dim3A_37 : vector<16x10240xi1>, vector<16x10240xi32>
    %reduce_min3A = arith.constant dense<2147483647> : vector<16xi32>
    %reduce_min3A_39 = vector.multi_reduction <minsi>, %select_n3A_38, %reduce_min3A [1] : vector<16x10240xi32> to vector<16xi32>
    %broadcast_in_dim3A_40 = vector.shape_cast %reduce_min3A_39 : vector<16xi32> to vector<16x1xi32>
    %eq3A_41 = vector.broadcast %broadcast_in_dim3A_40 : vector<16x1xi32> to vector<16x10240xi32>
    %eq3A_42 = arith.cmpi eq, %iota3A_31, %eq3A_41 : vector<16x10240xi32>
    %jit3A_43 = arith.constant 0xFF800000 : f32
    %broadcast_in_dim3A_44 = vector.broadcast %jit3A_43 : f32 to vector<16x10240xf32>
    %select_n3A_45 = arith.select %eq3A_42, %broadcast_in_dim3A_44, %select_n3A : vector<16x10240xi1>, vector<16x10240xf32>
    %reduce_max3A_46 = arith.constant dense<0xFF800000> : vector<16xf32>
    %reduce_max3A_47 = vector.multi_reduction <maximumf>, %select_n3A_45, %reduce_max3A_46 [1] : vector<16x10240xf32> to vector<16xf32>
    %broadcast_in_dim3A_48 = vector.shape_cast %reduce_max3A_47 : vector<16xf32> to vector<16x1xf32>
    %eq3A_49 = vector.broadcast %broadcast_in_dim3A_48 : vector<16x1xf32> to vector<16x10240xf32>
    %eq3A_50 = arith.cmpf oeq, %select_n3A_45, %eq3A_49 : vector<16x10240xf32>
    %jit3A_51 = arith.constant 1073741824 : i32
    %broadcast_in_dim3A_52 = vector.broadcast %jit3A_51 : i32 to vector<16x10240xi32>
    %select_n3A_53 = arith.select %eq3A_50, %iota3A_31, %broadcast_in_dim3A_52 : vector<16x10240xi1>, vector<16x10240xi32>
    %reduce_min3A_54 = arith.constant dense<2147483647> : vector<16xi32>
    %reduce_min3A_55 = vector.multi_reduction <minsi>, %select_n3A_53, %reduce_min3A_54 [1] : vector<16x10240xi32> to vector<16xi32>
    %broadcast_in_dim3A_56 = vector.shape_cast %reduce_min3A_55 : vector<16xi32> to vector<16x1xi32>
    %eq3A_57 = vector.broadcast %broadcast_in_dim3A_56 : vector<16x1xi32> to vector<16x10240xi32>
    %eq3A_58 = arith.cmpi eq, %iota3A_31, %eq3A_57 : vector<16x10240xi32>
    %jit3A_59 = arith.constant 0xFF800000 : f32
    %broadcast_in_dim3A_60 = vector.broadcast %jit3A_59 : f32 to vector<16x10240xf32>
    %select_n3A_61 = arith.select %eq3A_58, %broadcast_in_dim3A_60, %select_n3A_45 : vector<16x10240xi1>, vector<16x10240xf32>
    %reduce_max3A_62 = arith.constant dense<0xFF800000> : vector<16xf32>
    %reduce_max3A_63 = vector.multi_reduction <maximumf>, %select_n3A_61, %reduce_max3A_62 [1] : vector<16x10240xf32> to vector<16xf32>
    %broadcast_in_dim3A_64 = vector.shape_cast %reduce_max3A_63 : vector<16xf32> to vector<16x1xf32>
    %eq3A_65 = vector.broadcast %broadcast_in_dim3A_64 : vector<16x1xf32> to vector<16x10240xf32>
    %eq3A_66 = arith.cmpf oeq, %select_n3A_61, %eq3A_65 : vector<16x10240xf32>
    %jit3A_67 = arith.constant 1073741824 : i32
    %broadcast_in_dim3A_68 = vector.broadcast %jit3A_67 : i32 to vector<16x10240xi32>
    %select_n3A_69 = arith.select %eq3A_66, %iota3A_31, %broadcast_in_dim3A_68 : vector<16x10240xi1>, vector<16x10240xi32>
    %reduce_min3A_70 = arith.constant dense<2147483647> : vector<16xi32>
    %reduce_min3A_71 = vector.multi_reduction <minsi>, %select_n3A_69, %reduce_min3A_70 [1] : vector<16x10240xi32> to vector<16xi32>
    %broadcast_in_dim3A_72 = vector.shape_cast %reduce_min3A_71 : vector<16xi32> to vector<16x1xi32>
    %eq3A_73 = vector.broadcast %broadcast_in_dim3A_72 : vector<16x1xi32> to vector<16x10240xi32>
    %eq3A_74 = arith.cmpi eq, %iota3A_31, %eq3A_73 : vector<16x10240xi32>
    %jit3A_75 = arith.constant 0xFF800000 : f32
    %broadcast_in_dim3A_76 = vector.broadcast %jit3A_75 : f32 to vector<16x10240xf32>
    %select_n3A_77 = arith.select %eq3A_74, %broadcast_in_dim3A_76, %select_n3A_61 : vector<16x10240xi1>, vector<16x10240xf32>
    %reduce_max3A_78 = arith.constant dense<0xFF800000> : vector<16xf32>
    %reduce_max3A_79 = vector.multi_reduction <maximumf>, %select_n3A_77, %reduce_max3A_78 [1] : vector<16x10240xf32> to vector<16xf32>
    %broadcast_in_dim3A_80 = vector.shape_cast %reduce_max3A_79 : vector<16xf32> to vector<16x1xf32>
    %eq3A_81 = vector.broadcast %broadcast_in_dim3A_80 : vector<16x1xf32> to vector<16x10240xf32>
    %eq3A_82 = arith.cmpf oeq, %select_n3A_77, %eq3A_81 : vector<16x10240xf32>
    %jit3A_83 = arith.constant 1073741824 : i32
    %broadcast_in_dim3A_84 = vector.broadcast %jit3A_83 : i32 to vector<16x10240xi32>
    %select_n3A_85 = arith.select %eq3A_82, %iota3A_31, %broadcast_in_dim3A_84 : vector<16x10240xi1>, vector<16x10240xi32>
    %reduce_min3A_86 = arith.constant dense<2147483647> : vector<16xi32>
    %reduce_min3A_87 = vector.multi_reduction <minsi>, %select_n3A_85, %reduce_min3A_86 [1] : vector<16x10240xi32> to vector<16xi32>
    %broadcast_in_dim3A_88 = vector.shape_cast %reduce_min3A_87 : vector<16xi32> to vector<16x1xi32>
    %eq3A_89 = vector.broadcast %broadcast_in_dim3A_88 : vector<16x1xi32> to vector<16x10240xi32>
    %eq3A_90 = arith.cmpi eq, %iota3A_31, %eq3A_89 : vector<16x10240xi32>
    %jit3A_91 = arith.constant 0xFF800000 : f32
    %broadcast_in_dim3A_92 = vector.broadcast %jit3A_91 : f32 to vector<16x10240xf32>
    %select_n3A_93 = arith.select %eq3A_90, %broadcast_in_dim3A_92, %select_n3A_77 : vector<16x10240xi1>, vector<16x10240xf32>
    %reduce_max3A_94 = arith.constant dense<0xFF800000> : vector<16xf32>
    %reduce_max3A_95 = vector.multi_reduction <maximumf>, %select_n3A_93, %reduce_max3A_94 [1] : vector<16x10240xf32> to vector<16xf32>
    %broadcast_in_dim3A_96 = vector.shape_cast %reduce_max3A_95 : vector<16xf32> to vector<16x1xf32>
    %eq3A_97 = vector.broadcast %broadcast_in_dim3A_96 : vector<16x1xf32> to vector<16x10240xf32>
    %eq3A_98 = arith.cmpf oeq, %select_n3A_93, %eq3A_97 : vector<16x10240xf32>
    %jit3A_99 = arith.constant 1073741824 : i32
    %broadcast_in_dim3A_100 = vector.broadcast %jit3A_99 : i32 to vector<16x10240xi32>
    %select_n3A_101 = arith.select %eq3A_98, %iota3A_31, %broadcast_in_dim3A_100 : vector<16x10240xi1>, vector<16x10240xi32>
    %reduce_min3A_102 = arith.constant dense<2147483647> : vector<16xi32>
    %reduce_min3A_103 = vector.multi_reduction <minsi>, %select_n3A_101, %reduce_min3A_102 [1] : vector<16x10240xi32> to vector<16xi32>
    %broadcast_in_dim3A_104 = vector.shape_cast %reduce_min3A_103 : vector<16xi32> to vector<16x1xi32>
    %eq3A_105 = vector.broadcast %broadcast_in_dim3A_104 : vector<16x1xi32> to vector<16x10240xi32>
    %eq3A_106 = arith.cmpi eq, %iota3A_31, %eq3A_105 : vector<16x10240xi32>
    %jit3A_107 = arith.constant 0xFF800000 : f32
    %broadcast_in_dim3A_108 = vector.broadcast %jit3A_107 : f32 to vector<16x10240xf32>
    %select_n3A_109 = arith.select %eq3A_106, %broadcast_in_dim3A_108, %select_n3A_93 : vector<16x10240xi1>, vector<16x10240xf32>
    %reduce_max3A_110 = arith.constant dense<0xFF800000> : vector<16xf32>
    %reduce_max3A_111 = vector.multi_reduction <maximumf>, %select_n3A_109, %reduce_max3A_110 [1] : vector<16x10240xf32> to vector<16xf32>
    %broadcast_in_dim3A_112 = vector.shape_cast %reduce_max3A_111 : vector<16xf32> to vector<16x1xf32>
    %eq3A_113 = vector.broadcast %broadcast_in_dim3A_112 : vector<16x1xf32> to vector<16x10240xf32>
    %eq3A_114 = arith.cmpf oeq, %select_n3A_109, %eq3A_113 : vector<16x10240xf32>
    %jit3A_115 = arith.constant 1073741824 : i32
    %broadcast_in_dim3A_116 = vector.broadcast %jit3A_115 : i32 to vector<16x10240xi32>
    %select_n3A_117 = arith.select %eq3A_114, %iota3A_31, %broadcast_in_dim3A_116 : vector<16x10240xi1>, vector<16x10240xi32>
    %reduce_min3A_118 = arith.constant dense<2147483647> : vector<16xi32>
    %reduce_min3A_119 = vector.multi_reduction <minsi>, %select_n3A_117, %reduce_min3A_118 [1] : vector<16x10240xi32> to vector<16xi32>
    %broadcast_in_dim3A_120 = vector.shape_cast %reduce_min3A_119 : vector<16xi32> to vector<16x1xi32>
    %eq3A_121 = vector.broadcast %broadcast_in_dim3A_120 : vector<16x1xi32> to vector<16x10240xi32>
    %eq3A_122 = arith.cmpi eq, %iota3A_31, %eq3A_121 : vector<16x10240xi32>
    %jit3A_123 = arith.constant 0xFF800000 : f32
    %broadcast_in_dim3A_124 = vector.broadcast %jit3A_123 : f32 to vector<16x10240xf32>
    %select_n3A_125 = arith.select %eq3A_122, %broadcast_in_dim3A_124, %select_n3A_109 : vector<16x10240xi1>, vector<16x10240xf32>
    %reduce_max3A_126 = arith.constant dense<0xFF800000> : vector<16xf32>
    %reduce_max3A_127 = vector.multi_reduction <maximumf>, %select_n3A_125, %reduce_max3A_126 [1] : vector<16x10240xf32> to vector<16xf32>
    %broadcast_in_dim3A_128 = vector.shape_cast %reduce_max3A_127 : vector<16xf32> to vector<16x1xf32>
    %eq3A_129 = vector.broadcast %broadcast_in_dim3A_128 : vector<16x1xf32> to vector<16x10240xf32>
    %eq3A_130 = arith.cmpf oeq, %select_n3A_125, %eq3A_129 : vector<16x10240xf32>
    %jit3A_131 = arith.constant 1073741824 : i32
    %broadcast_in_dim3A_132 = vector.broadcast %jit3A_131 : i32 to vector<16x10240xi32>
    %select_n3A_133 = arith.select %eq3A_130, %iota3A_31, %broadcast_in_dim3A_132 : vector<16x10240xi1>, vector<16x10240xi32>
    %reduce_min3A_134 = arith.constant dense<2147483647> : vector<16xi32>
    %reduce_min3A_135 = vector.multi_reduction <minsi>, %select_n3A_133, %reduce_min3A_134 [1] : vector<16x10240xi32> to vector<16xi32>
    %broadcast_in_dim3A_136 = vector.shape_cast %reduce_min3A_135 : vector<16xi32> to vector<16x1xi32>
    %eq3A_137 = vector.broadcast %broadcast_in_dim3A_136 : vector<16x1xi32> to vector<16x10240xi32>
    %eq3A_138 = arith.cmpi eq, %iota3A_31, %eq3A_137 : vector<16x10240xi32>
    %jit3A_139 = arith.constant 0xFF800000 : f32
    %broadcast_in_dim3A_140 = vector.broadcast %jit3A_139 : f32 to vector<16x10240xf32>
    %select_n3A_141 = arith.select %eq3A_138, %broadcast_in_dim3A_140, %select_n3A_125 : vector<16x10240xi1>, vector<16x10240xf32>
    %reduce_max3A_142 = arith.constant dense<0xFF800000> : vector<16xf32>
    %reduce_max3A_143 = vector.multi_reduction <maximumf>, %select_n3A_141, %reduce_max3A_142 [1] : vector<16x10240xf32> to vector<16xf32>
    %broadcast_in_dim3A_144 = vector.shape_cast %reduce_max3A_143 : vector<16xf32> to vector<16x1xf32>
    %eq3A_145 = vector.broadcast %broadcast_in_dim3A_144 : vector<16x1xf32> to vector<16x10240xf32>
    %eq3A_146 = arith.cmpf oeq, %select_n3A_141, %eq3A_145 : vector<16x10240xf32>
    %jit3A_147 = arith.constant 1073741824 : i32
    %broadcast_in_dim3A_148 = vector.broadcast %jit3A_147 : i32 to vector<16x10240xi32>
    %select_n3A_149 = arith.select %eq3A_146, %iota3A_31, %broadcast_in_dim3A_148 : vector<16x10240xi1>, vector<16x10240xi32>
    %reduce_min3A_150 = arith.constant dense<2147483647> : vector<16xi32>
    %reduce_min3A_151 = vector.multi_reduction <minsi>, %select_n3A_149, %reduce_min3A_150 [1] : vector<16x10240xi32> to vector<16xi32>
    %broadcast_in_dim3A_152 = vector.shape_cast %reduce_min3A_151 : vector<16xi32> to vector<16x1xi32>
    %eq3A_153 = vector.broadcast %broadcast_in_dim3A_152 : vector<16x1xi32> to vector<16x10240xi32>
    %eq3A_154 = arith.cmpi eq, %iota3A_31, %eq3A_153 : vector<16x10240xi32>
    %jit3A_155 = arith.constant 0xFF800000 : f32
    %broadcast_in_dim3A_156 = vector.broadcast %jit3A_155 : f32 to vector<16x10240xf32>
    %select_n3A_157 = arith.select %eq3A_154, %broadcast_in_dim3A_156, %select_n3A_141 : vector<16x10240xi1>, vector<16x10240xf32>
    %reduce_max3A_158 = arith.constant dense<0xFF800000> : vector<16xf32>
    %reduce_max3A_159 = vector.multi_reduction <maximumf>, %select_n3A_157, %reduce_max3A_158 [1] : vector<16x10240xf32> to vector<16xf32>
    %broadcast_in_dim3A_160 = vector.shape_cast %reduce_max3A_159 : vector<16xf32> to vector<16x1xf32>
    %eq3A_161 = vector.broadcast %broadcast_in_dim3A_160 : vector<16x1xf32> to vector<16x10240xf32>
    %eq3A_162 = arith.cmpf oeq, %select_n3A_157, %eq3A_161 : vector<16x10240xf32>
    %jit3A_163 = arith.constant 1073741824 : i32
    %broadcast_in_dim3A_164 = vector.broadcast %jit3A_163 : i32 to vector<16x10240xi32>
    %select_n3A_165 = arith.select %eq3A_162, %iota3A_31, %broadcast_in_dim3A_164 : vector<16x10240xi1>, vector<16x10240xi32>
    %reduce_min3A_166 = arith.constant dense<2147483647> : vector<16xi32>
    %reduce_min3A_167 = vector.multi_reduction <minsi>, %select_n3A_165, %reduce_min3A_166 [1] : vector<16x10240xi32> to vector<16xi32>
    %broadcast_in_dim3A_168 = vector.shape_cast %reduce_min3A_167 : vector<16xi32> to vector<16x1xi32>
    %eq3A_169 = vector.broadcast %broadcast_in_dim3A_168 : vector<16x1xi32> to vector<16x10240xi32>
    %eq3A_170 = arith.cmpi eq, %iota3A_31, %eq3A_169 : vector<16x10240xi32>
    %jit3A_171 = arith.constant 0xFF800000 : f32
    %broadcast_in_dim3A_172 = vector.broadcast %jit3A_171 : f32 to vector<16x10240xf32>
    %select_n3A_173 = arith.select %eq3A_170, %broadcast_in_dim3A_172, %select_n3A_157 : vector<16x10240xi1>, vector<16x10240xf32>
    %reduce_max3A_174 = arith.constant dense<0xFF800000> : vector<16xf32>
    %reduce_max3A_175 = vector.multi_reduction <maximumf>, %select_n3A_173, %reduce_max3A_174 [1] : vector<16x10240xf32> to vector<16xf32>
    %broadcast_in_dim3A_176 = vector.shape_cast %reduce_max3A_175 : vector<16xf32> to vector<16x1xf32>
    %eq3A_177 = vector.broadcast %broadcast_in_dim3A_176 : vector<16x1xf32> to vector<16x10240xf32>
    %eq3A_178 = arith.cmpf oeq, %select_n3A_173, %eq3A_177 : vector<16x10240xf32>
    %jit3A_179 = arith.constant 1073741824 : i32
    %broadcast_in_dim3A_180 = vector.broadcast %jit3A_179 : i32 to vector<16x10240xi32>
    %select_n3A_181 = arith.select %eq3A_178, %iota3A_31, %broadcast_in_dim3A_180 : vector<16x10240xi1>, vector<16x10240xi32>
    %reduce_min3A_182 = arith.constant dense<2147483647> : vector<16xi32>
    %reduce_min3A_183 = vector.multi_reduction <minsi>, %select_n3A_181, %reduce_min3A_182 [1] : vector<16x10240xi32> to vector<16xi32>
    %broadcast_in_dim3A_184 = vector.shape_cast %reduce_min3A_183 : vector<16xi32> to vector<16x1xi32>
    %eq3A_185 = vector.broadcast %broadcast_in_dim3A_184 : vector<16x1xi32> to vector<16x10240xi32>
    %eq3A_186 = arith.cmpi eq, %iota3A_31, %eq3A_185 : vector<16x10240xi32>
    %jit3A_187 = arith.constant 0xFF800000 : f32
    %broadcast_in_dim3A_188 = vector.broadcast %jit3A_187 : f32 to vector<16x10240xf32>
    %select_n3A_189 = arith.select %eq3A_186, %broadcast_in_dim3A_188, %select_n3A_173 : vector<16x10240xi1>, vector<16x10240xf32>
    %reduce_max3A_190 = arith.constant dense<0xFF800000> : vector<16xf32>
    %reduce_max3A_191 = vector.multi_reduction <maximumf>, %select_n3A_189, %reduce_max3A_190 [1] : vector<16x10240xf32> to vector<16xf32>
    %broadcast_in_dim3A_192 = vector.shape_cast %reduce_max3A_191 : vector<16xf32> to vector<16x1xf32>
    %eq3A_193 = vector.broadcast %broadcast_in_dim3A_192 : vector<16x1xf32> to vector<16x10240xf32>
    %eq3A_194 = arith.cmpf oeq, %select_n3A_189, %eq3A_193 : vector<16x10240xf32>
    %jit3A_195 = arith.constant 1073741824 : i32
    %broadcast_in_dim3A_196 = vector.broadcast %jit3A_195 : i32 to vector<16x10240xi32>
    %select_n3A_197 = arith.select %eq3A_194, %iota3A_31, %broadcast_in_dim3A_196 : vector<16x10240xi1>, vector<16x10240xi32>
    %reduce_min3A_198 = arith.constant dense<2147483647> : vector<16xi32>
    %reduce_min3A_199 = vector.multi_reduction <minsi>, %select_n3A_197, %reduce_min3A_198 [1] : vector<16x10240xi32> to vector<16xi32>
    %broadcast_in_dim3A_200 = vector.shape_cast %reduce_min3A_199 : vector<16xi32> to vector<16x1xi32>
    %eq3A_201 = vector.broadcast %broadcast_in_dim3A_200 : vector<16x1xi32> to vector<16x10240xi32>
    %eq3A_202 = arith.cmpi eq, %iota3A_31, %eq3A_201 : vector<16x10240xi32>
    %jit3A_203 = arith.constant 0xFF800000 : f32
    %broadcast_in_dim3A_204 = vector.broadcast %jit3A_203 : f32 to vector<16x10240xf32>
    %select_n3A_205 = arith.select %eq3A_202, %broadcast_in_dim3A_204, %select_n3A_189 : vector<16x10240xi1>, vector<16x10240xf32>
    %reduce_max3A_206 = arith.constant dense<0xFF800000> : vector<16xf32>
    %reduce_max3A_207 = vector.multi_reduction <maximumf>, %select_n3A_205, %reduce_max3A_206 [1] : vector<16x10240xf32> to vector<16xf32>
    %broadcast_in_dim3A_208 = vector.shape_cast %reduce_max3A_207 : vector<16xf32> to vector<16x1xf32>
    %eq3A_209 = vector.broadcast %broadcast_in_dim3A_208 : vector<16x1xf32> to vector<16x10240xf32>
    %eq3A_210 = arith.cmpf oeq, %select_n3A_205, %eq3A_209 : vector<16x10240xf32>
    %jit3A_211 = arith.constant 1073741824 : i32
    %broadcast_in_dim3A_212 = vector.broadcast %jit3A_211 : i32 to vector<16x10240xi32>
    %select_n3A_213 = arith.select %eq3A_210, %iota3A_31, %broadcast_in_dim3A_212 : vector<16x10240xi1>, vector<16x10240xi32>
    %reduce_min3A_214 = arith.constant dense<2147483647> : vector<16xi32>
    %reduce_min3A_215 = vector.multi_reduction <minsi>, %select_n3A_213, %reduce_min3A_214 [1] : vector<16x10240xi32> to vector<16xi32>
    %broadcast_in_dim3A_216 = vector.shape_cast %reduce_min3A_215 : vector<16xi32> to vector<16x1xi32>
    %eq3A_217 = vector.broadcast %broadcast_in_dim3A_216 : vector<16x1xi32> to vector<16x10240xi32>
    %eq3A_218 = arith.cmpi eq, %iota3A_31, %eq3A_217 : vector<16x10240xi32>
    %jit3A_219 = arith.constant 0xFF800000 : f32
    %broadcast_in_dim3A_220 = vector.broadcast %jit3A_219 : f32 to vector<16x10240xf32>
    %select_n3A_221 = arith.select %eq3A_218, %broadcast_in_dim3A_220, %select_n3A_205 : vector<16x10240xi1>, vector<16x10240xf32>
    %reduce_max3A_222 = arith.constant dense<0xFF800000> : vector<16xf32>
    %reduce_max3A_223 = vector.multi_reduction <maximumf>, %select_n3A_221, %reduce_max3A_222 [1] : vector<16x10240xf32> to vector<16xf32>
    %broadcast_in_dim3A_224 = vector.shape_cast %reduce_max3A_223 : vector<16xf32> to vector<16x1xf32>
    %eq3A_225 = vector.broadcast %broadcast_in_dim3A_224 : vector<16x1xf32> to vector<16x10240xf32>
    %eq3A_226 = arith.cmpf oeq, %select_n3A_221, %eq3A_225 : vector<16x10240xf32>
    %jit3A_227 = arith.constant 1073741824 : i32
    %broadcast_in_dim3A_228 = vector.broadcast %jit3A_227 : i32 to vector<16x10240xi32>
    %select_n3A_229 = arith.select %eq3A_226, %iota3A_31, %broadcast_in_dim3A_228 : vector<16x10240xi1>, vector<16x10240xi32>
    %reduce_min3A_230 = arith.constant dense<2147483647> : vector<16xi32>
    %reduce_min3A_231 = vector.multi_reduction <minsi>, %select_n3A_229, %reduce_min3A_230 [1] : vector<16x10240xi32> to vector<16xi32>
    %broadcast_in_dim3A_232 = vector.shape_cast %reduce_min3A_231 : vector<16xi32> to vector<16x1xi32>
    %eq3A_233 = vector.broadcast %broadcast_in_dim3A_232 : vector<16x1xi32> to vector<16x10240xi32>
    %eq3A_234 = arith.cmpi eq, %iota3A_31, %eq3A_233 : vector<16x10240xi32>
    %jit3A_235 = arith.constant 0xFF800000 : f32
    %broadcast_in_dim3A_236 = vector.broadcast %jit3A_235 : f32 to vector<16x10240xf32>
    %select_n3A_237 = arith.select %eq3A_234, %broadcast_in_dim3A_236, %select_n3A_221 : vector<16x10240xi1>, vector<16x10240xf32>
    %reduce_max3A_238 = arith.constant dense<0xFF800000> : vector<16xf32>
    %reduce_max3A_239 = vector.multi_reduction <maximumf>, %select_n3A_237, %reduce_max3A_238 [1] : vector<16x10240xf32> to vector<16xf32>
    %broadcast_in_dim3A_240 = vector.shape_cast %reduce_max3A_239 : vector<16xf32> to vector<16x1xf32>
    %eq3A_241 = vector.broadcast %broadcast_in_dim3A_240 : vector<16x1xf32> to vector<16x10240xf32>
    %eq3A_242 = arith.cmpf oeq, %select_n3A_237, %eq3A_241 : vector<16x10240xf32>
    %jit3A_243 = arith.constant 1073741824 : i32
    %broadcast_in_dim3A_244 = vector.broadcast %jit3A_243 : i32 to vector<16x10240xi32>
    %select_n3A_245 = arith.select %eq3A_242, %iota3A_31, %broadcast_in_dim3A_244 : vector<16x10240xi1>, vector<16x10240xi32>
    %reduce_min3A_246 = arith.constant dense<2147483647> : vector<16xi32>
    %reduce_min3A_247 = vector.multi_reduction <minsi>, %select_n3A_245, %reduce_min3A_246 [1] : vector<16x10240xi32> to vector<16xi32>
    %broadcast_in_dim3A_248 = vector.shape_cast %reduce_min3A_247 : vector<16xi32> to vector<16x1xi32>
    %eq3A_249 = vector.broadcast %broadcast_in_dim3A_248 : vector<16x1xi32> to vector<16x10240xi32>
    %eq3A_250 = arith.cmpi eq, %iota3A_31, %eq3A_249 : vector<16x10240xi32>
    %jit3A_251 = arith.constant 0xFF800000 : f32
    %broadcast_in_dim3A_252 = vector.broadcast %jit3A_251 : f32 to vector<16x10240xf32>
    %select_n3A_253 = arith.select %eq3A_250, %broadcast_in_dim3A_252, %select_n3A_237 : vector<16x10240xi1>, vector<16x10240xf32>
    %reduce_max3A_254 = arith.constant dense<0xFF800000> : vector<16xf32>
    %reduce_max3A_255 = vector.multi_reduction <maximumf>, %select_n3A_253, %reduce_max3A_254 [1] : vector<16x10240xf32> to vector<16xf32>
    %broadcast_in_dim3A_256 = vector.shape_cast %reduce_max3A_255 : vector<16xf32> to vector<16x1xf32>
    %eq3A_257 = vector.broadcast %broadcast_in_dim3A_256 : vector<16x1xf32> to vector<16x10240xf32>
    %eq3A_258 = arith.cmpf oeq, %select_n3A_253, %eq3A_257 : vector<16x10240xf32>
    %jit3A_259 = arith.constant 1073741824 : i32
    %broadcast_in_dim3A_260 = vector.broadcast %jit3A_259 : i32 to vector<16x10240xi32>
    %select_n3A_261 = arith.select %eq3A_258, %iota3A_31, %broadcast_in_dim3A_260 : vector<16x10240xi1>, vector<16x10240xi32>
    %reduce_min3A_262 = arith.constant dense<2147483647> : vector<16xi32>
    %reduce_min3A_263 = vector.multi_reduction <minsi>, %select_n3A_261, %reduce_min3A_262 [1] : vector<16x10240xi32> to vector<16xi32>
    %broadcast_in_dim3A_264 = vector.shape_cast %reduce_min3A_263 : vector<16xi32> to vector<16x1xi32>
    %eq3A_265 = vector.broadcast %broadcast_in_dim3A_264 : vector<16x1xi32> to vector<16x10240xi32>
    %eq3A_266 = arith.cmpi eq, %iota3A_31, %eq3A_265 : vector<16x10240xi32>
    %jit3A_267 = arith.constant 0xFF800000 : f32
    %broadcast_in_dim3A_268 = vector.broadcast %jit3A_267 : f32 to vector<16x10240xf32>
    %select_n3A_269 = arith.select %eq3A_266, %broadcast_in_dim3A_268, %select_n3A_253 : vector<16x10240xi1>, vector<16x10240xf32>
    %reduce_max3A_270 = arith.constant dense<0xFF800000> : vector<16xf32>
    %reduce_max3A_271 = vector.multi_reduction <maximumf>, %select_n3A_269, %reduce_max3A_270 [1] : vector<16x10240xf32> to vector<16xf32>
    %broadcast_in_dim3A_272 = vector.shape_cast %reduce_max3A_271 : vector<16xf32> to vector<16x1xf32>
    %eq3A_273 = vector.broadcast %broadcast_in_dim3A_272 : vector<16x1xf32> to vector<16x10240xf32>
    %eq3A_274 = arith.cmpf oeq, %select_n3A_269, %eq3A_273 : vector<16x10240xf32>
    %jit3A_275 = arith.constant 1073741824 : i32
    %broadcast_in_dim3A_276 = vector.broadcast %jit3A_275 : i32 to vector<16x10240xi32>
    %select_n3A_277 = arith.select %eq3A_274, %iota3A_31, %broadcast_in_dim3A_276 : vector<16x10240xi1>, vector<16x10240xi32>
    %reduce_min3A_278 = arith.constant dense<2147483647> : vector<16xi32>
    %reduce_min3A_279 = vector.multi_reduction <minsi>, %select_n3A_277, %reduce_min3A_278 [1] : vector<16x10240xi32> to vector<16xi32>
    %broadcast_in_dim3A_280 = vector.shape_cast %reduce_min3A_279 : vector<16xi32> to vector<16x1xi32>
    %eq3A_281 = vector.broadcast %broadcast_in_dim3A_280 : vector<16x1xi32> to vector<16x10240xi32>
    %eq3A_282 = arith.cmpi eq, %iota3A_31, %eq3A_281 : vector<16x10240xi32>
    %jit3A_283 = arith.constant 0xFF800000 : f32
    %broadcast_in_dim3A_284 = vector.broadcast %jit3A_283 : f32 to vector<16x10240xf32>
    %select_n3A_285 = arith.select %eq3A_282, %broadcast_in_dim3A_284, %select_n3A_269 : vector<16x10240xi1>, vector<16x10240xf32>
    %reduce_max3A_286 = arith.constant dense<0xFF800000> : vector<16xf32>
    %reduce_max3A_287 = vector.multi_reduction <maximumf>, %select_n3A_285, %reduce_max3A_286 [1] : vector<16x10240xf32> to vector<16xf32>
    %broadcast_in_dim3A_288 = vector.shape_cast %reduce_max3A_287 : vector<16xf32> to vector<16x1xf32>
    %eq3A_289 = vector.broadcast %broadcast_in_dim3A_288 : vector<16x1xf32> to vector<16x10240xf32>
    %eq3A_290 = arith.cmpf oeq, %select_n3A_285, %eq3A_289 : vector<16x10240xf32>
    %jit3A_291 = arith.constant 1073741824 : i32
    %broadcast_in_dim3A_292 = vector.broadcast %jit3A_291 : i32 to vector<16x10240xi32>
    %select_n3A_293 = arith.select %eq3A_290, %iota3A_31, %broadcast_in_dim3A_292 : vector<16x10240xi1>, vector<16x10240xi32>
    %reduce_min3A_294 = arith.constant dense<2147483647> : vector<16xi32>
    %reduce_min3A_295 = vector.multi_reduction <minsi>, %select_n3A_293, %reduce_min3A_294 [1] : vector<16x10240xi32> to vector<16xi32>
    %broadcast_in_dim3A_296 = vector.shape_cast %reduce_min3A_295 : vector<16xi32> to vector<16x1xi32>
    %eq3A_297 = vector.broadcast %broadcast_in_dim3A_296 : vector<16x1xi32> to vector<16x10240xi32>
    %eq3A_298 = arith.cmpi eq, %iota3A_31, %eq3A_297 : vector<16x10240xi32>
    %jit3A_299 = arith.constant 0xFF800000 : f32
    %broadcast_in_dim3A_300 = vector.broadcast %jit3A_299 : f32 to vector<16x10240xf32>
    %select_n3A_301 = arith.select %eq3A_298, %broadcast_in_dim3A_300, %select_n3A_285 : vector<16x10240xi1>, vector<16x10240xf32>
    %reduce_max3A_302 = arith.constant dense<0xFF800000> : vector<16xf32>
    %reduce_max3A_303 = vector.multi_reduction <maximumf>, %select_n3A_301, %reduce_max3A_302 [1] : vector<16x10240xf32> to vector<16xf32>
    %broadcast_in_dim3A_304 = vector.shape_cast %reduce_max3A_303 : vector<16xf32> to vector<16x1xf32>
    %eq3A_305 = vector.broadcast %broadcast_in_dim3A_304 : vector<16x1xf32> to vector<16x10240xf32>
    %eq3A_306 = arith.cmpf oeq, %select_n3A_301, %eq3A_305 : vector<16x10240xf32>
    %jit3A_307 = arith.constant 1073741824 : i32
    %broadcast_in_dim3A_308 = vector.broadcast %jit3A_307 : i32 to vector<16x10240xi32>
    %select_n3A_309 = arith.select %eq3A_306, %iota3A_31, %broadcast_in_dim3A_308 : vector<16x10240xi1>, vector<16x10240xi32>
    %reduce_min3A_310 = arith.constant dense<2147483647> : vector<16xi32>
    %reduce_min3A_311 = vector.multi_reduction <minsi>, %select_n3A_309, %reduce_min3A_310 [1] : vector<16x10240xi32> to vector<16xi32>
    %broadcast_in_dim3A_312 = vector.shape_cast %reduce_min3A_311 : vector<16xi32> to vector<16x1xi32>
    %eq3A_313 = vector.broadcast %broadcast_in_dim3A_312 : vector<16x1xi32> to vector<16x10240xi32>
    %eq3A_314 = arith.cmpi eq, %iota3A_31, %eq3A_313 : vector<16x10240xi32>
    %jit3A_315 = arith.constant 0xFF800000 : f32
    %broadcast_in_dim3A_316 = vector.broadcast %jit3A_315 : f32 to vector<16x10240xf32>
    %select_n3A_317 = arith.select %eq3A_314, %broadcast_in_dim3A_316, %select_n3A_301 : vector<16x10240xi1>, vector<16x10240xf32>
    %reduce_max3A_318 = arith.constant dense<0xFF800000> : vector<16xf32>
    %reduce_max3A_319 = vector.multi_reduction <maximumf>, %select_n3A_317, %reduce_max3A_318 [1] : vector<16x10240xf32> to vector<16xf32>
    %broadcast_in_dim3A_320 = vector.shape_cast %reduce_max3A_319 : vector<16xf32> to vector<16x1xf32>
    %eq3A_321 = vector.broadcast %broadcast_in_dim3A_320 : vector<16x1xf32> to vector<16x10240xf32>
    %eq3A_322 = arith.cmpf oeq, %select_n3A_317, %eq3A_321 : vector<16x10240xf32>
    %jit3A_323 = arith.constant 1073741824 : i32
    %broadcast_in_dim3A_324 = vector.broadcast %jit3A_323 : i32 to vector<16x10240xi32>
    %select_n3A_325 = arith.select %eq3A_322, %iota3A_31, %broadcast_in_dim3A_324 : vector<16x10240xi1>, vector<16x10240xi32>
    %reduce_min3A_326 = arith.constant dense<2147483647> : vector<16xi32>
    %reduce_min3A_327 = vector.multi_reduction <minsi>, %select_n3A_325, %reduce_min3A_326 [1] : vector<16x10240xi32> to vector<16xi32>
    %broadcast_in_dim3A_328 = vector.shape_cast %reduce_min3A_327 : vector<16xi32> to vector<16x1xi32>
    %eq3A_329 = vector.broadcast %broadcast_in_dim3A_328 : vector<16x1xi32> to vector<16x10240xi32>
    %eq3A_330 = arith.cmpi eq, %iota3A_31, %eq3A_329 : vector<16x10240xi32>
    %jit3A_331 = arith.constant 0xFF800000 : f32
    %broadcast_in_dim3A_332 = vector.broadcast %jit3A_331 : f32 to vector<16x10240xf32>
    %select_n3A_333 = arith.select %eq3A_330, %broadcast_in_dim3A_332, %select_n3A_317 : vector<16x10240xi1>, vector<16x10240xf32>
    %reduce_max3A_334 = arith.constant dense<0xFF800000> : vector<16xf32>
    %reduce_max3A_335 = vector.multi_reduction <maximumf>, %select_n3A_333, %reduce_max3A_334 [1] : vector<16x10240xf32> to vector<16xf32>
    %broadcast_in_dim3A_336 = vector.shape_cast %reduce_max3A_335 : vector<16xf32> to vector<16x1xf32>
    %eq3A_337 = vector.broadcast %broadcast_in_dim3A_336 : vector<16x1xf32> to vector<16x10240xf32>
    %eq3A_338 = arith.cmpf oeq, %select_n3A_333, %eq3A_337 : vector<16x10240xf32>
    %jit3A_339 = arith.constant 1073741824 : i32
    %broadcast_in_dim3A_340 = vector.broadcast %jit3A_339 : i32 to vector<16x10240xi32>
    %select_n3A_341 = arith.select %eq3A_338, %iota3A_31, %broadcast_in_dim3A_340 : vector<16x10240xi1>, vector<16x10240xi32>
    %reduce_min3A_342 = arith.constant dense<2147483647> : vector<16xi32>
    %reduce_min3A_343 = vector.multi_reduction <minsi>, %select_n3A_341, %reduce_min3A_342 [1] : vector<16x10240xi32> to vector<16xi32>
    %broadcast_in_dim3A_344 = vector.shape_cast %reduce_min3A_343 : vector<16xi32> to vector<16x1xi32>
    %eq3A_345 = vector.broadcast %broadcast_in_dim3A_344 : vector<16x1xi32> to vector<16x10240xi32>
    %eq3A_346 = arith.cmpi eq, %iota3A_31, %eq3A_345 : vector<16x10240xi32>
    %jit3A_347 = arith.constant 0xFF800000 : f32
    %broadcast_in_dim3A_348 = vector.broadcast %jit3A_347 : f32 to vector<16x10240xf32>
    %select_n3A_349 = arith.select %eq3A_346, %broadcast_in_dim3A_348, %select_n3A_333 : vector<16x10240xi1>, vector<16x10240xf32>
    %reduce_max3A_350 = arith.constant dense<0xFF800000> : vector<16xf32>
    %reduce_max3A_351 = vector.multi_reduction <maximumf>, %select_n3A_349, %reduce_max3A_350 [1] : vector<16x10240xf32> to vector<16xf32>
    %broadcast_in_dim3A_352 = vector.shape_cast %reduce_max3A_351 : vector<16xf32> to vector<16x1xf32>
    %eq3A_353 = vector.broadcast %broadcast_in_dim3A_352 : vector<16x1xf32> to vector<16x10240xf32>
    %eq3A_354 = arith.cmpf oeq, %select_n3A_349, %eq3A_353 : vector<16x10240xf32>
    %jit3A_355 = arith.constant 1073741824 : i32
    %broadcast_in_dim3A_356 = vector.broadcast %jit3A_355 : i32 to vector<16x10240xi32>
    %select_n3A_357 = arith.select %eq3A_354, %iota3A_31, %broadcast_in_dim3A_356 : vector<16x10240xi1>, vector<16x10240xi32>
    %reduce_min3A_358 = arith.constant dense<2147483647> : vector<16xi32>
    %reduce_min3A_359 = vector.multi_reduction <minsi>, %select_n3A_357, %reduce_min3A_358 [1] : vector<16x10240xi32> to vector<16xi32>
    %broadcast_in_dim3A_360 = vector.shape_cast %reduce_min3A_359 : vector<16xi32> to vector<16x1xi32>
    %eq3A_361 = vector.broadcast %broadcast_in_dim3A_360 : vector<16x1xi32> to vector<16x10240xi32>
    %eq3A_362 = arith.cmpi eq, %iota3A_31, %eq3A_361 : vector<16x10240xi32>
    %jit3A_363 = arith.constant 0xFF800000 : f32
    %broadcast_in_dim3A_364 = vector.broadcast %jit3A_363 : f32 to vector<16x10240xf32>
    %select_n3A_365 = arith.select %eq3A_362, %broadcast_in_dim3A_364, %select_n3A_349 : vector<16x10240xi1>, vector<16x10240xf32>
    %reduce_max3A_366 = arith.constant dense<0xFF800000> : vector<16xf32>
    %reduce_max3A_367 = vector.multi_reduction <maximumf>, %select_n3A_365, %reduce_max3A_366 [1] : vector<16x10240xf32> to vector<16xf32>
    %broadcast_in_dim3A_368 = vector.shape_cast %reduce_max3A_367 : vector<16xf32> to vector<16x1xf32>
    %eq3A_369 = vector.broadcast %broadcast_in_dim3A_368 : vector<16x1xf32> to vector<16x10240xf32>
    %eq3A_370 = arith.cmpf oeq, %select_n3A_365, %eq3A_369 : vector<16x10240xf32>
    %jit3A_371 = arith.constant 1073741824 : i32
    %broadcast_in_dim3A_372 = vector.broadcast %jit3A_371 : i32 to vector<16x10240xi32>
    %select_n3A_373 = arith.select %eq3A_370, %iota3A_31, %broadcast_in_dim3A_372 : vector<16x10240xi1>, vector<16x10240xi32>
    %reduce_min3A_374 = arith.constant dense<2147483647> : vector<16xi32>
    %reduce_min3A_375 = vector.multi_reduction <minsi>, %select_n3A_373, %reduce_min3A_374 [1] : vector<16x10240xi32> to vector<16xi32>
    %broadcast_in_dim3A_376 = vector.shape_cast %reduce_min3A_375 : vector<16xi32> to vector<16x1xi32>
    %eq3A_377 = vector.broadcast %broadcast_in_dim3A_376 : vector<16x1xi32> to vector<16x10240xi32>
    %eq3A_378 = arith.cmpi eq, %iota3A_31, %eq3A_377 : vector<16x10240xi32>
    %jit3A_379 = arith.constant 0xFF800000 : f32
    %broadcast_in_dim3A_380 = vector.broadcast %jit3A_379 : f32 to vector<16x10240xf32>
    %select_n3A_381 = arith.select %eq3A_378, %broadcast_in_dim3A_380, %select_n3A_365 : vector<16x10240xi1>, vector<16x10240xf32>
    %reduce_max3A_382 = arith.constant dense<0xFF800000> : vector<16xf32>
    %reduce_max3A_383 = vector.multi_reduction <maximumf>, %select_n3A_381, %reduce_max3A_382 [1] : vector<16x10240xf32> to vector<16xf32>
    %broadcast_in_dim3A_384 = vector.shape_cast %reduce_max3A_383 : vector<16xf32> to vector<16x1xf32>
    %eq3A_385 = vector.broadcast %broadcast_in_dim3A_384 : vector<16x1xf32> to vector<16x10240xf32>
    %eq3A_386 = arith.cmpf oeq, %select_n3A_381, %eq3A_385 : vector<16x10240xf32>
    %jit3A_387 = arith.constant 1073741824 : i32
    %broadcast_in_dim3A_388 = vector.broadcast %jit3A_387 : i32 to vector<16x10240xi32>
    %select_n3A_389 = arith.select %eq3A_386, %iota3A_31, %broadcast_in_dim3A_388 : vector<16x10240xi1>, vector<16x10240xi32>
    %reduce_min3A_390 = arith.constant dense<2147483647> : vector<16xi32>
    %reduce_min3A_391 = vector.multi_reduction <minsi>, %select_n3A_389, %reduce_min3A_390 [1] : vector<16x10240xi32> to vector<16xi32>
    %broadcast_in_dim3A_392 = vector.shape_cast %reduce_min3A_391 : vector<16xi32> to vector<16x1xi32>
    %eq3A_393 = vector.broadcast %broadcast_in_dim3A_392 : vector<16x1xi32> to vector<16x10240xi32>
    %eq3A_394 = arith.cmpi eq, %iota3A_31, %eq3A_393 : vector<16x10240xi32>
    %jit3A_395 = arith.constant 0xFF800000 : f32
    %broadcast_in_dim3A_396 = vector.broadcast %jit3A_395 : f32 to vector<16x10240xf32>
    %select_n3A_397 = arith.select %eq3A_394, %broadcast_in_dim3A_396, %select_n3A_381 : vector<16x10240xi1>, vector<16x10240xf32>
    %reduce_max3A_398 = arith.constant dense<0xFF800000> : vector<16xf32>
    %reduce_max3A_399 = vector.multi_reduction <maximumf>, %select_n3A_397, %reduce_max3A_398 [1] : vector<16x10240xf32> to vector<16xf32>
    %broadcast_in_dim3A_400 = vector.shape_cast %reduce_max3A_399 : vector<16xf32> to vector<16x1xf32>
    %eq3A_401 = vector.broadcast %broadcast_in_dim3A_400 : vector<16x1xf32> to vector<16x10240xf32>
    %eq3A_402 = arith.cmpf oeq, %select_n3A_397, %eq3A_401 : vector<16x10240xf32>
    %jit3A_403 = arith.constant 1073741824 : i32
    %broadcast_in_dim3A_404 = vector.broadcast %jit3A_403 : i32 to vector<16x10240xi32>
    %select_n3A_405 = arith.select %eq3A_402, %iota3A_31, %broadcast_in_dim3A_404 : vector<16x10240xi1>, vector<16x10240xi32>
    %reduce_min3A_406 = arith.constant dense<2147483647> : vector<16xi32>
    %reduce_min3A_407 = vector.multi_reduction <minsi>, %select_n3A_405, %reduce_min3A_406 [1] : vector<16x10240xi32> to vector<16xi32>
    %broadcast_in_dim3A_408 = vector.shape_cast %reduce_min3A_407 : vector<16xi32> to vector<16x1xi32>
    %eq3A_409 = vector.broadcast %broadcast_in_dim3A_408 : vector<16x1xi32> to vector<16x10240xi32>
    %eq3A_410 = arith.cmpi eq, %iota3A_31, %eq3A_409 : vector<16x10240xi32>
    %jit3A_411 = arith.constant 0xFF800000 : f32
    %broadcast_in_dim3A_412 = vector.broadcast %jit3A_411 : f32 to vector<16x10240xf32>
    %select_n3A_413 = arith.select %eq3A_410, %broadcast_in_dim3A_412, %select_n3A_397 : vector<16x10240xi1>, vector<16x10240xf32>
    %reduce_max3A_414 = arith.constant dense<0xFF800000> : vector<16xf32>
    %reduce_max3A_415 = vector.multi_reduction <maximumf>, %select_n3A_413, %reduce_max3A_414 [1] : vector<16x10240xf32> to vector<16xf32>
    %broadcast_in_dim3A_416 = vector.shape_cast %reduce_max3A_415 : vector<16xf32> to vector<16x1xf32>
    %eq3A_417 = vector.broadcast %broadcast_in_dim3A_416 : vector<16x1xf32> to vector<16x10240xf32>
    %eq3A_418 = arith.cmpf oeq, %select_n3A_413, %eq3A_417 : vector<16x10240xf32>
    %jit3A_419 = arith.constant 1073741824 : i32
    %broadcast_in_dim3A_420 = vector.broadcast %jit3A_419 : i32 to vector<16x10240xi32>
    %select_n3A_421 = arith.select %eq3A_418, %iota3A_31, %broadcast_in_dim3A_420 : vector<16x10240xi1>, vector<16x10240xi32>
    %reduce_min3A_422 = arith.constant dense<2147483647> : vector<16xi32>
    %reduce_min3A_423 = vector.multi_reduction <minsi>, %select_n3A_421, %reduce_min3A_422 [1] : vector<16x10240xi32> to vector<16xi32>
    %broadcast_in_dim3A_424 = vector.shape_cast %reduce_min3A_423 : vector<16xi32> to vector<16x1xi32>
    %eq3A_425 = vector.broadcast %broadcast_in_dim3A_424 : vector<16x1xi32> to vector<16x10240xi32>
    %eq3A_426 = arith.cmpi eq, %iota3A_31, %eq3A_425 : vector<16x10240xi32>
    %jit3A_427 = arith.constant 0xFF800000 : f32
    %broadcast_in_dim3A_428 = vector.broadcast %jit3A_427 : f32 to vector<16x10240xf32>
    %select_n3A_429 = arith.select %eq3A_426, %broadcast_in_dim3A_428, %select_n3A_413 : vector<16x10240xi1>, vector<16x10240xf32>
    %reduce_max3A_430 = arith.constant dense<0xFF800000> : vector<16xf32>
    %reduce_max3A_431 = vector.multi_reduction <maximumf>, %select_n3A_429, %reduce_max3A_430 [1] : vector<16x10240xf32> to vector<16xf32>
    %broadcast_in_dim3A_432 = vector.shape_cast %reduce_max3A_431 : vector<16xf32> to vector<16x1xf32>
    %eq3A_433 = vector.broadcast %broadcast_in_dim3A_432 : vector<16x1xf32> to vector<16x10240xf32>
    %eq3A_434 = arith.cmpf oeq, %select_n3A_429, %eq3A_433 : vector<16x10240xf32>
    %jit3A_435 = arith.constant 1073741824 : i32
    %broadcast_in_dim3A_436 = vector.broadcast %jit3A_435 : i32 to vector<16x10240xi32>
    %select_n3A_437 = arith.select %eq3A_434, %iota3A_31, %broadcast_in_dim3A_436 : vector<16x10240xi1>, vector<16x10240xi32>
    %reduce_min3A_438 = arith.constant dense<2147483647> : vector<16xi32>
    %reduce_min3A_439 = vector.multi_reduction <minsi>, %select_n3A_437, %reduce_min3A_438 [1] : vector<16x10240xi32> to vector<16xi32>
    %broadcast_in_dim3A_440 = vector.shape_cast %reduce_min3A_439 : vector<16xi32> to vector<16x1xi32>
    %eq3A_441 = vector.broadcast %broadcast_in_dim3A_440 : vector<16x1xi32> to vector<16x10240xi32>
    %eq3A_442 = arith.cmpi eq, %iota3A_31, %eq3A_441 : vector<16x10240xi32>
    %jit3A_443 = arith.constant 0xFF800000 : f32
    %broadcast_in_dim3A_444 = vector.broadcast %jit3A_443 : f32 to vector<16x10240xf32>
    %select_n3A_445 = arith.select %eq3A_442, %broadcast_in_dim3A_444, %select_n3A_429 : vector<16x10240xi1>, vector<16x10240xf32>
    %reduce_max3A_446 = arith.constant dense<0xFF800000> : vector<16xf32>
    %reduce_max3A_447 = vector.multi_reduction <maximumf>, %select_n3A_445, %reduce_max3A_446 [1] : vector<16x10240xf32> to vector<16xf32>
    %broadcast_in_dim3A_448 = vector.shape_cast %reduce_max3A_447 : vector<16xf32> to vector<16x1xf32>
    %eq3A_449 = vector.broadcast %broadcast_in_dim3A_448 : vector<16x1xf32> to vector<16x10240xf32>
    %eq3A_450 = arith.cmpf oeq, %select_n3A_445, %eq3A_449 : vector<16x10240xf32>
    %jit3A_451 = arith.constant 1073741824 : i32
    %broadcast_in_dim3A_452 = vector.broadcast %jit3A_451 : i32 to vector<16x10240xi32>
    %select_n3A_453 = arith.select %eq3A_450, %iota3A_31, %broadcast_in_dim3A_452 : vector<16x10240xi1>, vector<16x10240xi32>
    %reduce_min3A_454 = arith.constant dense<2147483647> : vector<16xi32>
    %reduce_min3A_455 = vector.multi_reduction <minsi>, %select_n3A_453, %reduce_min3A_454 [1] : vector<16x10240xi32> to vector<16xi32>
    %broadcast_in_dim3A_456 = vector.shape_cast %reduce_min3A_455 : vector<16xi32> to vector<16x1xi32>
    %eq3A_457 = vector.broadcast %broadcast_in_dim3A_456 : vector<16x1xi32> to vector<16x10240xi32>
    %eq3A_458 = arith.cmpi eq, %iota3A_31, %eq3A_457 : vector<16x10240xi32>
    %jit3A_459 = arith.constant 0xFF800000 : f32
    %broadcast_in_dim3A_460 = vector.broadcast %jit3A_459 : f32 to vector<16x10240xf32>
    %select_n3A_461 = arith.select %eq3A_458, %broadcast_in_dim3A_460, %select_n3A_445 : vector<16x10240xi1>, vector<16x10240xf32>
    %reduce_max3A_462 = arith.constant dense<0xFF800000> : vector<16xf32>
    %reduce_max3A_463 = vector.multi_reduction <maximumf>, %select_n3A_461, %reduce_max3A_462 [1] : vector<16x10240xf32> to vector<16xf32>
    %broadcast_in_dim3A_464 = vector.shape_cast %reduce_max3A_463 : vector<16xf32> to vector<16x1xf32>
    %eq3A_465 = vector.broadcast %broadcast_in_dim3A_464 : vector<16x1xf32> to vector<16x10240xf32>
    %eq3A_466 = arith.cmpf oeq, %select_n3A_461, %eq3A_465 : vector<16x10240xf32>
    %jit3A_467 = arith.constant 1073741824 : i32
    %broadcast_in_dim3A_468 = vector.broadcast %jit3A_467 : i32 to vector<16x10240xi32>
    %select_n3A_469 = arith.select %eq3A_466, %iota3A_31, %broadcast_in_dim3A_468 : vector<16x10240xi1>, vector<16x10240xi32>
    %reduce_min3A_470 = arith.constant dense<2147483647> : vector<16xi32>
    %reduce_min3A_471 = vector.multi_reduction <minsi>, %select_n3A_469, %reduce_min3A_470 [1] : vector<16x10240xi32> to vector<16xi32>
    %broadcast_in_dim3A_472 = vector.shape_cast %reduce_min3A_471 : vector<16xi32> to vector<16x1xi32>
    %eq3A_473 = vector.broadcast %broadcast_in_dim3A_472 : vector<16x1xi32> to vector<16x10240xi32>
    %eq3A_474 = arith.cmpi eq, %iota3A_31, %eq3A_473 : vector<16x10240xi32>
    %jit3A_475 = arith.constant 0xFF800000 : f32
    %broadcast_in_dim3A_476 = vector.broadcast %jit3A_475 : f32 to vector<16x10240xf32>
    %select_n3A_477 = arith.select %eq3A_474, %broadcast_in_dim3A_476, %select_n3A_461 : vector<16x10240xi1>, vector<16x10240xf32>
    %reduce_max3A_478 = arith.constant dense<0xFF800000> : vector<16xf32>
    %reduce_max3A_479 = vector.multi_reduction <maximumf>, %select_n3A_477, %reduce_max3A_478 [1] : vector<16x10240xf32> to vector<16xf32>
    %broadcast_in_dim3A_480 = vector.shape_cast %reduce_max3A_479 : vector<16xf32> to vector<16x1xf32>
    %eq3A_481 = vector.broadcast %broadcast_in_dim3A_480 : vector<16x1xf32> to vector<16x10240xf32>
    %eq3A_482 = arith.cmpf oeq, %select_n3A_477, %eq3A_481 : vector<16x10240xf32>
    %jit3A_483 = arith.constant 1073741824 : i32
    %broadcast_in_dim3A_484 = vector.broadcast %jit3A_483 : i32 to vector<16x10240xi32>
    %select_n3A_485 = arith.select %eq3A_482, %iota3A_31, %broadcast_in_dim3A_484 : vector<16x10240xi1>, vector<16x10240xi32>
    %reduce_min3A_486 = arith.constant dense<2147483647> : vector<16xi32>
    %reduce_min3A_487 = vector.multi_reduction <minsi>, %select_n3A_485, %reduce_min3A_486 [1] : vector<16x10240xi32> to vector<16xi32>
    %broadcast_in_dim3A_488 = vector.shape_cast %reduce_min3A_487 : vector<16xi32> to vector<16x1xi32>
    %eq3A_489 = vector.broadcast %broadcast_in_dim3A_488 : vector<16x1xi32> to vector<16x10240xi32>
    %eq3A_490 = arith.cmpi eq, %iota3A_31, %eq3A_489 : vector<16x10240xi32>
    %jit3A_491 = arith.constant 0xFF800000 : f32
    %broadcast_in_dim3A_492 = vector.broadcast %jit3A_491 : f32 to vector<16x10240xf32>
    %select_n3A_493 = arith.select %eq3A_490, %broadcast_in_dim3A_492, %select_n3A_477 : vector<16x10240xi1>, vector<16x10240xf32>
    %reduce_max3A_494 = arith.constant dense<0xFF800000> : vector<16xf32>
    %reduce_max3A_495 = vector.multi_reduction <maximumf>, %select_n3A_493, %reduce_max3A_494 [1] : vector<16x10240xf32> to vector<16xf32>
    %broadcast_in_dim3A_496 = vector.shape_cast %reduce_max3A_495 : vector<16xf32> to vector<16x1xf32>
    %eq3A_497 = vector.broadcast %broadcast_in_dim3A_496 : vector<16x1xf32> to vector<16x10240xf32>
    %eq3A_498 = arith.cmpf oeq, %select_n3A_493, %eq3A_497 : vector<16x10240xf32>
    %jit3A_499 = arith.constant 1073741824 : i32
    %broadcast_in_dim3A_500 = vector.broadcast %jit3A_499 : i32 to vector<16x10240xi32>
    %select_n3A_501 = arith.select %eq3A_498, %iota3A_31, %broadcast_in_dim3A_500 : vector<16x10240xi1>, vector<16x10240xi32>
    %reduce_min3A_502 = arith.constant dense<2147483647> : vector<16xi32>
    %reduce_min3A_503 = vector.multi_reduction <minsi>, %select_n3A_501, %reduce_min3A_502 [1] : vector<16x10240xi32> to vector<16xi32>
    %broadcast_in_dim3A_504 = vector.shape_cast %reduce_min3A_503 : vector<16xi32> to vector<16x1xi32>
    %eq3A_505 = vector.broadcast %broadcast_in_dim3A_504 : vector<16x1xi32> to vector<16x10240xi32>
    %eq3A_506 = arith.cmpi eq, %iota3A_31, %eq3A_505 : vector<16x10240xi32>
    %jit3A_507 = arith.constant 0xFF800000 : f32
    %broadcast_in_dim3A_508 = vector.broadcast %jit3A_507 : f32 to vector<16x10240xf32>
    %select_n3A_509 = arith.select %eq3A_506, %broadcast_in_dim3A_508, %select_n3A_493 : vector<16x10240xi1>, vector<16x10240xf32>
    %reduce_max3A_510 = arith.constant dense<0xFF800000> : vector<16xf32>
    %reduce_max3A_511 = vector.multi_reduction <maximumf>, %select_n3A_509, %reduce_max3A_510 [1] : vector<16x10240xf32> to vector<16xf32>
    %broadcast_in_dim3A_512 = vector.shape_cast %reduce_max3A_511 : vector<16xf32> to vector<16x1xf32>
    %eq3A_513 = vector.broadcast %broadcast_in_dim3A_512 : vector<16x1xf32> to vector<16x10240xf32>
    %eq3A_514 = arith.cmpf oeq, %select_n3A_509, %eq3A_513 : vector<16x10240xf32>
    %jit3A_515 = arith.constant 1073741824 : i32
    %broadcast_in_dim3A_516 = vector.broadcast %jit3A_515 : i32 to vector<16x10240xi32>
    %select_n3A_517 = arith.select %eq3A_514, %iota3A_31, %broadcast_in_dim3A_516 : vector<16x10240xi1>, vector<16x10240xi32>
    %reduce_min3A_518 = arith.constant dense<2147483647> : vector<16xi32>
    %reduce_min3A_519 = vector.multi_reduction <minsi>, %select_n3A_517, %reduce_min3A_518 [1] : vector<16x10240xi32> to vector<16xi32>
    %broadcast_in_dim3A_520 = vector.shape_cast %reduce_min3A_519 : vector<16xi32> to vector<16x1xi32>
    %eq3A_521 = vector.broadcast %broadcast_in_dim3A_520 : vector<16x1xi32> to vector<16x10240xi32>
    %eq3A_522 = arith.cmpi eq, %iota3A_31, %eq3A_521 : vector<16x10240xi32>
    %jit3A_523 = arith.constant 0xFF800000 : f32
    %broadcast_in_dim3A_524 = vector.broadcast %jit3A_523 : f32 to vector<16x10240xf32>
    %select_n3A_525 = arith.select %eq3A_522, %broadcast_in_dim3A_524, %select_n3A_509 : vector<16x10240xi1>, vector<16x10240xf32>
    %reduce_max3A_526 = arith.constant dense<0xFF800000> : vector<16xf32>
    %reduce_max3A_527 = vector.multi_reduction <maximumf>, %select_n3A_525, %reduce_max3A_526 [1] : vector<16x10240xf32> to vector<16xf32>
    %broadcast_in_dim3A_528 = vector.shape_cast %reduce_max3A_527 : vector<16xf32> to vector<16x1xf32>
    %eq3A_529 = vector.broadcast %broadcast_in_dim3A_528 : vector<16x1xf32> to vector<16x10240xf32>
    %eq3A_530 = arith.cmpf oeq, %select_n3A_525, %eq3A_529 : vector<16x10240xf32>
    %jit3A_531 = arith.constant 1073741824 : i32
    %broadcast_in_dim3A_532 = vector.broadcast %jit3A_531 : i32 to vector<16x10240xi32>
    %select_n3A_533 = arith.select %eq3A_530, %iota3A_31, %broadcast_in_dim3A_532 : vector<16x10240xi1>, vector<16x10240xi32>
    %reduce_min3A_534 = arith.constant dense<2147483647> : vector<16xi32>
    %reduce_min3A_535 = vector.multi_reduction <minsi>, %select_n3A_533, %reduce_min3A_534 [1] : vector<16x10240xi32> to vector<16xi32>
    %broadcast_in_dim3A_536 = vector.shape_cast %reduce_min3A_535 : vector<16xi32> to vector<16x1xi32>
    %eq3A_537 = vector.broadcast %broadcast_in_dim3A_536 : vector<16x1xi32> to vector<16x10240xi32>
    %eq3A_538 = arith.cmpi eq, %iota3A_31, %eq3A_537 : vector<16x10240xi32>
    %jit3A_539 = arith.constant 0xFF800000 : f32
    %broadcast_in_dim3A_540 = vector.broadcast %jit3A_539 : f32 to vector<16x10240xf32>
    %select_n3A_541 = arith.select %eq3A_538, %broadcast_in_dim3A_540, %select_n3A_525 : vector<16x10240xi1>, vector<16x10240xf32>
    %reduce_max3A_542 = arith.constant dense<0xFF800000> : vector<16xf32>
    %reduce_max3A_543 = vector.multi_reduction <maximumf>, %select_n3A_541, %reduce_max3A_542 [1] : vector<16x10240xf32> to vector<16xf32>
    %broadcast_in_dim3A_544 = vector.shape_cast %reduce_max3A_543 : vector<16xf32> to vector<16x1xf32>
    %eq3A_545 = vector.broadcast %broadcast_in_dim3A_544 : vector<16x1xf32> to vector<16x10240xf32>
    %eq3A_546 = arith.cmpf oeq, %select_n3A_541, %eq3A_545 : vector<16x10240xf32>
    %jit3A_547 = arith.constant 1073741824 : i32
    %broadcast_in_dim3A_548 = vector.broadcast %jit3A_547 : i32 to vector<16x10240xi32>
    %select_n3A_549 = arith.select %eq3A_546, %iota3A_31, %broadcast_in_dim3A_548 : vector<16x10240xi1>, vector<16x10240xi32>
    %reduce_min3A_550 = arith.constant dense<2147483647> : vector<16xi32>
    %reduce_min3A_551 = vector.multi_reduction <minsi>, %select_n3A_549, %reduce_min3A_550 [1] : vector<16x10240xi32> to vector<16xi32>
    %broadcast_in_dim3A_552 = vector.shape_cast %reduce_min3A_551 : vector<16xi32> to vector<16x1xi32>
    %eq3A_553 = vector.broadcast %broadcast_in_dim3A_552 : vector<16x1xi32> to vector<16x10240xi32>
    %eq3A_554 = arith.cmpi eq, %iota3A_31, %eq3A_553 : vector<16x10240xi32>
    %jit3A_555 = arith.constant 0xFF800000 : f32
    %broadcast_in_dim3A_556 = vector.broadcast %jit3A_555 : f32 to vector<16x10240xf32>
    %select_n3A_557 = arith.select %eq3A_554, %broadcast_in_dim3A_556, %select_n3A_541 : vector<16x10240xi1>, vector<16x10240xf32>
    %reduce_max3A_558 = arith.constant dense<0xFF800000> : vector<16xf32>
    %reduce_max3A_559 = vector.multi_reduction <maximumf>, %select_n3A_557, %reduce_max3A_558 [1] : vector<16x10240xf32> to vector<16xf32>
    %broadcast_in_dim3A_560 = vector.shape_cast %reduce_max3A_559 : vector<16xf32> to vector<16x1xf32>
    %eq3A_561 = vector.broadcast %broadcast_in_dim3A_560 : vector<16x1xf32> to vector<16x10240xf32>
    %eq3A_562 = arith.cmpf oeq, %select_n3A_557, %eq3A_561 : vector<16x10240xf32>
    %jit3A_563 = arith.constant 1073741824 : i32
    %broadcast_in_dim3A_564 = vector.broadcast %jit3A_563 : i32 to vector<16x10240xi32>
    %select_n3A_565 = arith.select %eq3A_562, %iota3A_31, %broadcast_in_dim3A_564 : vector<16x10240xi1>, vector<16x10240xi32>
    %reduce_min3A_566 = arith.constant dense<2147483647> : vector<16xi32>
    %reduce_min3A_567 = vector.multi_reduction <minsi>, %select_n3A_565, %reduce_min3A_566 [1] : vector<16x10240xi32> to vector<16xi32>
    %broadcast_in_dim3A_568 = vector.shape_cast %reduce_min3A_567 : vector<16xi32> to vector<16x1xi32>
    %eq3A_569 = vector.broadcast %broadcast_in_dim3A_568 : vector<16x1xi32> to vector<16x10240xi32>
    %eq3A_570 = arith.cmpi eq, %iota3A_31, %eq3A_569 : vector<16x10240xi32>
    %jit3A_571 = arith.constant 0xFF800000 : f32
    %broadcast_in_dim3A_572 = vector.broadcast %jit3A_571 : f32 to vector<16x10240xf32>
    %select_n3A_573 = arith.select %eq3A_570, %broadcast_in_dim3A_572, %select_n3A_557 : vector<16x10240xi1>, vector<16x10240xf32>
    %reduce_max3A_574 = arith.constant dense<0xFF800000> : vector<16xf32>
    %reduce_max3A_575 = vector.multi_reduction <maximumf>, %select_n3A_573, %reduce_max3A_574 [1] : vector<16x10240xf32> to vector<16xf32>
    %broadcast_in_dim3A_576 = vector.shape_cast %reduce_max3A_575 : vector<16xf32> to vector<16x1xf32>
    %eq3A_577 = vector.broadcast %broadcast_in_dim3A_576 : vector<16x1xf32> to vector<16x10240xf32>
    %eq3A_578 = arith.cmpf oeq, %select_n3A_573, %eq3A_577 : vector<16x10240xf32>
    %jit3A_579 = arith.constant 1073741824 : i32
    %broadcast_in_dim3A_580 = vector.broadcast %jit3A_579 : i32 to vector<16x10240xi32>
    %select_n3A_581 = arith.select %eq3A_578, %iota3A_31, %broadcast_in_dim3A_580 : vector<16x10240xi1>, vector<16x10240xi32>
    %reduce_min3A_582 = arith.constant dense<2147483647> : vector<16xi32>
    %reduce_min3A_583 = vector.multi_reduction <minsi>, %select_n3A_581, %reduce_min3A_582 [1] : vector<16x10240xi32> to vector<16xi32>
    %broadcast_in_dim3A_584 = vector.shape_cast %reduce_min3A_583 : vector<16xi32> to vector<16x1xi32>
    %eq3A_585 = vector.broadcast %broadcast_in_dim3A_584 : vector<16x1xi32> to vector<16x10240xi32>
    %eq3A_586 = arith.cmpi eq, %iota3A_31, %eq3A_585 : vector<16x10240xi32>
    %jit3A_587 = arith.constant 0xFF800000 : f32
    %broadcast_in_dim3A_588 = vector.broadcast %jit3A_587 : f32 to vector<16x10240xf32>
    %select_n3A_589 = arith.select %eq3A_586, %broadcast_in_dim3A_588, %select_n3A_573 : vector<16x10240xi1>, vector<16x10240xf32>
    %reduce_max3A_590 = arith.constant dense<0xFF800000> : vector<16xf32>
    %reduce_max3A_591 = vector.multi_reduction <maximumf>, %select_n3A_589, %reduce_max3A_590 [1] : vector<16x10240xf32> to vector<16xf32>
    %broadcast_in_dim3A_592 = vector.shape_cast %reduce_max3A_591 : vector<16xf32> to vector<16x1xf32>
    %eq3A_593 = vector.broadcast %broadcast_in_dim3A_592 : vector<16x1xf32> to vector<16x10240xf32>
    %eq3A_594 = arith.cmpf oeq, %select_n3A_589, %eq3A_593 : vector<16x10240xf32>
    %jit3A_595 = arith.constant 1073741824 : i32
    %broadcast_in_dim3A_596 = vector.broadcast %jit3A_595 : i32 to vector<16x10240xi32>
    %select_n3A_597 = arith.select %eq3A_594, %iota3A_31, %broadcast_in_dim3A_596 : vector<16x10240xi1>, vector<16x10240xi32>
    %reduce_min3A_598 = arith.constant dense<2147483647> : vector<16xi32>
    %reduce_min3A_599 = vector.multi_reduction <minsi>, %select_n3A_597, %reduce_min3A_598 [1] : vector<16x10240xi32> to vector<16xi32>
    %broadcast_in_dim3A_600 = vector.shape_cast %reduce_min3A_599 : vector<16xi32> to vector<16x1xi32>
    %eq3A_601 = vector.broadcast %broadcast_in_dim3A_600 : vector<16x1xi32> to vector<16x10240xi32>
    %eq3A_602 = arith.cmpi eq, %iota3A_31, %eq3A_601 : vector<16x10240xi32>
    %jit3A_603 = arith.constant 0xFF800000 : f32
    %broadcast_in_dim3A_604 = vector.broadcast %jit3A_603 : f32 to vector<16x10240xf32>
    %select_n3A_605 = arith.select %eq3A_602, %broadcast_in_dim3A_604, %select_n3A_589 : vector<16x10240xi1>, vector<16x10240xf32>
    %reduce_max3A_606 = arith.constant dense<0xFF800000> : vector<16xf32>
    %reduce_max3A_607 = vector.multi_reduction <maximumf>, %select_n3A_605, %reduce_max3A_606 [1] : vector<16x10240xf32> to vector<16xf32>
    %broadcast_in_dim3A_608 = vector.shape_cast %reduce_max3A_607 : vector<16xf32> to vector<16x1xf32>
    %eq3A_609 = vector.broadcast %broadcast_in_dim3A_608 : vector<16x1xf32> to vector<16x10240xf32>
    %eq3A_610 = arith.cmpf oeq, %select_n3A_605, %eq3A_609 : vector<16x10240xf32>
    %jit3A_611 = arith.constant 1073741824 : i32
    %broadcast_in_dim3A_612 = vector.broadcast %jit3A_611 : i32 to vector<16x10240xi32>
    %select_n3A_613 = arith.select %eq3A_610, %iota3A_31, %broadcast_in_dim3A_612 : vector<16x10240xi1>, vector<16x10240xi32>
    %reduce_min3A_614 = arith.constant dense<2147483647> : vector<16xi32>
    %reduce_min3A_615 = vector.multi_reduction <minsi>, %select_n3A_613, %reduce_min3A_614 [1] : vector<16x10240xi32> to vector<16xi32>
    %broadcast_in_dim3A_616 = vector.shape_cast %reduce_min3A_615 : vector<16xi32> to vector<16x1xi32>
    %eq3A_617 = vector.broadcast %broadcast_in_dim3A_616 : vector<16x1xi32> to vector<16x10240xi32>
    %eq3A_618 = arith.cmpi eq, %iota3A_31, %eq3A_617 : vector<16x10240xi32>
    %jit3A_619 = arith.constant 0xFF800000 : f32
    %broadcast_in_dim3A_620 = vector.broadcast %jit3A_619 : f32 to vector<16x10240xf32>
    %select_n3A_621 = arith.select %eq3A_618, %broadcast_in_dim3A_620, %select_n3A_605 : vector<16x10240xi1>, vector<16x10240xf32>
    %reduce_max3A_622 = arith.constant dense<0xFF800000> : vector<16xf32>
    %reduce_max3A_623 = vector.multi_reduction <maximumf>, %select_n3A_621, %reduce_max3A_622 [1] : vector<16x10240xf32> to vector<16xf32>
    %broadcast_in_dim3A_624 = vector.shape_cast %reduce_max3A_623 : vector<16xf32> to vector<16x1xf32>
    %eq3A_625 = vector.broadcast %broadcast_in_dim3A_624 : vector<16x1xf32> to vector<16x10240xf32>
    %eq3A_626 = arith.cmpf oeq, %select_n3A_621, %eq3A_625 : vector<16x10240xf32>
    %jit3A_627 = arith.constant 1073741824 : i32
    %broadcast_in_dim3A_628 = vector.broadcast %jit3A_627 : i32 to vector<16x10240xi32>
    %select_n3A_629 = arith.select %eq3A_626, %iota3A_31, %broadcast_in_dim3A_628 : vector<16x10240xi1>, vector<16x10240xi32>
    %reduce_min3A_630 = arith.constant dense<2147483647> : vector<16xi32>
    %reduce_min3A_631 = vector.multi_reduction <minsi>, %select_n3A_629, %reduce_min3A_630 [1] : vector<16x10240xi32> to vector<16xi32>
    %broadcast_in_dim3A_632 = vector.shape_cast %reduce_min3A_631 : vector<16xi32> to vector<16x1xi32>
    %eq3A_633 = vector.broadcast %broadcast_in_dim3A_632 : vector<16x1xi32> to vector<16x10240xi32>
    %eq3A_634 = arith.cmpi eq, %iota3A_31, %eq3A_633 : vector<16x10240xi32>
    %jit3A_635 = arith.constant 0xFF800000 : f32
    %broadcast_in_dim3A_636 = vector.broadcast %jit3A_635 : f32 to vector<16x10240xf32>
    %select_n3A_637 = arith.select %eq3A_634, %broadcast_in_dim3A_636, %select_n3A_621 : vector<16x10240xi1>, vector<16x10240xf32>
    %reduce_max3A_638 = arith.constant dense<0xFF800000> : vector<16xf32>
    %reduce_max3A_639 = vector.multi_reduction <maximumf>, %select_n3A_637, %reduce_max3A_638 [1] : vector<16x10240xf32> to vector<16xf32>
    %broadcast_in_dim3A_640 = vector.shape_cast %reduce_max3A_639 : vector<16xf32> to vector<16x1xf32>
    %eq3A_641 = vector.broadcast %broadcast_in_dim3A_640 : vector<16x1xf32> to vector<16x10240xf32>
    %eq3A_642 = arith.cmpf oeq, %select_n3A_637, %eq3A_641 : vector<16x10240xf32>
    %jit3A_643 = arith.constant 1073741824 : i32
    %broadcast_in_dim3A_644 = vector.broadcast %jit3A_643 : i32 to vector<16x10240xi32>
    %select_n3A_645 = arith.select %eq3A_642, %iota3A_31, %broadcast_in_dim3A_644 : vector<16x10240xi1>, vector<16x10240xi32>
    %reduce_min3A_646 = arith.constant dense<2147483647> : vector<16xi32>
    %reduce_min3A_647 = vector.multi_reduction <minsi>, %select_n3A_645, %reduce_min3A_646 [1] : vector<16x10240xi32> to vector<16xi32>
    %broadcast_in_dim3A_648 = vector.shape_cast %reduce_min3A_647 : vector<16xi32> to vector<16x1xi32>
    %eq3A_649 = vector.broadcast %broadcast_in_dim3A_648 : vector<16x1xi32> to vector<16x10240xi32>
    %eq3A_650 = arith.cmpi eq, %iota3A_31, %eq3A_649 : vector<16x10240xi32>
    %jit3A_651 = arith.constant 0xFF800000 : f32
    %broadcast_in_dim3A_652 = vector.broadcast %jit3A_651 : f32 to vector<16x10240xf32>
    %select_n3A_653 = arith.select %eq3A_650, %broadcast_in_dim3A_652, %select_n3A_637 : vector<16x10240xi1>, vector<16x10240xf32>
    %reduce_max3A_654 = arith.constant dense<0xFF800000> : vector<16xf32>
    %reduce_max3A_655 = vector.multi_reduction <maximumf>, %select_n3A_653, %reduce_max3A_654 [1] : vector<16x10240xf32> to vector<16xf32>
    %broadcast_in_dim3A_656 = vector.shape_cast %reduce_max3A_655 : vector<16xf32> to vector<16x1xf32>
    %eq3A_657 = vector.broadcast %broadcast_in_dim3A_656 : vector<16x1xf32> to vector<16x10240xf32>
    %eq3A_658 = arith.cmpf oeq, %select_n3A_653, %eq3A_657 : vector<16x10240xf32>
    %jit3A_659 = arith.constant 1073741824 : i32
    %broadcast_in_dim3A_660 = vector.broadcast %jit3A_659 : i32 to vector<16x10240xi32>
    %select_n3A_661 = arith.select %eq3A_658, %iota3A_31, %broadcast_in_dim3A_660 : vector<16x10240xi1>, vector<16x10240xi32>
    %reduce_min3A_662 = arith.constant dense<2147483647> : vector<16xi32>
    %reduce_min3A_663 = vector.multi_reduction <minsi>, %select_n3A_661, %reduce_min3A_662 [1] : vector<16x10240xi32> to vector<16xi32>
    %broadcast_in_dim3A_664 = vector.shape_cast %reduce_min3A_663 : vector<16xi32> to vector<16x1xi32>
    %eq3A_665 = vector.broadcast %broadcast_in_dim3A_664 : vector<16x1xi32> to vector<16x10240xi32>
    %eq3A_666 = arith.cmpi eq, %iota3A_31, %eq3A_665 : vector<16x10240xi32>
    %jit3A_667 = arith.constant 0xFF800000 : f32
    %broadcast_in_dim3A_668 = vector.broadcast %jit3A_667 : f32 to vector<16x10240xf32>
    %select_n3A_669 = arith.select %eq3A_666, %broadcast_in_dim3A_668, %select_n3A_653 : vector<16x10240xi1>, vector<16x10240xf32>
    %reduce_max3A_670 = arith.constant dense<0xFF800000> : vector<16xf32>
    %reduce_max3A_671 = vector.multi_reduction <maximumf>, %select_n3A_669, %reduce_max3A_670 [1] : vector<16x10240xf32> to vector<16xf32>
    %broadcast_in_dim3A_672 = vector.shape_cast %reduce_max3A_671 : vector<16xf32> to vector<16x1xf32>
    %eq3A_673 = vector.broadcast %broadcast_in_dim3A_672 : vector<16x1xf32> to vector<16x10240xf32>
    %eq3A_674 = arith.cmpf oeq, %select_n3A_669, %eq3A_673 : vector<16x10240xf32>
    %jit3A_675 = arith.constant 1073741824 : i32
    %broadcast_in_dim3A_676 = vector.broadcast %jit3A_675 : i32 to vector<16x10240xi32>
    %select_n3A_677 = arith.select %eq3A_674, %iota3A_31, %broadcast_in_dim3A_676 : vector<16x10240xi1>, vector<16x10240xi32>
    %reduce_min3A_678 = arith.constant dense<2147483647> : vector<16xi32>
    %reduce_min3A_679 = vector.multi_reduction <minsi>, %select_n3A_677, %reduce_min3A_678 [1] : vector<16x10240xi32> to vector<16xi32>
    %broadcast_in_dim3A_680 = vector.shape_cast %reduce_min3A_679 : vector<16xi32> to vector<16x1xi32>
    %eq3A_681 = vector.broadcast %broadcast_in_dim3A_680 : vector<16x1xi32> to vector<16x10240xi32>
    %eq3A_682 = arith.cmpi eq, %iota3A_31, %eq3A_681 : vector<16x10240xi32>
    %jit3A_683 = arith.constant 0xFF800000 : f32
    %broadcast_in_dim3A_684 = vector.broadcast %jit3A_683 : f32 to vector<16x10240xf32>
    %select_n3A_685 = arith.select %eq3A_682, %broadcast_in_dim3A_684, %select_n3A_669 : vector<16x10240xi1>, vector<16x10240xf32>
    %reduce_max3A_686 = arith.constant dense<0xFF800000> : vector<16xf32>
    %reduce_max3A_687 = vector.multi_reduction <maximumf>, %select_n3A_685, %reduce_max3A_686 [1] : vector<16x10240xf32> to vector<16xf32>
    %broadcast_in_dim3A_688 = vector.shape_cast %reduce_max3A_687 : vector<16xf32> to vector<16x1xf32>
    %eq3A_689 = vector.broadcast %broadcast_in_dim3A_688 : vector<16x1xf32> to vector<16x10240xf32>
    %eq3A_690 = arith.cmpf oeq, %select_n3A_685, %eq3A_689 : vector<16x10240xf32>
    %jit3A_691 = arith.constant 1073741824 : i32
    %broadcast_in_dim3A_692 = vector.broadcast %jit3A_691 : i32 to vector<16x10240xi32>
    %select_n3A_693 = arith.select %eq3A_690, %iota3A_31, %broadcast_in_dim3A_692 : vector<16x10240xi1>, vector<16x10240xi32>
    %reduce_min3A_694 = arith.constant dense<2147483647> : vector<16xi32>
    %reduce_min3A_695 = vector.multi_reduction <minsi>, %select_n3A_693, %reduce_min3A_694 [1] : vector<16x10240xi32> to vector<16xi32>
    %broadcast_in_dim3A_696 = vector.shape_cast %reduce_min3A_695 : vector<16xi32> to vector<16x1xi32>
    %eq3A_697 = vector.broadcast %broadcast_in_dim3A_696 : vector<16x1xi32> to vector<16x10240xi32>
    %eq3A_698 = arith.cmpi eq, %iota3A_31, %eq3A_697 : vector<16x10240xi32>
    %jit3A_699 = arith.constant 0xFF800000 : f32
    %broadcast_in_dim3A_700 = vector.broadcast %jit3A_699 : f32 to vector<16x10240xf32>
    %select_n3A_701 = arith.select %eq3A_698, %broadcast_in_dim3A_700, %select_n3A_685 : vector<16x10240xi1>, vector<16x10240xf32>
    %reduce_max3A_702 = arith.constant dense<0xFF800000> : vector<16xf32>
    %reduce_max3A_703 = vector.multi_reduction <maximumf>, %select_n3A_701, %reduce_max3A_702 [1] : vector<16x10240xf32> to vector<16xf32>
    %broadcast_in_dim3A_704 = vector.shape_cast %reduce_max3A_703 : vector<16xf32> to vector<16x1xf32>
    %eq3A_705 = vector.broadcast %broadcast_in_dim3A_704 : vector<16x1xf32> to vector<16x10240xf32>
    %eq3A_706 = arith.cmpf oeq, %select_n3A_701, %eq3A_705 : vector<16x10240xf32>
    %jit3A_707 = arith.constant 1073741824 : i32
    %broadcast_in_dim3A_708 = vector.broadcast %jit3A_707 : i32 to vector<16x10240xi32>
    %select_n3A_709 = arith.select %eq3A_706, %iota3A_31, %broadcast_in_dim3A_708 : vector<16x10240xi1>, vector<16x10240xi32>
    %reduce_min3A_710 = arith.constant dense<2147483647> : vector<16xi32>
    %reduce_min3A_711 = vector.multi_reduction <minsi>, %select_n3A_709, %reduce_min3A_710 [1] : vector<16x10240xi32> to vector<16xi32>
    %broadcast_in_dim3A_712 = vector.shape_cast %reduce_min3A_711 : vector<16xi32> to vector<16x1xi32>
    %eq3A_713 = vector.broadcast %broadcast_in_dim3A_712 : vector<16x1xi32> to vector<16x10240xi32>
    %eq3A_714 = arith.cmpi eq, %iota3A_31, %eq3A_713 : vector<16x10240xi32>
    %jit3A_715 = arith.constant 0xFF800000 : f32
    %broadcast_in_dim3A_716 = vector.broadcast %jit3A_715 : f32 to vector<16x10240xf32>
    %select_n3A_717 = arith.select %eq3A_714, %broadcast_in_dim3A_716, %select_n3A_701 : vector<16x10240xi1>, vector<16x10240xf32>
    %reduce_max3A_718 = arith.constant dense<0xFF800000> : vector<16xf32>
    %reduce_max3A_719 = vector.multi_reduction <maximumf>, %select_n3A_717, %reduce_max3A_718 [1] : vector<16x10240xf32> to vector<16xf32>
    %broadcast_in_dim3A_720 = vector.shape_cast %reduce_max3A_719 : vector<16xf32> to vector<16x1xf32>
    %eq3A_721 = vector.broadcast %broadcast_in_dim3A_720 : vector<16x1xf32> to vector<16x10240xf32>
    %eq3A_722 = arith.cmpf oeq, %select_n3A_717, %eq3A_721 : vector<16x10240xf32>
    %jit3A_723 = arith.constant 1073741824 : i32
    %broadcast_in_dim3A_724 = vector.broadcast %jit3A_723 : i32 to vector<16x10240xi32>
    %select_n3A_725 = arith.select %eq3A_722, %iota3A_31, %broadcast_in_dim3A_724 : vector<16x10240xi1>, vector<16x10240xi32>
    %reduce_min3A_726 = arith.constant dense<2147483647> : vector<16xi32>
    %reduce_min3A_727 = vector.multi_reduction <minsi>, %select_n3A_725, %reduce_min3A_726 [1] : vector<16x10240xi32> to vector<16xi32>
    %broadcast_in_dim3A_728 = vector.shape_cast %reduce_min3A_727 : vector<16xi32> to vector<16x1xi32>
    %eq3A_729 = vector.broadcast %broadcast_in_dim3A_728 : vector<16x1xi32> to vector<16x10240xi32>
    %eq3A_730 = arith.cmpi eq, %iota3A_31, %eq3A_729 : vector<16x10240xi32>
    %jit3A_731 = arith.constant 0xFF800000 : f32
    %broadcast_in_dim3A_732 = vector.broadcast %jit3A_731 : f32 to vector<16x10240xf32>
    %select_n3A_733 = arith.select %eq3A_730, %broadcast_in_dim3A_732, %select_n3A_717 : vector<16x10240xi1>, vector<16x10240xf32>
    %reduce_max3A_734 = arith.constant dense<0xFF800000> : vector<16xf32>
    %reduce_max3A_735 = vector.multi_reduction <maximumf>, %select_n3A_733, %reduce_max3A_734 [1] : vector<16x10240xf32> to vector<16xf32>
    %broadcast_in_dim3A_736 = vector.shape_cast %reduce_max3A_735 : vector<16xf32> to vector<16x1xf32>
    %eq3A_737 = vector.broadcast %broadcast_in_dim3A_736 : vector<16x1xf32> to vector<16x10240xf32>
    %eq3A_738 = arith.cmpf oeq, %select_n3A_733, %eq3A_737 : vector<16x10240xf32>
    %jit3A_739 = arith.constant 1073741824 : i32
    %broadcast_in_dim3A_740 = vector.broadcast %jit3A_739 : i32 to vector<16x10240xi32>
    %select_n3A_741 = arith.select %eq3A_738, %iota3A_31, %broadcast_in_dim3A_740 : vector<16x10240xi1>, vector<16x10240xi32>
    %reduce_min3A_742 = arith.constant dense<2147483647> : vector<16xi32>
    %reduce_min3A_743 = vector.multi_reduction <minsi>, %select_n3A_741, %reduce_min3A_742 [1] : vector<16x10240xi32> to vector<16xi32>
    %broadcast_in_dim3A_744 = vector.shape_cast %reduce_min3A_743 : vector<16xi32> to vector<16x1xi32>
    %eq3A_745 = vector.broadcast %broadcast_in_dim3A_744 : vector<16x1xi32> to vector<16x10240xi32>
    %eq3A_746 = arith.cmpi eq, %iota3A_31, %eq3A_745 : vector<16x10240xi32>
    %jit3A_747 = arith.constant 0xFF800000 : f32
    %broadcast_in_dim3A_748 = vector.broadcast %jit3A_747 : f32 to vector<16x10240xf32>
    %select_n3A_749 = arith.select %eq3A_746, %broadcast_in_dim3A_748, %select_n3A_733 : vector<16x10240xi1>, vector<16x10240xf32>
    %reduce_max3A_750 = arith.constant dense<0xFF800000> : vector<16xf32>
    %reduce_max3A_751 = vector.multi_reduction <maximumf>, %select_n3A_749, %reduce_max3A_750 [1] : vector<16x10240xf32> to vector<16xf32>
    %broadcast_in_dim3A_752 = vector.shape_cast %reduce_max3A_751 : vector<16xf32> to vector<16x1xf32>
    %eq3A_753 = vector.broadcast %broadcast_in_dim3A_752 : vector<16x1xf32> to vector<16x10240xf32>
    %eq3A_754 = arith.cmpf oeq, %select_n3A_749, %eq3A_753 : vector<16x10240xf32>
    %jit3A_755 = arith.constant 1073741824 : i32
    %broadcast_in_dim3A_756 = vector.broadcast %jit3A_755 : i32 to vector<16x10240xi32>
    %select_n3A_757 = arith.select %eq3A_754, %iota3A_31, %broadcast_in_dim3A_756 : vector<16x10240xi1>, vector<16x10240xi32>
    %reduce_min3A_758 = arith.constant dense<2147483647> : vector<16xi32>
    %reduce_min3A_759 = vector.multi_reduction <minsi>, %select_n3A_757, %reduce_min3A_758 [1] : vector<16x10240xi32> to vector<16xi32>
    %broadcast_in_dim3A_760 = vector.shape_cast %reduce_min3A_759 : vector<16xi32> to vector<16x1xi32>
    %eq3A_761 = vector.broadcast %broadcast_in_dim3A_760 : vector<16x1xi32> to vector<16x10240xi32>
    %eq3A_762 = arith.cmpi eq, %iota3A_31, %eq3A_761 : vector<16x10240xi32>
    %jit3A_763 = arith.constant 0xFF800000 : f32
    %broadcast_in_dim3A_764 = vector.broadcast %jit3A_763 : f32 to vector<16x10240xf32>
    %select_n3A_765 = arith.select %eq3A_762, %broadcast_in_dim3A_764, %select_n3A_749 : vector<16x10240xi1>, vector<16x10240xf32>
    %reduce_max3A_766 = arith.constant dense<0xFF800000> : vector<16xf32>
    %reduce_max3A_767 = vector.multi_reduction <maximumf>, %select_n3A_765, %reduce_max3A_766 [1] : vector<16x10240xf32> to vector<16xf32>
    %broadcast_in_dim3A_768 = vector.shape_cast %reduce_max3A_767 : vector<16xf32> to vector<16x1xf32>
    %eq3A_769 = vector.broadcast %broadcast_in_dim3A_768 : vector<16x1xf32> to vector<16x10240xf32>
    %eq3A_770 = arith.cmpf oeq, %select_n3A_765, %eq3A_769 : vector<16x10240xf32>
    %jit3A_771 = arith.constant 1073741824 : i32
    %broadcast_in_dim3A_772 = vector.broadcast %jit3A_771 : i32 to vector<16x10240xi32>
    %select_n3A_773 = arith.select %eq3A_770, %iota3A_31, %broadcast_in_dim3A_772 : vector<16x10240xi1>, vector<16x10240xi32>
    %reduce_min3A_774 = arith.constant dense<2147483647> : vector<16xi32>
    %reduce_min3A_775 = vector.multi_reduction <minsi>, %select_n3A_773, %reduce_min3A_774 [1] : vector<16x10240xi32> to vector<16xi32>
    %broadcast_in_dim3A_776 = vector.shape_cast %reduce_min3A_775 : vector<16xi32> to vector<16x1xi32>
    %eq3A_777 = vector.broadcast %broadcast_in_dim3A_776 : vector<16x1xi32> to vector<16x10240xi32>
    %eq3A_778 = arith.cmpi eq, %iota3A_31, %eq3A_777 : vector<16x10240xi32>
    %jit3A_779 = arith.constant 0xFF800000 : f32
    %broadcast_in_dim3A_780 = vector.broadcast %jit3A_779 : f32 to vector<16x10240xf32>
    %select_n3A_781 = arith.select %eq3A_778, %broadcast_in_dim3A_780, %select_n3A_765 : vector<16x10240xi1>, vector<16x10240xf32>
    %reduce_max3A_782 = arith.constant dense<0xFF800000> : vector<16xf32>
    %reduce_max3A_783 = vector.multi_reduction <maximumf>, %select_n3A_781, %reduce_max3A_782 [1] : vector<16x10240xf32> to vector<16xf32>
    %broadcast_in_dim3A_784 = vector.shape_cast %reduce_max3A_783 : vector<16xf32> to vector<16x1xf32>
    %eq3A_785 = vector.broadcast %broadcast_in_dim3A_784 : vector<16x1xf32> to vector<16x10240xf32>
    %eq3A_786 = arith.cmpf oeq, %select_n3A_781, %eq3A_785 : vector<16x10240xf32>
    %jit3A_787 = arith.constant 1073741824 : i32
    %broadcast_in_dim3A_788 = vector.broadcast %jit3A_787 : i32 to vector<16x10240xi32>
    %select_n3A_789 = arith.select %eq3A_786, %iota3A_31, %broadcast_in_dim3A_788 : vector<16x10240xi1>, vector<16x10240xi32>
    %reduce_min3A_790 = arith.constant dense<2147483647> : vector<16xi32>
    %reduce_min3A_791 = vector.multi_reduction <minsi>, %select_n3A_789, %reduce_min3A_790 [1] : vector<16x10240xi32> to vector<16xi32>
    %broadcast_in_dim3A_792 = vector.shape_cast %reduce_min3A_791 : vector<16xi32> to vector<16x1xi32>
    %eq3A_793 = vector.broadcast %broadcast_in_dim3A_792 : vector<16x1xi32> to vector<16x10240xi32>
    %eq3A_794 = arith.cmpi eq, %iota3A_31, %eq3A_793 : vector<16x10240xi32>
    %jit3A_795 = arith.constant 0xFF800000 : f32
    %broadcast_in_dim3A_796 = vector.broadcast %jit3A_795 : f32 to vector<16x10240xf32>
    %select_n3A_797 = arith.select %eq3A_794, %broadcast_in_dim3A_796, %select_n3A_781 : vector<16x10240xi1>, vector<16x10240xf32>
    %reduce_max3A_798 = arith.constant dense<0xFF800000> : vector<16xf32>
    %reduce_max3A_799 = vector.multi_reduction <maximumf>, %select_n3A_797, %reduce_max3A_798 [1] : vector<16x10240xf32> to vector<16xf32>
    %broadcast_in_dim3A_800 = vector.shape_cast %reduce_max3A_799 : vector<16xf32> to vector<16x1xf32>
    %eq3A_801 = vector.broadcast %broadcast_in_dim3A_800 : vector<16x1xf32> to vector<16x10240xf32>
    %eq3A_802 = arith.cmpf oeq, %select_n3A_797, %eq3A_801 : vector<16x10240xf32>
    %jit3A_803 = arith.constant 1073741824 : i32
    %broadcast_in_dim3A_804 = vector.broadcast %jit3A_803 : i32 to vector<16x10240xi32>
    %select_n3A_805 = arith.select %eq3A_802, %iota3A_31, %broadcast_in_dim3A_804 : vector<16x10240xi1>, vector<16x10240xi32>
    %reduce_min3A_806 = arith.constant dense<2147483647> : vector<16xi32>
    %reduce_min3A_807 = vector.multi_reduction <minsi>, %select_n3A_805, %reduce_min3A_806 [1] : vector<16x10240xi32> to vector<16xi32>
    %broadcast_in_dim3A_808 = vector.shape_cast %reduce_min3A_807 : vector<16xi32> to vector<16x1xi32>
    %eq3A_809 = vector.broadcast %broadcast_in_dim3A_808 : vector<16x1xi32> to vector<16x10240xi32>
    %eq3A_810 = arith.cmpi eq, %iota3A_31, %eq3A_809 : vector<16x10240xi32>
    %jit3A_811 = arith.constant 0xFF800000 : f32
    %broadcast_in_dim3A_812 = vector.broadcast %jit3A_811 : f32 to vector<16x10240xf32>
    %select_n3A_813 = arith.select %eq3A_810, %broadcast_in_dim3A_812, %select_n3A_797 : vector<16x10240xi1>, vector<16x10240xf32>
    %reduce_max3A_814 = arith.constant dense<0xFF800000> : vector<16xf32>
    %reduce_max3A_815 = vector.multi_reduction <maximumf>, %select_n3A_813, %reduce_max3A_814 [1] : vector<16x10240xf32> to vector<16xf32>
    %broadcast_in_dim3A_816 = vector.shape_cast %reduce_max3A_815 : vector<16xf32> to vector<16x1xf32>
    %eq3A_817 = vector.broadcast %broadcast_in_dim3A_816 : vector<16x1xf32> to vector<16x10240xf32>
    %eq3A_818 = arith.cmpf oeq, %select_n3A_813, %eq3A_817 : vector<16x10240xf32>
    %jit3A_819 = arith.constant 1073741824 : i32
    %broadcast_in_dim3A_820 = vector.broadcast %jit3A_819 : i32 to vector<16x10240xi32>
    %select_n3A_821 = arith.select %eq3A_818, %iota3A_31, %broadcast_in_dim3A_820 : vector<16x10240xi1>, vector<16x10240xi32>
    %reduce_min3A_822 = arith.constant dense<2147483647> : vector<16xi32>
    %reduce_min3A_823 = vector.multi_reduction <minsi>, %select_n3A_821, %reduce_min3A_822 [1] : vector<16x10240xi32> to vector<16xi32>
    %broadcast_in_dim3A_824 = vector.shape_cast %reduce_min3A_823 : vector<16xi32> to vector<16x1xi32>
    %broadcast_in_dim3A_825 = arith.constant 0 : i32
    %broadcast_in_dim3A_826 = vector.broadcast %broadcast_in_dim3A_825 : i32 to vector<16x13xi32>
    %concatenate3A = tpu.concatenate %broadcast_in_dim3A_40, %broadcast_in_dim3A_56, %broadcast_in_dim3A_72, %broadcast_in_dim3A_88, %broadcast_in_dim3A_104, %broadcast_in_dim3A_120, %broadcast_in_dim3A_136, %broadcast_in_dim3A_152, %broadcast_in_dim3A_168, %broadcast_in_dim3A_184, %broadcast_in_dim3A_200, %broadcast_in_dim3A_216, %broadcast_in_dim3A_232, %broadcast_in_dim3A_248, %broadcast_in_dim3A_264, %broadcast_in_dim3A_280, %broadcast_in_dim3A_296, %broadcast_in_dim3A_312, %broadcast_in_dim3A_328, %broadcast_in_dim3A_344, %broadcast_in_dim3A_360, %broadcast_in_dim3A_376, %broadcast_in_dim3A_392, %broadcast_in_dim3A_408, %broadcast_in_dim3A_424, %broadcast_in_dim3A_440, %broadcast_in_dim3A_456, %broadcast_in_dim3A_472, %broadcast_in_dim3A_488, %broadcast_in_dim3A_504, %broadcast_in_dim3A_520, %broadcast_in_dim3A_536, %broadcast_in_dim3A_552, %broadcast_in_dim3A_568, %broadcast_in_dim3A_584, %broadcast_in_dim3A_600, %broadcast_in_dim3A_616, %broadcast_in_dim3A_632, %broadcast_in_dim3A_648, %broadcast_in_dim3A_664, %broadcast_in_dim3A_680, %broadcast_in_dim3A_696, %broadcast_in_dim3A_712, %broadcast_in_dim3A_728, %broadcast_in_dim3A_744, %broadcast_in_dim3A_760, %broadcast_in_dim3A_776, %broadcast_in_dim3A_792, %broadcast_in_dim3A_808, %broadcast_in_dim3A_824, %broadcast_in_dim3A_30, %broadcast_in_dim3A_826 in 1 : vector<16x1xi32>, vector<16x1xi32>, vector<16x1xi32>, vector<16x1xi32>, vector<16x1xi32>, vector<16x1xi32>, vector<16x1xi32>, vector<16x1xi32>, vector<16x1xi32>, vector<16x1xi32>, vector<16x1xi32>, vector<16x1xi32>, vector<16x1xi32>, vector<16x1xi32>, vector<16x1xi32>, vector<16x1xi32>, vector<16x1xi32>, vector<16x1xi32>, vector<16x1xi32>, vector<16x1xi32>, vector<16x1xi32>, vector<16x1xi32>, vector<16x1xi32>, vector<16x1xi32>, vector<16x1xi32>, vector<16x1xi32>, vector<16x1xi32>, vector<16x1xi32>, vector<16x1xi32>, vector<16x1xi32>, vector<16x1xi32>, vector<16x1xi32>, vector<16x1xi32>, vector<16x1xi32>, vector<16x1xi32>, vector<16x1xi32>, vector<16x1xi32>, vector<16x1xi32>, vector<16x1xi32>, vector<16x1xi32>, vector<16x1xi32>, vector<16x1xi32>, vector<16x1xi32>, vector<16x1xi32>, vector<16x1xi32>, vector<16x1xi32>, vector<16x1xi32>, vector<16x1xi32>, vector<16x1xi32>, vector<16x1xi32>, vector<16x1xi32>, vector<16x13xi32> -> vector<16x64xi32>
    %swap3A = arith.constant 0 : index
    %swap3A_827 = arith.constant 0 : index
    %swap3A_828 = vector.load %arg3[%swap3A, %swap3A_827] : memref<16x64xi32, #tpu.memory_space<vmem>>, vector<16x64xi32>
    tpu.vector_store %arg3[%swap3A, %swap3A_827], %concatenate3A {strides = array<i32>} : memref<16x64xi32, #tpu.memory_space<vmem>>, vector<16x64xi32>,
    return
  }
}

module attributes {stable_mosaic.version = 14 : i64} {
  func.func @body(%arg0: memref<10240x64xf32, #tpu.memory_space<vmem>>, %arg1: memref<256x64xf32, #tpu.memory_space<vmem>>, %arg2: memref<16x64xi32, #tpu.memory_space<smem>>, %arg3: memref<50x256x128xf32, #tpu.memory_space<vmem>>, %arg4: memref<1x128xf32, #tpu.memory_space<vmem>>, %arg5: memref<1x128xf32, #tpu.memory_space<vmem>>, %arg6: memref<1x128xf32, #tpu.memory_space<vmem>>, %arg7: memref<128x64xf32, #tpu.memory_space<vmem>>, %arg8: memref<1x64xf32, #tpu.memory_space<vmem>>, %arg9: memref<1x64xf32, #tpu.memory_space<vmem>>, %arg10: memref<1x64xf32, #tpu.memory_space<vmem>>, %arg11: memref<64x1xf32, #tpu.memory_space<vmem>>, %arg12: memref<1x1xf32, #tpu.memory_space<vmem>>, %arg13: memref<16x1xf32, #tpu.memory_space<vmem>>, %arg14: memref<800x64xf32, #tpu.memory_space<vmem>>) attributes {dimension_semantics = [], scalar_prefetch = 0 : i64, scratch_operands = 1 : i64, tpu.core_type = #tpu.core_type<tc>} {
    %scan3A = arith.constant 0 : i32
    %scan3A_0 = arith.constant 50 : i32
    %scan3A_1 = arith.addi %scan3A, %scan3A_0 : i32
    %scan3A_2 = arith.constant 1 : i32
    scf.for %scan3A_818 = %scan3A to %scan3A_1 step %scan3A_2  : i32 {
      %get3A_819 = arith.constant 0 : index
      %get3A_820 = arith.index_cast %scan3A_818 : i32 to index
      %get3A_821 = memref.load %arg2[%get3A_819, %get3A_820] : memref<16x64xi32, #tpu.memory_space<smem>>
      %get3A_822 = arith.index_cast %get3A_821 : i32 to index
      %get3A_823 = arith.constant 0 : index
      %get3A_824 = vector.load %arg0[%get3A_822, %get3A_823] : memref<10240x64xf32, #tpu.memory_space<vmem>>, vector<1x64xf32>
      %mul3A_825 = arith.constant 16 : i32
      %mul3A_826 = arith.muli %scan3A_818, %mul3A_825 : i32
      %add3A_827 = arith.constant 0 : i32
      %add3A_828 = arith.addi %mul3A_826, %add3A_827 : i32
      %swap3A_829 = arith.index_cast %add3A_828 : i32 to index
      %swap3A_830 = arith.constant 0 : index
      %swap3A_831 = vector.load %arg14[%swap3A_829, %swap3A_830] : memref<800x64xf32, #tpu.memory_space<vmem>>, vector<1x64xf32>
      tpu.vector_store %arg14[%swap3A_829, %swap3A_830], %get3A_824 {strides = array<i32>} : memref<800x64xf32, #tpu.memory_space<vmem>>, vector<1x64xf32>,
    }
    %scan3A_3 = arith.constant 50 : i32
    %scan3A_4 = arith.constant 0 : i32
    %scan3A_5 = arith.constant 50 : i32
    %scan3A_6 = arith.addi %scan3A_4, %scan3A_5 : i32
    %scan3A_7 = arith.constant 1 : i32
    scf.for %scan3A_818 = %scan3A_4 to %scan3A_6 step %scan3A_7  : i32 {
      %get3A_819 = arith.constant 1 : index
      %get3A_820 = arith.index_cast %scan3A_818 : i32 to index
      %get3A_821 = memref.load %arg2[%get3A_819, %get3A_820] : memref<16x64xi32, #tpu.memory_space<smem>>
      %get3A_822 = arith.index_cast %get3A_821 : i32 to index
      %get3A_823 = arith.constant 0 : index
      %get3A_824 = vector.load %arg0[%get3A_822, %get3A_823] : memref<10240x64xf32, #tpu.memory_space<vmem>>, vector<1x64xf32>
      %mul3A_825 = arith.constant 16 : i32
      %mul3A_826 = arith.muli %scan3A_818, %mul3A_825 : i32
      %add3A_827 = arith.constant 1 : i32
      %add3A_828 = arith.addi %mul3A_826, %add3A_827 : i32
      %swap3A_829 = arith.index_cast %add3A_828 : i32 to index
      %swap3A_830 = arith.constant 0 : index
      %swap3A_831 = vector.load %arg14[%swap3A_829, %swap3A_830] : memref<800x64xf32, #tpu.memory_space<vmem>>, vector<1x64xf32>
      tpu.vector_store %arg14[%swap3A_829, %swap3A_830], %get3A_824 {strides = array<i32>} : memref<800x64xf32, #tpu.memory_space<vmem>>, vector<1x64xf32>,
    }
    %scan3A_8 = arith.constant 50 : i32
    %scan3A_9 = arith.constant 0 : i32
    %scan3A_10 = arith.constant 50 : i32
    %scan3A_11 = arith.addi %scan3A_9, %scan3A_10 : i32
    %scan3A_12 = arith.constant 1 : i32
    scf.for %scan3A_818 = %scan3A_9 to %scan3A_11 step %scan3A_12  : i32 {
      %get3A_819 = arith.constant 2 : index
      %get3A_820 = arith.index_cast %scan3A_818 : i32 to index
      %get3A_821 = memref.load %arg2[%get3A_819, %get3A_820] : memref<16x64xi32, #tpu.memory_space<smem>>
      %get3A_822 = arith.index_cast %get3A_821 : i32 to index
      %get3A_823 = arith.constant 0 : index
      %get3A_824 = vector.load %arg0[%get3A_822, %get3A_823] : memref<10240x64xf32, #tpu.memory_space<vmem>>, vector<1x64xf32>
      %mul3A_825 = arith.constant 16 : i32
      %mul3A_826 = arith.muli %scan3A_818, %mul3A_825 : i32
      %add3A_827 = arith.constant 2 : i32
      %add3A_828 = arith.addi %mul3A_826, %add3A_827 : i32
      %swap3A_829 = arith.index_cast %add3A_828 : i32 to index
      %swap3A_830 = arith.constant 0 : index
      %swap3A_831 = vector.load %arg14[%swap3A_829, %swap3A_830] : memref<800x64xf32, #tpu.memory_space<vmem>>, vector<1x64xf32>
      tpu.vector_store %arg14[%swap3A_829, %swap3A_830], %get3A_824 {strides = array<i32>} : memref<800x64xf32, #tpu.memory_space<vmem>>, vector<1x64xf32>,
    }
    %scan3A_13 = arith.constant 50 : i32
    %scan3A_14 = arith.constant 0 : i32
    %scan3A_15 = arith.constant 50 : i32
    %scan3A_16 = arith.addi %scan3A_14, %scan3A_15 : i32
    %scan3A_17 = arith.constant 1 : i32
    scf.for %scan3A_818 = %scan3A_14 to %scan3A_16 step %scan3A_17  : i32 {
      %get3A_819 = arith.constant 3 : index
      %get3A_820 = arith.index_cast %scan3A_818 : i32 to index
      %get3A_821 = memref.load %arg2[%get3A_819, %get3A_820] : memref<16x64xi32, #tpu.memory_space<smem>>
      %get3A_822 = arith.index_cast %get3A_821 : i32 to index
      %get3A_823 = arith.constant 0 : index
      %get3A_824 = vector.load %arg0[%get3A_822, %get3A_823] : memref<10240x64xf32, #tpu.memory_space<vmem>>, vector<1x64xf32>
      %mul3A_825 = arith.constant 16 : i32
      %mul3A_826 = arith.muli %scan3A_818, %mul3A_825 : i32
      %add3A_827 = arith.constant 3 : i32
      %add3A_828 = arith.addi %mul3A_826, %add3A_827 : i32
      %swap3A_829 = arith.index_cast %add3A_828 : i32 to index
      %swap3A_830 = arith.constant 0 : index
      %swap3A_831 = vector.load %arg14[%swap3A_829, %swap3A_830] : memref<800x64xf32, #tpu.memory_space<vmem>>, vector<1x64xf32>
      tpu.vector_store %arg14[%swap3A_829, %swap3A_830], %get3A_824 {strides = array<i32>} : memref<800x64xf32, #tpu.memory_space<vmem>>, vector<1x64xf32>,
    }
    %scan3A_18 = arith.constant 50 : i32
    %scan3A_19 = arith.constant 0 : i32
    %scan3A_20 = arith.constant 50 : i32
    %scan3A_21 = arith.addi %scan3A_19, %scan3A_20 : i32
    %scan3A_22 = arith.constant 1 : i32
    scf.for %scan3A_818 = %scan3A_19 to %scan3A_21 step %scan3A_22  : i32 {
      %get3A_819 = arith.constant 4 : index
      %get3A_820 = arith.index_cast %scan3A_818 : i32 to index
      %get3A_821 = memref.load %arg2[%get3A_819, %get3A_820] : memref<16x64xi32, #tpu.memory_space<smem>>
      %get3A_822 = arith.index_cast %get3A_821 : i32 to index
      %get3A_823 = arith.constant 0 : index
      %get3A_824 = vector.load %arg0[%get3A_822, %get3A_823] : memref<10240x64xf32, #tpu.memory_space<vmem>>, vector<1x64xf32>
      %mul3A_825 = arith.constant 16 : i32
      %mul3A_826 = arith.muli %scan3A_818, %mul3A_825 : i32
      %add3A_827 = arith.constant 4 : i32
      %add3A_828 = arith.addi %mul3A_826, %add3A_827 : i32
      %swap3A_829 = arith.index_cast %add3A_828 : i32 to index
      %swap3A_830 = arith.constant 0 : index
      %swap3A_831 = vector.load %arg14[%swap3A_829, %swap3A_830] : memref<800x64xf32, #tpu.memory_space<vmem>>, vector<1x64xf32>
      tpu.vector_store %arg14[%swap3A_829, %swap3A_830], %get3A_824 {strides = array<i32>} : memref<800x64xf32, #tpu.memory_space<vmem>>, vector<1x64xf32>,
    }
    %scan3A_23 = arith.constant 50 : i32
    %scan3A_24 = arith.constant 0 : i32
    %scan3A_25 = arith.constant 50 : i32
    %scan3A_26 = arith.addi %scan3A_24, %scan3A_25 : i32
    %scan3A_27 = arith.constant 1 : i32
    scf.for %scan3A_818 = %scan3A_24 to %scan3A_26 step %scan3A_27  : i32 {
      %get3A_819 = arith.constant 5 : index
      %get3A_820 = arith.index_cast %scan3A_818 : i32 to index
      %get3A_821 = memref.load %arg2[%get3A_819, %get3A_820] : memref<16x64xi32, #tpu.memory_space<smem>>
      %get3A_822 = arith.index_cast %get3A_821 : i32 to index
      %get3A_823 = arith.constant 0 : index
      %get3A_824 = vector.load %arg0[%get3A_822, %get3A_823] : memref<10240x64xf32, #tpu.memory_space<vmem>>, vector<1x64xf32>
      %mul3A_825 = arith.constant 16 : i32
      %mul3A_826 = arith.muli %scan3A_818, %mul3A_825 : i32
      %add3A_827 = arith.constant 5 : i32
      %add3A_828 = arith.addi %mul3A_826, %add3A_827 : i32
      %swap3A_829 = arith.index_cast %add3A_828 : i32 to index
      %swap3A_830 = arith.constant 0 : index
      %swap3A_831 = vector.load %arg14[%swap3A_829, %swap3A_830] : memref<800x64xf32, #tpu.memory_space<vmem>>, vector<1x64xf32>
      tpu.vector_store %arg14[%swap3A_829, %swap3A_830], %get3A_824 {strides = array<i32>} : memref<800x64xf32, #tpu.memory_space<vmem>>, vector<1x64xf32>,
    }
    %scan3A_28 = arith.constant 50 : i32
    %scan3A_29 = arith.constant 0 : i32
    %scan3A_30 = arith.constant 50 : i32
    %scan3A_31 = arith.addi %scan3A_29, %scan3A_30 : i32
    %scan3A_32 = arith.constant 1 : i32
    scf.for %scan3A_818 = %scan3A_29 to %scan3A_31 step %scan3A_32  : i32 {
      %get3A_819 = arith.constant 6 : index
      %get3A_820 = arith.index_cast %scan3A_818 : i32 to index
      %get3A_821 = memref.load %arg2[%get3A_819, %get3A_820] : memref<16x64xi32, #tpu.memory_space<smem>>
      %get3A_822 = arith.index_cast %get3A_821 : i32 to index
      %get3A_823 = arith.constant 0 : index
      %get3A_824 = vector.load %arg0[%get3A_822, %get3A_823] : memref<10240x64xf32, #tpu.memory_space<vmem>>, vector<1x64xf32>
      %mul3A_825 = arith.constant 16 : i32
      %mul3A_826 = arith.muli %scan3A_818, %mul3A_825 : i32
      %add3A_827 = arith.constant 6 : i32
      %add3A_828 = arith.addi %mul3A_826, %add3A_827 : i32
      %swap3A_829 = arith.index_cast %add3A_828 : i32 to index
      %swap3A_830 = arith.constant 0 : index
      %swap3A_831 = vector.load %arg14[%swap3A_829, %swap3A_830] : memref<800x64xf32, #tpu.memory_space<vmem>>, vector<1x64xf32>
      tpu.vector_store %arg14[%swap3A_829, %swap3A_830], %get3A_824 {strides = array<i32>} : memref<800x64xf32, #tpu.memory_space<vmem>>, vector<1x64xf32>,
    }
    %scan3A_33 = arith.constant 50 : i32
    %scan3A_34 = arith.constant 0 : i32
    %scan3A_35 = arith.constant 50 : i32
    %scan3A_36 = arith.addi %scan3A_34, %scan3A_35 : i32
    %scan3A_37 = arith.constant 1 : i32
    scf.for %scan3A_818 = %scan3A_34 to %scan3A_36 step %scan3A_37  : i32 {
      %get3A_819 = arith.constant 7 : index
      %get3A_820 = arith.index_cast %scan3A_818 : i32 to index
      %get3A_821 = memref.load %arg2[%get3A_819, %get3A_820] : memref<16x64xi32, #tpu.memory_space<smem>>
      %get3A_822 = arith.index_cast %get3A_821 : i32 to index
      %get3A_823 = arith.constant 0 : index
      %get3A_824 = vector.load %arg0[%get3A_822, %get3A_823] : memref<10240x64xf32, #tpu.memory_space<vmem>>, vector<1x64xf32>
      %mul3A_825 = arith.constant 16 : i32
      %mul3A_826 = arith.muli %scan3A_818, %mul3A_825 : i32
      %add3A_827 = arith.constant 7 : i32
      %add3A_828 = arith.addi %mul3A_826, %add3A_827 : i32
      %swap3A_829 = arith.index_cast %add3A_828 : i32 to index
      %swap3A_830 = arith.constant 0 : index
      %swap3A_831 = vector.load %arg14[%swap3A_829, %swap3A_830] : memref<800x64xf32, #tpu.memory_space<vmem>>, vector<1x64xf32>
      tpu.vector_store %arg14[%swap3A_829, %swap3A_830], %get3A_824 {strides = array<i32>} : memref<800x64xf32, #tpu.memory_space<vmem>>, vector<1x64xf32>,
    }
    %scan3A_38 = arith.constant 50 : i32
    %scan3A_39 = arith.constant 0 : i32
    %scan3A_40 = arith.constant 50 : i32
    %scan3A_41 = arith.addi %scan3A_39, %scan3A_40 : i32
    %scan3A_42 = arith.constant 1 : i32
    scf.for %scan3A_818 = %scan3A_39 to %scan3A_41 step %scan3A_42  : i32 {
      %get3A_819 = arith.constant 8 : index
      %get3A_820 = arith.index_cast %scan3A_818 : i32 to index
      %get3A_821 = memref.load %arg2[%get3A_819, %get3A_820] : memref<16x64xi32, #tpu.memory_space<smem>>
      %get3A_822 = arith.index_cast %get3A_821 : i32 to index
      %get3A_823 = arith.constant 0 : index
      %get3A_824 = vector.load %arg0[%get3A_822, %get3A_823] : memref<10240x64xf32, #tpu.memory_space<vmem>>, vector<1x64xf32>
      %mul3A_825 = arith.constant 16 : i32
      %mul3A_826 = arith.muli %scan3A_818, %mul3A_825 : i32
      %add3A_827 = arith.constant 8 : i32
      %add3A_828 = arith.addi %mul3A_826, %add3A_827 : i32
      %swap3A_829 = arith.index_cast %add3A_828 : i32 to index
      %swap3A_830 = arith.constant 0 : index
      %swap3A_831 = vector.load %arg14[%swap3A_829, %swap3A_830] : memref<800x64xf32, #tpu.memory_space<vmem>>, vector<1x64xf32>
      tpu.vector_store %arg14[%swap3A_829, %swap3A_830], %get3A_824 {strides = array<i32>} : memref<800x64xf32, #tpu.memory_space<vmem>>, vector<1x64xf32>,
    }
    %scan3A_43 = arith.constant 50 : i32
    %scan3A_44 = arith.constant 0 : i32
    %scan3A_45 = arith.constant 50 : i32
    %scan3A_46 = arith.addi %scan3A_44, %scan3A_45 : i32
    %scan3A_47 = arith.constant 1 : i32
    scf.for %scan3A_818 = %scan3A_44 to %scan3A_46 step %scan3A_47  : i32 {
      %get3A_819 = arith.constant 9 : index
      %get3A_820 = arith.index_cast %scan3A_818 : i32 to index
      %get3A_821 = memref.load %arg2[%get3A_819, %get3A_820] : memref<16x64xi32, #tpu.memory_space<smem>>
      %get3A_822 = arith.index_cast %get3A_821 : i32 to index
      %get3A_823 = arith.constant 0 : index
      %get3A_824 = vector.load %arg0[%get3A_822, %get3A_823] : memref<10240x64xf32, #tpu.memory_space<vmem>>, vector<1x64xf32>
      %mul3A_825 = arith.constant 16 : i32
      %mul3A_826 = arith.muli %scan3A_818, %mul3A_825 : i32
      %add3A_827 = arith.constant 9 : i32
      %add3A_828 = arith.addi %mul3A_826, %add3A_827 : i32
      %swap3A_829 = arith.index_cast %add3A_828 : i32 to index
      %swap3A_830 = arith.constant 0 : index
      %swap3A_831 = vector.load %arg14[%swap3A_829, %swap3A_830] : memref<800x64xf32, #tpu.memory_space<vmem>>, vector<1x64xf32>
      tpu.vector_store %arg14[%swap3A_829, %swap3A_830], %get3A_824 {strides = array<i32>} : memref<800x64xf32, #tpu.memory_space<vmem>>, vector<1x64xf32>,
    }
    %scan3A_48 = arith.constant 50 : i32
    %scan3A_49 = arith.constant 0 : i32
    %scan3A_50 = arith.constant 50 : i32
    %scan3A_51 = arith.addi %scan3A_49, %scan3A_50 : i32
    %scan3A_52 = arith.constant 1 : i32
    scf.for %scan3A_818 = %scan3A_49 to %scan3A_51 step %scan3A_52  : i32 {
      %get3A_819 = arith.constant 10 : index
      %get3A_820 = arith.index_cast %scan3A_818 : i32 to index
      %get3A_821 = memref.load %arg2[%get3A_819, %get3A_820] : memref<16x64xi32, #tpu.memory_space<smem>>
      %get3A_822 = arith.index_cast %get3A_821 : i32 to index
      %get3A_823 = arith.constant 0 : index
      %get3A_824 = vector.load %arg0[%get3A_822, %get3A_823] : memref<10240x64xf32, #tpu.memory_space<vmem>>, vector<1x64xf32>
      %mul3A_825 = arith.constant 16 : i32
      %mul3A_826 = arith.muli %scan3A_818, %mul3A_825 : i32
      %add3A_827 = arith.constant 10 : i32
      %add3A_828 = arith.addi %mul3A_826, %add3A_827 : i32
      %swap3A_829 = arith.index_cast %add3A_828 : i32 to index
      %swap3A_830 = arith.constant 0 : index
      %swap3A_831 = vector.load %arg14[%swap3A_829, %swap3A_830] : memref<800x64xf32, #tpu.memory_space<vmem>>, vector<1x64xf32>
      tpu.vector_store %arg14[%swap3A_829, %swap3A_830], %get3A_824 {strides = array<i32>} : memref<800x64xf32, #tpu.memory_space<vmem>>, vector<1x64xf32>,
    }
    %scan3A_53 = arith.constant 50 : i32
    %scan3A_54 = arith.constant 0 : i32
    %scan3A_55 = arith.constant 50 : i32
    %scan3A_56 = arith.addi %scan3A_54, %scan3A_55 : i32
    %scan3A_57 = arith.constant 1 : i32
    scf.for %scan3A_818 = %scan3A_54 to %scan3A_56 step %scan3A_57  : i32 {
      %get3A_819 = arith.constant 11 : index
      %get3A_820 = arith.index_cast %scan3A_818 : i32 to index
      %get3A_821 = memref.load %arg2[%get3A_819, %get3A_820] : memref<16x64xi32, #tpu.memory_space<smem>>
      %get3A_822 = arith.index_cast %get3A_821 : i32 to index
      %get3A_823 = arith.constant 0 : index
      %get3A_824 = vector.load %arg0[%get3A_822, %get3A_823] : memref<10240x64xf32, #tpu.memory_space<vmem>>, vector<1x64xf32>
      %mul3A_825 = arith.constant 16 : i32
      %mul3A_826 = arith.muli %scan3A_818, %mul3A_825 : i32
      %add3A_827 = arith.constant 11 : i32
      %add3A_828 = arith.addi %mul3A_826, %add3A_827 : i32
      %swap3A_829 = arith.index_cast %add3A_828 : i32 to index
      %swap3A_830 = arith.constant 0 : index
      %swap3A_831 = vector.load %arg14[%swap3A_829, %swap3A_830] : memref<800x64xf32, #tpu.memory_space<vmem>>, vector<1x64xf32>
      tpu.vector_store %arg14[%swap3A_829, %swap3A_830], %get3A_824 {strides = array<i32>} : memref<800x64xf32, #tpu.memory_space<vmem>>, vector<1x64xf32>,
    }
    %scan3A_58 = arith.constant 50 : i32
    %scan3A_59 = arith.constant 0 : i32
    %scan3A_60 = arith.constant 50 : i32
    %scan3A_61 = arith.addi %scan3A_59, %scan3A_60 : i32
    %scan3A_62 = arith.constant 1 : i32
    scf.for %scan3A_818 = %scan3A_59 to %scan3A_61 step %scan3A_62  : i32 {
      %get3A_819 = arith.constant 12 : index
      %get3A_820 = arith.index_cast %scan3A_818 : i32 to index
      %get3A_821 = memref.load %arg2[%get3A_819, %get3A_820] : memref<16x64xi32, #tpu.memory_space<smem>>
      %get3A_822 = arith.index_cast %get3A_821 : i32 to index
      %get3A_823 = arith.constant 0 : index
      %get3A_824 = vector.load %arg0[%get3A_822, %get3A_823] : memref<10240x64xf32, #tpu.memory_space<vmem>>, vector<1x64xf32>
      %mul3A_825 = arith.constant 16 : i32
      %mul3A_826 = arith.muli %scan3A_818, %mul3A_825 : i32
      %add3A_827 = arith.constant 12 : i32
      %add3A_828 = arith.addi %mul3A_826, %add3A_827 : i32
      %swap3A_829 = arith.index_cast %add3A_828 : i32 to index
      %swap3A_830 = arith.constant 0 : index
      %swap3A_831 = vector.load %arg14[%swap3A_829, %swap3A_830] : memref<800x64xf32, #tpu.memory_space<vmem>>, vector<1x64xf32>
      tpu.vector_store %arg14[%swap3A_829, %swap3A_830], %get3A_824 {strides = array<i32>} : memref<800x64xf32, #tpu.memory_space<vmem>>, vector<1x64xf32>,
    }
    %scan3A_63 = arith.constant 50 : i32
    %scan3A_64 = arith.constant 0 : i32
    %scan3A_65 = arith.constant 50 : i32
    %scan3A_66 = arith.addi %scan3A_64, %scan3A_65 : i32
    %scan3A_67 = arith.constant 1 : i32
    scf.for %scan3A_818 = %scan3A_64 to %scan3A_66 step %scan3A_67  : i32 {
      %get3A_819 = arith.constant 13 : index
      %get3A_820 = arith.index_cast %scan3A_818 : i32 to index
      %get3A_821 = memref.load %arg2[%get3A_819, %get3A_820] : memref<16x64xi32, #tpu.memory_space<smem>>
      %get3A_822 = arith.index_cast %get3A_821 : i32 to index
      %get3A_823 = arith.constant 0 : index
      %get3A_824 = vector.load %arg0[%get3A_822, %get3A_823] : memref<10240x64xf32, #tpu.memory_space<vmem>>, vector<1x64xf32>
      %mul3A_825 = arith.constant 16 : i32
      %mul3A_826 = arith.muli %scan3A_818, %mul3A_825 : i32
      %add3A_827 = arith.constant 13 : i32
      %add3A_828 = arith.addi %mul3A_826, %add3A_827 : i32
      %swap3A_829 = arith.index_cast %add3A_828 : i32 to index
      %swap3A_830 = arith.constant 0 : index
      %swap3A_831 = vector.load %arg14[%swap3A_829, %swap3A_830] : memref<800x64xf32, #tpu.memory_space<vmem>>, vector<1x64xf32>
      tpu.vector_store %arg14[%swap3A_829, %swap3A_830], %get3A_824 {strides = array<i32>} : memref<800x64xf32, #tpu.memory_space<vmem>>, vector<1x64xf32>,
    }
    %scan3A_68 = arith.constant 50 : i32
    %scan3A_69 = arith.constant 0 : i32
    %scan3A_70 = arith.constant 50 : i32
    %scan3A_71 = arith.addi %scan3A_69, %scan3A_70 : i32
    %scan3A_72 = arith.constant 1 : i32
    scf.for %scan3A_818 = %scan3A_69 to %scan3A_71 step %scan3A_72  : i32 {
      %get3A_819 = arith.constant 14 : index
      %get3A_820 = arith.index_cast %scan3A_818 : i32 to index
      %get3A_821 = memref.load %arg2[%get3A_819, %get3A_820] : memref<16x64xi32, #tpu.memory_space<smem>>
      %get3A_822 = arith.index_cast %get3A_821 : i32 to index
      %get3A_823 = arith.constant 0 : index
      %get3A_824 = vector.load %arg0[%get3A_822, %get3A_823] : memref<10240x64xf32, #tpu.memory_space<vmem>>, vector<1x64xf32>
      %mul3A_825 = arith.constant 16 : i32
      %mul3A_826 = arith.muli %scan3A_818, %mul3A_825 : i32
      %add3A_827 = arith.constant 14 : i32
      %add3A_828 = arith.addi %mul3A_826, %add3A_827 : i32
      %swap3A_829 = arith.index_cast %add3A_828 : i32 to index
      %swap3A_830 = arith.constant 0 : index
      %swap3A_831 = vector.load %arg14[%swap3A_829, %swap3A_830] : memref<800x64xf32, #tpu.memory_space<vmem>>, vector<1x64xf32>
      tpu.vector_store %arg14[%swap3A_829, %swap3A_830], %get3A_824 {strides = array<i32>} : memref<800x64xf32, #tpu.memory_space<vmem>>, vector<1x64xf32>,
    }
    %scan3A_73 = arith.constant 50 : i32
    %scan3A_74 = arith.constant 0 : i32
    %scan3A_75 = arith.constant 50 : i32
    %scan3A_76 = arith.addi %scan3A_74, %scan3A_75 : i32
    %scan3A_77 = arith.constant 1 : i32
    scf.for %scan3A_818 = %scan3A_74 to %scan3A_76 step %scan3A_77  : i32 {
      %get3A_819 = arith.constant 15 : index
      %get3A_820 = arith.index_cast %scan3A_818 : i32 to index
      %get3A_821 = memref.load %arg2[%get3A_819, %get3A_820] : memref<16x64xi32, #tpu.memory_space<smem>>
      %get3A_822 = arith.index_cast %get3A_821 : i32 to index
      %get3A_823 = arith.constant 0 : index
      %get3A_824 = vector.load %arg0[%get3A_822, %get3A_823] : memref<10240x64xf32, #tpu.memory_space<vmem>>, vector<1x64xf32>
      %mul3A_825 = arith.constant 16 : i32
      %mul3A_826 = arith.muli %scan3A_818, %mul3A_825 : i32
      %add3A_827 = arith.constant 15 : i32
      %add3A_828 = arith.addi %mul3A_826, %add3A_827 : i32
      %swap3A_829 = arith.index_cast %add3A_828 : i32 to index
      %swap3A_830 = arith.constant 0 : index
      %swap3A_831 = vector.load %arg14[%swap3A_829, %swap3A_830] : memref<800x64xf32, #tpu.memory_space<vmem>>, vector<1x64xf32>
      tpu.vector_store %arg14[%swap3A_829, %swap3A_830], %get3A_824 {strides = array<i32>} : memref<800x64xf32, #tpu.memory_space<vmem>>, vector<1x64xf32>,
    }
    %scan3A_78 = arith.constant 50 : i32
    %get3A = arith.constant 0 : index
    %get3A_79 = arith.constant 0 : index
    %get3A_80 = vector.load %arg14[%get3A, %get3A_79] : memref<800x64xf32, #tpu.memory_space<vmem>>, vector<800x64xf32>
    %get3A_81 = arith.constant 0 : index
    %get3A_82 = arith.constant 0 : index
    %get3A_83 = vector.load %arg1[%get3A_81, %get3A_82] : memref<256x64xf32, #tpu.memory_space<vmem>>, vector<256x64xf32>
    %dot_general3A = arith.constant dense<0.000000e+00> : vector<800x256xf32>
    %dot_general3A_84 = tpu.matmul %get3A_80, %get3A_83, %dot_general3A {dimension_numbers = #tpu.dot_dimension_numbers<[1], [1], [0], [0], [0, 0, 1, 0], [], []>, transpose_lhs_hint = false} : vector<800x64xf32>, vector<256x64xf32>, vector<800x256xf32> -> vector<800x256xf32>
    %mul3A = arith.mulf %get3A_80, %get3A_80 : vector<800x64xf32>
    %reduce_sum3A = arith.constant dense<0.000000e+00> : vector<800xf32>
    %reduce_sum3A_85 = vector.multi_reduction <add>, %mul3A, %reduce_sum3A [1] : vector<800x64xf32> to vector<800xf32>
    %broadcast_in_dim3A = vector.shape_cast %reduce_sum3A_85 : vector<800xf32> to vector<800x1xf32>
    %broadcast_in_dim3A_86 = arith.constant 1.000000e+00 : f32
    %broadcast_in_dim3A_87 = vector.broadcast %broadcast_in_dim3A_86 : f32 to vector<1x64xf32>
    %mul3A_88 = arith.mulf %get3A_83, %get3A_83 : vector<256x64xf32>
    %dot_general3A_89 = arith.constant dense<0.000000e+00> : vector<1x256xf32>
    %dot_general3A_90 = tpu.matmul %broadcast_in_dim3A_87, %mul3A_88, %dot_general3A_89 {dimension_numbers = #tpu.dot_dimension_numbers<[1], [1], [0], [0], [0, 0, 1, 0], [], []>, precision = #tpu.contract_precision<fp32>, transpose_lhs_hint = false} : vector<1x64xf32>, vector<256x64xf32>, vector<1x256xf32> -> vector<1x256xf32>
    %add3A = vector.broadcast %broadcast_in_dim3A : vector<800x1xf32> to vector<800x256xf32>
    %add3A_91 = vector.broadcast %dot_general3A_90 : vector<1x256xf32> to vector<800x256xf32>
    %add3A_92 = arith.addf %add3A, %add3A_91 : vector<800x256xf32>
    %mul3A_93 = arith.constant 2.000000e+00 : f32
    %mul3A_94 = vector.broadcast %mul3A_93 : f32 to vector<800x256xf32>
    %mul3A_95 = arith.mulf %mul3A_94, %dot_general3A_84 : vector<800x256xf32>
    %sub3A = arith.subf %add3A_92, %mul3A_95 : vector<800x256xf32>
    %max3A = arith.constant 0.000000e+00 : f32
    %max3A_96 = vector.broadcast %max3A : f32 to vector<800x256xf32>
    %max3A_97 = arith.maximumf %sub3A, %max3A_96 : vector<800x256xf32>
    %add3A_98 = arith.constant 9.99999996E-13 : f32
    %add3A_99 = vector.broadcast %add3A_98 : f32 to vector<800x256xf32>
    %add3A_100 = arith.addf %max3A_97, %add3A_99 : vector<800x256xf32>
    %sqrt3A = math.sqrt %add3A_100 : vector<800x256xf32>
    %iota3A = tpu.iota {dimensions = array<i32: 0>} : vector<800x1xi32>
    %jit3A = arith.constant 16 : i32
    %div3A = vector.broadcast %jit3A : i32 to vector<800x1xi32>
    %div3A_101 = arith.divsi %iota3A, %div3A : vector<800x1xi32>
    %sign3A = arith.constant 0 : i32
    %sign3A_102 = vector.broadcast %sign3A : i32 to vector<800x1xi32>
    %sign3A_103 = arith.cmpi sgt, %iota3A, %sign3A_102 : vector<800x1xi32>
    %sign3A_104 = arith.extui %sign3A_103 : vector<800x1xi1> to vector<800x1xi32>
    %sign3A_105 = arith.constant 0 : i32
    %sign3A_106 = vector.broadcast %sign3A_105 : i32 to vector<800x1xi32>
    %sign3A_107 = arith.cmpi slt, %iota3A, %sign3A_106 : vector<800x1xi32>
    %sign3A_108 = arith.extui %sign3A_107 : vector<800x1xi1> to vector<800x1xi32>
    %sign3A_109 = arith.subi %sign3A_104, %sign3A_108 : vector<800x1xi32>
    %sign3A_110 = arith.constant 0 : i32
    %sign3A_111 = arith.cmpi sgt, %jit3A, %sign3A_110 : i32
    %sign3A_112 = arith.extui %sign3A_111 : i1 to i32
    %sign3A_113 = arith.constant 0 : i32
    %sign3A_114 = arith.cmpi slt, %jit3A, %sign3A_113 : i32
    %sign3A_115 = arith.extui %sign3A_114 : i1 to i32
    %sign3A_116 = arith.subi %sign3A_112, %sign3A_115 : i32
    %ne3A = vector.broadcast %sign3A_116 : i32 to vector<800x1xi32>
    %ne3A_117 = arith.cmpi ne, %sign3A_109, %ne3A : vector<800x1xi32>
    %rem3A = vector.broadcast %jit3A : i32 to vector<800x1xi32>
    %rem3A_118 = arith.remsi %iota3A, %rem3A : vector<800x1xi32>
    %ne3A_119 = arith.constant 0 : i32
    %ne3A_120 = vector.broadcast %ne3A_119 : i32 to vector<800x1xi32>
    %ne3A_121 = arith.cmpi ne, %rem3A_118, %ne3A_120 : vector<800x1xi32>
    %and3A = arith.andi %ne3A_117, %ne3A_121 : vector<800x1xi1>
    %sub3A_122 = arith.constant 1 : i32
    %sub3A_123 = vector.broadcast %sub3A_122 : i32 to vector<800x1xi32>
    %sub3A_124 = arith.subi %div3A_101, %sub3A_123 : vector<800x1xi32>
    %select_n3A = arith.select %and3A, %sub3A_124, %div3A_101 : vector<800x1xi1>, vector<800x1xi32>
    %rem3A_125 = arith.constant 16 : i32
    %rem3A_126 = vector.broadcast %rem3A_125 : i32 to vector<800x1xi32>
    %rem3A_127 = arith.remsi %iota3A, %rem3A_126 : vector<800x1xi32>
    %broadcast_in_dim3A_128 = arith.constant 0 : i32
    %broadcast_in_dim3A_129 = vector.broadcast %broadcast_in_dim3A_128 : i32 to vector<800x1xi32>
    %eq3A = arith.constant 0 : i32
    %eq3A_130 = vector.broadcast %eq3A : i32 to vector<800x1xi32>
    %eq3A_131 = arith.cmpi eq, %rem3A_127, %eq3A_130 : vector<800x1xi32>
    %get3A_132 = arith.constant 0 : index
    %get3A_133 = arith.constant 50 : index
    %get3A_134 = memref.load %arg2[%get3A_132, %get3A_133] : memref<16x64xi32, #tpu.memory_space<smem>>
    %broadcast_in_dim3A_135 = vector.broadcast %get3A_134 : i32 to vector<800x1xi32>
    %select_n3A_136 = arith.select %eq3A_131, %broadcast_in_dim3A_135, %broadcast_in_dim3A_129 : vector<800x1xi1>, vector<800x1xi32>
    %eq3A_137 = arith.constant 1 : i32
    %eq3A_138 = vector.broadcast %eq3A_137 : i32 to vector<800x1xi32>
    %eq3A_139 = arith.cmpi eq, %rem3A_127, %eq3A_138 : vector<800x1xi32>
    %get3A_140 = arith.constant 1 : index
    %get3A_141 = arith.constant 50 : index
    %get3A_142 = memref.load %arg2[%get3A_140, %get3A_141] : memref<16x64xi32, #tpu.memory_space<smem>>
    %broadcast_in_dim3A_143 = vector.broadcast %get3A_142 : i32 to vector<800x1xi32>
    %select_n3A_144 = arith.select %eq3A_139, %broadcast_in_dim3A_143, %select_n3A_136 : vector<800x1xi1>, vector<800x1xi32>
    %eq3A_145 = arith.constant 2 : i32
    %eq3A_146 = vector.broadcast %eq3A_145 : i32 to vector<800x1xi32>
    %eq3A_147 = arith.cmpi eq, %rem3A_127, %eq3A_146 : vector<800x1xi32>
    %get3A_148 = arith.constant 2 : index
    %get3A_149 = arith.constant 50 : index
    %get3A_150 = memref.load %arg2[%get3A_148, %get3A_149] : memref<16x64xi32, #tpu.memory_space<smem>>
    %broadcast_in_dim3A_151 = vector.broadcast %get3A_150 : i32 to vector<800x1xi32>
    %select_n3A_152 = arith.select %eq3A_147, %broadcast_in_dim3A_151, %select_n3A_144 : vector<800x1xi1>, vector<800x1xi32>
    %eq3A_153 = arith.constant 3 : i32
    %eq3A_154 = vector.broadcast %eq3A_153 : i32 to vector<800x1xi32>
    %eq3A_155 = arith.cmpi eq, %rem3A_127, %eq3A_154 : vector<800x1xi32>
    %get3A_156 = arith.constant 3 : index
    %get3A_157 = arith.constant 50 : index
    %get3A_158 = memref.load %arg2[%get3A_156, %get3A_157] : memref<16x64xi32, #tpu.memory_space<smem>>
    %broadcast_in_dim3A_159 = vector.broadcast %get3A_158 : i32 to vector<800x1xi32>
    %select_n3A_160 = arith.select %eq3A_155, %broadcast_in_dim3A_159, %select_n3A_152 : vector<800x1xi1>, vector<800x1xi32>
    %eq3A_161 = arith.constant 4 : i32
    %eq3A_162 = vector.broadcast %eq3A_161 : i32 to vector<800x1xi32>
    %eq3A_163 = arith.cmpi eq, %rem3A_127, %eq3A_162 : vector<800x1xi32>
    %get3A_164 = arith.constant 4 : index
    %get3A_165 = arith.constant 50 : index
    %get3A_166 = memref.load %arg2[%get3A_164, %get3A_165] : memref<16x64xi32, #tpu.memory_space<smem>>
    %broadcast_in_dim3A_167 = vector.broadcast %get3A_166 : i32 to vector<800x1xi32>
    %select_n3A_168 = arith.select %eq3A_163, %broadcast_in_dim3A_167, %select_n3A_160 : vector<800x1xi1>, vector<800x1xi32>
    %eq3A_169 = arith.constant 5 : i32
    %eq3A_170 = vector.broadcast %eq3A_169 : i32 to vector<800x1xi32>
    %eq3A_171 = arith.cmpi eq, %rem3A_127, %eq3A_170 : vector<800x1xi32>
    %get3A_172 = arith.constant 5 : index
    %get3A_173 = arith.constant 50 : index
    %get3A_174 = memref.load %arg2[%get3A_172, %get3A_173] : memref<16x64xi32, #tpu.memory_space<smem>>
    %broadcast_in_dim3A_175 = vector.broadcast %get3A_174 : i32 to vector<800x1xi32>
    %select_n3A_176 = arith.select %eq3A_171, %broadcast_in_dim3A_175, %select_n3A_168 : vector<800x1xi1>, vector<800x1xi32>
    %eq3A_177 = arith.constant 6 : i32
    %eq3A_178 = vector.broadcast %eq3A_177 : i32 to vector<800x1xi32>
    %eq3A_179 = arith.cmpi eq, %rem3A_127, %eq3A_178 : vector<800x1xi32>
    %get3A_180 = arith.constant 6 : index
    %get3A_181 = arith.constant 50 : index
    %get3A_182 = memref.load %arg2[%get3A_180, %get3A_181] : memref<16x64xi32, #tpu.memory_space<smem>>
    %broadcast_in_dim3A_183 = vector.broadcast %get3A_182 : i32 to vector<800x1xi32>
    %select_n3A_184 = arith.select %eq3A_179, %broadcast_in_dim3A_183, %select_n3A_176 : vector<800x1xi1>, vector<800x1xi32>
    %eq3A_185 = arith.constant 7 : i32
    %eq3A_186 = vector.broadcast %eq3A_185 : i32 to vector<800x1xi32>
    %eq3A_187 = arith.cmpi eq, %rem3A_127, %eq3A_186 : vector<800x1xi32>
    %get3A_188 = arith.constant 7 : index
    %get3A_189 = arith.constant 50 : index
    %get3A_190 = memref.load %arg2[%get3A_188, %get3A_189] : memref<16x64xi32, #tpu.memory_space<smem>>
    %broadcast_in_dim3A_191 = vector.broadcast %get3A_190 : i32 to vector<800x1xi32>
    %select_n3A_192 = arith.select %eq3A_187, %broadcast_in_dim3A_191, %select_n3A_184 : vector<800x1xi1>, vector<800x1xi32>
    %eq3A_193 = arith.constant 8 : i32
    %eq3A_194 = vector.broadcast %eq3A_193 : i32 to vector<800x1xi32>
    %eq3A_195 = arith.cmpi eq, %rem3A_127, %eq3A_194 : vector<800x1xi32>
    %get3A_196 = arith.constant 8 : index
    %get3A_197 = arith.constant 50 : index
    %get3A_198 = memref.load %arg2[%get3A_196, %get3A_197] : memref<16x64xi32, #tpu.memory_space<smem>>
    %broadcast_in_dim3A_199 = vector.broadcast %get3A_198 : i32 to vector<800x1xi32>
    %select_n3A_200 = arith.select %eq3A_195, %broadcast_in_dim3A_199, %select_n3A_192 : vector<800x1xi1>, vector<800x1xi32>
    %eq3A_201 = arith.constant 9 : i32
    %eq3A_202 = vector.broadcast %eq3A_201 : i32 to vector<800x1xi32>
    %eq3A_203 = arith.cmpi eq, %rem3A_127, %eq3A_202 : vector<800x1xi32>
    %get3A_204 = arith.constant 9 : index
    %get3A_205 = arith.constant 50 : index
    %get3A_206 = memref.load %arg2[%get3A_204, %get3A_205] : memref<16x64xi32, #tpu.memory_space<smem>>
    %broadcast_in_dim3A_207 = vector.broadcast %get3A_206 : i32 to vector<800x1xi32>
    %select_n3A_208 = arith.select %eq3A_203, %broadcast_in_dim3A_207, %select_n3A_200 : vector<800x1xi1>, vector<800x1xi32>
    %eq3A_209 = arith.constant 10 : i32
    %eq3A_210 = vector.broadcast %eq3A_209 : i32 to vector<800x1xi32>
    %eq3A_211 = arith.cmpi eq, %rem3A_127, %eq3A_210 : vector<800x1xi32>
    %get3A_212 = arith.constant 10 : index
    %get3A_213 = arith.constant 50 : index
    %get3A_214 = memref.load %arg2[%get3A_212, %get3A_213] : memref<16x64xi32, #tpu.memory_space<smem>>
    %broadcast_in_dim3A_215 = vector.broadcast %get3A_214 : i32 to vector<800x1xi32>
    %select_n3A_216 = arith.select %eq3A_211, %broadcast_in_dim3A_215, %select_n3A_208 : vector<800x1xi1>, vector<800x1xi32>
    %eq3A_217 = arith.constant 11 : i32
    %eq3A_218 = vector.broadcast %eq3A_217 : i32 to vector<800x1xi32>
    %eq3A_219 = arith.cmpi eq, %rem3A_127, %eq3A_218 : vector<800x1xi32>
    %get3A_220 = arith.constant 11 : index
    %get3A_221 = arith.constant 50 : index
    %get3A_222 = memref.load %arg2[%get3A_220, %get3A_221] : memref<16x64xi32, #tpu.memory_space<smem>>
    %broadcast_in_dim3A_223 = vector.broadcast %get3A_222 : i32 to vector<800x1xi32>
    %select_n3A_224 = arith.select %eq3A_219, %broadcast_in_dim3A_223, %select_n3A_216 : vector<800x1xi1>, vector<800x1xi32>
    %eq3A_225 = arith.constant 12 : i32
    %eq3A_226 = vector.broadcast %eq3A_225 : i32 to vector<800x1xi32>
    %eq3A_227 = arith.cmpi eq, %rem3A_127, %eq3A_226 : vector<800x1xi32>
    %get3A_228 = arith.constant 12 : index
    %get3A_229 = arith.constant 50 : index
    %get3A_230 = memref.load %arg2[%get3A_228, %get3A_229] : memref<16x64xi32, #tpu.memory_space<smem>>
    %broadcast_in_dim3A_231 = vector.broadcast %get3A_230 : i32 to vector<800x1xi32>
    %select_n3A_232 = arith.select %eq3A_227, %broadcast_in_dim3A_231, %select_n3A_224 : vector<800x1xi1>, vector<800x1xi32>
    %eq3A_233 = arith.constant 13 : i32
    %eq3A_234 = vector.broadcast %eq3A_233 : i32 to vector<800x1xi32>
    %eq3A_235 = arith.cmpi eq, %rem3A_127, %eq3A_234 : vector<800x1xi32>
    %get3A_236 = arith.constant 13 : index
    %get3A_237 = arith.constant 50 : index
    %get3A_238 = memref.load %arg2[%get3A_236, %get3A_237] : memref<16x64xi32, #tpu.memory_space<smem>>
    %broadcast_in_dim3A_239 = vector.broadcast %get3A_238 : i32 to vector<800x1xi32>
    %select_n3A_240 = arith.select %eq3A_235, %broadcast_in_dim3A_239, %select_n3A_232 : vector<800x1xi1>, vector<800x1xi32>
    %eq3A_241 = arith.constant 14 : i32
    %eq3A_242 = vector.broadcast %eq3A_241 : i32 to vector<800x1xi32>
    %eq3A_243 = arith.cmpi eq, %rem3A_127, %eq3A_242 : vector<800x1xi32>
    %get3A_244 = arith.constant 14 : index
    %get3A_245 = arith.constant 50 : index
    %get3A_246 = memref.load %arg2[%get3A_244, %get3A_245] : memref<16x64xi32, #tpu.memory_space<smem>>
    %broadcast_in_dim3A_247 = vector.broadcast %get3A_246 : i32 to vector<800x1xi32>
    %select_n3A_248 = arith.select %eq3A_243, %broadcast_in_dim3A_247, %select_n3A_240 : vector<800x1xi1>, vector<800x1xi32>
    %eq3A_249 = arith.constant 15 : i32
    %eq3A_250 = vector.broadcast %eq3A_249 : i32 to vector<800x1xi32>
    %eq3A_251 = arith.cmpi eq, %rem3A_127, %eq3A_250 : vector<800x1xi32>
    %get3A_252 = arith.constant 15 : index
    %get3A_253 = arith.constant 50 : index
    %get3A_254 = memref.load %arg2[%get3A_252, %get3A_253] : memref<16x64xi32, #tpu.memory_space<smem>>
    %broadcast_in_dim3A_255 = vector.broadcast %get3A_254 : i32 to vector<800x1xi32>
    %select_n3A_256 = arith.select %eq3A_251, %broadcast_in_dim3A_255, %select_n3A_248 : vector<800x1xi1>, vector<800x1xi32>
    %lt3A = arith.cmpi slt, %select_n3A, %select_n3A_256 : vector<800x1xi32>
    %jit3A_257 = arith.constant 0.000000e+00 : f32
    %broadcast_in_dim3A_258 = vector.shape_cast %lt3A : vector<800x1xi1> to vector<800x1xi1>
    %broadcast_in_dim3A_259 = vector.broadcast %broadcast_in_dim3A_258 : vector<800x1xi1> to vector<800x256xi1>
    %broadcast_in_dim3A_260 = vector.broadcast %jit3A_257 : f32 to vector<800x256xf32>
    %select_n3A_261 = arith.select %broadcast_in_dim3A_259, %sqrt3A, %broadcast_in_dim3A_260 : vector<800x256xi1>, vector<800x256xf32>
    %broadcast_in_dim3A_262 = arith.constant 0.000000e+00 : f32
    %broadcast_in_dim3A_263 = vector.broadcast %broadcast_in_dim3A_262 : f32 to vector<16x128xf32>
    %slice3A = vector.extract_strided_slice %select_n3A_261 {offsets = [0, 0], sizes = [16, 256], strides = [1, 1]} : vector<800x256xf32> to vector<16x256xf32>
    %get3A_264 = arith.constant 0 : index
    %get3A_265 = arith.constant 0 : index
    %get3A_266 = arith.constant 0 : index
    %get3A_267 = vector.load %arg3[%get3A_264, %get3A_265, %get3A_266] : memref<50x256x128xf32, #tpu.memory_space<vmem>>, vector<1x256x128xf32>
    %get3A_268 = vector.shape_cast %get3A_267 : vector<1x256x128xf32> to vector<256x128xf32>
    %dot_general3A_269 = arith.constant dense<0.000000e+00> : vector<16x128xf32>
    %dot_general3A_270 = tpu.matmul %slice3A, %get3A_268, %dot_general3A_269 {dimension_numbers = #tpu.dot_dimension_numbers<[1], [0], [0], [1], [0, 0, 1, 1], [], []>, transpose_lhs_hint = false} : vector<16x256xf32>, vector<256x128xf32>, vector<16x128xf32> -> vector<16x128xf32>
    %add3A_271 = arith.addf %broadcast_in_dim3A_263, %dot_general3A_270 : vector<16x128xf32>
    %slice3A_272 = vector.extract_strided_slice %select_n3A_261 {offsets = [16, 0], sizes = [16, 256], strides = [1, 1]} : vector<800x256xf32> to vector<16x256xf32>
    %get3A_273 = arith.constant 1 : index
    %get3A_274 = arith.constant 0 : index
    %get3A_275 = arith.constant 0 : index
    %get3A_276 = vector.load %arg3[%get3A_273, %get3A_274, %get3A_275] : memref<50x256x128xf32, #tpu.memory_space<vmem>>, vector<1x256x128xf32>
    %get3A_277 = vector.shape_cast %get3A_276 : vector<1x256x128xf32> to vector<256x128xf32>
    %dot_general3A_278 = arith.constant dense<0.000000e+00> : vector<16x128xf32>
    %dot_general3A_279 = tpu.matmul %slice3A_272, %get3A_277, %dot_general3A_278 {dimension_numbers = #tpu.dot_dimension_numbers<[1], [0], [0], [1], [0, 0, 1, 1], [], []>, transpose_lhs_hint = false} : vector<16x256xf32>, vector<256x128xf32>, vector<16x128xf32> -> vector<16x128xf32>
    %add3A_280 = arith.addf %add3A_271, %dot_general3A_279 : vector<16x128xf32>
    %slice3A_281 = vector.extract_strided_slice %select_n3A_261 {offsets = [32, 0], sizes = [16, 256], strides = [1, 1]} : vector<800x256xf32> to vector<16x256xf32>
    %get3A_282 = arith.constant 2 : index
    %get3A_283 = arith.constant 0 : index
    %get3A_284 = arith.constant 0 : index
    %get3A_285 = vector.load %arg3[%get3A_282, %get3A_283, %get3A_284] : memref<50x256x128xf32, #tpu.memory_space<vmem>>, vector<1x256x128xf32>
    %get3A_286 = vector.shape_cast %get3A_285 : vector<1x256x128xf32> to vector<256x128xf32>
    %dot_general3A_287 = arith.constant dense<0.000000e+00> : vector<16x128xf32>
    %dot_general3A_288 = tpu.matmul %slice3A_281, %get3A_286, %dot_general3A_287 {dimension_numbers = #tpu.dot_dimension_numbers<[1], [0], [0], [1], [0, 0, 1, 1], [], []>, transpose_lhs_hint = false} : vector<16x256xf32>, vector<256x128xf32>, vector<16x128xf32> -> vector<16x128xf32>
    %add3A_289 = arith.addf %add3A_280, %dot_general3A_288 : vector<16x128xf32>
    %slice3A_290 = vector.extract_strided_slice %select_n3A_261 {offsets = [48, 0], sizes = [16, 256], strides = [1, 1]} : vector<800x256xf32> to vector<16x256xf32>
    %get3A_291 = arith.constant 3 : index
    %get3A_292 = arith.constant 0 : index
    %get3A_293 = arith.constant 0 : index
    %get3A_294 = vector.load %arg3[%get3A_291, %get3A_292, %get3A_293] : memref<50x256x128xf32, #tpu.memory_space<vmem>>, vector<1x256x128xf32>
    %get3A_295 = vector.shape_cast %get3A_294 : vector<1x256x128xf32> to vector<256x128xf32>
    %dot_general3A_296 = arith.constant dense<0.000000e+00> : vector<16x128xf32>
    %dot_general3A_297 = tpu.matmul %slice3A_290, %get3A_295, %dot_general3A_296 {dimension_numbers = #tpu.dot_dimension_numbers<[1], [0], [0], [1], [0, 0, 1, 1], [], []>, transpose_lhs_hint = false} : vector<16x256xf32>, vector<256x128xf32>, vector<16x128xf32> -> vector<16x128xf32>
    %add3A_298 = arith.addf %add3A_289, %dot_general3A_297 : vector<16x128xf32>
    %slice3A_299 = vector.extract_strided_slice %select_n3A_261 {offsets = [64, 0], sizes = [16, 256], strides = [1, 1]} : vector<800x256xf32> to vector<16x256xf32>
    %get3A_300 = arith.constant 4 : index
    %get3A_301 = arith.constant 0 : index
    %get3A_302 = arith.constant 0 : index
    %get3A_303 = vector.load %arg3[%get3A_300, %get3A_301, %get3A_302] : memref<50x256x128xf32, #tpu.memory_space<vmem>>, vector<1x256x128xf32>
    %get3A_304 = vector.shape_cast %get3A_303 : vector<1x256x128xf32> to vector<256x128xf32>
    %dot_general3A_305 = arith.constant dense<0.000000e+00> : vector<16x128xf32>
    %dot_general3A_306 = tpu.matmul %slice3A_299, %get3A_304, %dot_general3A_305 {dimension_numbers = #tpu.dot_dimension_numbers<[1], [0], [0], [1], [0, 0, 1, 1], [], []>, transpose_lhs_hint = false} : vector<16x256xf32>, vector<256x128xf32>, vector<16x128xf32> -> vector<16x128xf32>
    %add3A_307 = arith.addf %add3A_298, %dot_general3A_306 : vector<16x128xf32>
    %slice3A_308 = vector.extract_strided_slice %select_n3A_261 {offsets = [80, 0], sizes = [16, 256], strides = [1, 1]} : vector<800x256xf32> to vector<16x256xf32>
    %get3A_309 = arith.constant 5 : index
    %get3A_310 = arith.constant 0 : index
    %get3A_311 = arith.constant 0 : index
    %get3A_312 = vector.load %arg3[%get3A_309, %get3A_310, %get3A_311] : memref<50x256x128xf32, #tpu.memory_space<vmem>>, vector<1x256x128xf32>
    %get3A_313 = vector.shape_cast %get3A_312 : vector<1x256x128xf32> to vector<256x128xf32>
    %dot_general3A_314 = arith.constant dense<0.000000e+00> : vector<16x128xf32>
    %dot_general3A_315 = tpu.matmul %slice3A_308, %get3A_313, %dot_general3A_314 {dimension_numbers = #tpu.dot_dimension_numbers<[1], [0], [0], [1], [0, 0, 1, 1], [], []>, transpose_lhs_hint = false} : vector<16x256xf32>, vector<256x128xf32>, vector<16x128xf32> -> vector<16x128xf32>
    %add3A_316 = arith.addf %add3A_307, %dot_general3A_315 : vector<16x128xf32>
    %slice3A_317 = vector.extract_strided_slice %select_n3A_261 {offsets = [96, 0], sizes = [16, 256], strides = [1, 1]} : vector<800x256xf32> to vector<16x256xf32>
    %get3A_318 = arith.constant 6 : index
    %get3A_319 = arith.constant 0 : index
    %get3A_320 = arith.constant 0 : index
    %get3A_321 = vector.load %arg3[%get3A_318, %get3A_319, %get3A_320] : memref<50x256x128xf32, #tpu.memory_space<vmem>>, vector<1x256x128xf32>
    %get3A_322 = vector.shape_cast %get3A_321 : vector<1x256x128xf32> to vector<256x128xf32>
    %dot_general3A_323 = arith.constant dense<0.000000e+00> : vector<16x128xf32>
    %dot_general3A_324 = tpu.matmul %slice3A_317, %get3A_322, %dot_general3A_323 {dimension_numbers = #tpu.dot_dimension_numbers<[1], [0], [0], [1], [0, 0, 1, 1], [], []>, transpose_lhs_hint = false} : vector<16x256xf32>, vector<256x128xf32>, vector<16x128xf32> -> vector<16x128xf32>
    %add3A_325 = arith.addf %add3A_316, %dot_general3A_324 : vector<16x128xf32>
    %slice3A_326 = vector.extract_strided_slice %select_n3A_261 {offsets = [112, 0], sizes = [16, 256], strides = [1, 1]} : vector<800x256xf32> to vector<16x256xf32>
    %get3A_327 = arith.constant 7 : index
    %get3A_328 = arith.constant 0 : index
    %get3A_329 = arith.constant 0 : index
    %get3A_330 = vector.load %arg3[%get3A_327, %get3A_328, %get3A_329] : memref<50x256x128xf32, #tpu.memory_space<vmem>>, vector<1x256x128xf32>
    %get3A_331 = vector.shape_cast %get3A_330 : vector<1x256x128xf32> to vector<256x128xf32>
    %dot_general3A_332 = arith.constant dense<0.000000e+00> : vector<16x128xf32>
    %dot_general3A_333 = tpu.matmul %slice3A_326, %get3A_331, %dot_general3A_332 {dimension_numbers = #tpu.dot_dimension_numbers<[1], [0], [0], [1], [0, 0, 1, 1], [], []>, transpose_lhs_hint = false} : vector<16x256xf32>, vector<256x128xf32>, vector<16x128xf32> -> vector<16x128xf32>
    %add3A_334 = arith.addf %add3A_325, %dot_general3A_333 : vector<16x128xf32>
    %slice3A_335 = vector.extract_strided_slice %select_n3A_261 {offsets = [128, 0], sizes = [16, 256], strides = [1, 1]} : vector<800x256xf32> to vector<16x256xf32>
    %get3A_336 = arith.constant 8 : index
    %get3A_337 = arith.constant 0 : index
    %get3A_338 = arith.constant 0 : index
    %get3A_339 = vector.load %arg3[%get3A_336, %get3A_337, %get3A_338] : memref<50x256x128xf32, #tpu.memory_space<vmem>>, vector<1x256x128xf32>
    %get3A_340 = vector.shape_cast %get3A_339 : vector<1x256x128xf32> to vector<256x128xf32>
    %dot_general3A_341 = arith.constant dense<0.000000e+00> : vector<16x128xf32>
    %dot_general3A_342 = tpu.matmul %slice3A_335, %get3A_340, %dot_general3A_341 {dimension_numbers = #tpu.dot_dimension_numbers<[1], [0], [0], [1], [0, 0, 1, 1], [], []>, transpose_lhs_hint = false} : vector<16x256xf32>, vector<256x128xf32>, vector<16x128xf32> -> vector<16x128xf32>
    %add3A_343 = arith.addf %add3A_334, %dot_general3A_342 : vector<16x128xf32>
    %slice3A_344 = vector.extract_strided_slice %select_n3A_261 {offsets = [144, 0], sizes = [16, 256], strides = [1, 1]} : vector<800x256xf32> to vector<16x256xf32>
    %get3A_345 = arith.constant 9 : index
    %get3A_346 = arith.constant 0 : index
    %get3A_347 = arith.constant 0 : index
    %get3A_348 = vector.load %arg3[%get3A_345, %get3A_346, %get3A_347] : memref<50x256x128xf32, #tpu.memory_space<vmem>>, vector<1x256x128xf32>
    %get3A_349 = vector.shape_cast %get3A_348 : vector<1x256x128xf32> to vector<256x128xf32>
    %dot_general3A_350 = arith.constant dense<0.000000e+00> : vector<16x128xf32>
    %dot_general3A_351 = tpu.matmul %slice3A_344, %get3A_349, %dot_general3A_350 {dimension_numbers = #tpu.dot_dimension_numbers<[1], [0], [0], [1], [0, 0, 1, 1], [], []>, transpose_lhs_hint = false} : vector<16x256xf32>, vector<256x128xf32>, vector<16x128xf32> -> vector<16x128xf32>
    %add3A_352 = arith.addf %add3A_343, %dot_general3A_351 : vector<16x128xf32>
    %slice3A_353 = vector.extract_strided_slice %select_n3A_261 {offsets = [160, 0], sizes = [16, 256], strides = [1, 1]} : vector<800x256xf32> to vector<16x256xf32>
    %get3A_354 = arith.constant 10 : index
    %get3A_355 = arith.constant 0 : index
    %get3A_356 = arith.constant 0 : index
    %get3A_357 = vector.load %arg3[%get3A_354, %get3A_355, %get3A_356] : memref<50x256x128xf32, #tpu.memory_space<vmem>>, vector<1x256x128xf32>
    %get3A_358 = vector.shape_cast %get3A_357 : vector<1x256x128xf32> to vector<256x128xf32>
    %dot_general3A_359 = arith.constant dense<0.000000e+00> : vector<16x128xf32>
    %dot_general3A_360 = tpu.matmul %slice3A_353, %get3A_358, %dot_general3A_359 {dimension_numbers = #tpu.dot_dimension_numbers<[1], [0], [0], [1], [0, 0, 1, 1], [], []>, transpose_lhs_hint = false} : vector<16x256xf32>, vector<256x128xf32>, vector<16x128xf32> -> vector<16x128xf32>
    %add3A_361 = arith.addf %add3A_352, %dot_general3A_360 : vector<16x128xf32>
    %slice3A_362 = vector.extract_strided_slice %select_n3A_261 {offsets = [176, 0], sizes = [16, 256], strides = [1, 1]} : vector<800x256xf32> to vector<16x256xf32>
    %get3A_363 = arith.constant 11 : index
    %get3A_364 = arith.constant 0 : index
    %get3A_365 = arith.constant 0 : index
    %get3A_366 = vector.load %arg3[%get3A_363, %get3A_364, %get3A_365] : memref<50x256x128xf32, #tpu.memory_space<vmem>>, vector<1x256x128xf32>
    %get3A_367 = vector.shape_cast %get3A_366 : vector<1x256x128xf32> to vector<256x128xf32>
    %dot_general3A_368 = arith.constant dense<0.000000e+00> : vector<16x128xf32>
    %dot_general3A_369 = tpu.matmul %slice3A_362, %get3A_367, %dot_general3A_368 {dimension_numbers = #tpu.dot_dimension_numbers<[1], [0], [0], [1], [0, 0, 1, 1], [], []>, transpose_lhs_hint = false} : vector<16x256xf32>, vector<256x128xf32>, vector<16x128xf32> -> vector<16x128xf32>
    %add3A_370 = arith.addf %add3A_361, %dot_general3A_369 : vector<16x128xf32>
    %slice3A_371 = vector.extract_strided_slice %select_n3A_261 {offsets = [192, 0], sizes = [16, 256], strides = [1, 1]} : vector<800x256xf32> to vector<16x256xf32>
    %get3A_372 = arith.constant 12 : index
    %get3A_373 = arith.constant 0 : index
    %get3A_374 = arith.constant 0 : index
    %get3A_375 = vector.load %arg3[%get3A_372, %get3A_373, %get3A_374] : memref<50x256x128xf32, #tpu.memory_space<vmem>>, vector<1x256x128xf32>
    %get3A_376 = vector.shape_cast %get3A_375 : vector<1x256x128xf32> to vector<256x128xf32>
    %dot_general3A_377 = arith.constant dense<0.000000e+00> : vector<16x128xf32>
    %dot_general3A_378 = tpu.matmul %slice3A_371, %get3A_376, %dot_general3A_377 {dimension_numbers = #tpu.dot_dimension_numbers<[1], [0], [0], [1], [0, 0, 1, 1], [], []>, transpose_lhs_hint = false} : vector<16x256xf32>, vector<256x128xf32>, vector<16x128xf32> -> vector<16x128xf32>
    %add3A_379 = arith.addf %add3A_370, %dot_general3A_378 : vector<16x128xf32>
    %slice3A_380 = vector.extract_strided_slice %select_n3A_261 {offsets = [208, 0], sizes = [16, 256], strides = [1, 1]} : vector<800x256xf32> to vector<16x256xf32>
    %get3A_381 = arith.constant 13 : index
    %get3A_382 = arith.constant 0 : index
    %get3A_383 = arith.constant 0 : index
    %get3A_384 = vector.load %arg3[%get3A_381, %get3A_382, %get3A_383] : memref<50x256x128xf32, #tpu.memory_space<vmem>>, vector<1x256x128xf32>
    %get3A_385 = vector.shape_cast %get3A_384 : vector<1x256x128xf32> to vector<256x128xf32>
    %dot_general3A_386 = arith.constant dense<0.000000e+00> : vector<16x128xf32>
    %dot_general3A_387 = tpu.matmul %slice3A_380, %get3A_385, %dot_general3A_386 {dimension_numbers = #tpu.dot_dimension_numbers<[1], [0], [0], [1], [0, 0, 1, 1], [], []>, transpose_lhs_hint = false} : vector<16x256xf32>, vector<256x128xf32>, vector<16x128xf32> -> vector<16x128xf32>
    %add3A_388 = arith.addf %add3A_379, %dot_general3A_387 : vector<16x128xf32>
    %slice3A_389 = vector.extract_strided_slice %select_n3A_261 {offsets = [224, 0], sizes = [16, 256], strides = [1, 1]} : vector<800x256xf32> to vector<16x256xf32>
    %get3A_390 = arith.constant 14 : index
    %get3A_391 = arith.constant 0 : index
    %get3A_392 = arith.constant 0 : index
    %get3A_393 = vector.load %arg3[%get3A_390, %get3A_391, %get3A_392] : memref<50x256x128xf32, #tpu.memory_space<vmem>>, vector<1x256x128xf32>
    %get3A_394 = vector.shape_cast %get3A_393 : vector<1x256x128xf32> to vector<256x128xf32>
    %dot_general3A_395 = arith.constant dense<0.000000e+00> : vector<16x128xf32>
    %dot_general3A_396 = tpu.matmul %slice3A_389, %get3A_394, %dot_general3A_395 {dimension_numbers = #tpu.dot_dimension_numbers<[1], [0], [0], [1], [0, 0, 1, 1], [], []>, transpose_lhs_hint = false} : vector<16x256xf32>, vector<256x128xf32>, vector<16x128xf32> -> vector<16x128xf32>
    %add3A_397 = arith.addf %add3A_388, %dot_general3A_396 : vector<16x128xf32>
    %slice3A_398 = vector.extract_strided_slice %select_n3A_261 {offsets = [240, 0], sizes = [16, 256], strides = [1, 1]} : vector<800x256xf32> to vector<16x256xf32>
    %get3A_399 = arith.constant 15 : index
    %get3A_400 = arith.constant 0 : index
    %get3A_401 = arith.constant 0 : index
    %get3A_402 = vector.load %arg3[%get3A_399, %get3A_400, %get3A_401] : memref<50x256x128xf32, #tpu.memory_space<vmem>>, vector<1x256x128xf32>
    %get3A_403 = vector.shape_cast %get3A_402 : vector<1x256x128xf32> to vector<256x128xf32>
    %dot_general3A_404 = arith.constant dense<0.000000e+00> : vector<16x128xf32>
    %dot_general3A_405 = tpu.matmul %slice3A_398, %get3A_403, %dot_general3A_404 {dimension_numbers = #tpu.dot_dimension_numbers<[1], [0], [0], [1], [0, 0, 1, 1], [], []>, transpose_lhs_hint = false} : vector<16x256xf32>, vector<256x128xf32>, vector<16x128xf32> -> vector<16x128xf32>
    %add3A_406 = arith.addf %add3A_397, %dot_general3A_405 : vector<16x128xf32>
    %slice3A_407 = vector.extract_strided_slice %select_n3A_261 {offsets = [256, 0], sizes = [16, 256], strides = [1, 1]} : vector<800x256xf32> to vector<16x256xf32>
    %get3A_408 = arith.constant 16 : index
    %get3A_409 = arith.constant 0 : index
    %get3A_410 = arith.constant 0 : index
    %get3A_411 = vector.load %arg3[%get3A_408, %get3A_409, %get3A_410] : memref<50x256x128xf32, #tpu.memory_space<vmem>>, vector<1x256x128xf32>
    %get3A_412 = vector.shape_cast %get3A_411 : vector<1x256x128xf32> to vector<256x128xf32>
    %dot_general3A_413 = arith.constant dense<0.000000e+00> : vector<16x128xf32>
    %dot_general3A_414 = tpu.matmul %slice3A_407, %get3A_412, %dot_general3A_413 {dimension_numbers = #tpu.dot_dimension_numbers<[1], [0], [0], [1], [0, 0, 1, 1], [], []>, transpose_lhs_hint = false} : vector<16x256xf32>, vector<256x128xf32>, vector<16x128xf32> -> vector<16x128xf32>
    %add3A_415 = arith.addf %add3A_406, %dot_general3A_414 : vector<16x128xf32>
    %slice3A_416 = vector.extract_strided_slice %select_n3A_261 {offsets = [272, 0], sizes = [16, 256], strides = [1, 1]} : vector<800x256xf32> to vector<16x256xf32>
    %get3A_417 = arith.constant 17 : index
    %get3A_418 = arith.constant 0 : index
    %get3A_419 = arith.constant 0 : index
    %get3A_420 = vector.load %arg3[%get3A_417, %get3A_418, %get3A_419] : memref<50x256x128xf32, #tpu.memory_space<vmem>>, vector<1x256x128xf32>
    %get3A_421 = vector.shape_cast %get3A_420 : vector<1x256x128xf32> to vector<256x128xf32>
    %dot_general3A_422 = arith.constant dense<0.000000e+00> : vector<16x128xf32>
    %dot_general3A_423 = tpu.matmul %slice3A_416, %get3A_421, %dot_general3A_422 {dimension_numbers = #tpu.dot_dimension_numbers<[1], [0], [0], [1], [0, 0, 1, 1], [], []>, transpose_lhs_hint = false} : vector<16x256xf32>, vector<256x128xf32>, vector<16x128xf32> -> vector<16x128xf32>
    %add3A_424 = arith.addf %add3A_415, %dot_general3A_423 : vector<16x128xf32>
    %slice3A_425 = vector.extract_strided_slice %select_n3A_261 {offsets = [288, 0], sizes = [16, 256], strides = [1, 1]} : vector<800x256xf32> to vector<16x256xf32>
    %get3A_426 = arith.constant 18 : index
    %get3A_427 = arith.constant 0 : index
    %get3A_428 = arith.constant 0 : index
    %get3A_429 = vector.load %arg3[%get3A_426, %get3A_427, %get3A_428] : memref<50x256x128xf32, #tpu.memory_space<vmem>>, vector<1x256x128xf32>
    %get3A_430 = vector.shape_cast %get3A_429 : vector<1x256x128xf32> to vector<256x128xf32>
    %dot_general3A_431 = arith.constant dense<0.000000e+00> : vector<16x128xf32>
    %dot_general3A_432 = tpu.matmul %slice3A_425, %get3A_430, %dot_general3A_431 {dimension_numbers = #tpu.dot_dimension_numbers<[1], [0], [0], [1], [0, 0, 1, 1], [], []>, transpose_lhs_hint = false} : vector<16x256xf32>, vector<256x128xf32>, vector<16x128xf32> -> vector<16x128xf32>
    %add3A_433 = arith.addf %add3A_424, %dot_general3A_432 : vector<16x128xf32>
    %slice3A_434 = vector.extract_strided_slice %select_n3A_261 {offsets = [304, 0], sizes = [16, 256], strides = [1, 1]} : vector<800x256xf32> to vector<16x256xf32>
    %get3A_435 = arith.constant 19 : index
    %get3A_436 = arith.constant 0 : index
    %get3A_437 = arith.constant 0 : index
    %get3A_438 = vector.load %arg3[%get3A_435, %get3A_436, %get3A_437] : memref<50x256x128xf32, #tpu.memory_space<vmem>>, vector<1x256x128xf32>
    %get3A_439 = vector.shape_cast %get3A_438 : vector<1x256x128xf32> to vector<256x128xf32>
    %dot_general3A_440 = arith.constant dense<0.000000e+00> : vector<16x128xf32>
    %dot_general3A_441 = tpu.matmul %slice3A_434, %get3A_439, %dot_general3A_440 {dimension_numbers = #tpu.dot_dimension_numbers<[1], [0], [0], [1], [0, 0, 1, 1], [], []>, transpose_lhs_hint = false} : vector<16x256xf32>, vector<256x128xf32>, vector<16x128xf32> -> vector<16x128xf32>
    %add3A_442 = arith.addf %add3A_433, %dot_general3A_441 : vector<16x128xf32>
    %slice3A_443 = vector.extract_strided_slice %select_n3A_261 {offsets = [320, 0], sizes = [16, 256], strides = [1, 1]} : vector<800x256xf32> to vector<16x256xf32>
    %get3A_444 = arith.constant 20 : index
    %get3A_445 = arith.constant 0 : index
    %get3A_446 = arith.constant 0 : index
    %get3A_447 = vector.load %arg3[%get3A_444, %get3A_445, %get3A_446] : memref<50x256x128xf32, #tpu.memory_space<vmem>>, vector<1x256x128xf32>
    %get3A_448 = vector.shape_cast %get3A_447 : vector<1x256x128xf32> to vector<256x128xf32>
    %dot_general3A_449 = arith.constant dense<0.000000e+00> : vector<16x128xf32>
    %dot_general3A_450 = tpu.matmul %slice3A_443, %get3A_448, %dot_general3A_449 {dimension_numbers = #tpu.dot_dimension_numbers<[1], [0], [0], [1], [0, 0, 1, 1], [], []>, transpose_lhs_hint = false} : vector<16x256xf32>, vector<256x128xf32>, vector<16x128xf32> -> vector<16x128xf32>
    %add3A_451 = arith.addf %add3A_442, %dot_general3A_450 : vector<16x128xf32>
    %slice3A_452 = vector.extract_strided_slice %select_n3A_261 {offsets = [336, 0], sizes = [16, 256], strides = [1, 1]} : vector<800x256xf32> to vector<16x256xf32>
    %get3A_453 = arith.constant 21 : index
    %get3A_454 = arith.constant 0 : index
    %get3A_455 = arith.constant 0 : index
    %get3A_456 = vector.load %arg3[%get3A_453, %get3A_454, %get3A_455] : memref<50x256x128xf32, #tpu.memory_space<vmem>>, vector<1x256x128xf32>
    %get3A_457 = vector.shape_cast %get3A_456 : vector<1x256x128xf32> to vector<256x128xf32>
    %dot_general3A_458 = arith.constant dense<0.000000e+00> : vector<16x128xf32>
    %dot_general3A_459 = tpu.matmul %slice3A_452, %get3A_457, %dot_general3A_458 {dimension_numbers = #tpu.dot_dimension_numbers<[1], [0], [0], [1], [0, 0, 1, 1], [], []>, transpose_lhs_hint = false} : vector<16x256xf32>, vector<256x128xf32>, vector<16x128xf32> -> vector<16x128xf32>
    %add3A_460 = arith.addf %add3A_451, %dot_general3A_459 : vector<16x128xf32>
    %slice3A_461 = vector.extract_strided_slice %select_n3A_261 {offsets = [352, 0], sizes = [16, 256], strides = [1, 1]} : vector<800x256xf32> to vector<16x256xf32>
    %get3A_462 = arith.constant 22 : index
    %get3A_463 = arith.constant 0 : index
    %get3A_464 = arith.constant 0 : index
    %get3A_465 = vector.load %arg3[%get3A_462, %get3A_463, %get3A_464] : memref<50x256x128xf32, #tpu.memory_space<vmem>>, vector<1x256x128xf32>
    %get3A_466 = vector.shape_cast %get3A_465 : vector<1x256x128xf32> to vector<256x128xf32>
    %dot_general3A_467 = arith.constant dense<0.000000e+00> : vector<16x128xf32>
    %dot_general3A_468 = tpu.matmul %slice3A_461, %get3A_466, %dot_general3A_467 {dimension_numbers = #tpu.dot_dimension_numbers<[1], [0], [0], [1], [0, 0, 1, 1], [], []>, transpose_lhs_hint = false} : vector<16x256xf32>, vector<256x128xf32>, vector<16x128xf32> -> vector<16x128xf32>
    %add3A_469 = arith.addf %add3A_460, %dot_general3A_468 : vector<16x128xf32>
    %slice3A_470 = vector.extract_strided_slice %select_n3A_261 {offsets = [368, 0], sizes = [16, 256], strides = [1, 1]} : vector<800x256xf32> to vector<16x256xf32>
    %get3A_471 = arith.constant 23 : index
    %get3A_472 = arith.constant 0 : index
    %get3A_473 = arith.constant 0 : index
    %get3A_474 = vector.load %arg3[%get3A_471, %get3A_472, %get3A_473] : memref<50x256x128xf32, #tpu.memory_space<vmem>>, vector<1x256x128xf32>
    %get3A_475 = vector.shape_cast %get3A_474 : vector<1x256x128xf32> to vector<256x128xf32>
    %dot_general3A_476 = arith.constant dense<0.000000e+00> : vector<16x128xf32>
    %dot_general3A_477 = tpu.matmul %slice3A_470, %get3A_475, %dot_general3A_476 {dimension_numbers = #tpu.dot_dimension_numbers<[1], [0], [0], [1], [0, 0, 1, 1], [], []>, transpose_lhs_hint = false} : vector<16x256xf32>, vector<256x128xf32>, vector<16x128xf32> -> vector<16x128xf32>
    %add3A_478 = arith.addf %add3A_469, %dot_general3A_477 : vector<16x128xf32>
    %slice3A_479 = vector.extract_strided_slice %select_n3A_261 {offsets = [384, 0], sizes = [16, 256], strides = [1, 1]} : vector<800x256xf32> to vector<16x256xf32>
    %get3A_480 = arith.constant 24 : index
    %get3A_481 = arith.constant 0 : index
    %get3A_482 = arith.constant 0 : index
    %get3A_483 = vector.load %arg3[%get3A_480, %get3A_481, %get3A_482] : memref<50x256x128xf32, #tpu.memory_space<vmem>>, vector<1x256x128xf32>
    %get3A_484 = vector.shape_cast %get3A_483 : vector<1x256x128xf32> to vector<256x128xf32>
    %dot_general3A_485 = arith.constant dense<0.000000e+00> : vector<16x128xf32>
    %dot_general3A_486 = tpu.matmul %slice3A_479, %get3A_484, %dot_general3A_485 {dimension_numbers = #tpu.dot_dimension_numbers<[1], [0], [0], [1], [0, 0, 1, 1], [], []>, transpose_lhs_hint = false} : vector<16x256xf32>, vector<256x128xf32>, vector<16x128xf32> -> vector<16x128xf32>
    %add3A_487 = arith.addf %add3A_478, %dot_general3A_486 : vector<16x128xf32>
    %slice3A_488 = vector.extract_strided_slice %select_n3A_261 {offsets = [400, 0], sizes = [16, 256], strides = [1, 1]} : vector<800x256xf32> to vector<16x256xf32>
    %get3A_489 = arith.constant 25 : index
    %get3A_490 = arith.constant 0 : index
    %get3A_491 = arith.constant 0 : index
    %get3A_492 = vector.load %arg3[%get3A_489, %get3A_490, %get3A_491] : memref<50x256x128xf32, #tpu.memory_space<vmem>>, vector<1x256x128xf32>
    %get3A_493 = vector.shape_cast %get3A_492 : vector<1x256x128xf32> to vector<256x128xf32>
    %dot_general3A_494 = arith.constant dense<0.000000e+00> : vector<16x128xf32>
    %dot_general3A_495 = tpu.matmul %slice3A_488, %get3A_493, %dot_general3A_494 {dimension_numbers = #tpu.dot_dimension_numbers<[1], [0], [0], [1], [0, 0, 1, 1], [], []>, transpose_lhs_hint = false} : vector<16x256xf32>, vector<256x128xf32>, vector<16x128xf32> -> vector<16x128xf32>
    %add3A_496 = arith.addf %add3A_487, %dot_general3A_495 : vector<16x128xf32>
    %slice3A_497 = vector.extract_strided_slice %select_n3A_261 {offsets = [416, 0], sizes = [16, 256], strides = [1, 1]} : vector<800x256xf32> to vector<16x256xf32>
    %get3A_498 = arith.constant 26 : index
    %get3A_499 = arith.constant 0 : index
    %get3A_500 = arith.constant 0 : index
    %get3A_501 = vector.load %arg3[%get3A_498, %get3A_499, %get3A_500] : memref<50x256x128xf32, #tpu.memory_space<vmem>>, vector<1x256x128xf32>
    %get3A_502 = vector.shape_cast %get3A_501 : vector<1x256x128xf32> to vector<256x128xf32>
    %dot_general3A_503 = arith.constant dense<0.000000e+00> : vector<16x128xf32>
    %dot_general3A_504 = tpu.matmul %slice3A_497, %get3A_502, %dot_general3A_503 {dimension_numbers = #tpu.dot_dimension_numbers<[1], [0], [0], [1], [0, 0, 1, 1], [], []>, transpose_lhs_hint = false} : vector<16x256xf32>, vector<256x128xf32>, vector<16x128xf32> -> vector<16x128xf32>
    %add3A_505 = arith.addf %add3A_496, %dot_general3A_504 : vector<16x128xf32>
    %slice3A_506 = vector.extract_strided_slice %select_n3A_261 {offsets = [432, 0], sizes = [16, 256], strides = [1, 1]} : vector<800x256xf32> to vector<16x256xf32>
    %get3A_507 = arith.constant 27 : index
    %get3A_508 = arith.constant 0 : index
    %get3A_509 = arith.constant 0 : index
    %get3A_510 = vector.load %arg3[%get3A_507, %get3A_508, %get3A_509] : memref<50x256x128xf32, #tpu.memory_space<vmem>>, vector<1x256x128xf32>
    %get3A_511 = vector.shape_cast %get3A_510 : vector<1x256x128xf32> to vector<256x128xf32>
    %dot_general3A_512 = arith.constant dense<0.000000e+00> : vector<16x128xf32>
    %dot_general3A_513 = tpu.matmul %slice3A_506, %get3A_511, %dot_general3A_512 {dimension_numbers = #tpu.dot_dimension_numbers<[1], [0], [0], [1], [0, 0, 1, 1], [], []>, transpose_lhs_hint = false} : vector<16x256xf32>, vector<256x128xf32>, vector<16x128xf32> -> vector<16x128xf32>
    %add3A_514 = arith.addf %add3A_505, %dot_general3A_513 : vector<16x128xf32>
    %slice3A_515 = vector.extract_strided_slice %select_n3A_261 {offsets = [448, 0], sizes = [16, 256], strides = [1, 1]} : vector<800x256xf32> to vector<16x256xf32>
    %get3A_516 = arith.constant 28 : index
    %get3A_517 = arith.constant 0 : index
    %get3A_518 = arith.constant 0 : index
    %get3A_519 = vector.load %arg3[%get3A_516, %get3A_517, %get3A_518] : memref<50x256x128xf32, #tpu.memory_space<vmem>>, vector<1x256x128xf32>
    %get3A_520 = vector.shape_cast %get3A_519 : vector<1x256x128xf32> to vector<256x128xf32>
    %dot_general3A_521 = arith.constant dense<0.000000e+00> : vector<16x128xf32>
    %dot_general3A_522 = tpu.matmul %slice3A_515, %get3A_520, %dot_general3A_521 {dimension_numbers = #tpu.dot_dimension_numbers<[1], [0], [0], [1], [0, 0, 1, 1], [], []>, transpose_lhs_hint = false} : vector<16x256xf32>, vector<256x128xf32>, vector<16x128xf32> -> vector<16x128xf32>
    %add3A_523 = arith.addf %add3A_514, %dot_general3A_522 : vector<16x128xf32>
    %slice3A_524 = vector.extract_strided_slice %select_n3A_261 {offsets = [464, 0], sizes = [16, 256], strides = [1, 1]} : vector<800x256xf32> to vector<16x256xf32>
    %get3A_525 = arith.constant 29 : index
    %get3A_526 = arith.constant 0 : index
    %get3A_527 = arith.constant 0 : index
    %get3A_528 = vector.load %arg3[%get3A_525, %get3A_526, %get3A_527] : memref<50x256x128xf32, #tpu.memory_space<vmem>>, vector<1x256x128xf32>
    %get3A_529 = vector.shape_cast %get3A_528 : vector<1x256x128xf32> to vector<256x128xf32>
    %dot_general3A_530 = arith.constant dense<0.000000e+00> : vector<16x128xf32>
    %dot_general3A_531 = tpu.matmul %slice3A_524, %get3A_529, %dot_general3A_530 {dimension_numbers = #tpu.dot_dimension_numbers<[1], [0], [0], [1], [0, 0, 1, 1], [], []>, transpose_lhs_hint = false} : vector<16x256xf32>, vector<256x128xf32>, vector<16x128xf32> -> vector<16x128xf32>
    %add3A_532 = arith.addf %add3A_523, %dot_general3A_531 : vector<16x128xf32>
    %slice3A_533 = vector.extract_strided_slice %select_n3A_261 {offsets = [480, 0], sizes = [16, 256], strides = [1, 1]} : vector<800x256xf32> to vector<16x256xf32>
    %get3A_534 = arith.constant 30 : index
    %get3A_535 = arith.constant 0 : index
    %get3A_536 = arith.constant 0 : index
    %get3A_537 = vector.load %arg3[%get3A_534, %get3A_535, %get3A_536] : memref<50x256x128xf32, #tpu.memory_space<vmem>>, vector<1x256x128xf32>
    %get3A_538 = vector.shape_cast %get3A_537 : vector<1x256x128xf32> to vector<256x128xf32>
    %dot_general3A_539 = arith.constant dense<0.000000e+00> : vector<16x128xf32>
    %dot_general3A_540 = tpu.matmul %slice3A_533, %get3A_538, %dot_general3A_539 {dimension_numbers = #tpu.dot_dimension_numbers<[1], [0], [0], [1], [0, 0, 1, 1], [], []>, transpose_lhs_hint = false} : vector<16x256xf32>, vector<256x128xf32>, vector<16x128xf32> -> vector<16x128xf32>
    %add3A_541 = arith.addf %add3A_532, %dot_general3A_540 : vector<16x128xf32>
    %slice3A_542 = vector.extract_strided_slice %select_n3A_261 {offsets = [496, 0], sizes = [16, 256], strides = [1, 1]} : vector<800x256xf32> to vector<16x256xf32>
    %get3A_543 = arith.constant 31 : index
    %get3A_544 = arith.constant 0 : index
    %get3A_545 = arith.constant 0 : index
    %get3A_546 = vector.load %arg3[%get3A_543, %get3A_544, %get3A_545] : memref<50x256x128xf32, #tpu.memory_space<vmem>>, vector<1x256x128xf32>
    %get3A_547 = vector.shape_cast %get3A_546 : vector<1x256x128xf32> to vector<256x128xf32>
    %dot_general3A_548 = arith.constant dense<0.000000e+00> : vector<16x128xf32>
    %dot_general3A_549 = tpu.matmul %slice3A_542, %get3A_547, %dot_general3A_548 {dimension_numbers = #tpu.dot_dimension_numbers<[1], [0], [0], [1], [0, 0, 1, 1], [], []>, transpose_lhs_hint = false} : vector<16x256xf32>, vector<256x128xf32>, vector<16x128xf32> -> vector<16x128xf32>
    %add3A_550 = arith.addf %add3A_541, %dot_general3A_549 : vector<16x128xf32>
    %slice3A_551 = vector.extract_strided_slice %select_n3A_261 {offsets = [512, 0], sizes = [16, 256], strides = [1, 1]} : vector<800x256xf32> to vector<16x256xf32>
    %get3A_552 = arith.constant 32 : index
    %get3A_553 = arith.constant 0 : index
    %get3A_554 = arith.constant 0 : index
    %get3A_555 = vector.load %arg3[%get3A_552, %get3A_553, %get3A_554] : memref<50x256x128xf32, #tpu.memory_space<vmem>>, vector<1x256x128xf32>
    %get3A_556 = vector.shape_cast %get3A_555 : vector<1x256x128xf32> to vector<256x128xf32>
    %dot_general3A_557 = arith.constant dense<0.000000e+00> : vector<16x128xf32>
    %dot_general3A_558 = tpu.matmul %slice3A_551, %get3A_556, %dot_general3A_557 {dimension_numbers = #tpu.dot_dimension_numbers<[1], [0], [0], [1], [0, 0, 1, 1], [], []>, transpose_lhs_hint = false} : vector<16x256xf32>, vector<256x128xf32>, vector<16x128xf32> -> vector<16x128xf32>
    %add3A_559 = arith.addf %add3A_550, %dot_general3A_558 : vector<16x128xf32>
    %slice3A_560 = vector.extract_strided_slice %select_n3A_261 {offsets = [528, 0], sizes = [16, 256], strides = [1, 1]} : vector<800x256xf32> to vector<16x256xf32>
    %get3A_561 = arith.constant 33 : index
    %get3A_562 = arith.constant 0 : index
    %get3A_563 = arith.constant 0 : index
    %get3A_564 = vector.load %arg3[%get3A_561, %get3A_562, %get3A_563] : memref<50x256x128xf32, #tpu.memory_space<vmem>>, vector<1x256x128xf32>
    %get3A_565 = vector.shape_cast %get3A_564 : vector<1x256x128xf32> to vector<256x128xf32>
    %dot_general3A_566 = arith.constant dense<0.000000e+00> : vector<16x128xf32>
    %dot_general3A_567 = tpu.matmul %slice3A_560, %get3A_565, %dot_general3A_566 {dimension_numbers = #tpu.dot_dimension_numbers<[1], [0], [0], [1], [0, 0, 1, 1], [], []>, transpose_lhs_hint = false} : vector<16x256xf32>, vector<256x128xf32>, vector<16x128xf32> -> vector<16x128xf32>
    %add3A_568 = arith.addf %add3A_559, %dot_general3A_567 : vector<16x128xf32>
    %slice3A_569 = vector.extract_strided_slice %select_n3A_261 {offsets = [544, 0], sizes = [16, 256], strides = [1, 1]} : vector<800x256xf32> to vector<16x256xf32>
    %get3A_570 = arith.constant 34 : index
    %get3A_571 = arith.constant 0 : index
    %get3A_572 = arith.constant 0 : index
    %get3A_573 = vector.load %arg3[%get3A_570, %get3A_571, %get3A_572] : memref<50x256x128xf32, #tpu.memory_space<vmem>>, vector<1x256x128xf32>
    %get3A_574 = vector.shape_cast %get3A_573 : vector<1x256x128xf32> to vector<256x128xf32>
    %dot_general3A_575 = arith.constant dense<0.000000e+00> : vector<16x128xf32>
    %dot_general3A_576 = tpu.matmul %slice3A_569, %get3A_574, %dot_general3A_575 {dimension_numbers = #tpu.dot_dimension_numbers<[1], [0], [0], [1], [0, 0, 1, 1], [], []>, transpose_lhs_hint = false} : vector<16x256xf32>, vector<256x128xf32>, vector<16x128xf32> -> vector<16x128xf32>
    %add3A_577 = arith.addf %add3A_568, %dot_general3A_576 : vector<16x128xf32>
    %slice3A_578 = vector.extract_strided_slice %select_n3A_261 {offsets = [560, 0], sizes = [16, 256], strides = [1, 1]} : vector<800x256xf32> to vector<16x256xf32>
    %get3A_579 = arith.constant 35 : index
    %get3A_580 = arith.constant 0 : index
    %get3A_581 = arith.constant 0 : index
    %get3A_582 = vector.load %arg3[%get3A_579, %get3A_580, %get3A_581] : memref<50x256x128xf32, #tpu.memory_space<vmem>>, vector<1x256x128xf32>
    %get3A_583 = vector.shape_cast %get3A_582 : vector<1x256x128xf32> to vector<256x128xf32>
    %dot_general3A_584 = arith.constant dense<0.000000e+00> : vector<16x128xf32>
    %dot_general3A_585 = tpu.matmul %slice3A_578, %get3A_583, %dot_general3A_584 {dimension_numbers = #tpu.dot_dimension_numbers<[1], [0], [0], [1], [0, 0, 1, 1], [], []>, transpose_lhs_hint = false} : vector<16x256xf32>, vector<256x128xf32>, vector<16x128xf32> -> vector<16x128xf32>
    %add3A_586 = arith.addf %add3A_577, %dot_general3A_585 : vector<16x128xf32>
    %slice3A_587 = vector.extract_strided_slice %select_n3A_261 {offsets = [576, 0], sizes = [16, 256], strides = [1, 1]} : vector<800x256xf32> to vector<16x256xf32>
    %get3A_588 = arith.constant 36 : index
    %get3A_589 = arith.constant 0 : index
    %get3A_590 = arith.constant 0 : index
    %get3A_591 = vector.load %arg3[%get3A_588, %get3A_589, %get3A_590] : memref<50x256x128xf32, #tpu.memory_space<vmem>>, vector<1x256x128xf32>
    %get3A_592 = vector.shape_cast %get3A_591 : vector<1x256x128xf32> to vector<256x128xf32>
    %dot_general3A_593 = arith.constant dense<0.000000e+00> : vector<16x128xf32>
    %dot_general3A_594 = tpu.matmul %slice3A_587, %get3A_592, %dot_general3A_593 {dimension_numbers = #tpu.dot_dimension_numbers<[1], [0], [0], [1], [0, 0, 1, 1], [], []>, transpose_lhs_hint = false} : vector<16x256xf32>, vector<256x128xf32>, vector<16x128xf32> -> vector<16x128xf32>
    %add3A_595 = arith.addf %add3A_586, %dot_general3A_594 : vector<16x128xf32>
    %slice3A_596 = vector.extract_strided_slice %select_n3A_261 {offsets = [592, 0], sizes = [16, 256], strides = [1, 1]} : vector<800x256xf32> to vector<16x256xf32>
    %get3A_597 = arith.constant 37 : index
    %get3A_598 = arith.constant 0 : index
    %get3A_599 = arith.constant 0 : index
    %get3A_600 = vector.load %arg3[%get3A_597, %get3A_598, %get3A_599] : memref<50x256x128xf32, #tpu.memory_space<vmem>>, vector<1x256x128xf32>
    %get3A_601 = vector.shape_cast %get3A_600 : vector<1x256x128xf32> to vector<256x128xf32>
    %dot_general3A_602 = arith.constant dense<0.000000e+00> : vector<16x128xf32>
    %dot_general3A_603 = tpu.matmul %slice3A_596, %get3A_601, %dot_general3A_602 {dimension_numbers = #tpu.dot_dimension_numbers<[1], [0], [0], [1], [0, 0, 1, 1], [], []>, transpose_lhs_hint = false} : vector<16x256xf32>, vector<256x128xf32>, vector<16x128xf32> -> vector<16x128xf32>
    %add3A_604 = arith.addf %add3A_595, %dot_general3A_603 : vector<16x128xf32>
    %slice3A_605 = vector.extract_strided_slice %select_n3A_261 {offsets = [608, 0], sizes = [16, 256], strides = [1, 1]} : vector<800x256xf32> to vector<16x256xf32>
    %get3A_606 = arith.constant 38 : index
    %get3A_607 = arith.constant 0 : index
    %get3A_608 = arith.constant 0 : index
    %get3A_609 = vector.load %arg3[%get3A_606, %get3A_607, %get3A_608] : memref<50x256x128xf32, #tpu.memory_space<vmem>>, vector<1x256x128xf32>
    %get3A_610 = vector.shape_cast %get3A_609 : vector<1x256x128xf32> to vector<256x128xf32>
    %dot_general3A_611 = arith.constant dense<0.000000e+00> : vector<16x128xf32>
    %dot_general3A_612 = tpu.matmul %slice3A_605, %get3A_610, %dot_general3A_611 {dimension_numbers = #tpu.dot_dimension_numbers<[1], [0], [0], [1], [0, 0, 1, 1], [], []>, transpose_lhs_hint = false} : vector<16x256xf32>, vector<256x128xf32>, vector<16x128xf32> -> vector<16x128xf32>
    %add3A_613 = arith.addf %add3A_604, %dot_general3A_612 : vector<16x128xf32>
    %slice3A_614 = vector.extract_strided_slice %select_n3A_261 {offsets = [624, 0], sizes = [16, 256], strides = [1, 1]} : vector<800x256xf32> to vector<16x256xf32>
    %get3A_615 = arith.constant 39 : index
    %get3A_616 = arith.constant 0 : index
    %get3A_617 = arith.constant 0 : index
    %get3A_618 = vector.load %arg3[%get3A_615, %get3A_616, %get3A_617] : memref<50x256x128xf32, #tpu.memory_space<vmem>>, vector<1x256x128xf32>
    %get3A_619 = vector.shape_cast %get3A_618 : vector<1x256x128xf32> to vector<256x128xf32>
    %dot_general3A_620 = arith.constant dense<0.000000e+00> : vector<16x128xf32>
    %dot_general3A_621 = tpu.matmul %slice3A_614, %get3A_619, %dot_general3A_620 {dimension_numbers = #tpu.dot_dimension_numbers<[1], [0], [0], [1], [0, 0, 1, 1], [], []>, transpose_lhs_hint = false} : vector<16x256xf32>, vector<256x128xf32>, vector<16x128xf32> -> vector<16x128xf32>
    %add3A_622 = arith.addf %add3A_613, %dot_general3A_621 : vector<16x128xf32>
    %slice3A_623 = vector.extract_strided_slice %select_n3A_261 {offsets = [640, 0], sizes = [16, 256], strides = [1, 1]} : vector<800x256xf32> to vector<16x256xf32>
    %get3A_624 = arith.constant 40 : index
    %get3A_625 = arith.constant 0 : index
    %get3A_626 = arith.constant 0 : index
    %get3A_627 = vector.load %arg3[%get3A_624, %get3A_625, %get3A_626] : memref<50x256x128xf32, #tpu.memory_space<vmem>>, vector<1x256x128xf32>
    %get3A_628 = vector.shape_cast %get3A_627 : vector<1x256x128xf32> to vector<256x128xf32>
    %dot_general3A_629 = arith.constant dense<0.000000e+00> : vector<16x128xf32>
    %dot_general3A_630 = tpu.matmul %slice3A_623, %get3A_628, %dot_general3A_629 {dimension_numbers = #tpu.dot_dimension_numbers<[1], [0], [0], [1], [0, 0, 1, 1], [], []>, transpose_lhs_hint = false} : vector<16x256xf32>, vector<256x128xf32>, vector<16x128xf32> -> vector<16x128xf32>
    %add3A_631 = arith.addf %add3A_622, %dot_general3A_630 : vector<16x128xf32>
    %slice3A_632 = vector.extract_strided_slice %select_n3A_261 {offsets = [656, 0], sizes = [16, 256], strides = [1, 1]} : vector<800x256xf32> to vector<16x256xf32>
    %get3A_633 = arith.constant 41 : index
    %get3A_634 = arith.constant 0 : index
    %get3A_635 = arith.constant 0 : index
    %get3A_636 = vector.load %arg3[%get3A_633, %get3A_634, %get3A_635] : memref<50x256x128xf32, #tpu.memory_space<vmem>>, vector<1x256x128xf32>
    %get3A_637 = vector.shape_cast %get3A_636 : vector<1x256x128xf32> to vector<256x128xf32>
    %dot_general3A_638 = arith.constant dense<0.000000e+00> : vector<16x128xf32>
    %dot_general3A_639 = tpu.matmul %slice3A_632, %get3A_637, %dot_general3A_638 {dimension_numbers = #tpu.dot_dimension_numbers<[1], [0], [0], [1], [0, 0, 1, 1], [], []>, transpose_lhs_hint = false} : vector<16x256xf32>, vector<256x128xf32>, vector<16x128xf32> -> vector<16x128xf32>
    %add3A_640 = arith.addf %add3A_631, %dot_general3A_639 : vector<16x128xf32>
    %slice3A_641 = vector.extract_strided_slice %select_n3A_261 {offsets = [672, 0], sizes = [16, 256], strides = [1, 1]} : vector<800x256xf32> to vector<16x256xf32>
    %get3A_642 = arith.constant 42 : index
    %get3A_643 = arith.constant 0 : index
    %get3A_644 = arith.constant 0 : index
    %get3A_645 = vector.load %arg3[%get3A_642, %get3A_643, %get3A_644] : memref<50x256x128xf32, #tpu.memory_space<vmem>>, vector<1x256x128xf32>
    %get3A_646 = vector.shape_cast %get3A_645 : vector<1x256x128xf32> to vector<256x128xf32>
    %dot_general3A_647 = arith.constant dense<0.000000e+00> : vector<16x128xf32>
    %dot_general3A_648 = tpu.matmul %slice3A_641, %get3A_646, %dot_general3A_647 {dimension_numbers = #tpu.dot_dimension_numbers<[1], [0], [0], [1], [0, 0, 1, 1], [], []>, transpose_lhs_hint = false} : vector<16x256xf32>, vector<256x128xf32>, vector<16x128xf32> -> vector<16x128xf32>
    %add3A_649 = arith.addf %add3A_640, %dot_general3A_648 : vector<16x128xf32>
    %slice3A_650 = vector.extract_strided_slice %select_n3A_261 {offsets = [688, 0], sizes = [16, 256], strides = [1, 1]} : vector<800x256xf32> to vector<16x256xf32>
    %get3A_651 = arith.constant 43 : index
    %get3A_652 = arith.constant 0 : index
    %get3A_653 = arith.constant 0 : index
    %get3A_654 = vector.load %arg3[%get3A_651, %get3A_652, %get3A_653] : memref<50x256x128xf32, #tpu.memory_space<vmem>>, vector<1x256x128xf32>
    %get3A_655 = vector.shape_cast %get3A_654 : vector<1x256x128xf32> to vector<256x128xf32>
    %dot_general3A_656 = arith.constant dense<0.000000e+00> : vector<16x128xf32>
    %dot_general3A_657 = tpu.matmul %slice3A_650, %get3A_655, %dot_general3A_656 {dimension_numbers = #tpu.dot_dimension_numbers<[1], [0], [0], [1], [0, 0, 1, 1], [], []>, transpose_lhs_hint = false} : vector<16x256xf32>, vector<256x128xf32>, vector<16x128xf32> -> vector<16x128xf32>
    %add3A_658 = arith.addf %add3A_649, %dot_general3A_657 : vector<16x128xf32>
    %slice3A_659 = vector.extract_strided_slice %select_n3A_261 {offsets = [704, 0], sizes = [16, 256], strides = [1, 1]} : vector<800x256xf32> to vector<16x256xf32>
    %get3A_660 = arith.constant 44 : index
    %get3A_661 = arith.constant 0 : index
    %get3A_662 = arith.constant 0 : index
    %get3A_663 = vector.load %arg3[%get3A_660, %get3A_661, %get3A_662] : memref<50x256x128xf32, #tpu.memory_space<vmem>>, vector<1x256x128xf32>
    %get3A_664 = vector.shape_cast %get3A_663 : vector<1x256x128xf32> to vector<256x128xf32>
    %dot_general3A_665 = arith.constant dense<0.000000e+00> : vector<16x128xf32>
    %dot_general3A_666 = tpu.matmul %slice3A_659, %get3A_664, %dot_general3A_665 {dimension_numbers = #tpu.dot_dimension_numbers<[1], [0], [0], [1], [0, 0, 1, 1], [], []>, transpose_lhs_hint = false} : vector<16x256xf32>, vector<256x128xf32>, vector<16x128xf32> -> vector<16x128xf32>
    %add3A_667 = arith.addf %add3A_658, %dot_general3A_666 : vector<16x128xf32>
    %slice3A_668 = vector.extract_strided_slice %select_n3A_261 {offsets = [720, 0], sizes = [16, 256], strides = [1, 1]} : vector<800x256xf32> to vector<16x256xf32>
    %get3A_669 = arith.constant 45 : index
    %get3A_670 = arith.constant 0 : index
    %get3A_671 = arith.constant 0 : index
    %get3A_672 = vector.load %arg3[%get3A_669, %get3A_670, %get3A_671] : memref<50x256x128xf32, #tpu.memory_space<vmem>>, vector<1x256x128xf32>
    %get3A_673 = vector.shape_cast %get3A_672 : vector<1x256x128xf32> to vector<256x128xf32>
    %dot_general3A_674 = arith.constant dense<0.000000e+00> : vector<16x128xf32>
    %dot_general3A_675 = tpu.matmul %slice3A_668, %get3A_673, %dot_general3A_674 {dimension_numbers = #tpu.dot_dimension_numbers<[1], [0], [0], [1], [0, 0, 1, 1], [], []>, transpose_lhs_hint = false} : vector<16x256xf32>, vector<256x128xf32>, vector<16x128xf32> -> vector<16x128xf32>
    %add3A_676 = arith.addf %add3A_667, %dot_general3A_675 : vector<16x128xf32>
    %slice3A_677 = vector.extract_strided_slice %select_n3A_261 {offsets = [736, 0], sizes = [16, 256], strides = [1, 1]} : vector<800x256xf32> to vector<16x256xf32>
    %get3A_678 = arith.constant 46 : index
    %get3A_679 = arith.constant 0 : index
    %get3A_680 = arith.constant 0 : index
    %get3A_681 = vector.load %arg3[%get3A_678, %get3A_679, %get3A_680] : memref<50x256x128xf32, #tpu.memory_space<vmem>>, vector<1x256x128xf32>
    %get3A_682 = vector.shape_cast %get3A_681 : vector<1x256x128xf32> to vector<256x128xf32>
    %dot_general3A_683 = arith.constant dense<0.000000e+00> : vector<16x128xf32>
    %dot_general3A_684 = tpu.matmul %slice3A_677, %get3A_682, %dot_general3A_683 {dimension_numbers = #tpu.dot_dimension_numbers<[1], [0], [0], [1], [0, 0, 1, 1], [], []>, transpose_lhs_hint = false} : vector<16x256xf32>, vector<256x128xf32>, vector<16x128xf32> -> vector<16x128xf32>
    %add3A_685 = arith.addf %add3A_676, %dot_general3A_684 : vector<16x128xf32>
    %slice3A_686 = vector.extract_strided_slice %select_n3A_261 {offsets = [752, 0], sizes = [16, 256], strides = [1, 1]} : vector<800x256xf32> to vector<16x256xf32>
    %get3A_687 = arith.constant 47 : index
    %get3A_688 = arith.constant 0 : index
    %get3A_689 = arith.constant 0 : index
    %get3A_690 = vector.load %arg3[%get3A_687, %get3A_688, %get3A_689] : memref<50x256x128xf32, #tpu.memory_space<vmem>>, vector<1x256x128xf32>
    %get3A_691 = vector.shape_cast %get3A_690 : vector<1x256x128xf32> to vector<256x128xf32>
    %dot_general3A_692 = arith.constant dense<0.000000e+00> : vector<16x128xf32>
    %dot_general3A_693 = tpu.matmul %slice3A_686, %get3A_691, %dot_general3A_692 {dimension_numbers = #tpu.dot_dimension_numbers<[1], [0], [0], [1], [0, 0, 1, 1], [], []>, transpose_lhs_hint = false} : vector<16x256xf32>, vector<256x128xf32>, vector<16x128xf32> -> vector<16x128xf32>
    %add3A_694 = arith.addf %add3A_685, %dot_general3A_693 : vector<16x128xf32>
    %slice3A_695 = vector.extract_strided_slice %select_n3A_261 {offsets = [768, 0], sizes = [16, 256], strides = [1, 1]} : vector<800x256xf32> to vector<16x256xf32>
    %get3A_696 = arith.constant 48 : index
    %get3A_697 = arith.constant 0 : index
    %get3A_698 = arith.constant 0 : index
    %get3A_699 = vector.load %arg3[%get3A_696, %get3A_697, %get3A_698] : memref<50x256x128xf32, #tpu.memory_space<vmem>>, vector<1x256x128xf32>
    %get3A_700 = vector.shape_cast %get3A_699 : vector<1x256x128xf32> to vector<256x128xf32>
    %dot_general3A_701 = arith.constant dense<0.000000e+00> : vector<16x128xf32>
    %dot_general3A_702 = tpu.matmul %slice3A_695, %get3A_700, %dot_general3A_701 {dimension_numbers = #tpu.dot_dimension_numbers<[1], [0], [0], [1], [0, 0, 1, 1], [], []>, transpose_lhs_hint = false} : vector<16x256xf32>, vector<256x128xf32>, vector<16x128xf32> -> vector<16x128xf32>
    %add3A_703 = arith.addf %add3A_694, %dot_general3A_702 : vector<16x128xf32>
    %slice3A_704 = vector.extract_strided_slice %select_n3A_261 {offsets = [784, 0], sizes = [16, 256], strides = [1, 1]} : vector<800x256xf32> to vector<16x256xf32>
    %get3A_705 = arith.constant 49 : index
    %get3A_706 = arith.constant 0 : index
    %get3A_707 = arith.constant 0 : index
    %get3A_708 = vector.load %arg3[%get3A_705, %get3A_706, %get3A_707] : memref<50x256x128xf32, #tpu.memory_space<vmem>>, vector<1x256x128xf32>
    %get3A_709 = vector.shape_cast %get3A_708 : vector<1x256x128xf32> to vector<256x128xf32>
    %dot_general3A_710 = arith.constant dense<0.000000e+00> : vector<16x128xf32>
    %dot_general3A_711 = tpu.matmul %slice3A_704, %get3A_709, %dot_general3A_710 {dimension_numbers = #tpu.dot_dimension_numbers<[1], [0], [0], [1], [0, 0, 1, 1], [], []>, transpose_lhs_hint = false} : vector<16x256xf32>, vector<256x128xf32>, vector<16x128xf32> -> vector<16x128xf32>
    %add3A_712 = arith.addf %add3A_703, %dot_general3A_711 : vector<16x128xf32>
    %get3A_713 = arith.constant 0 : index
    %get3A_714 = arith.constant 0 : index
    %get3A_715 = vector.load %arg4[%get3A_713, %get3A_714] : memref<1x128xf32, #tpu.memory_space<vmem>>, vector<1x128xf32>
    %add3A_716 = vector.broadcast %get3A_715 : vector<1x128xf32> to vector<16x128xf32>
    %add3A_717 = arith.addf %add3A_712, %add3A_716 : vector<16x128xf32>
    %get3A_718 = arith.constant 0 : index
    %get3A_719 = arith.constant 0 : index
    %get3A_720 = vector.load %arg5[%get3A_718, %get3A_719] : memref<1x128xf32, #tpu.memory_space<vmem>>, vector<1x128xf32>
    %get3A_721 = arith.constant 0 : index
    %get3A_722 = arith.constant 0 : index
    %get3A_723 = vector.load %arg6[%get3A_721, %get3A_722] : memref<1x128xf32, #tpu.memory_space<vmem>>, vector<1x128xf32>
    %reduce_sum3A_724 = arith.constant dense<0.000000e+00> : vector<16xf32>
    %reduce_sum3A_725 = vector.multi_reduction <add>, %add3A_717, %reduce_sum3A_724 [1] : vector<16x128xf32> to vector<16xf32>
    %broadcast_in_dim3A_726 = vector.shape_cast %reduce_sum3A_725 : vector<16xf32> to vector<16x1xf32>
    %div3A_727 = arith.constant 1.280000e+02 : f32
    %div3A_728 = vector.broadcast %div3A_727 : f32 to vector<16x1xf32>
    %div3A_729 = arith.divf %broadcast_in_dim3A_726, %div3A_728 : vector<16x1xf32>
    %sub3A_730 = vector.broadcast %div3A_729 : vector<16x1xf32> to vector<16x128xf32>
    %sub3A_731 = arith.subf %add3A_717, %sub3A_730 : vector<16x128xf32>
    %integer_pow3A = arith.mulf %sub3A_731, %sub3A_731 : vector<16x128xf32>
    %reduce_sum3A_732 = arith.constant dense<0.000000e+00> : vector<16xf32>
    %reduce_sum3A_733 = vector.multi_reduction <add>, %integer_pow3A, %reduce_sum3A_732 [1] : vector<16x128xf32> to vector<16xf32>
    %broadcast_in_dim3A_734 = vector.shape_cast %reduce_sum3A_733 : vector<16xf32> to vector<16x1xf32>
    %div3A_735 = arith.constant 1.280000e+02 : f32
    %div3A_736 = vector.broadcast %div3A_735 : f32 to vector<16x1xf32>
    %div3A_737 = arith.divf %broadcast_in_dim3A_734, %div3A_736 : vector<16x1xf32>
    %sub3A_738 = vector.broadcast %div3A_729 : vector<16x1xf32> to vector<16x128xf32>
    %sub3A_739 = arith.subf %add3A_717, %sub3A_738 : vector<16x128xf32>
    %add3A_740 = arith.constant 9.99999974E-6 : f32
    %add3A_741 = vector.broadcast %add3A_740 : f32 to vector<16x1xf32>
    %add3A_742 = arith.addf %div3A_737, %add3A_741 : vector<16x1xf32>
    %rsqrt3A = math.rsqrt %add3A_742 : vector<16x1xf32>
    %mul3A_743 = vector.broadcast %rsqrt3A : vector<16x1xf32> to vector<16x128xf32>
    %mul3A_744 = arith.mulf %sub3A_739, %mul3A_743 : vector<16x128xf32>
    %mul3A_745 = vector.broadcast %get3A_720 : vector<1x128xf32> to vector<16x128xf32>
    %mul3A_746 = arith.mulf %mul3A_744, %mul3A_745 : vector<16x128xf32>
    %add3A_747 = vector.broadcast %get3A_723 : vector<1x128xf32> to vector<16x128xf32>
    %add3A_748 = arith.addf %mul3A_746, %add3A_747 : vector<16x128xf32>
    %max3A_749 = arith.constant 0.000000e+00 : f32
    %max3A_750 = vector.broadcast %max3A_749 : f32 to vector<16x128xf32>
    %max3A_751 = arith.maximumf %add3A_748, %max3A_750 : vector<16x128xf32>
    %get3A_752 = arith.constant 0 : index
    %get3A_753 = arith.constant 0 : index
    %get3A_754 = vector.load %arg7[%get3A_752, %get3A_753] : memref<128x64xf32, #tpu.memory_space<vmem>>, vector<128x64xf32>
    %dot_general3A_755 = arith.constant dense<0.000000e+00> : vector<16x64xf32>
    %dot_general3A_756 = tpu.matmul %max3A_751, %get3A_754, %dot_general3A_755 {dimension_numbers = #tpu.dot_dimension_numbers<[1], [0], [0], [1], [0, 0, 1, 1], [], []>, transpose_lhs_hint = false} : vector<16x128xf32>, vector<128x64xf32>, vector<16x64xf32> -> vector<16x64xf32>
    %get3A_757 = arith.constant 0 : index
    %get3A_758 = arith.constant 0 : index
    %get3A_759 = vector.load %arg8[%get3A_757, %get3A_758] : memref<1x64xf32, #tpu.memory_space<vmem>>, vector<1x64xf32>
    %add3A_760 = vector.broadcast %get3A_759 : vector<1x64xf32> to vector<16x64xf32>
    %add3A_761 = arith.addf %dot_general3A_756, %add3A_760 : vector<16x64xf32>
    %get3A_762 = arith.constant 0 : index
    %get3A_763 = arith.constant 0 : index
    %get3A_764 = vector.load %arg9[%get3A_762, %get3A_763] : memref<1x64xf32, #tpu.memory_space<vmem>>, vector<1x64xf32>
    %get3A_765 = arith.constant 0 : index
    %get3A_766 = arith.constant 0 : index
    %get3A_767 = vector.load %arg10[%get3A_765, %get3A_766] : memref<1x64xf32, #tpu.memory_space<vmem>>, vector<1x64xf32>
    %reduce_sum3A_768 = arith.constant dense<0.000000e+00> : vector<16xf32>
    %reduce_sum3A_769 = vector.multi_reduction <add>, %add3A_761, %reduce_sum3A_768 [1] : vector<16x64xf32> to vector<16xf32>
    %broadcast_in_dim3A_770 = vector.shape_cast %reduce_sum3A_769 : vector<16xf32> to vector<16x1xf32>
    %div3A_771 = arith.constant 6.400000e+01 : f32
    %div3A_772 = vector.broadcast %div3A_771 : f32 to vector<16x1xf32>
    %div3A_773 = arith.divf %broadcast_in_dim3A_770, %div3A_772 : vector<16x1xf32>
    %sub3A_774 = vector.broadcast %div3A_773 : vector<16x1xf32> to vector<16x64xf32>
    %sub3A_775 = arith.subf %add3A_761, %sub3A_774 : vector<16x64xf32>
    %integer_pow3A_776 = arith.mulf %sub3A_775, %sub3A_775 : vector<16x64xf32>
    %reduce_sum3A_777 = arith.constant dense<0.000000e+00> : vector<16xf32>
    %reduce_sum3A_778 = vector.multi_reduction <add>, %integer_pow3A_776, %reduce_sum3A_777 [1] : vector<16x64xf32> to vector<16xf32>
    %broadcast_in_dim3A_779 = vector.shape_cast %reduce_sum3A_778 : vector<16xf32> to vector<16x1xf32>
    %div3A_780 = arith.constant 6.400000e+01 : f32
    %div3A_781 = vector.broadcast %div3A_780 : f32 to vector<16x1xf32>
    %div3A_782 = arith.divf %broadcast_in_dim3A_779, %div3A_781 : vector<16x1xf32>
    %sub3A_783 = vector.broadcast %div3A_773 : vector<16x1xf32> to vector<16x64xf32>
    %sub3A_784 = arith.subf %add3A_761, %sub3A_783 : vector<16x64xf32>
    %add3A_785 = arith.constant 9.99999974E-6 : f32
    %add3A_786 = vector.broadcast %add3A_785 : f32 to vector<16x1xf32>
    %add3A_787 = arith.addf %div3A_782, %add3A_786 : vector<16x1xf32>
    %rsqrt3A_788 = math.rsqrt %add3A_787 : vector<16x1xf32>
    %mul3A_789 = vector.broadcast %rsqrt3A_788 : vector<16x1xf32> to vector<16x64xf32>
    %mul3A_790 = arith.mulf %sub3A_784, %mul3A_789 : vector<16x64xf32>
    %mul3A_791 = vector.broadcast %get3A_764 : vector<1x64xf32> to vector<16x64xf32>
    %mul3A_792 = arith.mulf %mul3A_790, %mul3A_791 : vector<16x64xf32>
    %add3A_793 = vector.broadcast %get3A_767 : vector<1x64xf32> to vector<16x64xf32>
    %add3A_794 = arith.addf %mul3A_792, %add3A_793 : vector<16x64xf32>
    %max3A_795 = arith.constant 0.000000e+00 : f32
    %max3A_796 = vector.broadcast %max3A_795 : f32 to vector<16x64xf32>
    %max3A_797 = arith.maximumf %add3A_794, %max3A_796 : vector<16x64xf32>
    %get3A_798 = arith.constant 0 : index
    %get3A_799 = arith.constant 0 : index
    %get3A_800 = vector.load %arg11[%get3A_798, %get3A_799] : memref<64x1xf32, #tpu.memory_space<vmem>>, vector<64x1xf32>
    %dot_general3A_801 = arith.constant dense<0.000000e+00> : vector<16x1xf32>
    %dot_general3A_802 = tpu.matmul %max3A_797, %get3A_800, %dot_general3A_801 {dimension_numbers = #tpu.dot_dimension_numbers<[1], [0], [0], [1], [0, 0, 1, 1], [], []>, transpose_lhs_hint = false} : vector<16x64xf32>, vector<64x1xf32>, vector<16x1xf32> -> vector<16x1xf32>
    %get3A_803 = arith.constant 0 : index
    %get3A_804 = arith.constant 0 : index
    %get3A_805 = vector.load %arg12[%get3A_803, %get3A_804] : memref<1x1xf32, #tpu.memory_space<vmem>>, vector<1x1xf32>
    %add3A_806 = vector.broadcast %get3A_805 : vector<1x1xf32> to vector<16x1xf32>
    %add3A_807 = arith.addf %dot_general3A_802, %add3A_806 : vector<16x1xf32>
    %neg3A = arith.constant 0.000000e+00 : f32
    %neg3A_808 = vector.broadcast %neg3A : f32 to vector<16x1xf32>
    %neg3A_809 = arith.subf %neg3A_808, %add3A_807 : vector<16x1xf32>
    %exp3A = math.exp %neg3A_809 : vector<16x1xf32>
    %add3A_810 = arith.constant 1.000000e+00 : f32
    %add3A_811 = vector.broadcast %add3A_810 : f32 to vector<16x1xf32>
    %add3A_812 = arith.addf %add3A_811, %exp3A : vector<16x1xf32>
    %div3A_813 = arith.constant 1.000000e+00 : f32
    %div3A_814 = vector.broadcast %div3A_813 : f32 to vector<16x1xf32>
    %div3A_815 = arith.divf %div3A_814, %add3A_812 : vector<16x1xf32>
    %swap3A = arith.constant 0 : index
    %swap3A_816 = arith.constant 0 : index
    %swap3A_817 = vector.load %arg13[%swap3A, %swap3A_816] : memref<16x1xf32, #tpu.memory_space<vmem>>, vector<16x1xf32>
    tpu.vector_store %arg13[%swap3A, %swap3A_816], %div3A_815 {strides = array<i32>} : memref<16x1xf32, #tpu.memory_space<vmem>>, vector<16x1xf32>,
    return
  }
}

</mosaic_0001>

<sc_bundles>
// kernel: kernel.10.cloned.1.call-start
scs
__scs_entry_jumppad:
0x0: {  	(pc) =	sbr.rel $0x88, $3  }
0x1: {  	(tag) =	ssettag $0x0;
	lr =	simm.s32 $0x1  }
0x2: {  	[smem:$0x3F8C] =	sst lr;
	_ =	strace $0xD0000000  }
0x3: {  	_ = 	snop  }
0x4: {  	_ = 	snop  }
0x5: {  	_ = 	snop  }
0x6: {  	_ = 	snop  }
0x7: {  	_ = 	snop  }
__scs_overlays_trampoline_lowered:
0x8: {  	[smem:$0x3F9B] =	sst s0  }
0x9: {  	[smem:$0x3F9C] =	sst s1  }
0xa: {  	[smem:$0x3F9D] =	sst s2  }
0xb: {  	[smem:$0x3F9E] =	sst s3  }
0xc: {  	[smem:$0x3F9F] =	sst s4  }
0xd: {  	[smem:$0x3FA0] =	sst s5  }
0xe: {  	[smem:$0x3FA1] =	sst s6  }
0xf: {  	[smem:$0x3FA2] =	sst s7  }
0x10: {  	[smem:$0x3FA3] =	sst s8  }
0x11: {  	[smem:$0x3FA4] =	sst s9;
	s0 =	simm.s32 @!p0 $0x0  }
0x12: {  	s1 =	sld [smem:$0x3F8A];
	s0 =	simm.s32 @p0 $0x1  }
0x13: {  	[smem:$0x3FA5] =	sst s0;
	s0 =	simm.s32 @!p1 $0x0  }
0x14: {  	s2 =	sld [smem:$0x3F89];
	s0 =	simm.s32 @p1 $0x1  }
0x15: {  	[smem:$0x3FA6] =	sst s0;
	s0 =	simm.s32 @!p2 $0x0  }
0x16: {  	s3 =	sld [smem:$0x3FDB];
	s0 =	simm.s32 @p2 $0x1  }
0x17: {  	s4 =	simm.s32 $0x1BF5;
	[smem:$0x3FA8] =	sst s0  }
0x18: {  	s0 =	sld [smem:$0x3F8B];
	_ =	swait.ge [sflag:s4], $0x0  }
0x19: {  	s7 =	sld [smem:$0x3F8C]  }
0x1a: {  	s8 =	sadd.s32 $0xFFFFE003, lr  }
0x1b: {  	s9 =	sadd.s32 $0xFFFFFEF7, lr;
	s5 =	simm.s32 $0xFFFFFFFF;
	p2 =	slt.u32 s8, $0xFFFFF086  }
0x1c: {  	p1 =	slt.u32 s9, $0xF7A;
	s5 =	simm.s32 @!p2 $0x0  }
0x1d: {  	s5 =	simm.s32 @p1 $0x1;
	p0 =	seq.s32 s7, s2  }
0x1e: {  	s7 =	smul.u32 @!p0 $0xF7A, s2;
	p2 =	seq.s32 @!p0 s5, $0x0  }
0x1f: {  	s9 =	smul.u32 $0xF7A, s1;
	s8 =	simm.s32 @!p0 $0x1BF5;
	p2 =	por !p2, p0  }
0x20: {  	[sflag:s8] =	ssyncset.s32 @!p0 $0xFFFFF086;
	s6 =	sadd.s32 @!p0 s3, s7;
	s7 =	simm.s32 @!p0 $0x108  }
0x21: {  	s3 =	sadd.s32 s3, s9;
	s6 =	sadd.s32 @!p0 $0x88, s6;
	s7 =	simm.s32 @p2 $0x1082  }
0x22: {  	[simem:s7], [sflag:s8] =	dma.local @!p0 [hbm:s6], $0xF7A  }
0x23: {  	s9 =	sor.u32 $0xD0000000, s2;
	s6 =	simm.s32 $0x108;
	_ =	swait.ge @!p0 [sflag:s8], $0x0  }
0x24: {  	s3 =	sadd.s32 $0x88, s3;
	s6 =	simm.s32 @!p1 $0x1082;
	[sflag:s4] =	ssyncset.s32 $0xFFFFF086  }
0x25: {  	[simem:s6], [sflag:s4] =	dma.local [hbm:s3], $0xF7A  }
0x26: {  	[smem:$0x3F8C] =	sst s1;
	(tag) =	ssettag s2;
	_ =	strace s9  }
0x27: {  	s1 =	sld [smem:$0x3F9C]  }
0x28: {  	s2 =	sld [smem:$0x3F9D]  }
0x29: {  	s4 =	sld [smem:$0x3F9F]  }
0x2a: {  	p0 =	seq.s32 s5, $0x0;
	s5 =	sld [smem:$0x3FA0]  }
0x2b: {  	s6 =	sld [smem:$0x3FA1]  }
0x2c: {  	s7 =	sld [smem:$0x3FA2]  }
0x2d: {  	s3 =	simm.s32 $0x108;
	s8 =	sld [smem:$0x3FA3]  }
0x2e: {  	s3 =	simm.s32 @!p0 $0x1082;
	s9 =	sld [smem:$0x3FA4]  }
0x2f: {  	lr =	sadd.s32 s0, s3;
	s0 =	sld [smem:$0x3F9B]  }
0x30: {  	s3 =	sld [smem:$0x3F9E]  }
0x31: {  	[smem:$0x3FA7] =	sst s10  }
0x32: {  	s10 =	sld [smem:$0x3FA5];
	_ =	sdelay $0x3  }
0x33: {  	p0 =	seq.s32 s10, $0x1;
	s10 =	sld [smem:$0x3FA7];
	_ =	sdelay $0x3  }
0x34: {  	[smem:$0x3FA7] =	sst s10  }
0x35: {  	s10 =	sld [smem:$0x3FA6];
	_ =	sdelay $0x3  }
0x36: {  	p1 =	seq.s32 s10, $0x1;
	s10 =	sld [smem:$0x3FA7];
	_ =	sdelay $0x3  }
0x37: {  	[smem:$0x3FA7] =	sst s10  }
0x38: {  	s10 =	sld [smem:$0x3FA8]  }
0x39: {  	_ = 	snop;
	(pc) =	sbr.ind lr, $3  }
0x3a: {  	_ = 	snop  }
0x3b: {  	_ = 	snop  }
0x3c: {  	p2 =	seq.s32 s10, $0x1;
	s10 =	sld [smem:$0x3FA7]  }
0x3d: {  	_ =	shalt  }
0x3e: {  	_ =	shalt  }
0x3f: {  	_ =	shalt  }
0x40: {  	_ =	shalt  }
0x41: {  	_ =	shalt  }
0x42: {  	_ =	shalt  }
0x43: {  	_ =	shalt  }
0x44: {  	_ =	shalt  }
0x45: {  	_ =	shalt  }
0x46: {  	_ =	shalt  }
0x47: {  	_ =	shalt  }
0x48: {  	_ =	shalt  }
0x49: {  	_ =	shalt  }
0x4a: {  	_ =	shalt  }
0x4b: {  	_ =	shalt  }
0x4c: {  	_ =	shalt  }
0x4d: {  	_ =	shalt  }
0x4e: {  	_ =	shalt  }
0x4f: {  	_ =	shalt  }
0x50: {  	_ =	shalt  }
0x51: {  	_ =	shalt  }
0x52: {  	_ =	shalt  }
0x53: {  	_ =	shalt  }
0x54: {  	_ =	shalt  }
0x55: {  	_ =	shalt  }
0x56: {  	_ =	shalt  }
0x57: {  	_ =	shalt  }
0x58: {  	_ =	shalt  }
0x59: {  	_ =	shalt  }
0x5a: {  	_ =	shalt  }
0x5b: {  	_ =	shalt  }
0x5c: {  	_ =	shalt  }
0x5d: {  	_ =	shalt  }
0x5e: {  	_ =	shalt  }
0x5f: {  	_ =	shalt  }
0x60: {  	_ =	shalt  }
0x61: {  	_ =	shalt  }
0x62: {  	_ =	shalt  }
0x63: {  	_ =	shalt  }
0x64: {  	_ =	shalt  }
0x65: {  	_ =	shalt  }
0x66: {  	_ =	shalt  }
0x67: {  	_ =	shalt  }
0x68: {  	_ =	shalt  }
0x69: {  	_ =	shalt  }
0x6a: {  	_ =	shalt  }
0x6b: {  	_ =	shalt  }
0x6c: {  	_ =	shalt  }
0x6d: {  	_ =	shalt  }
0x6e: {  	_ =	shalt  }
0x6f: {  	_ =	shalt  }
0x70: {  	_ =	shalt  }
0x71: {  	_ =	shalt  }
0x72: {  	_ =	shalt  }
0x73: {  	_ =	shalt  }
0x74: {  	_ =	shalt  }
0x75: {  	_ =	shalt  }
0x76: {  	_ =	shalt  }
0x77: {  	_ =	shalt  }
0x78: {  	_ =	shalt  }
0x79: {  	_ =	shalt  }
0x7a: {  	_ =	shalt  }
0x7b: {  	_ =	shalt  }
0x7c: {  	_ =	shalt  }
0x7d: {  	_ =	shalt  }
0x7e: {  	_ =	shalt  }
0x7f: {  	_ =	shalt  }
0x80: {  	_ =	shalt  }
0x81: {  	_ =	shalt  }
0x82: {  	_ =	shalt  }
0x83: {  	_ =	shalt  }
0x84: {  	_ =	shalt  }
0x85: {  	_ =	shalt  }
0x86: {  	_ =	shalt  }
0x87: {  	_ =	shalt  }
.Lfunc_end0:
.L_simem_size_0:
called_computation_lowered:
.L_overlay_start_0:
0x88: {  	s2 =	sld [smem:$0x3FD9]  }
0x89: {  	s3 =	sld [smem:$0x3FFE];
	_ =	sdelay $0x1  }
0x8a: {  	s1 =	srdreg.scid  }
0x8b: {  	s0 =	sand.u32 $0x1, s1  }
0x8c: {  	s17 =	sshll.u32 s0, $0xA;
	s2 =	sadd.s32 s3, s2  }
0x8d: {  	s2 =	sadd.s32 s2, s17  }
0x8e: {  	[smem:$0x3FB3] =	sst s2  }
0x8f: {  	_ = 	snop  }
0x90: {  	(tm) =	ssettm $0x1  }
0x91: {  	s18 =	sld [smem:$0x3FFB];
	_ =	sdelay $0x3  }
0x92: {  	_ =	strace s18  }
0x93: {  	s2 =	sld [smem:$0x3FFC];
	_ =	sdelay $0x3  }
0x94: {  	_ =	strace s2  }
0x95: {  	s2 =	sld [smem:$0x3FFD];
	_ =	sdelay $0x3  }
0x96: {  	_ =	strace s2  }
0x97: {  	_ =	strace $0x8FFFFFFF  }
0x98: {  	s19 =	sld [smem:$0x3FDB];
	_ =	sdelay $0x1  }
0x99: {  	s20 =	simm.s32 $_scs_section_size  }
0x9a: {  	s4 =	simm.s32 $_size__tile_overlayer_lowered;
	s5 =	simm.s32 $_tile_overlayer_lowered  }
0x9b: {  	s6 =	simm.s32 $0x1BFF;
	s21 =	sshll.u32 s5, $0x1;
	s3 =	sadd.s32 s20, s19  }
0x9c: {  	s22 =	simm.s32 $0x0;
	s4 =	sshll.u32 s4, $0x1;
	s5 =	sadd.s32 s21, s3  }
0x9d: {  	[timem:s22], [sflag:s6] =	dma.local [hbm:s5], s4  }
0x9e: {  	_ =	swait.ge [sflag:s6], s4  }
0x9f: {  	s4 =	ssub.s32 $0x0, s4;
	[sflag:s6] =	ssyncset.done $0x0  }
0xa0: {  	[sflag:s6] =	ssyncadd.s32 s4;
	_ =	sdelay $0x1  }
0xa1: {  	s23 =	simm.s32 $0x1B8B  }
0xa2: {  	_ =	swait.ge [sflag:s23], $0x1  }
0xa3: {  	[sflag:s23] =	ssyncset.done $0x0  }
0xa4: {  	[sflag:s23] =	ssyncadd.s32 $0xFFFFFFFF  }
0xa5: {  	s4 =	sld [smem:$0x0]  }
0xa6: {  	s5 =	sand.u32 $0xFFFFFFFE, s1  }
0xa7: {  	p0 =	sne.s32 s1, s5  }
0xa8: {  	s5 =	sshll.u32 @p0 s5, $0xE  }
0xa9: {  	s5 =	sadd.s32 @p0 $0x11B8D, s5;
	s6 =	sshll.u32 @p0 s4, $0x11  }
0xaa: {  	s5 =	sor.u32 @p0 s6, s5  }
0xab: {  	[sflag:s5] =	ssyncadd.remote.s32 @p0 $0x1;
	_ =	sdelay $0x1  }
0xac: {  	s5 =	simm.s32 @p0 $0x1B8D  }
0xad: {  	_ =	swait.eq @p0 [sflag:s5], $0x1  }
0xae: {  	[sflag:s5] =	ssyncadd.s32 @p0 $0xFFFFFFFF  }
0xaf: {  	s6 =	sshll.u32 @!p0 s1, $0xE  }
0xb0: {  	s6 =	sor.u32 @!p0 $0x4000, s6;
	s5 =	simm.s32 @!p0 $0x1B8D  }
0xb1: {  	s4 =	sshll.u32 @!p0 s4, $0x11;
	s6 =	sadd.s32 @!p0 $0x11B8D, s6;
	_ =	swait.eq @!p0 [sflag:s5], $0x1  }
0xb2: {  	s4 =	sor.u32 @!p0 s4, s6;
	[sflag:s5] =	ssyncadd.s32 @!p0 $0xFFFFFFFF  }
0xb3: {  	s25 =	simm.s32 $0x1B8E;
	s24 =	sld [smem:$0x3FFE];
	[sflag:s4] =	ssyncadd.remote.s32 @!p0 $0x1  }
0xb4: {  	s26 =	simm.s32 $execute0_lowered;
	[smem:$0x3FD2] =	sst s25  }
0xb5: {  	s5 =	sshll.u32 s26, $0x1;
	_ =	strace $0x80000049;
	[dreg:$0x1] =	wrdreg $0xFFFFFFFF  }
0xb6: {  	s28 =	simm.s32 $_size_execute0_lowered;
	s3 =	sadd.s32 s3, s5;
	[dreg:$0x0] =	wrdreg $0x0  }
0xb7: {  	s5 =	sshll.u32 s28, $0x1;
	[dreg:$0x2] =	wrdreg s3  }
0xb8: {  	[dreg:$0x3] =	wrdreg s5  }
0xb9: {  	[dreg:$0x4] =	wrdreg $0xC0  }
0xba: {  	_ =	task [dreg:s22], $0x5FFFF  }
0xbb: {  	[dreg:$0x1] =	wrdreg $0xFFFFFFFF  }
0xbc: {  	[dreg:$0x0] =	wrdreg $0x60  }
0xbd: {  	[dreg:$0x2] =	wrdreg s24  }
0xbe: {  	[dreg:$0x3] =	wrdreg $0xE7000  }
0xbf: {  	[dreg:$0x4] =	wrdreg $0x9  }
0xc0: {  	_ =	task.clear_ibuf [dreg:s22], $0x5FFFF;
	_ =	strace $0x90000049  }
0xc1: {  	s29 =	simm.s32 $0x9;
	_ =	strace $0x8000004B  }
0xc2: {  	_ =	swait.ge [sflag:s29], $0x1  }
0xc3: {  	[sflag:s29] =	ssyncadd.s32 $0xFFFFFFFF  }
0xc4: {  	_ =	strace $0x9000004B  }
0xc5: {  	_ =	sfence  }
0xc6: {  	s30 =	sld [smem:$0x0];
	_ =	sdelay $0x2  }
0xc7: {  	s31 =	sshll.u32 s1, $0xD;
	s1 =	sshrl.u32 s1, $0x2  }
0xc8: {  	s4 =	sand.u32 $0x4000, s31;
	s1 =	sadd.s32 s1, s30  }
0xc9: {  	s0 =	sor.u32 s4, s0;
	s1 =	sshll.u32 s1, $0x11  }
0xca: {  	s0 =	sor.u32 s1, s0  }
0xcb: {  	s0 =	sadd.s32 $0x8F2B, s0  }
0xcc: {  	[sflag:s0] =	ssyncadd.remote.s32 $0x1  }
0xcd: {  	_ =	sfence.sel $0xFFFF  }
0xce: {  	[dreg:$0x0] =	wrdreg $0xFFFFFFFF;
	(pc) =	sbr.abs _section_cstart, $3  }
0xcf: {  	[dreg:$0x1] =	wrdreg $0xFFFFFFFF  }
0xd0: {  	_ =	task.clear_ibuf [dreg:s22], $0x2FFFF;
	_ =	strace $0x9FFFFFFF  }
0xd1: {  	(tm) =	ssettm $0x7FFFFFFF  }
tec
execute0_lowered:
.L_overlay_start_1:
0x0: {  	(tag) =	ssettag $0x1  }
0x1: {  	s1 =	srdreg.scid;
	s6 =	rddreg [dreg:$0x0]  }
0x2: {  	s0 =	stileid.u32;
	s2 =	rddreg [dreg:$0x1]  }
0x3: {  	s3 =	simm.s32 $0x0;
	s13 =	simm.s32 $0x4F00;
	s14 =	simm.s32 $0x7700  }
0x4: {  	s15 =	simm.s32 $0x50;
	s16 =	simm.s32 $0x4E80;
	s17 =	simm.s32 $0x0  }
0x5: {  	s5 =	sand.u32 $0x1, s1;
	s29 =	sshll.u32 s0, $0x1;
	s7 =	smul.u32 $0xE0, s0  }
0x6: {  	[smem:$0x7FF] =	sst s3;
	s10 =	smul.u32 $0x1C000, s0;
	s1 =	sor.u32 s5, s29  }
0x7: {  	s8 =	smul.u32 $0x2A00, s5;
	s30 =	ssub.s32 $0x2, s5;
	s5 =	sadd.s32 $0x81000, s6  }
0x8: {  	s4 =	smul.u32 $0x9C4, s1;
	s1 =	rddreg [dreg:$0x2];
	_ =	strace $0x8000004A  }
0x9: {  	s11 =	sshrl.u32 s30, $0x1;
	s31 =	sshrl.u32 s10, $0x2;
	s7 =	sadd.s32 s7, s8  }
0xa: {  	s11 =	ssub.s32 s30, s11;
	s9 =	sadd.s32 s4, s6;
	s7 =	sshll.u32 s7, $0x4  }
0xb: {  	s4 =	sadd.s32 $0x2C200, s6;
	s11 =	smax.u32 s11, $0x1;
	s12 =	sadd.s32 s7, s6  }
0xc: {  	s6 =	sadd.s32 $0x4E00, s9;
	s7 =	sadd.s32 s31, s2;
	s8 =	sadd.s32 $0x81600, s12  }
0xd: {  	s9 =	sadd.s32 $0x8F600, s12;
	s10 =	sadd.s32 $0x9D600, s12;
	s12 =	simm.s32 $0x1  }
.LBB2_1:
0xe: {  	[tilespmem:s3], [sflag:$0x1] =	stream.linear.gather [hbm4b:s6+s3], $0x4E20, $0x38;
	[tilespmem:$0x15700] =	vst v63  }
0xf: {  	_ =	swait.ge [sflag:s12], $0x4E20  }
0x10: {  	[sflag:s12] =	ssyncset.done $0x0  }
0x11: {  	[sflag:s12] =	ssyncadd.s32 $0xFFFFB1E0  }
0x12: {  	[tilespmem:s13], [sflag:$0x1] =	stream.linear.gather [hbm4b:s5+s3], $0x2800, $0x38;
	[tilespmem:$0x15700] =	vst v63  }
0x13: {  	_ =	swait.ge [sflag:s12], $0x2800  }
0x14: {  	[sflag:s12] =	ssyncset.done $0x0  }
0x15: {  	[sflag:s12] =	ssyncadd.s32 $0xFFFFD800  }
0x16: {  	[tilespmem:s14], [sflag:$0x1] =	stream.linear.gather [hbm4b:s4+s3], $0x7000, $0x38;
	[tilespmem:$0x15700] =	vst v63  }
0x17: {  	_ =	swait.ge [sflag:s12], $0x7000  }
0x18: {  	[sflag:s12] =	ssyncset.done $0x0  }
0x19: {  	[sflag:s12] =	ssyncadd.s32 $0xFFFF9000  }
0x1a: {  	[spmem:s7] =	stream.linear.scatter [tilespmem:s14], [sflag:$0x1], $0x7000, $0x38;
	[tilespmem:$0x15700] =	vst v63  }
0x1b: {  	_ =	swait.ge [sflag:s12], $0x7000  }
0x1c: {  	[sflag:s12] =	ssyncset.done $0x0  }
0x1d: {  	[sflag:s12] =	ssyncadd.s32 $0xFFFF9000  }
0x1e: {  	s18 =	simm.s32 $0x0;
	[bflag:$0x0] =	sbarrier.arrive $0xFFFF  }
0x1f: {  	v0 =	vld [tilespmem:s18+$0x0];
	_ =	sdelay $0x4  }
0x20: {  	vm0 =	vlt.u32 v0, $0xE00  }
0x21: {  	v0 =	vnsel vm0, $0xFFFFFFFF, v0  }
0x22: {  	[tilespmem:$0x4E80] =	vst v0  }
0x23: {  	v0 =	vld [tilespmem:s18+$0x10];
	_ =	sdelay $0x4  }
0x24: {  	vm12 =	vlt.u32 v0, $0xE00  }
0x25: {  	v0 =	vnsel vm12, $0xFFFFFFFF, v0  }
0x26: {  	[tilespmem:$0x4E90] =	vst v0  }
0x27: {  	v0 =	vld [tilespmem:s18+$0x20];
	_ =	sdelay $0x4  }
0x28: {  	vm13 =	vlt.u32 v0, $0xE00  }
0x29: {  	v0 =	vnsel vm13, $0xFFFFFFFF, v0  }
0x2a: {  	[tilespmem:$0x4EA0] =	vst v0  }
0x2b: {  	v0 =	vld [tilespmem:s18+$0x30];
	_ =	sdelay $0x4  }
0x2c: {  	vm14 =	vlt.u32 v0, $0xE00  }
0x2d: {  	v0 =	vnsel vm14, $0xFFFFFFFF, v0  }
0x2e: {  	[tilespmem:$0x4EB0] =	vst v0  }
0x2f: {  	v0 =	vld [tilespmem:s18+$0x40];
	_ =	sdelay $0x4  }
0x30: {  	vm15 =	vlt.u32 v0, $0xE00  }
0x31: {  	v0 =	vnsel vm15, $0xFFFFFFFF, v0  }
0x32: {  	[tilespmem:$0x4EC0] =	vst v0;
	(ifvalue) =	ssetifvalue $0xFFFFFFFF  }
0x33: {  	[spmem:s2] =	stream.indirect.scatter.add.f32 [tilespmem:s13], [sflag:$0x1], $0x80, s16, s15, $0x40b8;
	[tilespmem:$0x15700] =	vst v63  }
0x34: {  	_ =	swait.ge [sflag:s12], $0x2800  }
0x35: {  	s20 =	simm.s32 $0x280;
	s18 =	simm.s32 $0x140;
	[sflag:s12] =	ssyncset.done $0x0  }
.LBB2_2:
0x36: {  	s21 =	sshra.s32 s18, $0x2  }
0x37: {  	[sflag:s12] =	ssyncadd.s32 $0xFFFFD800;
	s18 =	smov.u32 s20;
	s19 =	sadd.s32 $0x140, s20  }
0x38: {  	p0 =	sne.s32 s20, $0x13740;
	v0 =	vld [tilespmem:s21+$0x0];
	_ =	sdelay $0x4  }
0x39: {  	vm0 =	vlt.u32 v0, $0xE00  }
0x3a: {  	v0 =	vnsel vm0, $0xFFFFFFFF, v0  }
0x3b: {  	[tilespmem:$0x4E80] =	vst v0  }
0x3c: {  	v0 =	vld [tilespmem:s21+$0x10];
	_ =	sdelay $0x4  }
0x3d: {  	vm0 =	vlt.u32 v0, $0xE00  }
0x3e: {  	v0 =	vnsel vm0, $0xFFFFFFFF, v0  }
0x3f: {  	[tilespmem:$0x4E90] =	vst v0  }
0x40: {  	v0 =	vld [tilespmem:s21+$0x20];
	_ =	sdelay $0x4  }
0x41: {  	vm0 =	vlt.u32 v0, $0xE00  }
0x42: {  	v0 =	vnsel vm0, $0xFFFFFFFF, v0  }
0x43: {  	[tilespmem:$0x4EA0] =	vst v0  }
0x44: {  	v0 =	vld [tilespmem:s21+$0x30];
	_ =	sdelay $0x4  }
0x45: {  	vm0 =	vlt.u32 v0, $0xE00  }
0x46: {  	v0 =	vnsel vm0, $0xFFFFFFFF, v0  }
0x47: {  	[tilespmem:$0x4EB0] =	vst v0  }
0x48: {  	v0 =	vld [tilespmem:s21+$0x40];
	_ =	sdelay $0x4  }
0x49: {  	vm0 =	vlt.u32 v0, $0xE00  }
0x4a: {  	v0 =	vnsel vm0, $0xFFFFFFFF, v0  }
.Ltmp0:
0x4b: {  	[tilespmem:$0x4EC0] =	vst v0;
	(pc) =	sbr.rel @p0 .LBB2_2-.Ltmp0, $4  }
0x4c: {  	(ifvalue) =	ssetifvalue $0xFFFFFFFF  }
0x4d: {  	[spmem:s2] =	stream.indirect.scatter.add.f32 [tilespmem:s13], [sflag:$0x1], $0x80, s16, s15, $0x40b8;
	[tilespmem:$0x15700] =	vst v63  }
0x4e: {  	_ =	swait.ge [sflag:s12], $0x2800  }
0x4f: {  	s20 =	smov.u32 s19;
	[sflag:s12] =	ssyncset.done $0x0  }
0x50: {  	s18 =	sshra.s32 s18, $0x2;
	[sflag:s12] =	ssyncadd.s32 $0xFFFFD800  }
0x51: {  	v0 =	vld [tilespmem:s18+$0x0];
	_ =	sdelay $0x4  }
0x52: {  	vm0 =	vlt.u32 v0, $0xE00  }
0x53: {  	v0 =	vnsel vm0, $0xFFFFFFFF, v0  }
0x54: {  	[tilespmem:$0x4E80] =	vst v0  }
0x55: {  	v0 =	vld [tilespmem:s18+$0x10];
	_ =	sdelay $0x4  }
0x56: {  	vm7 =	vlt.u32 v0, $0xE00  }
0x57: {  	v0 =	vnsel vm7, $0xFFFFFFFF, v0  }
0x58: {  	[tilespmem:$0x4E90] =	vst v0  }
0x59: {  	v0 =	vld [tilespmem:s18+$0x20];
	_ =	sdelay $0x4  }
0x5a: {  	vm8 =	vlt.u32 v0, $0xE00  }
0x5b: {  	v0 =	vnsel vm8, $0xFFFFFFFF, v0  }
0x5c: {  	[tilespmem:$0x4EA0] =	vst v0  }
0x5d: {  	v0 =	vld [tilespmem:s18+$0x30];
	_ =	sdelay $0x4  }
0x5e: {  	vm9 =	vlt.u32 v0, $0xE00  }
0x5f: {  	v0 =	vnsel vm9, $0xFFFFFFFF, v0  }
0x60: {  	[tilespmem:$0x4EB0] =	vst v0  }
0x61: {  	v0 =	vld [tilespmem:s18+$0x40];
	_ =	sdelay $0x4  }
0x62: {  	vm10 =	vlt.u32 v0, $0xE00  }
0x63: {  	v0 =	vnsel vm10, $0xFFFFFFFF, v0  }
0x64: {  	[tilespmem:$0x4EC0] =	vst v0;
	(ifvalue) =	ssetifvalue $0xFFFFFFFF  }
0x65: {  	[spmem:s2] =	stream.indirect.scatter.add.f32 [tilespmem:s13], [sflag:$0x1], $0x80, s16, s15, $0x40b8;
	[tilespmem:$0x15700] =	vst v63  }
0x66: {  	_ =	swait.ge [sflag:s12], $0x2800  }
0x67: {  	[sflag:s12] =	ssyncset.done $0x0  }
0x68: {  	[sflag:s12] =	ssyncadd.s32 $0xFFFFD800  }
0x69: {  	[bflag:$0x0] =	sbarrier.arrive $0xFFFF  }
0x6a: {  	[tilespmem:s14], [sflag:$0x1] =	stream.linear.gather [spmem:s7], $0x7000, $0x38;
	[tilespmem:$0x15700] =	vst v63  }
0x6b: {  	_ =	swait.ge [sflag:s12], $0x7000  }
0x6c: {  	[sflag:s12] =	ssyncset.done $0x0  }
0x6d: {  	s30 =	simm.s32 $0x0;
	[sflag:s12] =	ssyncadd.s32 $0xFFFF9000  }
0x6e: {  	[hbm4b:s8+s30] =	stream.linear.scatter [tilespmem:s14], [sflag:$0x1], $0x7000, $0x38;
	[tilespmem:$0x15700] =	vst v63  }
0x6f: {  	_ =	swait.ge [sflag:s12], $0x7000  }
0x70: {  	[sflag:s12] =	ssyncset.done $0x0  }
0x71: {  	[sflag:s12] =	ssyncadd.s32 $0xFFFF9000  }
0x72: {  	[bflag:$0x0] =	sbarrier.arrive $0xFFFF  }
0x73: {  	[tilespmem:s14], [sflag:$0x1] =	stream.linear.gather [hbm4b:s4+s30], $0x7000, $0x38;
	[tilespmem:$0x15700] =	vst v63  }
0x74: {  	_ =	swait.ge [sflag:s12], $0x7000  }
0x75: {  	[sflag:s12] =	ssyncset.done $0x0  }
0x76: {  	[sflag:s12] =	ssyncadd.s32 $0xFFFF9000  }
0x77: {  	[spmem:s7] =	stream.linear.scatter [tilespmem:s14], [sflag:$0x1], $0x7000, $0x38;
	[tilespmem:$0x15700] =	vst v63  }
0x78: {  	_ =	swait.ge [sflag:s12], $0x7000  }
0x79: {  	[sflag:s12] =	ssyncset.done $0x0  }
0x7a: {  	[sflag:s12] =	ssyncadd.s32 $0xFFFF9000  }
0x7b: {  	s31 =	simm.s32 $0x0;
	[bflag:$0x0] =	sbarrier.arrive $0xFFFF  }
0x7c: {  	v63 =	vld [tilespmem:s31+$0x0];
	_ =	sdelay $0x4  }
0x7d: {  	v0 =	vadd.s32 $0xFFFFF200, v63  }
0x7e: {  	vm11 =	vlt.u32 v0, $0xE00  }
0x7f: {  	v0 =	vnsel vm11, $0xFFFFFFFF, v0  }
0x80: {  	[tilespmem:$0x4E80] =	vst v0  }
0x81: {  	v0 =	vld [tilespmem:s31+$0x10];
	_ =	sdelay $0x4  }
0x82: {  	v0 =	vadd.s32 $0xFFFFF200, v0  }
0x83: {  	vm12 =	vlt.u32 v0, $0xE00  }
0x84: {  	v0 =	vnsel vm12, $0xFFFFFFFF, v0  }
0x85: {  	[tilespmem:$0x4E90] =	vst v0  }
0x86: {  	v0 =	vld [tilespmem:s31+$0x20];
	_ =	sdelay $0x4  }
0x87: {  	v0 =	vadd.s32 $0xFFFFF200, v0  }
0x88: {  	vm13 =	vlt.u32 v0, $0xE00  }
0x89: {  	v0 =	vnsel vm13, $0xFFFFFFFF, v0  }
0x8a: {  	[tilespmem:$0x4EA0] =	vst v0  }
0x8b: {  	v0 =	vld [tilespmem:s31+$0x30];
	_ =	sdelay $0x4  }
0x8c: {  	v0 =	vadd.s32 $0xFFFFF200, v0  }
0x8d: {  	vm14 =	vlt.u32 v0, $0xE00  }
0x8e: {  	v0 =	vnsel vm14, $0xFFFFFFFF, v0  }
0x8f: {  	[tilespmem:$0x4EB0] =	vst v0  }
0x90: {  	v0 =	vld [tilespmem:s31+$0x40];
	_ =	sdelay $0x4  }
0x91: {  	v0 =	vadd.s32 $0xFFFFF200, v0  }
0x92: {  	vm15 =	vlt.u32 v0, $0xE00  }
0x93: {  	v0 =	vnsel vm15, $0xFFFFFFFF, v0  }
0x94: {  	[tilespmem:$0x4EC0] =	vst v0;
	(ifvalue) =	ssetifvalue $0xFFFFFFFF  }
0x95: {  	[spmem:s2] =	stream.indirect.scatter.add.f32 [tilespmem:s13], [sflag:$0x1], $0x80, s16, s15, $0x40b8;
	[tilespmem:$0x15700] =	vst v63  }
0x96: {  	_ =	swait.ge [sflag:s12], $0x2800  }
0x97: {  	s20 =	simm.s32 $0x280;
	s18 =	simm.s32 $0x140;
	[sflag:s12] =	ssyncset.done $0x0  }
.LBB2_4:
0x98: {  	s21 =	sshra.s32 s18, $0x2  }
0x99: {  	[sflag:s12] =	ssyncadd.s32 $0xFFFFD800;
	s18 =	smov.u32 s20;
	s19 =	sadd.s32 $0x140, s20  }
0x9a: {  	p0 =	sne.s32 s20, $0x13740;
	v0 =	vld [tilespmem:s21+$0x0];
	_ =	sdelay $0x4  }
0x9b: {  	v0 =	vadd.s32 $0xFFFFF200, v0  }
0x9c: {  	vm0 =	vlt.u32 v0, $0xE00  }
0x9d: {  	v0 =	vnsel vm0, $0xFFFFFFFF, v0  }
0x9e: {  	[tilespmem:$0x4E80] =	vst v0  }
0x9f: {  	v0 =	vld [tilespmem:s21+$0x10];
	_ =	sdelay $0x4  }
0xa0: {  	v0 =	vadd.s32 $0xFFFFF200, v0  }
0xa1: {  	vm0 =	vlt.u32 v0, $0xE00  }
0xa2: {  	v0 =	vnsel vm0, $0xFFFFFFFF, v0  }
0xa3: {  	[tilespmem:$0x4E90] =	vst v0  }
0xa4: {  	v0 =	vld [tilespmem:s21+$0x20];
	_ =	sdelay $0x4  }
0xa5: {  	v0 =	vadd.s32 $0xFFFFF200, v0  }
0xa6: {  	vm0 =	vlt.u32 v0, $0xE00  }
0xa7: {  	v0 =	vnsel vm0, $0xFFFFFFFF, v0  }
0xa8: {  	[tilespmem:$0x4EA0] =	vst v0  }
0xa9: {  	v0 =	vld [tilespmem:s21+$0x30];
	_ =	sdelay $0x4  }
0xaa: {  	v0 =	vadd.s32 $0xFFFFF200, v0  }
0xab: {  	vm0 =	vlt.u32 v0, $0xE00  }
0xac: {  	v0 =	vnsel vm0, $0xFFFFFFFF, v0  }
0xad: {  	[tilespmem:$0x4EB0] =	vst v0  }
0xae: {  	v0 =	vld [tilespmem:s21+$0x40];
	_ =	sdelay $0x4  }
0xaf: {  	v0 =	vadd.s32 $0xFFFFF200, v0  }
0xb0: {  	vm0 =	vlt.u32 v0, $0xE00  }
0xb1: {  	v0 =	vnsel vm0, $0xFFFFFFFF, v0  }
.Ltmp1:
0xb2: {  	[tilespmem:$0x4EC0] =	vst v0;
	(pc) =	sbr.rel @p0 .LBB2_4-.Ltmp1, $4  }
0xb3: {  	(ifvalue) =	ssetifvalue $0xFFFFFFFF  }
0xb4: {  	[spmem:s2] =	stream.indirect.scatter.add.f32 [tilespmem:s13], [sflag:$0x1], $0x80, s16, s15, $0x40b8;
	[tilespmem:$0x15700] =	vst v63  }
0xb5: {  	_ =	swait.ge [sflag:s12], $0x2800  }
0xb6: {  	s20 =	smov.u32 s19;
	[sflag:s12] =	ssyncset.done $0x0  }
0xb7: {  	s18 =	sshra.s32 s18, $0x2;
	[sflag:s12] =	ssyncadd.s32 $0xFFFFD800  }
0xb8: {  	v0 =	vld [tilespmem:s18+$0x0];
	_ =	sdelay $0x4  }
0xb9: {  	v0 =	vadd.s32 $0xFFFFF200, v0  }
0xba: {  	vm0 =	vlt.u32 v0, $0xE00  }
0xbb: {  	v0 =	vnsel vm0, $0xFFFFFFFF, v0  }
0xbc: {  	[tilespmem:$0x4E80] =	vst v0  }
0xbd: {  	v0 =	vld [tilespmem:s18+$0x10];
	_ =	sdelay $0x4  }
0xbe: {  	v0 =	vadd.s32 $0xFFFFF200, v0  }
0xbf: {  	vm7 =	vlt.u32 v0, $0xE00  }
0xc0: {  	v0 =	vnsel vm7, $0xFFFFFFFF, v0  }
0xc1: {  	[tilespmem:$0x4E90] =	vst v0  }
0xc2: {  	v0 =	vld [tilespmem:s18+$0x20];
	_ =	sdelay $0x4  }
0xc3: {  	v0 =	vadd.s32 $0xFFFFF200, v0  }
0xc4: {  	vm8 =	vlt.u32 v0, $0xE00  }
0xc5: {  	v0 =	vnsel vm8, $0xFFFFFFFF, v0  }
0xc6: {  	[tilespmem:$0x4EA0] =	vst v0  }
0xc7: {  	v0 =	vld [tilespmem:s18+$0x30];
	_ =	sdelay $0x4  }
0xc8: {  	v0 =	vadd.s32 $0xFFFFF200, v0  }
0xc9: {  	vm9 =	vlt.u32 v0, $0xE00  }
0xca: {  	v0 =	vnsel vm9, $0xFFFFFFFF, v0  }
0xcb: {  	[tilespmem:$0x4EB0] =	vst v0  }
0xcc: {  	v0 =	vld [tilespmem:s18+$0x40];
	_ =	sdelay $0x4  }
0xcd: {  	v0 =	vadd.s32 $0xFFFFF200, v0  }
0xce: {  	vm10 =	vlt.u32 v0, $0xE00  }
0xcf: {  	v0 =	vnsel vm10, $0xFFFFFFFF, v0  }
0xd0: {  	[tilespmem:$0x4EC0] =	vst v0;
	(ifvalue) =	ssetifvalue $0xFFFFFFFF  }
0xd1: {  	[spmem:s2] =	stream.indirect.scatter.add.f32 [tilespmem:s13], [sflag:$0x1], $0x80, s16, s15, $0x40b8;
	[tilespmem:$0x15700] =	vst v63  }
0xd2: {  	_ =	swait.ge [sflag:s12], $0x2800  }
0xd3: {  	[sflag:s12] =	ssyncset.done $0x0  }
0xd4: {  	[sflag:s12] =	ssyncadd.s32 $0xFFFFD800  }
0xd5: {  	[bflag:$0x0] =	sbarrier.arrive $0xFFFF  }
0xd6: {  	[tilespmem:s14], [sflag:$0x1] =	stream.linear.gather [spmem:s7], $0x7000, $0x38;
	[tilespmem:$0x15700] =	vst v63  }
0xd7: {  	_ =	swait.ge [sflag:s12], $0x7000  }
0xd8: {  	[sflag:s12] =	ssyncset.done $0x0  }
0xd9: {  	s30 =	simm.s32 $0x0;
	[sflag:s12] =	ssyncadd.s32 $0xFFFF9000  }
0xda: {  	[hbm4b:s9+s30] =	stream.linear.scatter [tilespmem:s14], [sflag:$0x1], $0x7000, $0x38;
	[tilespmem:$0x15700] =	vst v63  }
0xdb: {  	_ =	swait.ge [sflag:s12], $0x7000  }
0xdc: {  	[sflag:s12] =	ssyncset.done $0x0  }
0xdd: {  	[sflag:s12] =	ssyncadd.s32 $0xFFFF9000  }
0xde: {  	[bflag:$0x0] =	sbarrier.arrive $0xFFFF  }
0xdf: {  	[tilespmem:s14], [sflag:$0x1] =	stream.linear.gather [hbm4b:s4+s30], $0x7000, $0x38;
	[tilespmem:$0x15700] =	vst v63  }
0xe0: {  	_ =	swait.ge [sflag:s12], $0x7000  }
0xe1: {  	[sflag:s12] =	ssyncset.done $0x0  }
0xe2: {  	[sflag:s12] =	ssyncadd.s32 $0xFFFF9000  }
0xe3: {  	[spmem:s7] =	stream.linear.scatter [tilespmem:s14], [sflag:$0x1], $0x7000, $0x38;
	[tilespmem:$0x15700] =	vst v63  }
0xe4: {  	_ =	swait.ge [sflag:s12], $0x7000  }
0xe5: {  	[sflag:s12] =	ssyncset.done $0x0  }
0xe6: {  	[sflag:s12] =	ssyncadd.s32 $0xFFFF9000  }
0xe7: {  	s31 =	simm.s32 $0x0;
	[bflag:$0x0] =	sbarrier.arrive $0xFFFF  }
0xe8: {  	v63 =	vld [tilespmem:s31+$0x0];
	_ =	sdelay $0x4  }
0xe9: {  	v0 =	vadd.s32 $0xFFFFE400, v63  }
0xea: {  	vm11 =	vlt.u32 v0, $0xE00  }
0xeb: {  	v0 =	vnsel vm11, $0xFFFFFFFF, v0  }
0xec: {  	[tilespmem:$0x4E80] =	vst v0  }
0xed: {  	v0 =	vld [tilespmem:s31+$0x10];
	_ =	sdelay $0x4  }
0xee: {  	v0 =	vadd.s32 $0xFFFFE400, v0  }
0xef: {  	vm12 =	vlt.u32 v0, $0xE00  }
0xf0: {  	v0 =	vnsel vm12, $0xFFFFFFFF, v0  }
0xf1: {  	[tilespmem:$0x4E90] =	vst v0  }
0xf2: {  	v0 =	vld [tilespmem:s31+$0x20];
	_ =	sdelay $0x4  }
0xf3: {  	v0 =	vadd.s32 $0xFFFFE400, v0  }
0xf4: {  	vm13 =	vlt.u32 v0, $0xE00  }
0xf5: {  	v0 =	vnsel vm13, $0xFFFFFFFF, v0  }
0xf6: {  	[tilespmem:$0x4EA0] =	vst v0  }
0xf7: {  	v0 =	vld [tilespmem:s31+$0x30];
	_ =	sdelay $0x4  }
0xf8: {  	v0 =	vadd.s32 $0xFFFFE400, v0  }
0xf9: {  	vm14 =	vlt.u32 v0, $0xE00  }
0xfa: {  	v0 =	vnsel vm14, $0xFFFFFFFF, v0  }
0xfb: {  	[tilespmem:$0x4EB0] =	vst v0  }
0xfc: {  	v0 =	vld [tilespmem:s31+$0x40];
	_ =	sdelay $0x4  }
0xfd: {  	v0 =	vadd.s32 $0xFFFFE400, v0  }
0xfe: {  	vm15 =	vlt.u32 v0, $0xE00  }
0xff: {  	v0 =	vnsel vm15, $0xFFFFFFFF, v0  }
0x100: {  	[tilespmem:$0x4EC0] =	vst v0;
	(ifvalue) =	ssetifvalue $0xFFFFFFFF  }
0x101: {  	[spmem:s2] =	stream.indirect.scatter.add.f32 [tilespmem:s13], [sflag:$0x1], $0x80, s16, s15, $0x40b8;
	[tilespmem:$0x15700] =	vst v63  }
0x102: {  	_ =	swait.ge [sflag:s12], $0x2800  }
0x103: {  	s20 =	simm.s32 $0x280;
	s18 =	simm.s32 $0x140;
	[sflag:s12] =	ssyncset.done $0x0  }
.LBB2_6:
0x104: {  	s21 =	sshra.s32 s18, $0x2  }
0x105: {  	[sflag:s12] =	ssyncadd.s32 $0xFFFFD800;
	s18 =	smov.u32 s20;
	s19 =	sadd.s32 $0x140, s20  }
0x106: {  	p0 =	sne.s32 s20, $0x13740;
	v0 =	vld [tilespmem:s21+$0x0];
	_ =	sdelay $0x4  }
0x107: {  	v0 =	vadd.s32 $0xFFFFE400, v0  }
0x108: {  	vm0 =	vlt.u32 v0, $0xE00  }
0x109: {  	v0 =	vnsel vm0, $0xFFFFFFFF, v0  }
0x10a: {  	[tilespmem:$0x4E80] =	vst v0  }
0x10b: {  	v0 =	vld [tilespmem:s21+$0x10];
	_ =	sdelay $0x4  }
0x10c: {  	v0 =	vadd.s32 $0xFFFFE400, v0  }
0x10d: {  	vm0 =	vlt.u32 v0, $0xE00  }
0x10e: {  	v0 =	vnsel vm0, $0xFFFFFFFF, v0  }
0x10f: {  	[tilespmem:$0x4E90] =	vst v0  }
0x110: {  	v0 =	vld [tilespmem:s21+$0x20];
	_ =	sdelay $0x4  }
0x111: {  	v0 =	vadd.s32 $0xFFFFE400, v0  }
0x112: {  	vm0 =	vlt.u32 v0, $0xE00  }
0x113: {  	v0 =	vnsel vm0, $0xFFFFFFFF, v0  }
0x114: {  	[tilespmem:$0x4EA0] =	vst v0  }
0x115: {  	v0 =	vld [tilespmem:s21+$0x30];
	_ =	sdelay $0x4  }
0x116: {  	v0 =	vadd.s32 $0xFFFFE400, v0  }
0x117: {  	vm0 =	vlt.u32 v0, $0xE00  }
0x118: {  	v0 =	vnsel vm0, $0xFFFFFFFF, v0  }
0x119: {  	[tilespmem:$0x4EB0] =	vst v0  }
0x11a: {  	v0 =	vld [tilespmem:s21+$0x40];
	_ =	sdelay $0x4  }
0x11b: {  	v0 =	vadd.s32 $0xFFFFE400, v0  }
0x11c: {  	vm0 =	vlt.u32 v0, $0xE00  }
0x11d: {  	v0 =	vnsel vm0, $0xFFFFFFFF, v0  }
.Ltmp2:
0x11e: {  	[tilespmem:$0x4EC0] =	vst v0;
	(pc) =	sbr.rel @p0 .LBB2_6-.Ltmp2, $4  }
0x11f: {  	(ifvalue) =	ssetifvalue $0xFFFFFFFF  }
0x120: {  	[spmem:s2] =	stream.indirect.scatter.add.f32 [tilespmem:s13], [sflag:$0x1], $0x80, s16, s15, $0x40b8;
	[tilespmem:$0x15700] =	vst v63  }
0x121: {  	_ =	swait.ge [sflag:s12], $0x2800  }
0x122: {  	s20 =	smov.u32 s19;
	[sflag:s12] =	ssyncset.done $0x0  }
0x123: {  	s18 =	sshra.s32 s18, $0x2;
	[sflag:s12] =	ssyncadd.s32 $0xFFFFD800  }
0x124: {  	v0 =	vld [tilespmem:s18+$0x0];
	_ =	sdelay $0x4  }
0x125: {  	v0 =	vadd.s32 $0xFFFFE400, v0  }
0x126: {  	vm0 =	vlt.u32 v0, $0xE00  }
0x127: {  	v0 =	vnsel vm0, $0xFFFFFFFF, v0  }
0x128: {  	[tilespmem:$0x4E80] =	vst v0  }
0x129: {  	v0 =	vld [tilespmem:s18+$0x10];
	_ =	sdelay $0x4  }
0x12a: {  	v0 =	vadd.s32 $0xFFFFE400, v0  }
0x12b: {  	vm12 =	vlt.u32 v0, $0xE00  }
0x12c: {  	v0 =	vnsel vm12, $0xFFFFFFFF, v0  }
0x12d: {  	[tilespmem:$0x4E90] =	vst v0  }
0x12e: {  	v0 =	vld [tilespmem:s18+$0x20];
	_ =	sdelay $0x4  }
0x12f: {  	v0 =	vadd.s32 $0xFFFFE400, v0  }
0x130: {  	vm13 =	vlt.u32 v0, $0xE00  }
0x131: {  	v0 =	vnsel vm13, $0xFFFFFFFF, v0  }
0x132: {  	[tilespmem:$0x4EA0] =	vst v0  }
0x133: {  	v0 =	vld [tilespmem:s18+$0x30];
	_ =	sdelay $0x4  }
0x134: {  	v0 =	vadd.s32 $0xFFFFE400, v0  }
0x135: {  	vm14 =	vlt.u32 v0, $0xE00  }
0x136: {  	v0 =	vnsel vm14, $0xFFFFFFFF, v0  }
0x137: {  	[tilespmem:$0x4EB0] =	vst v0  }
0x138: {  	v0 =	vld [tilespmem:s18+$0x40];
	_ =	sdelay $0x4  }
0x139: {  	v0 =	vadd.s32 $0xFFFFE400, v0  }
0x13a: {  	vm15 =	vlt.u32 v0, $0xE00  }
0x13b: {  	v0 =	vnsel vm15, $0xFFFFFFFF, v0  }
0x13c: {  	[tilespmem:$0x4EC0] =	vst v0;
	(ifvalue) =	ssetifvalue $0xFFFFFFFF  }
0x13d: {  	[spmem:s2] =	stream.indirect.scatter.add.f32 [tilespmem:s13], [sflag:$0x1], $0x80, s16, s15, $0x40b8;
	[tilespmem:$0x15700] =	vst v63  }
0x13e: {  	_ =	swait.ge [sflag:s12], $0x2800  }
0x13f: {  	[sflag:s12] =	ssyncset.done $0x0  }
0x140: {  	[sflag:s12] =	ssyncadd.s32 $0xFFFFD800  }
0x141: {  	[bflag:$0x0] =	sbarrier.arrive $0xFFFF  }
0x142: {  	[tilespmem:s14], [sflag:$0x1] =	stream.linear.gather [spmem:s7], $0x7000, $0x38;
	[tilespmem:$0x15700] =	vst v63  }
0x143: {  	_ =	swait.ge [sflag:s12], $0x7000  }
0x144: {  	s17 =	sadd.s32 $0x1, s17;
	[sflag:s12] =	ssyncset.done $0x0  }
0x145: {  	p0 =	sne.s32 s17, s11;
	[sflag:s12] =	ssyncadd.s32 $0xFFFF9000  }
0x146: {  	[hbm4b:s10+s3] =	stream.linear.scatter [tilespmem:s14], [sflag:$0x1], $0x7000, $0x38;
	[tilespmem:$0x15700] =	vst v63  }
.Ltmp3:
0x147: {  	_ =	swait.ge [sflag:s12], $0x7000;
	(pc) =	sbr.rel @p0 .LBB2_1-.Ltmp3, $3  }
0x148: {  	[sflag:s12] =	ssyncset.done $0x0  }
0x149: {  	[sflag:s12] =	ssyncadd.s32 $0xFFFF9000  }
0x14a: {  	[bflag:$0x0] =	sbarrier.arrive $0xFFFF;
	_ =	sdelay $0x1  }
0x14b: {  	_ =	sfence.sel $0x180000  }
0x14c: {  	[bflag:$0x0] =	sbarrier.arrive $0xFFFF  }
0x14d: {  	p0 =	sne.s32 s0, $0x0;
	_ =	strace $0x9000004A  }
0x14e: {  	s0 =	sadd.s32 @!p0 $0x100000, s1;
	[bflag:$0x2] =	sbarrier.arrive $0xFFFF  }
0x14f: {  	[sflag:s0] =	ssyncadd.tile.s32 @!p0 $0x1;
	_ =	shalt  }
.Lfunc_end2:
_tile_overlayer_lowered:
.L_overlay_start_2:
0x150: {  	(tag) =	ssettag $0x2  }
0x151: {  	s0 =	rddreg [dreg:$0x0];
	s2 =	stileid.u32  }
0x152: {  	s1 =	rddreg [dreg:$0x1];
	p0 =	sne.s32 s2, $0x0  }
0x153: {  	s3 =	rddreg [dreg:$0x2];
	[bflag:$0x3] =	sbarrier.arrive $0xFFFF;
	s2 =	simm.s32 @!p0 $0x1C01  }
0x154: {  	[timem:s3], [sflag:s2] =	dma.local @!p0 [hbm:s0], s1  }
0x155: {  	s0 =	simm.s32 @!p0 $0x1  }
0x156: {  	_ =	swait.ge @!p0 [sflag:s0], s1  }
0x157: {  	s1 =	ssub.s32 @!p0 $0x0, s1;
	[sflag:s0] =	ssyncset.done @!p0 $0x0  }
0x158: {  	[sflag:s0] =	ssyncadd.s32 @!p0 s1  }
0x159: {  	[bflag:$0x3] =	sbarrier.arrive $0xFFFF  }
0x15a: {  	_ =	shalt  }

// kernel: kernel.13.cloned.1.call-start
scs
__scs_entry_jumppad:
0x0: {  	(pc) =	sbr.rel $0x88, $3  }
0x1: {  	(tag) =	ssettag $0x0;
	lr =	simm.s32 $0x1  }
0x2: {  	[smem:$0x3F8C] =	sst lr;
	_ =	strace $0xD0000000  }
0x3: {  	_ = 	snop  }
0x4: {  	_ = 	snop  }
0x5: {  	_ = 	snop  }
0x6: {  	_ = 	snop  }
0x7: {  	_ = 	snop  }
__scs_overlays_trampoline_lowered:
0x8: {  	[smem:$0x3F9B] =	sst s0  }
0x9: {  	[smem:$0x3F9C] =	sst s1  }
0xa: {  	[smem:$0x3F9D] =	sst s2  }
0xb: {  	[smem:$0x3F9E] =	sst s3  }
0xc: {  	[smem:$0x3F9F] =	sst s4  }
0xd: {  	[smem:$0x3FA0] =	sst s5  }
0xe: {  	[smem:$0x3FA1] =	sst s6  }
0xf: {  	[smem:$0x3FA2] =	sst s7  }
0x10: {  	[smem:$0x3FA3] =	sst s8  }
0x11: {  	[smem:$0x3FA4] =	sst s9;
	s0 =	simm.s32 @!p0 $0x0  }
0x12: {  	s1 =	sld [smem:$0x3F8A];
	s0 =	simm.s32 @p0 $0x1  }
0x13: {  	[smem:$0x3FA5] =	sst s0;
	s0 =	simm.s32 @!p1 $0x0  }
0x14: {  	s2 =	sld [smem:$0x3F89];
	s0 =	simm.s32 @p1 $0x1  }
0x15: {  	[smem:$0x3FA6] =	sst s0;
	s0 =	simm.s32 @!p2 $0x0  }
0x16: {  	s3 =	sld [smem:$0x3FDB];
	s0 =	simm.s32 @p2 $0x1  }
0x17: {  	s4 =	simm.s32 $0x1BF5;
	[smem:$0x3FA8] =	sst s0  }
0x18: {  	s0 =	sld [smem:$0x3F8B];
	_ =	swait.ge [sflag:s4], $0x0  }
0x19: {  	s7 =	sld [smem:$0x3F8C]  }
0x1a: {  	s8 =	sadd.s32 $0xFFFFE003, lr  }
0x1b: {  	s9 =	sadd.s32 $0xFFFFFEF7, lr;
	s5 =	simm.s32 $0xFFFFFFFF;
	p2 =	slt.u32 s8, $0xFFFFF086  }
0x1c: {  	p1 =	slt.u32 s9, $0xF7A;
	s5 =	simm.s32 @!p2 $0x0  }
0x1d: {  	s5 =	simm.s32 @p1 $0x1;
	p0 =	seq.s32 s7, s2  }
0x1e: {  	s7 =	smul.u32 @!p0 $0xF7A, s2;
	p2 =	seq.s32 @!p0 s5, $0x0  }
0x1f: {  	s9 =	smul.u32 $0xF7A, s1;
	s8 =	simm.s32 @!p0 $0x1BF5;
	p2 =	por !p2, p0  }
0x20: {  	[sflag:s8] =	ssyncset.s32 @!p0 $0xFFFFF086;
	s6 =	sadd.s32 @!p0 s3, s7;
	s7 =	simm.s32 @!p0 $0x108  }
0x21: {  	s3 =	sadd.s32 s3, s9;
	s6 =	sadd.s32 @!p0 $0x88, s6;
	s7 =	simm.s32 @p2 $0x1082  }
0x22: {  	[simem:s7], [sflag:s8] =	dma.local @!p0 [hbm:s6], $0xF7A  }
0x23: {  	s9 =	sor.u32 $0xD0000000, s2;
	s6 =	simm.s32 $0x108;
	_ =	swait.ge @!p0 [sflag:s8], $0x0  }
0x24: {  	s3 =	sadd.s32 $0x88, s3;
	s6 =	simm.s32 @!p1 $0x1082;
	[sflag:s4] =	ssyncset.s32 $0xFFFFF086  }
0x25: {  	[simem:s6], [sflag:s4] =	dma.local [hbm:s3], $0xF7A  }
0x26: {  	[smem:$0x3F8C] =	sst s1;
	(tag) =	ssettag s2;
	_ =	strace s9  }
0x27: {  	s1 =	sld [smem:$0x3F9C]  }
0x28: {  	s2 =	sld [smem:$0x3F9D]  }
0x29: {  	s4 =	sld [smem:$0x3F9F]  }
0x2a: {  	p0 =	seq.s32 s5, $0x0;
	s5 =	sld [smem:$0x3FA0]  }
0x2b: {  	s6 =	sld [smem:$0x3FA1]  }
0x2c: {  	s7 =	sld [smem:$0x3FA2]  }
0x2d: {  	s3 =	simm.s32 $0x108;
	s8 =	sld [smem:$0x3FA3]  }
0x2e: {  	s3 =	simm.s32 @!p0 $0x1082;
	s9 =	sld [smem:$0x3FA4]  }
0x2f: {  	lr =	sadd.s32 s0, s3;
	s0 =	sld [smem:$0x3F9B]  }
0x30: {  	s3 =	sld [smem:$0x3F9E]  }
0x31: {  	[smem:$0x3FA7] =	sst s10  }
0x32: {  	s10 =	sld [smem:$0x3FA5];
	_ =	sdelay $0x3  }
0x33: {  	p0 =	seq.s32 s10, $0x1;
	s10 =	sld [smem:$0x3FA7];
	_ =	sdelay $0x3  }
0x34: {  	[smem:$0x3FA7] =	sst s10  }
0x35: {  	s10 =	sld [smem:$0x3FA6];
	_ =	sdelay $0x3  }
0x36: {  	p1 =	seq.s32 s10, $0x1;
	s10 =	sld [smem:$0x3FA7];
	_ =	sdelay $0x3  }
0x37: {  	[smem:$0x3FA7] =	sst s10  }
0x38: {  	s10 =	sld [smem:$0x3FA8]  }
0x39: {  	_ = 	snop;
	(pc) =	sbr.ind lr, $3  }
0x3a: {  	_ = 	snop  }
0x3b: {  	_ = 	snop  }
0x3c: {  	p2 =	seq.s32 s10, $0x1;
	s10 =	sld [smem:$0x3FA7]  }
0x3d: {  	_ =	shalt  }
0x3e: {  	_ =	shalt  }
0x3f: {  	_ =	shalt  }
0x40: {  	_ =	shalt  }
0x41: {  	_ =	shalt  }
0x42: {  	_ =	shalt  }
0x43: {  	_ =	shalt  }
0x44: {  	_ =	shalt  }
0x45: {  	_ =	shalt  }
0x46: {  	_ =	shalt  }
0x47: {  	_ =	shalt  }
0x48: {  	_ =	shalt  }
0x49: {  	_ =	shalt  }
0x4a: {  	_ =	shalt  }
0x4b: {  	_ =	shalt  }
0x4c: {  	_ =	shalt  }
0x4d: {  	_ =	shalt  }
0x4e: {  	_ =	shalt  }
0x4f: {  	_ =	shalt  }
0x50: {  	_ =	shalt  }
0x51: {  	_ =	shalt  }
0x52: {  	_ =	shalt  }
0x53: {  	_ =	shalt  }
0x54: {  	_ =	shalt  }
0x55: {  	_ =	shalt  }
0x56: {  	_ =	shalt  }
0x57: {  	_ =	shalt  }
0x58: {  	_ =	shalt  }
0x59: {  	_ =	shalt  }
0x5a: {  	_ =	shalt  }
0x5b: {  	_ =	shalt  }
0x5c: {  	_ =	shalt  }
0x5d: {  	_ =	shalt  }
0x5e: {  	_ =	shalt  }
0x5f: {  	_ =	shalt  }
0x60: {  	_ =	shalt  }
0x61: {  	_ =	shalt  }
0x62: {  	_ =	shalt  }
0x63: {  	_ =	shalt  }
0x64: {  	_ =	shalt  }
0x65: {  	_ =	shalt  }
0x66: {  	_ =	shalt  }
0x67: {  	_ =	shalt  }
0x68: {  	_ =	shalt  }
0x69: {  	_ =	shalt  }
0x6a: {  	_ =	shalt  }
0x6b: {  	_ =	shalt  }
0x6c: {  	_ =	shalt  }
0x6d: {  	_ =	shalt  }
0x6e: {  	_ =	shalt  }
0x6f: {  	_ =	shalt  }
0x70: {  	_ =	shalt  }
0x71: {  	_ =	shalt  }
0x72: {  	_ =	shalt  }
0x73: {  	_ =	shalt  }
0x74: {  	_ =	shalt  }
0x75: {  	_ =	shalt  }
0x76: {  	_ =	shalt  }
0x77: {  	_ =	shalt  }
0x78: {  	_ =	shalt  }
0x79: {  	_ =	shalt  }
0x7a: {  	_ =	shalt  }
0x7b: {  	_ =	shalt  }
0x7c: {  	_ =	shalt  }
0x7d: {  	_ =	shalt  }
0x7e: {  	_ =	shalt  }
0x7f: {  	_ =	shalt  }
0x80: {  	_ =	shalt  }
0x81: {  	_ =	shalt  }
0x82: {  	_ =	shalt  }
0x83: {  	_ =	shalt  }
0x84: {  	_ =	shalt  }
0x85: {  	_ =	shalt  }
0x86: {  	_ =	shalt  }
0x87: {  	_ =	shalt  }
.Lfunc_end0:
.L_simem_size_0:
called_computation.1_lowered:
.L_overlay_start_0:
0x88: {  	s2 =	sld [smem:$0x3FD9]  }
0x89: {  	s3 =	sld [smem:$0x3FFE];
	_ =	sdelay $0x1  }
0x8a: {  	s1 =	srdreg.scid  }
0x8b: {  	s0 =	sand.u32 $0x1, s1  }
0x8c: {  	s17 =	sshll.u32 s0, $0xA;
	s2 =	sadd.s32 s3, s2  }
0x8d: {  	s2 =	sadd.s32 s2, s17  }
0x8e: {  	[smem:$0x3FB3] =	sst s2  }
0x8f: {  	_ = 	snop  }
0x90: {  	s2 =	sld [smem:$0x3FC9];
	(tm) =	ssettm $0x1  }
0x91: {  	s18 =	sld [smem:$0x3FFB];
	_ =	sdelay $0x3  }
0x92: {  	_ =	strace s18  }
0x93: {  	s3 =	sld [smem:$0x3FFC];
	_ =	sdelay $0x3  }
0x94: {  	_ =	strace s3  }
0x95: {  	s3 =	sld [smem:$0x3FFD];
	_ =	sdelay $0x3  }
0x96: {  	_ =	strace s3  }
0x97: {  	_ =	strace $0x8FFFFFFF  }
0x98: {  	s19 =	sld [smem:$0x3FDB];
	_ =	sdelay $0x1  }
0x99: {  	s4 =	simm.s32 $_scs_section_size  }
0x9a: {  	s5 =	simm.s32 $_size__tile_overlayer_lowered;
	s6 =	simm.s32 $_tile_overlayer_lowered  }
0x9b: {  	s22 =	simm.s32 $0x1BFF;
	s21 =	sshll.u32 s6, $0x1;
	s3 =	sadd.s32 s4, s19  }
0x9c: {  	s7 =	simm.s32 $0x0;
	s20 =	sshll.u32 s5, $0x1;
	s5 =	sadd.s32 s21, s3  }
0x9d: {  	[timem:s7], [sflag:s22] =	dma.local [hbm:s5], s20  }
0x9e: {  	_ =	swait.ge [sflag:s22], s20  }
0x9f: {  	s4 =	ssub.s32 $0x0, s20;
	[sflag:s22] =	ssyncset.done $0x0  }
0xa0: {  	[sflag:s22] =	ssyncadd.s32 s4;
	_ =	sdelay $0x1  }
0xa1: {  	s23 =	simm.s32 $0x1B8B  }
0xa2: {  	_ =	swait.ge [sflag:s23], $0x1  }
0xa3: {  	[sflag:s23] =	ssyncset.done $0x0  }
0xa4: {  	s25 =	simm.s32 $0x1B8E;
	s24 =	sld [smem:$0x3FFE];
	[sflag:s23] =	ssyncadd.s32 $0xFFFFFFFF  }
0xa5: {  	s26 =	simm.s32 $execute0_lowered;
	[smem:$0x3FD2] =	sst s25  }
0xa6: {  	s5 =	sshll.u32 s26, $0x1;
	_ =	strace $0x80000046;
	[dreg:$0x1] =	wrdreg $0xFFFFFFFF  }
0xa7: {  	s28 =	simm.s32 $_size_execute0_lowered;
	s3 =	sadd.s32 s3, s5;
	[dreg:$0x0] =	wrdreg $0x0  }
0xa8: {  	s5 =	sshll.u32 s28, $0x1;
	[dreg:$0x2] =	wrdreg s3  }
0xa9: {  	[dreg:$0x3] =	wrdreg s5  }
0xaa: {  	[dreg:$0x4] =	wrdreg $0xC0  }
0xab: {  	_ =	task [dreg:s7], $0x5FFFF  }
0xac: {  	[dreg:$0x1] =	wrdreg $0xFFFFFFFF  }
0xad: {  	[dreg:$0x0] =	wrdreg $0x60  }
0xae: {  	[dreg:$0x2] =	wrdreg s2  }
0xaf: {  	[dreg:$0x3] =	wrdreg s24  }
0xb0: {  	[dreg:$0x4] =	wrdreg $0x15F000  }
0xb1: {  	[dreg:$0x5] =	wrdreg $0xA  }
0xb2: {  	_ =	task.clear_ibuf [dreg:s7], $0x6FFFF;
	_ =	strace $0x90000046  }
0xb3: {  	s29 =	simm.s32 $0xA;
	_ =	strace $0x80000048  }
0xb4: {  	_ =	swait.ge [sflag:s29], $0x1  }
0xb5: {  	[sflag:s29] =	ssyncadd.s32 $0xFFFFFFFF  }
0xb6: {  	_ =	strace $0x90000048  }
0xb7: {  	_ =	sfence  }
0xb8: {  	s30 =	sld [smem:$0x0];
	_ =	sdelay $0x2  }
0xb9: {  	s31 =	sshll.u32 s1, $0xD;
	s1 =	sshrl.u32 s1, $0x2  }
0xba: {  	s3 =	sand.u32 $0x4000, s31;
	s1 =	sadd.s32 s1, s30  }
0xbb: {  	s0 =	sor.u32 s3, s0;
	s1 =	sshll.u32 s1, $0x11  }
0xbc: {  	s0 =	sor.u32 s1, s0  }
0xbd: {  	s0 =	sadd.s32 $0x8F2B, s0  }
0xbe: {  	[sflag:s0] =	ssyncadd.remote.s32 $0x1  }
0xbf: {  	_ =	sfence.sel $0xFFFF  }
0xc0: {  	[dreg:$0x0] =	wrdreg $0xFFFFFFFF;
	(pc) =	sbr.abs _section_cstart, $3  }
0xc1: {  	[dreg:$0x1] =	wrdreg $0xFFFFFFFF  }
0xc2: {  	_ =	task.clear_ibuf [dreg:s7], $0x2FFFF;
	_ =	strace $0x9FFFFFFF  }
0xc3: {  	(tm) =	ssettm $0x7FFFFFFF  }
tec
execute0_lowered:
.L_overlay_start_1:
0x0: {  	(tag) =	ssettag $0x1  }
0x1: {  	s1 =	rddreg [dreg:$0x0]  }
0x2: {  	s2 =	srdreg.scid;
	s6 =	rddreg [dreg:$0x1]  }
0x3: {  	s0 =	stileid.u32;
	s3 =	rddreg [dreg:$0x2];
	s4 =	simm.s32 $0x0  }
0x4: {  	s14 =	simm.s32 $0x4E80;
	s15 =	simm.s32 $0xEF00;
	s16 =	simm.s32 $0x50  }
0x5: {  	s17 =	simm.s32 $0x9D00;
	s18 =	simm.s32 $0x9F00;
	s19 =	simm.s32 $0x9E00  }
0x6: {  	s20 =	simm.s32 $0xC700;
	s21 =	simm.s32 $0x1;
	s22 =	simm.s32 $0x9D80  }
0x7: {  	s23 =	simm.s32 $0x2;
	s24 =	simm.s32 $0x9E80;
	s25 =	simm.s32 $0x0  }
0x8: {  	s5 =	sand.u32 $0x1, s2;
	s29 =	sshll.u32 s0, $0x1;
	s8 =	smul.u32 $0xE0, s0  }
0x9: {  	[smem:$0x7FF] =	sst s4;
	s11 =	smul.u32 $0x1C000, s0;
	s2 =	sor.u32 s5, s29  }
0xa: {  	s9 =	smul.u32 $0x2A00, s5;
	s30 =	ssub.s32 $0x2, s5;
	s5 =	sadd.s32 $0x2C200, s6  }
0xb: {  	s7 =	smul.u32 $0x9C4, s2;
	s2 =	rddreg [dreg:$0x3];
	_ =	strace $0x80000047  }
0xc: {  	s10 =	sshrl.u32 s30, $0x1;
	s31 =	sshrl.u32 s11, $0x2;
	s8 =	sadd.s32 s8, s9  }
0xd: {  	s13 =	ssub.s32 s30, s10;
	s7 =	sadd.s32 s7, s6;
	s8 =	sshll.u32 s8, $0x4  }
0xe: {  	s12 =	sadd.s32 s8, s6;
	s6 =	sadd.s32 $0x18800, s7;
	s7 =	sadd.s32 $0x4E00, s7  }
0xf: {  	s8 =	sadd.s32 s31, s3;
	s9 =	sadd.s32 $0x2D000, s12;
	s10 =	sadd.s32 $0x3B000, s12  }
0x10: {  	s11 =	sadd.s32 $0x49000, s12;
	s12 =	smax.u32 s13, $0x1;
	s13 =	simm.s32 $0x3  }
.LBB2_1:
0x11: {  	[tilespmem:s4], [sflag:$0x3] =	stream.linear.gather [hbm4b:s6+s4], $0x4E20, $0x38;
	[tilespmem:$0x1CF00] =	vst v63  }
0x12: {  	_ =	swait.ge [sflag:s13], $0x4E20  }
0x13: {  	[sflag:s13] =	ssyncset.done $0x0  }
0x14: {  	[sflag:s13] =	ssyncadd.s32 $0xFFFFB1E0  }
0x15: {  	[tilespmem:s14], [sflag:$0x3] =	stream.linear.gather [hbm4b:s7+s4], $0x4E20, $0x38;
	[tilespmem:$0x1CF00] =	vst v63  }
0x16: {  	_ =	swait.ge [sflag:s13], $0x4E20  }
0x17: {  	[sflag:s13] =	ssyncset.done $0x0  }
0x18: {  	[sflag:s13] =	ssyncadd.s32 $0xFFFFB1E0  }
0x19: {  	[tilespmem:s15], [sflag:$0x3] =	stream.linear.gather [hbm4b:s5+s4], $0x7000, $0x38;
	[tilespmem:$0x1CF00] =	vst v63  }
0x1a: {  	_ =	swait.ge [sflag:s13], $0x7000  }
0x1b: {  	[sflag:s13] =	ssyncset.done $0x0  }
0x1c: {  	[sflag:s13] =	ssyncadd.s32 $0xFFFF9000  }
0x1d: {  	[spmem:s8] =	stream.linear.scatter [tilespmem:s15], [sflag:$0x3], $0x7000, $0x38;
	[tilespmem:$0x1CF00] =	vst v63  }
0x1e: {  	_ =	swait.ge [sflag:s13], $0x7000  }
0x1f: {  	[sflag:s13] =	ssyncset.done $0x0  }
0x20: {  	[sflag:s13] =	ssyncadd.s32 $0xFFFF9000  }
0x21: {  	s26 =	simm.s32 $0x90;
	[bflag:$0x0] =	sbarrier.arrive $0xFFFF  }
0x22: {  	v0 =	vld [tilespmem:s26+$0x4DF0]  }
0x23: {  	v1 =	vld [tilespmem:s26+$0xFFFFFF70];
	_ =	sdelay $0x3  }
0x24: {  	vm0 =	vlt.u32 v0, $0xE00  }
0x25: {  	v1 =	vnsel vm0, $0xFFFFFFFF, v1  }
0x26: {  	v0 =	vnsel vm0, $0xFFFFFFFF, v0;
	[tilespmem:$0x9D00] =	vst v1  }
0x27: {  	[tilespmem:$0x9D80] =	vst v0  }
0x28: {  	v0 =	vld [tilespmem:s26+$0x4E00]  }
0x29: {  	v1 =	vld [tilespmem:s26+$0xFFFFFF80];
	_ =	sdelay $0x3  }
0x2a: {  	vm7 =	vlt.u32 v0, $0xE00  }
0x2b: {  	v1 =	vnsel vm7, $0xFFFFFFFF, v1  }
0x2c: {  	v0 =	vnsel vm7, $0xFFFFFFFF, v0;
	[tilespmem:$0x9D10] =	vst v1  }
0x2d: {  	[tilespmem:$0x9D90] =	vst v0  }
0x2e: {  	v0 =	vld [tilespmem:s26+$0x4E10]  }
0x2f: {  	v1 =	vld [tilespmem:s26+$0xFFFFFF90];
	_ =	sdelay $0x3  }
0x30: {  	vm8 =	vlt.u32 v0, $0xE00  }
0x31: {  	v1 =	vnsel vm8, $0xFFFFFFFF, v1  }
0x32: {  	v0 =	vnsel vm8, $0xFFFFFFFF, v0;
	[tilespmem:$0x9D20] =	vst v1  }
0x33: {  	[tilespmem:$0x9DA0] =	vst v0  }
0x34: {  	v0 =	vld [tilespmem:s26+$0x4E20]  }
0x35: {  	v1 =	vld [tilespmem:s26+$0xFFFFFFA0];
	_ =	sdelay $0x3  }
0x36: {  	vm9 =	vlt.u32 v0, $0xE00  }
0x37: {  	v1 =	vnsel vm9, $0xFFFFFFFF, v1  }
0x38: {  	v0 =	vnsel vm9, $0xFFFFFFFF, v0;
	[tilespmem:$0x9D30] =	vst v1  }
0x39: {  	[tilespmem:$0x9DB0] =	vst v0  }
0x3a: {  	v0 =	vld [tilespmem:s26+$0x4E30]  }
0x3b: {  	v1 =	vld [tilespmem:s26+$0xFFFFFFB0];
	_ =	sdelay $0x3  }
0x3c: {  	vm10 =	vlt.u32 v0, $0xE00  }
0x3d: {  	v1 =	vnsel vm10, $0xFFFFFFFF, v1  }
0x3e: {  	v0 =	vnsel vm10, $0xFFFFFFFF, v0;
	[tilespmem:$0x9D40] =	vst v1  }
0x3f: {  	[tilespmem:$0x9DC0] =	vst v0;
	(ifvalue) =	ssetifvalue $0xFFFFFFFF  }
0x40: {  	(ifvalue) =	ssetifvalue $0xFFFFFFFF  }
0x41: {  	[tilespmem:s18], [sflag:$0x1] =	stream.indirect.gather [hbm4b:s1+s16], $0x80, s17, s16, $0x40b8;
	[tilespmem:$0x1CF00] =	vst v63  }
0x42: {  	v62 =	vld [tilespmem:s26+$0x4E40]  }
0x43: {  	v63 =	vld [tilespmem:s26+$0xFFFFFFC0];
	_ =	sdelay $0x3  }
0x44: {  	vm11 =	vlt.u32 v62, $0xE00  }
0x45: {  	v1 =	vnsel vm11, $0xFFFFFFFF, v63  }
0x46: {  	v0 =	vnsel vm11, $0xFFFFFFFF, v62;
	[tilespmem:$0x9E00] =	vst v1  }
0x47: {  	[tilespmem:$0x9E80] =	vst v0  }
0x48: {  	v0 =	vld [tilespmem:s26+$0x4E50]  }
0x49: {  	v1 =	vld [tilespmem:s26+$0xFFFFFFD0];
	_ =	sdelay $0x3  }
0x4a: {  	vm12 =	vlt.u32 v0, $0xE00  }
0x4b: {  	v1 =	vnsel vm12, $0xFFFFFFFF, v1  }
0x4c: {  	v0 =	vnsel vm12, $0xFFFFFFFF, v0;
	[tilespmem:$0x9E10] =	vst v1  }
0x4d: {  	[tilespmem:$0x9E90] =	vst v0  }
0x4e: {  	v0 =	vld [tilespmem:s26+$0x4E60]  }
0x4f: {  	v1 =	vld [tilespmem:s26+$0xFFFFFFE0];
	_ =	sdelay $0x3  }
0x50: {  	vm13 =	vlt.u32 v0, $0xE00  }
0x51: {  	v1 =	vnsel vm13, $0xFFFFFFFF, v1  }
0x52: {  	v0 =	vnsel vm13, $0xFFFFFFFF, v0;
	[tilespmem:$0x9E20] =	vst v1  }
0x53: {  	[tilespmem:$0x9EA0] =	vst v0  }
0x54: {  	v0 =	vld [tilespmem:s26+$0x4E70]  }
0x55: {  	v1 =	vld [tilespmem:s26+$0xFFFFFFF0];
	_ =	sdelay $0x3  }
0x56: {  	vm14 =	vlt.u32 v0, $0xE00  }
0x57: {  	v1 =	vnsel vm14, $0xFFFFFFFF, v1  }
0x58: {  	v0 =	vnsel vm14, $0xFFFFFFFF, v0;
	[tilespmem:$0x9E30] =	vst v1  }
0x59: {  	[tilespmem:$0x9EB0] =	vst v0  }
0x5a: {  	v0 =	vld [tilespmem:s26+$0x4E80]  }
0x5b: {  	v1 =	vld [tilespmem:s26+$0x0];
	_ =	sdelay $0x3  }
0x5c: {  	vm15 =	vlt.u32 v0, $0xE00  }
0x5d: {  	v1 =	vnsel vm15, $0xFFFFFFFF, v1  }
0x5e: {  	v0 =	vnsel vm15, $0xFFFFFFFF, v0;
	[tilespmem:$0x9E40] =	vst v1  }
0x5f: {  	[tilespmem:$0x9EC0] =	vst v0;
	(ifvalue) =	ssetifvalue $0xFFFFFFFF  }
0x60: {  	(ifvalue) =	ssetifvalue $0xFFFFFFFF  }
0x61: {  	[tilespmem:s20], [sflag:$0x2] =	stream.indirect.gather [hbm4b:s1+s16], $0x80, s19, s16, $0x40b8;
	[tilespmem:$0x1CF00] =	vst v63  }
0x62: {  	_ =	swait.ge [sflag:s21], $0x2800  }
0x63: {  	[sflag:s21] =	ssyncset.done $0x0  }
0x64: {  	s26 =	simm.s32 $0x4C0;
	[sflag:s21] =	ssyncadd.s32 $0xFFFFD800;
	(ifvalue) =	ssetifvalue $0xFFFFFFFF  }
0x65: {  	[spmem:s3] =	stream.indirect.scatter.add.f32 [tilespmem:s18], [sflag:$0x3], $0x80, s22, s16, $0x40b8;
	[tilespmem:$0x1CF00] =	vst v63  }
.LBB2_2:
0x66: {  	p0 =	sne.s32 s26, $0x13840  }
0x67: {  	_ =	swait.ge [sflag:s13], $0x2800;
	s28 =	smov.u32 s26;
	s26 =	sadd.s32 $0x280, s26  }
0x68: {  	[sflag:s13] =	ssyncset.done $0x0  }
0x69: {  	[sflag:s13] =	ssyncadd.s32 $0xFFFFD800  }
0x6a: {  	_ =	swait.ge [sflag:s23], $0x2800  }
0x6b: {  	[sflag:s23] =	ssyncset.done $0x0  }
0x6c: {  	[sflag:s23] =	ssyncadd.s32 $0xFFFFD800  }
0x6d: {  	(ifvalue) =	ssetifvalue $0xFFFFFFFF  }
0x6e: {  	[spmem:s3] =	stream.indirect.scatter.add.f32 [tilespmem:s20], [sflag:$0x3], $0x80, s24, s16, $0x40b8;
	[tilespmem:$0x1CF00] =	vst v63  }
0x6f: {  	_ =	swait.ge [sflag:s13], $0x2800  }
0x70: {  	[sflag:s13] =	ssyncset.done $0x0  }
0x71: {  	s28 =	sshra.s32 s28, $0x2;
	[sflag:s13] =	ssyncadd.s32 $0xFFFFD800  }
0x72: {  	v0 =	vld [tilespmem:s28+$0x4DF0]  }
0x73: {  	v1 =	vld [tilespmem:s28+$0xFFFFFF70];
	_ =	sdelay $0x3  }
0x74: {  	vm0 =	vlt.u32 v0, $0xE00  }
0x75: {  	v1 =	vnsel vm0, $0xFFFFFFFF, v1;
	v0 =	vnsel vm0, $0xFFFFFFFF, v0  }
0x76: {  	[tilespmem:$0x9D00] =	vst v1  }
0x77: {  	[tilespmem:$0x9D80] =	vst v0  }
0x78: {  	v0 =	vld [tilespmem:s28+$0x4E00]  }
0x79: {  	v1 =	vld [tilespmem:s28+$0xFFFFFF80];
	_ =	sdelay $0x3  }
0x7a: {  	vm0 =	vlt.u32 v0, $0xE00  }
0x7b: {  	v1 =	vnsel vm0, $0xFFFFFFFF, v1;
	v0 =	vnsel vm0, $0xFFFFFFFF, v0  }
0x7c: {  	[tilespmem:$0x9D10] =	vst v1  }
0x7d: {  	[tilespmem:$0x9D90] =	vst v0  }
0x7e: {  	v0 =	vld [tilespmem:s28+$0x4E10]  }
0x7f: {  	v1 =	vld [tilespmem:s28+$0xFFFFFF90];
	_ =	sdelay $0x3  }
0x80: {  	vm0 =	vlt.u32 v0, $0xE00  }
0x81: {  	v1 =	vnsel vm0, $0xFFFFFFFF, v1;
	v0 =	vnsel vm0, $0xFFFFFFFF, v0  }
0x82: {  	[tilespmem:$0x9D20] =	vst v1  }
0x83: {  	[tilespmem:$0x9DA0] =	vst v0  }
0x84: {  	v0 =	vld [tilespmem:s28+$0x4E20]  }
0x85: {  	v1 =	vld [tilespmem:s28+$0xFFFFFFA0];
	_ =	sdelay $0x3  }
0x86: {  	vm0 =	vlt.u32 v0, $0xE00  }
0x87: {  	v1 =	vnsel vm0, $0xFFFFFFFF, v1;
	v0 =	vnsel vm0, $0xFFFFFFFF, v0  }
0x88: {  	[tilespmem:$0x9D30] =	vst v1  }
0x89: {  	[tilespmem:$0x9DB0] =	vst v0  }
0x8a: {  	v0 =	vld [tilespmem:s28+$0x4E30]  }
0x8b: {  	v1 =	vld [tilespmem:s28+$0xFFFFFFB0];
	_ =	sdelay $0x3  }
0x8c: {  	vm0 =	vlt.u32 v0, $0xE00  }
0x8d: {  	v1 =	vnsel vm0, $0xFFFFFFFF, v1;
	v0 =	vnsel vm0, $0xFFFFFFFF, v0  }
0x8e: {  	[tilespmem:$0x9D40] =	vst v1  }
0x8f: {  	[tilespmem:$0x9DC0] =	vst v0  }
0x90: {  	(ifvalue) =	ssetifvalue $0xFFFFFFFF  }
0x91: {  	(ifvalue) =	ssetifvalue $0xFFFFFFFF  }
0x92: {  	[tilespmem:s18], [sflag:$0x1] =	stream.indirect.gather [hbm4b:s1+s16], $0x80, s17, s16, $0x40b8;
	[tilespmem:$0x1CF00] =	vst v63  }
0x93: {  	v0 =	vld [tilespmem:s28+$0x4E40]  }
0x94: {  	v1 =	vld [tilespmem:s28+$0xFFFFFFC0];
	_ =	sdelay $0x3  }
0x95: {  	vm0 =	vlt.u32 v0, $0xE00  }
0x96: {  	v1 =	vnsel vm0, $0xFFFFFFFF, v1;
	v0 =	vnsel vm0, $0xFFFFFFFF, v0  }
0x97: {  	[tilespmem:$0x9E00] =	vst v1  }
0x98: {  	[tilespmem:$0x9E80] =	vst v0  }
0x99: {  	v0 =	vld [tilespmem:s28+$0x4E50]  }
0x9a: {  	v1 =	vld [tilespmem:s28+$0xFFFFFFD0];
	_ =	sdelay $0x3  }
0x9b: {  	vm0 =	vlt.u32 v0, $0xE00  }
0x9c: {  	v1 =	vnsel vm0, $0xFFFFFFFF, v1;
	v0 =	vnsel vm0, $0xFFFFFFFF, v0  }
0x9d: {  	[tilespmem:$0x9E10] =	vst v1  }
0x9e: {  	[tilespmem:$0x9E90] =	vst v0  }
0x9f: {  	v0 =	vld [tilespmem:s28+$0x4E60]  }
0xa0: {  	v1 =	vld [tilespmem:s28+$0xFFFFFFE0];
	_ =	sdelay $0x3  }
0xa1: {  	vm0 =	vlt.u32 v0, $0xE00  }
0xa2: {  	v1 =	vnsel vm0, $0xFFFFFFFF, v1;
	v0 =	vnsel vm0, $0xFFFFFFFF, v0  }
0xa3: {  	[tilespmem:$0x9E20] =	vst v1  }
0xa4: {  	[tilespmem:$0x9EA0] =	vst v0  }
0xa5: {  	v0 =	vld [tilespmem:s28+$0x4E70]  }
0xa6: {  	v1 =	vld [tilespmem:s28+$0xFFFFFFF0];
	_ =	sdelay $0x3  }
0xa7: {  	vm0 =	vlt.u32 v0, $0xE00  }
0xa8: {  	v1 =	vnsel vm0, $0xFFFFFFFF, v1;
	v0 =	vnsel vm0, $0xFFFFFFFF, v0  }
0xa9: {  	[tilespmem:$0x9E30] =	vst v1  }
0xaa: {  	[tilespmem:$0x9EB0] =	vst v0  }
0xab: {  	v0 =	vld [tilespmem:s28+$0x4E80]  }
0xac: {  	v1 =	vld [tilespmem:s28+$0x0];
	_ =	sdelay $0x3  }
0xad: {  	vm0 =	vlt.u32 v0, $0xE00  }
0xae: {  	v1 =	vnsel vm0, $0xFFFFFFFF, v1;
	v0 =	vnsel vm0, $0xFFFFFFFF, v0  }
0xaf: {  	[tilespmem:$0x9E40] =	vst v1  }
0xb0: {  	[tilespmem:$0x9EC0] =	vst v0  }
0xb1: {  	(ifvalue) =	ssetifvalue $0xFFFFFFFF  }
0xb2: {  	(ifvalue) =	ssetifvalue $0xFFFFFFFF  }
0xb3: {  	[tilespmem:s20], [sflag:$0x2] =	stream.indirect.gather [hbm4b:s1+s16], $0x80, s19, s16, $0x40b8;
	[tilespmem:$0x1CF00] =	vst v63  }
.Ltmp0:
0xb4: {  	_ =	swait.ge [sflag:s21], $0x2800;
	(pc) =	sbr.rel @p0 .LBB2_2-.Ltmp0, $4  }
0xb5: {  	[sflag:s21] =	ssyncset.done $0x0  }
0xb6: {  	[sflag:s21] =	ssyncadd.s32 $0xFFFFD800  }
0xb7: {  	(ifvalue) =	ssetifvalue $0xFFFFFFFF  }
0xb8: {  	[spmem:s3] =	stream.indirect.scatter.add.f32 [tilespmem:s18], [sflag:$0x3], $0x80, s22, s16, $0x40b8;
	[tilespmem:$0x1CF00] =	vst v63  }
0xb9: {  	_ =	swait.ge [sflag:s13], $0x2800  }
0xba: {  	[sflag:s13] =	ssyncset.done $0x0  }
0xbb: {  	[sflag:s13] =	ssyncadd.s32 $0xFFFFD800  }
0xbc: {  	_ =	swait.ge [sflag:s23], $0x2800  }
0xbd: {  	[sflag:s23] =	ssyncset.done $0x0  }
0xbe: {  	[sflag:s23] =	ssyncadd.s32 $0xFFFFD800;
	(ifvalue) =	ssetifvalue $0xFFFFFFFF  }
0xbf: {  	[spmem:s3] =	stream.indirect.scatter.add.f32 [tilespmem:s20], [sflag:$0x3], $0x80, s24, s16, $0x40b8;
	[tilespmem:$0x1CF00] =	vst v63  }
0xc0: {  	_ =	swait.ge [sflag:s13], $0x2800  }
0xc1: {  	[sflag:s13] =	ssyncset.done $0x0  }
0xc2: {  	[sflag:s13] =	ssyncadd.s32 $0xFFFFD800  }
0xc3: {  	[bflag:$0x0] =	sbarrier.arrive $0xFFFF  }
0xc4: {  	[tilespmem:s15], [sflag:$0x3] =	stream.linear.gather [spmem:s8], $0x7000, $0x38;
	[tilespmem:$0x1CF00] =	vst v63  }
0xc5: {  	_ =	swait.ge [sflag:s13], $0x7000  }
0xc6: {  	[sflag:s13] =	ssyncset.done $0x0  }
0xc7: {  	[sflag:s13] =	ssyncadd.s32 $0xFFFF9000  }
0xc8: {  	[hbm4b:s9+s4] =	stream.linear.scatter [tilespmem:s15], [sflag:$0x3], $0x7000, $0x38;
	[tilespmem:$0x1CF00] =	vst v63  }
0xc9: {  	_ =	swait.ge [sflag:s13], $0x7000  }
0xca: {  	[sflag:s13] =	ssyncset.done $0x0  }
0xcb: {  	[sflag:s13] =	ssyncadd.s32 $0xFFFF9000  }
0xcc: {  	[bflag:$0x0] =	sbarrier.arrive $0xFFFF  }
0xcd: {  	[tilespmem:s15], [sflag:$0x3] =	stream.linear.gather [hbm4b:s5+s4], $0x7000, $0x38;
	[tilespmem:$0x1CF00] =	vst v63  }
0xce: {  	_ =	swait.ge [sflag:s13], $0x7000  }
0xcf: {  	[sflag:s13] =	ssyncset.done $0x0  }
0xd0: {  	[sflag:s13] =	ssyncadd.s32 $0xFFFF9000  }
0xd1: {  	[spmem:s8] =	stream.linear.scatter [tilespmem:s15], [sflag:$0x3], $0x7000, $0x38;
	[tilespmem:$0x1CF00] =	vst v63  }
0xd2: {  	_ =	swait.ge [sflag:s13], $0x7000  }
0xd3: {  	[sflag:s13] =	ssyncset.done $0x0  }
0xd4: {  	[sflag:s13] =	ssyncadd.s32 $0xFFFF9000  }
0xd5: {  	s26 =	simm.s32 $0x90;
	[bflag:$0x0] =	sbarrier.arrive $0xFFFF  }
0xd6: {  	v0 =	vld [tilespmem:s26+$0x4DF0];
	_ =	sdelay $0x1  }
0xd7: {  	v1 =	vld [tilespmem:s26+$0xFFFFFF70];
	_ =	sdelay $0x2  }
0xd8: {  	v0 =	vadd.s32 $0xFFFFF200, v0  }
0xd9: {  	vm0 =	vlt.u32 v0, $0xE00  }
0xda: {  	v1 =	vnsel vm0, $0xFFFFFFFF, v1  }
0xdb: {  	v0 =	vnsel vm0, $0xFFFFFFFF, v0;
	[tilespmem:$0x9D00] =	vst v1  }
0xdc: {  	[tilespmem:$0x9D80] =	vst v0  }
0xdd: {  	v0 =	vld [tilespmem:s26+$0x4E00];
	_ =	sdelay $0x1  }
0xde: {  	v1 =	vld [tilespmem:s26+$0xFFFFFF80];
	_ =	sdelay $0x2  }
0xdf: {  	v0 =	vadd.s32 $0xFFFFF200, v0  }
0xe0: {  	vm7 =	vlt.u32 v0, $0xE00  }
0xe1: {  	v1 =	vnsel vm7, $0xFFFFFFFF, v1  }
0xe2: {  	v0 =	vnsel vm7, $0xFFFFFFFF, v0;
	[tilespmem:$0x9D10] =	vst v1  }
0xe3: {  	[tilespmem:$0x9D90] =	vst v0  }
0xe4: {  	v0 =	vld [tilespmem:s26+$0x4E10];
	_ =	sdelay $0x1  }
0xe5: {  	v1 =	vld [tilespmem:s26+$0xFFFFFF90];
	_ =	sdelay $0x2  }
0xe6: {  	v0 =	vadd.s32 $0xFFFFF200, v0  }
0xe7: {  	vm8 =	vlt.u32 v0, $0xE00  }
0xe8: {  	v1 =	vnsel vm8, $0xFFFFFFFF, v1  }
0xe9: {  	v0 =	vnsel vm8, $0xFFFFFFFF, v0;
	[tilespmem:$0x9D20] =	vst v1  }
0xea: {  	[tilespmem:$0x9DA0] =	vst v0  }
0xeb: {  	v0 =	vld [tilespmem:s26+$0x4E20];
	_ =	sdelay $0x1  }
0xec: {  	v1 =	vld [tilespmem:s26+$0xFFFFFFA0];
	_ =	sdelay $0x2  }
0xed: {  	v0 =	vadd.s32 $0xFFFFF200, v0  }
0xee: {  	vm9 =	vlt.u32 v0, $0xE00  }
0xef: {  	v1 =	vnsel vm9, $0xFFFFFFFF, v1  }
0xf0: {  	v0 =	vnsel vm9, $0xFFFFFFFF, v0;
	[tilespmem:$0x9D30] =	vst v1  }
0xf1: {  	[tilespmem:$0x9DB0] =	vst v0  }
0xf2: {  	v0 =	vld [tilespmem:s26+$0x4E30];
	_ =	sdelay $0x1  }
0xf3: {  	v1 =	vld [tilespmem:s26+$0xFFFFFFB0];
	_ =	sdelay $0x2  }
0xf4: {  	v0 =	vadd.s32 $0xFFFFF200, v0  }
0xf5: {  	vm10 =	vlt.u32 v0, $0xE00  }
0xf6: {  	v1 =	vnsel vm10, $0xFFFFFFFF, v1  }
0xf7: {  	v0 =	vnsel vm10, $0xFFFFFFFF, v0;
	[tilespmem:$0x9D40] =	vst v1  }
0xf8: {  	[tilespmem:$0x9DC0] =	vst v0;
	(ifvalue) =	ssetifvalue $0xFFFFFFFF  }
0xf9: {  	(ifvalue) =	ssetifvalue $0xFFFFFFFF  }
0xfa: {  	[tilespmem:s18], [sflag:$0x1] =	stream.indirect.gather [hbm4b:s1+s16], $0x80, s17, s16, $0x40b8;
	[tilespmem:$0x1CF00] =	vst v63  }
0xfb: {  	v62 =	vld [tilespmem:s26+$0x4E40];
	_ =	sdelay $0x1  }
0xfc: {  	v63 =	vld [tilespmem:s26+$0xFFFFFFC0];
	_ =	sdelay $0x2  }
0xfd: {  	v0 =	vadd.s32 $0xFFFFF200, v62  }
0xfe: {  	vm11 =	vlt.u32 v0, $0xE00  }
0xff: {  	v1 =	vnsel vm11, $0xFFFFFFFF, v63  }
0x100: {  	v0 =	vnsel vm11, $0xFFFFFFFF, v0;
	[tilespmem:$0x9E00] =	vst v1  }
0x101: {  	[tilespmem:$0x9E80] =	vst v0  }
0x102: {  	v0 =	vld [tilespmem:s26+$0x4E50];
	_ =	sdelay $0x1  }
0x103: {  	v1 =	vld [tilespmem:s26+$0xFFFFFFD0];
	_ =	sdelay $0x2  }
0x104: {  	v0 =	vadd.s32 $0xFFFFF200, v0  }
0x105: {  	vm12 =	vlt.u32 v0, $0xE00  }
0x106: {  	v1 =	vnsel vm12, $0xFFFFFFFF, v1  }
0x107: {  	v0 =	vnsel vm12, $0xFFFFFFFF, v0;
	[tilespmem:$0x9E10] =	vst v1  }
0x108: {  	[tilespmem:$0x9E90] =	vst v0  }
0x109: {  	v0 =	vld [tilespmem:s26+$0x4E60];
	_ =	sdelay $0x1  }
0x10a: {  	v1 =	vld [tilespmem:s26+$0xFFFFFFE0];
	_ =	sdelay $0x2  }
0x10b: {  	v0 =	vadd.s32 $0xFFFFF200, v0  }
0x10c: {  	vm13 =	vlt.u32 v0, $0xE00  }
0x10d: {  	v1 =	vnsel vm13, $0xFFFFFFFF, v1  }
0x10e: {  	v0 =	vnsel vm13, $0xFFFFFFFF, v0;
	[tilespmem:$0x9E20] =	vst v1  }
0x10f: {  	[tilespmem:$0x9EA0] =	vst v0  }
0x110: {  	v0 =	vld [tilespmem:s26+$0x4E70];
	_ =	sdelay $0x1  }
0x111: {  	v1 =	vld [tilespmem:s26+$0xFFFFFFF0];
	_ =	sdelay $0x2  }
0x112: {  	v0 =	vadd.s32 $0xFFFFF200, v0  }
0x113: {  	vm14 =	vlt.u32 v0, $0xE00  }
0x114: {  	v1 =	vnsel vm14, $0xFFFFFFFF, v1  }
0x115: {  	v0 =	vnsel vm14, $0xFFFFFFFF, v0;
	[tilespmem:$0x9E30] =	vst v1  }
0x116: {  	[tilespmem:$0x9EB0] =	vst v0  }
0x117: {  	v0 =	vld [tilespmem:s26+$0x4E80];
	_ =	sdelay $0x1  }
0x118: {  	v1 =	vld [tilespmem:s26+$0x0];
	_ =	sdelay $0x2  }
0x119: {  	v0 =	vadd.s32 $0xFFFFF200, v0  }
0x11a: {  	vm15 =	vlt.u32 v0, $0xE00  }
0x11b: {  	v1 =	vnsel vm15, $0xFFFFFFFF, v1  }
0x11c: {  	v0 =	vnsel vm15, $0xFFFFFFFF, v0;
	[tilespmem:$0x9E40] =	vst v1  }
0x11d: {  	[tilespmem:$0x9EC0] =	vst v0;
	(ifvalue) =	ssetifvalue $0xFFFFFFFF  }
0x11e: {  	(ifvalue) =	ssetifvalue $0xFFFFFFFF  }
0x11f: {  	[tilespmem:s20], [sflag:$0x2] =	stream.indirect.gather [hbm4b:s1+s16], $0x80, s19, s16, $0x40b8;
	[tilespmem:$0x1CF00] =	vst v63  }
0x120: {  	_ =	swait.ge [sflag:s21], $0x2800  }
0x121: {  	[sflag:s21] =	ssyncset.done $0x0  }
0x122: {  	s26 =	simm.s32 $0x4C0;
	[sflag:s21] =	ssyncadd.s32 $0xFFFFD800;
	(ifvalue) =	ssetifvalue $0xFFFFFFFF  }
0x123: {  	[spmem:s3] =	stream.indirect.scatter.add.f32 [tilespmem:s18], [sflag:$0x3], $0x80, s22, s16, $0x40b8;
	[tilespmem:$0x1CF00] =	vst v63  }
.LBB2_4:
0x124: {  	p0 =	sne.s32 s26, $0x13840  }
0x125: {  	_ =	swait.ge [sflag:s13], $0x2800;
	s28 =	smov.u32 s26;
	s26 =	sadd.s32 $0x280, s26  }
0x126: {  	[sflag:s13] =	ssyncset.done $0x0  }
0x127: {  	[sflag:s13] =	ssyncadd.s32 $0xFFFFD800  }
0x128: {  	_ =	swait.ge [sflag:s23], $0x2800  }
0x129: {  	[sflag:s23] =	ssyncset.done $0x0  }
0x12a: {  	[sflag:s23] =	ssyncadd.s32 $0xFFFFD800  }
0x12b: {  	(ifvalue) =	ssetifvalue $0xFFFFFFFF  }
0x12c: {  	[spmem:s3] =	stream.indirect.scatter.add.f32 [tilespmem:s20], [sflag:$0x3], $0x80, s24, s16, $0x40b8;
	[tilespmem:$0x1CF00] =	vst v63  }
0x12d: {  	_ =	swait.ge [sflag:s13], $0x2800  }
0x12e: {  	[sflag:s13] =	ssyncset.done $0x0  }
0x12f: {  	s28 =	sshra.s32 s28, $0x2;
	[sflag:s13] =	ssyncadd.s32 $0xFFFFD800  }
0x130: {  	v0 =	vld [tilespmem:s28+$0x4DF0];
	_ =	sdelay $0x1  }
0x131: {  	v1 =	vld [tilespmem:s28+$0xFFFFFF70];
	_ =	sdelay $0x2  }
0x132: {  	v0 =	vadd.s32 $0xFFFFF200, v0  }
0x133: {  	vm0 =	vlt.u32 v0, $0xE00  }
0x134: {  	v1 =	vnsel vm0, $0xFFFFFFFF, v1;
	v0 =	vnsel vm0, $0xFFFFFFFF, v0  }
0x135: {  	[tilespmem:$0x9D00] =	vst v1  }
0x136: {  	[tilespmem:$0x9D80] =	vst v0  }
0x137: {  	v0 =	vld [tilespmem:s28+$0x4E00];
	_ =	sdelay $0x1  }
0x138: {  	v1 =	vld [tilespmem:s28+$0xFFFFFF80];
	_ =	sdelay $0x2  }
0x139: {  	v0 =	vadd.s32 $0xFFFFF200, v0  }
0x13a: {  	vm0 =	vlt.u32 v0, $0xE00  }
0x13b: {  	v1 =	vnsel vm0, $0xFFFFFFFF, v1;
	v0 =	vnsel vm0, $0xFFFFFFFF, v0  }
0x13c: {  	[tilespmem:$0x9D10] =	vst v1  }
0x13d: {  	[tilespmem:$0x9D90] =	vst v0  }
0x13e: {  	v0 =	vld [tilespmem:s28+$0x4E10];
	_ =	sdelay $0x1  }
0x13f: {  	v1 =	vld [tilespmem:s28+$0xFFFFFF90];
	_ =	sdelay $0x2  }
0x140: {  	v0 =	vadd.s32 $0xFFFFF200, v0  }
0x141: {  	vm0 =	vlt.u32 v0, $0xE00  }
0x142: {  	v1 =	vnsel vm0, $0xFFFFFFFF, v1;
	v0 =	vnsel vm0, $0xFFFFFFFF, v0  }
0x143: {  	[tilespmem:$0x9D20] =	vst v1  }
0x144: {  	[tilespmem:$0x9DA0] =	vst v0  }
0x145: {  	v0 =	vld [tilespmem:s28+$0x4E20]  }
0x146: {  	v1 =	vld [tilespmem:s28+$0xFFFFFFA0];
	_ =	sdelay $0x3  }
0x147: {  	v0 =	vadd.s32 $0xFFFFF200, v0  }
0x148: {  	vm0 =	vlt.u32 v0, $0xE00  }
0x149: {  	v1 =	vnsel vm0, $0xFFFFFFFF, v1;
	v0 =	vnsel vm0, $0xFFFFFFFF, v0  }
0x14a: {  	[tilespmem:$0x9D30] =	vst v1  }
0x14b: {  	[tilespmem:$0x9DB0] =	vst v0  }
0x14c: {  	v0 =	vld [tilespmem:s28+$0x4E30]  }
0x14d: {  	v1 =	vld [tilespmem:s28+$0xFFFFFFB0];
	_ =	sdelay $0x3  }
0x14e: {  	v0 =	vadd.s32 $0xFFFFF200, v0  }
0x14f: {  	vm0 =	vlt.u32 v0, $0xE00  }
0x150: {  	v1 =	vnsel vm0, $0xFFFFFFFF, v1;
	v0 =	vnsel vm0, $0xFFFFFFFF, v0  }
0x151: {  	[tilespmem:$0x9D40] =	vst v1  }
0x152: {  	[tilespmem:$0x9DC0] =	vst v0  }
0x153: {  	(ifvalue) =	ssetifvalue $0xFFFFFFFF  }
0x154: {  	(ifvalue) =	ssetifvalue $0xFFFFFFFF  }
0x155: {  	[tilespmem:s18], [sflag:$0x1] =	stream.indirect.gather [hbm4b:s1+s16], $0x80, s17, s16, $0x40b8;
	[tilespmem:$0x1CF00] =	vst v63  }
0x156: {  	v0 =	vld [tilespmem:s28+$0x4E40];
	_ =	sdelay $0x1  }
0x157: {  	v1 =	vld [tilespmem:s28+$0xFFFFFFC0];
	_ =	sdelay $0x2  }
0x158: {  	v0 =	vadd.s32 $0xFFFFF200, v0  }
0x159: {  	vm0 =	vlt.u32 v0, $0xE00  }
0x15a: {  	v1 =	vnsel vm0, $0xFFFFFFFF, v1;
	v0 =	vnsel vm0, $0xFFFFFFFF, v0  }
0x15b: {  	[tilespmem:$0x9E00] =	vst v1  }
0x15c: {  	[tilespmem:$0x9E80] =	vst v0  }
0x15d: {  	v0 =	vld [tilespmem:s28+$0x4E50];
	_ =	sdelay $0x1  }
0x15e: {  	v1 =	vld [tilespmem:s28+$0xFFFFFFD0];
	_ =	sdelay $0x2  }
0x15f: {  	v0 =	vadd.s32 $0xFFFFF200, v0  }
0x160: {  	vm0 =	vlt.u32 v0, $0xE00  }
0x161: {  	v1 =	vnsel vm0, $0xFFFFFFFF, v1;
	v0 =	vnsel vm0, $0xFFFFFFFF, v0  }
0x162: {  	[tilespmem:$0x9E10] =	vst v1  }
0x163: {  	[tilespmem:$0x9E90] =	vst v0  }
0x164: {  	v0 =	vld [tilespmem:s28+$0x4E60];
	_ =	sdelay $0x1  }
0x165: {  	v1 =	vld [tilespmem:s28+$0xFFFFFFE0];
	_ =	sdelay $0x2  }
0x166: {  	v0 =	vadd.s32 $0xFFFFF200, v0  }
0x167: {  	vm0 =	vlt.u32 v0, $0xE00  }
0x168: {  	v1 =	vnsel vm0, $0xFFFFFFFF, v1;
	v0 =	vnsel vm0, $0xFFFFFFFF, v0  }
0x169: {  	[tilespmem:$0x9E20] =	vst v1  }
0x16a: {  	[tilespmem:$0x9EA0] =	vst v0  }
0x16b: {  	v0 =	vld [tilespmem:s28+$0x4E70]  }
0x16c: {  	v1 =	vld [tilespmem:s28+$0xFFFFFFF0];
	_ =	sdelay $0x3  }
0x16d: {  	v0 =	vadd.s32 $0xFFFFF200, v0  }
0x16e: {  	vm0 =	vlt.u32 v0, $0xE00  }
0x16f: {  	v1 =	vnsel vm0, $0xFFFFFFFF, v1;
	v0 =	vnsel vm0, $0xFFFFFFFF, v0  }
0x170: {  	[tilespmem:$0x9E30] =	vst v1  }
0x171: {  	[tilespmem:$0x9EB0] =	vst v0  }
0x172: {  	v0 =	vld [tilespmem:s28+$0x4E80]  }
0x173: {  	v1 =	vld [tilespmem:s28+$0x0];
	_ =	sdelay $0x3  }
0x174: {  	v0 =	vadd.s32 $0xFFFFF200, v0  }
0x175: {  	vm0 =	vlt.u32 v0, $0xE00  }
0x176: {  	v1 =	vnsel vm0, $0xFFFFFFFF, v1;
	v0 =	vnsel vm0, $0xFFFFFFFF, v0  }
0x177: {  	[tilespmem:$0x9E40] =	vst v1  }
0x178: {  	[tilespmem:$0x9EC0] =	vst v0  }
0x179: {  	(ifvalue) =	ssetifvalue $0xFFFFFFFF  }
0x17a: {  	(ifvalue) =	ssetifvalue $0xFFFFFFFF  }
0x17b: {  	[tilespmem:s20], [sflag:$0x2] =	stream.indirect.gather [hbm4b:s1+s16], $0x80, s19, s16, $0x40b8;
	[tilespmem:$0x1CF00] =	vst v63  }
.Ltmp1:
0x17c: {  	_ =	swait.ge [sflag:s21], $0x2800;
	(pc) =	sbr.rel @p0 .LBB2_4-.Ltmp1, $4  }
0x17d: {  	[sflag:s21] =	ssyncset.done $0x0  }
0x17e: {  	[sflag:s21] =	ssyncadd.s32 $0xFFFFD800  }
0x17f: {  	(ifvalue) =	ssetifvalue $0xFFFFFFFF  }
0x180: {  	[spmem:s3] =	stream.indirect.scatter.add.f32 [tilespmem:s18], [sflag:$0x3], $0x80, s22, s16, $0x40b8;
	[tilespmem:$0x1CF00] =	vst v63  }
0x181: {  	_ =	swait.ge [sflag:s13], $0x2800  }
0x182: {  	[sflag:s13] =	ssyncset.done $0x0  }
0x183: {  	[sflag:s13] =	ssyncadd.s32 $0xFFFFD800  }
0x184: {  	_ =	swait.ge [sflag:s23], $0x2800  }
0x185: {  	[sflag:s23] =	ssyncset.done $0x0  }
0x186: {  	[sflag:s23] =	ssyncadd.s32 $0xFFFFD800;
	(ifvalue) =	ssetifvalue $0xFFFFFFFF  }
0x187: {  	[spmem:s3] =	stream.indirect.scatter.add.f32 [tilespmem:s20], [sflag:$0x3], $0x80, s24, s16, $0x40b8;
	[tilespmem:$0x1CF00] =	vst v63  }
0x188: {  	_ =	swait.ge [sflag:s13], $0x2800  }
0x189: {  	[sflag:s13] =	ssyncset.done $0x0  }
0x18a: {  	[sflag:s13] =	ssyncadd.s32 $0xFFFFD800  }
0x18b: {  	[bflag:$0x0] =	sbarrier.arrive $0xFFFF  }
0x18c: {  	[tilespmem:s15], [sflag:$0x3] =	stream.linear.gather [spmem:s8], $0x7000, $0x38;
	[tilespmem:$0x1CF00] =	vst v63  }
0x18d: {  	_ =	swait.ge [sflag:s13], $0x7000  }
0x18e: {  	[sflag:s13] =	ssyncset.done $0x0  }
0x18f: {  	[sflag:s13] =	ssyncadd.s32 $0xFFFF9000  }
0x190: {  	[hbm4b:s10+s4] =	stream.linear.scatter [tilespmem:s15], [sflag:$0x3], $0x7000, $0x38;
	[tilespmem:$0x1CF00] =	vst v63  }
0x191: {  	_ =	swait.ge [sflag:s13], $0x7000  }
0x192: {  	[sflag:s13] =	ssyncset.done $0x0  }
0x193: {  	[sflag:s13] =	ssyncadd.s32 $0xFFFF9000  }
0x194: {  	[bflag:$0x0] =	sbarrier.arrive $0xFFFF  }
0x195: {  	[tilespmem:s15], [sflag:$0x3] =	stream.linear.gather [hbm4b:s5+s4], $0x7000, $0x38;
	[tilespmem:$0x1CF00] =	vst v63  }
0x196: {  	_ =	swait.ge [sflag:s13], $0x7000  }
0x197: {  	[sflag:s13] =	ssyncset.done $0x0  }
0x198: {  	[sflag:s13] =	ssyncadd.s32 $0xFFFF9000  }
0x199: {  	[spmem:s8] =	stream.linear.scatter [tilespmem:s15], [sflag:$0x3], $0x7000, $0x38;
	[tilespmem:$0x1CF00] =	vst v63  }
0x19a: {  	_ =	swait.ge [sflag:s13], $0x7000  }
0x19b: {  	[sflag:s13] =	ssyncset.done $0x0  }
0x19c: {  	[sflag:s13] =	ssyncadd.s32 $0xFFFF9000  }
0x19d: {  	s26 =	simm.s32 $0x90;
	[bflag:$0x0] =	sbarrier.arrive $0xFFFF  }
0x19e: {  	v0 =	vld [tilespmem:s26+$0x4DF0];
	_ =	sdelay $0x1  }
0x19f: {  	v1 =	vld [tilespmem:s26+$0xFFFFFF70];
	_ =	sdelay $0x2  }
0x1a0: {  	v0 =	vadd.s32 $0xFFFFE400, v0  }
0x1a1: {  	vm0 =	vlt.u32 v0, $0xE00  }
0x1a2: {  	v1 =	vnsel vm0, $0xFFFFFFFF, v1  }
0x1a3: {  	v0 =	vnsel vm0, $0xFFFFFFFF, v0;
	[tilespmem:$0x9D00] =	vst v1  }
0x1a4: {  	[tilespmem:$0x9D80] =	vst v0  }
0x1a5: {  	v0 =	vld [tilespmem:s26+$0x4E00];
	_ =	sdelay $0x1  }
0x1a6: {  	v1 =	vld [tilespmem:s26+$0xFFFFFF80];
	_ =	sdelay $0x2  }
0x1a7: {  	v0 =	vadd.s32 $0xFFFFE400, v0  }
0x1a8: {  	vm7 =	vlt.u32 v0, $0xE00  }
0x1a9: {  	v1 =	vnsel vm7, $0xFFFFFFFF, v1  }
0x1aa: {  	v0 =	vnsel vm7, $0xFFFFFFFF, v0;
	[tilespmem:$0x9D10] =	vst v1  }
0x1ab: {  	[tilespmem:$0x9D90] =	vst v0  }
0x1ac: {  	v0 =	vld [tilespmem:s26+$0x4E10];
	_ =	sdelay $0x1  }
0x1ad: {  	v1 =	vld [tilespmem:s26+$0xFFFFFF90];
	_ =	sdelay $0x2  }
0x1ae: {  	v0 =	vadd.s32 $0xFFFFE400, v0  }
0x1af: {  	vm8 =	vlt.u32 v0, $0xE00  }
0x1b0: {  	v1 =	vnsel vm8, $0xFFFFFFFF, v1  }
0x1b1: {  	v0 =	vnsel vm8, $0xFFFFFFFF, v0;
	[tilespmem:$0x9D20] =	vst v1  }
0x1b2: {  	[tilespmem:$0x9DA0] =	vst v0  }
0x1b3: {  	v0 =	vld [tilespmem:s26+$0x4E20];
	_ =	sdelay $0x1  }
0x1b4: {  	v1 =	vld [tilespmem:s26+$0xFFFFFFA0];
	_ =	sdelay $0x2  }
0x1b5: {  	v0 =	vadd.s32 $0xFFFFE400, v0  }
0x1b6: {  	vm9 =	vlt.u32 v0, $0xE00  }
0x1b7: {  	v1 =	vnsel vm9, $0xFFFFFFFF, v1  }
0x1b8: {  	v0 =	vnsel vm9, $0xFFFFFFFF, v0;
	[tilespmem:$0x9D30] =	vst v1  }
0x1b9: {  	[tilespmem:$0x9DB0] =	vst v0  }
0x1ba: {  	v0 =	vld [tilespmem:s26+$0x4E30];
	_ =	sdelay $0x1  }
0x1bb: {  	v1 =	vld [tilespmem:s26+$0xFFFFFFB0];
	_ =	sdelay $0x2  }
0x1bc: {  	v0 =	vadd.s32 $0xFFFFE400, v0  }
0x1bd: {  	vm10 =	vlt.u32 v0, $0xE00  }
0x1be: {  	v1 =	vnsel vm10, $0xFFFFFFFF, v1  }
0x1bf: {  	v0 =	vnsel vm10, $0xFFFFFFFF, v0;
	[tilespmem:$0x9D40] =	vst v1  }
0x1c0: {  	[tilespmem:$0x9DC0] =	vst v0;
	(ifvalue) =	ssetifvalue $0xFFFFFFFF  }
0x1c1: {  	(ifvalue) =	ssetifvalue $0xFFFFFFFF  }
0x1c2: {  	[tilespmem:s18], [sflag:$0x1] =	stream.indirect.gather [hbm4b:s1+s16], $0x80, s17, s16, $0x40b8;
	[tilespmem:$0x1CF00] =	vst v63  }
0x1c3: {  	v62 =	vld [tilespmem:s26+$0x4E40];
	_ =	sdelay $0x1  }
0x1c4: {  	v63 =	vld [tilespmem:s26+$0xFFFFFFC0];
	_ =	sdelay $0x2  }
0x1c5: {  	v0 =	vadd.s32 $0xFFFFE400, v62  }
0x1c6: {  	vm11 =	vlt.u32 v0, $0xE00  }
0x1c7: {  	v1 =	vnsel vm11, $0xFFFFFFFF, v63  }
0x1c8: {  	v0 =	vnsel vm11, $0xFFFFFFFF, v0;
	[tilespmem:$0x9E00] =	vst v1  }
0x1c9: {  	[tilespmem:$0x9E80] =	vst v0  }
0x1ca: {  	v0 =	vld [tilespmem:s26+$0x4E50];
	_ =	sdelay $0x1  }
0x1cb: {  	v1 =	vld [tilespmem:s26+$0xFFFFFFD0];
	_ =	sdelay $0x2  }
0x1cc: {  	v0 =	vadd.s32 $0xFFFFE400, v0  }
0x1cd: {  	vm12 =	vlt.u32 v0, $0xE00  }
0x1ce: {  	v1 =	vnsel vm12, $0xFFFFFFFF, v1  }
0x1cf: {  	v0 =	vnsel vm12, $0xFFFFFFFF, v0;
	[tilespmem:$0x9E10] =	vst v1  }
0x1d0: {  	[tilespmem:$0x9E90] =	vst v0  }
0x1d1: {  	v0 =	vld [tilespmem:s26+$0x4E60];
	_ =	sdelay $0x1  }
0x1d2: {  	v1 =	vld [tilespmem:s26+$0xFFFFFFE0];
	_ =	sdelay $0x2  }
0x1d3: {  	v0 =	vadd.s32 $0xFFFFE400, v0  }
0x1d4: {  	vm13 =	vlt.u32 v0, $0xE00  }
0x1d5: {  	v1 =	vnsel vm13, $0xFFFFFFFF, v1  }
0x1d6: {  	v0 =	vnsel vm13, $0xFFFFFFFF, v0;
	[tilespmem:$0x9E20] =	vst v1  }
0x1d7: {  	[tilespmem:$0x9EA0] =	vst v0  }
0x1d8: {  	v0 =	vld [tilespmem:s26+$0x4E70];
	_ =	sdelay $0x1  }
0x1d9: {  	v1 =	vld [tilespmem:s26+$0xFFFFFFF0];
	_ =	sdelay $0x2  }
0x1da: {  	v0 =	vadd.s32 $0xFFFFE400, v0  }
0x1db: {  	vm14 =	vlt.u32 v0, $0xE00  }
0x1dc: {  	v1 =	vnsel vm14, $0xFFFFFFFF, v1  }
0x1dd: {  	v0 =	vnsel vm14, $0xFFFFFFFF, v0;
	[tilespmem:$0x9E30] =	vst v1  }
0x1de: {  	[tilespmem:$0x9EB0] =	vst v0  }
0x1df: {  	v0 =	vld [tilespmem:s26+$0x4E80];
	_ =	sdelay $0x1  }
0x1e0: {  	v1 =	vld [tilespmem:s26+$0x0];
	_ =	sdelay $0x2  }
0x1e1: {  	v0 =	vadd.s32 $0xFFFFE400, v0  }
0x1e2: {  	vm15 =	vlt.u32 v0, $0xE00  }
0x1e3: {  	v1 =	vnsel vm15, $0xFFFFFFFF, v1  }
0x1e4: {  	v0 =	vnsel vm15, $0xFFFFFFFF, v0;
	[tilespmem:$0x9E40] =	vst v1  }
0x1e5: {  	[tilespmem:$0x9EC0] =	vst v0;
	(ifvalue) =	ssetifvalue $0xFFFFFFFF  }
0x1e6: {  	(ifvalue) =	ssetifvalue $0xFFFFFFFF  }
0x1e7: {  	[tilespmem:s20], [sflag:$0x2] =	stream.indirect.gather [hbm4b:s1+s16], $0x80, s19, s16, $0x40b8;
	[tilespmem:$0x1CF00] =	vst v63  }
0x1e8: {  	_ =	swait.ge [sflag:s21], $0x2800  }
0x1e9: {  	[sflag:s21] =	ssyncset.done $0x0  }
0x1ea: {  	s26 =	simm.s32 $0x4C0;
	[sflag:s21] =	ssyncadd.s32 $0xFFFFD800;
	(ifvalue) =	ssetifvalue $0xFFFFFFFF  }
0x1eb: {  	[spmem:s3] =	stream.indirect.scatter.add.f32 [tilespmem:s18], [sflag:$0x3], $0x80, s22, s16, $0x40b8;
	[tilespmem:$0x1CF00] =	vst v63  }
.LBB2_6:
0x1ec: {  	p0 =	sne.s32 s26, $0x13840  }
0x1ed: {  	_ =	swait.ge [sflag:s13], $0x2800;
	s28 =	smov.u32 s26;
	s26 =	sadd.s32 $0x280, s26  }
0x1ee: {  	[sflag:s13] =	ssyncset.done $0x0  }
0x1ef: {  	[sflag:s13] =	ssyncadd.s32 $0xFFFFD800  }
0x1f0: {  	_ =	swait.ge [sflag:s23], $0x2800  }
0x1f1: {  	[sflag:s23] =	ssyncset.done $0x0  }
0x1f2: {  	[sflag:s23] =	ssyncadd.s32 $0xFFFFD800  }
0x1f3: {  	(ifvalue) =	ssetifvalue $0xFFFFFFFF  }
0x1f4: {  	[spmem:s3] =	stream.indirect.scatter.add.f32 [tilespmem:s20], [sflag:$0x3], $0x80, s24, s16, $0x40b8;
	[tilespmem:$0x1CF00] =	vst v63  }
0x1f5: {  	_ =	swait.ge [sflag:s13], $0x2800  }
0x1f6: {  	[sflag:s13] =	ssyncset.done $0x0  }
0x1f7: {  	s28 =	sshra.s32 s28, $0x2;
	[sflag:s13] =	ssyncadd.s32 $0xFFFFD800  }
0x1f8: {  	v0 =	vld [tilespmem:s28+$0x4DF0];
	_ =	sdelay $0x1  }
0x1f9: {  	v1 =	vld [tilespmem:s28+$0xFFFFFF70];
	_ =	sdelay $0x2  }
0x1fa: {  	v0 =	vadd.s32 $0xFFFFE400, v0  }
0x1fb: {  	vm0 =	vlt.u32 v0, $0xE00  }
0x1fc: {  	v1 =	vnsel vm0, $0xFFFFFFFF, v1;
	v0 =	vnsel vm0, $0xFFFFFFFF, v0  }
0x1fd: {  	[tilespmem:$0x9D00] =	vst v1  }
0x1fe: {  	[tilespmem:$0x9D80] =	vst v0  }
0x1ff: {  	v0 =	vld [tilespmem:s28+$0x4E00];
	_ =	sdelay $0x1  }
0x200: {  	v1 =	vld [tilespmem:s28+$0xFFFFFF80];
	_ =	sdelay $0x2  }
0x201: {  	v0 =	vadd.s32 $0xFFFFE400, v0  }
0x202: {  	vm0 =	vlt.u32 v0, $0xE00  }
0x203: {  	v1 =	vnsel vm0, $0xFFFFFFFF, v1;
	v0 =	vnsel vm0, $0xFFFFFFFF, v0  }
0x204: {  	[tilespmem:$0x9D10] =	vst v1  }
0x205: {  	[tilespmem:$0x9D90] =	vst v0  }
0x206: {  	v0 =	vld [tilespmem:s28+$0x4E10];
	_ =	sdelay $0x1  }
0x207: {  	v1 =	vld [tilespmem:s28+$0xFFFFFF90];
	_ =	sdelay $0x2  }
0x208: {  	v0 =	vadd.s32 $0xFFFFE400, v0  }
0x209: {  	vm0 =	vlt.u32 v0, $0xE00  }
0x20a: {  	v1 =	vnsel vm0, $0xFFFFFFFF, v1;
	v0 =	vnsel vm0, $0xFFFFFFFF, v0  }
0x20b: {  	[tilespmem:$0x9D20] =	vst v1  }
0x20c: {  	[tilespmem:$0x9DA0] =	vst v0  }
0x20d: {  	v0 =	vld [tilespmem:s28+$0x4E20]  }
0x20e: {  	v1 =	vld [tilespmem:s28+$0xFFFFFFA0];
	_ =	sdelay $0x3  }
0x20f: {  	v0 =	vadd.s32 $0xFFFFE400, v0  }
0x210: {  	vm0 =	vlt.u32 v0, $0xE00  }
0x211: {  	v1 =	vnsel vm0, $0xFFFFFFFF, v1;
	v0 =	vnsel vm0, $0xFFFFFFFF, v0  }
0x212: {  	[tilespmem:$0x9D30] =	vst v1  }
0x213: {  	[tilespmem:$0x9DB0] =	vst v0  }
0x214: {  	v0 =	vld [tilespmem:s28+$0x4E30]  }
0x215: {  	v1 =	vld [tilespmem:s28+$0xFFFFFFB0];
	_ =	sdelay $0x3  }
0x216: {  	v0 =	vadd.s32 $0xFFFFE400, v0  }
0x217: {  	vm0 =	vlt.u32 v0, $0xE00  }
0x218: {  	v1 =	vnsel vm0, $0xFFFFFFFF, v1;
	v0 =	vnsel vm0, $0xFFFFFFFF, v0  }
0x219: {  	[tilespmem:$0x9D40] =	vst v1  }
0x21a: {  	[tilespmem:$0x9DC0] =	vst v0  }
0x21b: {  	(ifvalue) =	ssetifvalue $0xFFFFFFFF  }
0x21c: {  	(ifvalue) =	ssetifvalue $0xFFFFFFFF  }
0x21d: {  	[tilespmem:s18], [sflag:$0x1] =	stream.indirect.gather [hbm4b:s1+s16], $0x80, s17, s16, $0x40b8;
	[tilespmem:$0x1CF00] =	vst v63  }
0x21e: {  	v0 =	vld [tilespmem:s28+$0x4E40];
	_ =	sdelay $0x1  }
0x21f: {  	v1 =	vld [tilespmem:s28+$0xFFFFFFC0];
	_ =	sdelay $0x2  }
0x220: {  	v0 =	vadd.s32 $0xFFFFE400, v0  }
0x221: {  	vm0 =	vlt.u32 v0, $0xE00  }
0x222: {  	v1 =	vnsel vm0, $0xFFFFFFFF, v1;
	v0 =	vnsel vm0, $0xFFFFFFFF, v0  }
0x223: {  	[tilespmem:$0x9E00] =	vst v1  }
0x224: {  	[tilespmem:$0x9E80] =	vst v0  }
0x225: {  	v0 =	vld [tilespmem:s28+$0x4E50];
	_ =	sdelay $0x1  }
0x226: {  	v1 =	vld [tilespmem:s28+$0xFFFFFFD0];
	_ =	sdelay $0x2  }
0x227: {  	v0 =	vadd.s32 $0xFFFFE400, v0  }
0x228: {  	vm0 =	vlt.u32 v0, $0xE00  }
0x229: {  	v1 =	vnsel vm0, $0xFFFFFFFF, v1;
	v0 =	vnsel vm0, $0xFFFFFFFF, v0  }
0x22a: {  	[tilespmem:$0x9E10] =	vst v1  }
0x22b: {  	[tilespmem:$0x9E90] =	vst v0  }
0x22c: {  	v0 =	vld [tilespmem:s28+$0x4E60];
	_ =	sdelay $0x1  }
0x22d: {  	v1 =	vld [tilespmem:s28+$0xFFFFFFE0];
	_ =	sdelay $0x2  }
0x22e: {  	v0 =	vadd.s32 $0xFFFFE400, v0  }
0x22f: {  	vm0 =	vlt.u32 v0, $0xE00  }
0x230: {  	v1 =	vnsel vm0, $0xFFFFFFFF, v1;
	v0 =	vnsel vm0, $0xFFFFFFFF, v0  }
0x231: {  	[tilespmem:$0x9E20] =	vst v1  }
0x232: {  	[tilespmem:$0x9EA0] =	vst v0  }
0x233: {  	v0 =	vld [tilespmem:s28+$0x4E70]  }
0x234: {  	v1 =	vld [tilespmem:s28+$0xFFFFFFF0];
	_ =	sdelay $0x3  }
0x235: {  	v0 =	vadd.s32 $0xFFFFE400, v0  }
0x236: {  	vm0 =	vlt.u32 v0, $0xE00  }
0x237: {  	v1 =	vnsel vm0, $0xFFFFFFFF, v1;
	v0 =	vnsel vm0, $0xFFFFFFFF, v0  }
0x238: {  	[tilespmem:$0x9E30] =	vst v1  }
0x239: {  	[tilespmem:$0x9EB0] =	vst v0  }
0x23a: {  	v0 =	vld [tilespmem:s28+$0x4E80]  }
0x23b: {  	v1 =	vld [tilespmem:s28+$0x0];
	_ =	sdelay $0x3  }
0x23c: {  	v0 =	vadd.s32 $0xFFFFE400, v0  }
0x23d: {  	vm0 =	vlt.u32 v0, $0xE00  }
0x23e: {  	v1 =	vnsel vm0, $0xFFFFFFFF, v1;
	v0 =	vnsel vm0, $0xFFFFFFFF, v0  }
0x23f: {  	[tilespmem:$0x9E40] =	vst v1  }
0x240: {  	[tilespmem:$0x9EC0] =	vst v0  }
0x241: {  	(ifvalue) =	ssetifvalue $0xFFFFFFFF  }
0x242: {  	(ifvalue) =	ssetifvalue $0xFFFFFFFF  }
0x243: {  	[tilespmem:s20], [sflag:$0x2] =	stream.indirect.gather [hbm4b:s1+s16], $0x80, s19, s16, $0x40b8;
	[tilespmem:$0x1CF00] =	vst v63  }
.Ltmp2:
0x244: {  	_ =	swait.ge [sflag:s21], $0x2800;
	(pc) =	sbr.rel @p0 .LBB2_6-.Ltmp2, $4  }
0x245: {  	[sflag:s21] =	ssyncset.done $0x0  }
0x246: {  	[sflag:s21] =	ssyncadd.s32 $0xFFFFD800  }
0x247: {  	(ifvalue) =	ssetifvalue $0xFFFFFFFF  }
0x248: {  	[spmem:s3] =	stream.indirect.scatter.add.f32 [tilespmem:s18], [sflag:$0x3], $0x80, s22, s16, $0x40b8;
	[tilespmem:$0x1CF00] =	vst v63  }
0x249: {  	_ =	swait.ge [sflag:s13], $0x2800  }
0x24a: {  	[sflag:s13] =	ssyncset.done $0x0  }
0x24b: {  	[sflag:s13] =	ssyncadd.s32 $0xFFFFD800  }
0x24c: {  	_ =	swait.ge [sflag:s23], $0x2800  }
0x24d: {  	[sflag:s23] =	ssyncset.done $0x0  }
0x24e: {  	[sflag:s23] =	ssyncadd.s32 $0xFFFFD800;
	(ifvalue) =	ssetifvalue $0xFFFFFFFF  }
0x24f: {  	[spmem:s3] =	stream.indirect.scatter.add.f32 [tilespmem:s20], [sflag:$0x3], $0x80, s24, s16, $0x40b8;
	[tilespmem:$0x1CF00] =	vst v63  }
0x250: {  	_ =	swait.ge [sflag:s13], $0x2800  }
0x251: {  	[sflag:s13] =	ssyncset.done $0x0  }
0x252: {  	[sflag:s13] =	ssyncadd.s32 $0xFFFFD800  }
0x253: {  	[bflag:$0x0] =	sbarrier.arrive $0xFFFF  }
0x254: {  	[tilespmem:s15], [sflag:$0x3] =	stream.linear.gather [spmem:s8], $0x7000, $0x38;
	[tilespmem:$0x1CF00] =	vst v63  }
0x255: {  	_ =	swait.ge [sflag:s13], $0x7000  }
0x256: {  	s25 =	sadd.s32 $0x1, s25;
	[sflag:s13] =	ssyncset.done $0x0  }
0x257: {  	p0 =	sne.s32 s25, s12;
	[sflag:s13] =	ssyncadd.s32 $0xFFFF9000  }
0x258: {  	[hbm4b:s11+s4] =	stream.linear.scatter [tilespmem:s15], [sflag:$0x3], $0x7000, $0x38;
	[tilespmem:$0x1CF00] =	vst v63  }
.Ltmp3:
0x259: {  	_ =	swait.ge [sflag:s13], $0x7000;
	(pc) =	sbr.rel @p0 .LBB2_1-.Ltmp3, $3  }
0x25a: {  	[sflag:s13] =	ssyncset.done $0x0  }
0x25b: {  	[sflag:s13] =	ssyncadd.s32 $0xFFFF9000  }
0x25c: {  	[bflag:$0x0] =	sbarrier.arrive $0xFFFF;
	_ =	sdelay $0x1  }
0x25d: {  	_ =	sfence.sel $0x180000  }
0x25e: {  	[bflag:$0x0] =	sbarrier.arrive $0xFFFF  }
0x25f: {  	p0 =	sne.s32 s0, $0x0;
	_ =	strace $0x90000047  }
0x260: {  	s0 =	sadd.s32 @!p0 $0x100000, s2;
	[bflag:$0x2] =	sbarrier.arrive $0xFFFF  }
0x261: {  	[sflag:s0] =	ssyncadd.tile.s32 @!p0 $0x1;
	_ =	shalt  }
.Lfunc_end2:
_tile_overlayer_lowered:
.L_overlay_start_2:
0x262: {  	(tag) =	ssettag $0x2  }
0x263: {  	s0 =	rddreg [dreg:$0x0];
	s2 =	stileid.u32  }
0x264: {  	s1 =	rddreg [dreg:$0x1];
	p0 =	sne.s32 s2, $0x0  }
0x265: {  	s3 =	rddreg [dreg:$0x2];
	[bflag:$0x3] =	sbarrier.arrive $0xFFFF;
	s2 =	simm.s32 @!p0 $0x1C03  }
0x266: {  	[timem:s3], [sflag:s2] =	dma.local @!p0 [hbm:s0], s1  }
0x267: {  	s0 =	simm.s32 @!p0 $0x3  }
0x268: {  	_ =	swait.ge @!p0 [sflag:s0], s1  }
0x269: {  	s1 =	ssub.s32 @!p0 $0x0, s1;
	[sflag:s0] =	ssyncset.done @!p0 $0x0  }
0x26a: {  	[sflag:s0] =	ssyncadd.s32 @!p0 s1  }
0x26b: {  	[bflag:$0x3] =	sbarrier.arrive $0xFFFF  }
0x26c: {  	_ =	shalt  }

// kernel: kernel.16.cloned.1.call-start
scs
__scs_entry_jumppad:
0x0: {  	(pc) =	sbr.rel $0x88, $3  }
0x1: {  	(tag) =	ssettag $0x0;
	lr =	simm.s32 $0x1  }
0x2: {  	[smem:$0x3F8C] =	sst lr;
	_ =	strace $0xD0000000  }
0x3: {  	_ = 	snop  }
0x4: {  	_ = 	snop  }
0x5: {  	_ = 	snop  }
0x6: {  	_ = 	snop  }
0x7: {  	_ = 	snop  }
__scs_overlays_trampoline_lowered:
0x8: {  	[smem:$0x3F9B] =	sst s0  }
0x9: {  	[smem:$0x3F9C] =	sst s1  }
0xa: {  	[smem:$0x3F9D] =	sst s2  }
0xb: {  	[smem:$0x3F9E] =	sst s3  }
0xc: {  	[smem:$0x3F9F] =	sst s4  }
0xd: {  	[smem:$0x3FA0] =	sst s5  }
0xe: {  	[smem:$0x3FA1] =	sst s6  }
0xf: {  	[smem:$0x3FA2] =	sst s7  }
0x10: {  	[smem:$0x3FA3] =	sst s8  }
0x11: {  	[smem:$0x3FA4] =	sst s9;
	s0 =	simm.s32 @!p0 $0x0  }
0x12: {  	s1 =	sld [smem:$0x3F8A];
	s0 =	simm.s32 @p0 $0x1  }
0x13: {  	[smem:$0x3FA5] =	sst s0;
	s0 =	simm.s32 @!p1 $0x0  }
0x14: {  	s2 =	sld [smem:$0x3F89];
	s0 =	simm.s32 @p1 $0x1  }
0x15: {  	[smem:$0x3FA6] =	sst s0;
	s0 =	simm.s32 @!p2 $0x0  }
0x16: {  	s3 =	sld [smem:$0x3FDB];
	s0 =	simm.s32 @p2 $0x1  }
0x17: {  	s4 =	simm.s32 $0x1BF5;
	[smem:$0x3FA8] =	sst s0  }
0x18: {  	s0 =	sld [smem:$0x3F8B];
	_ =	swait.ge [sflag:s4], $0x0  }
0x19: {  	s7 =	sld [smem:$0x3F8C]  }
0x1a: {  	s8 =	sadd.s32 $0xFFFFE003, lr  }
0x1b: {  	s9 =	sadd.s32 $0xFFFFFEF7, lr;
	s5 =	simm.s32 $0xFFFFFFFF;
	p2 =	slt.u32 s8, $0xFFFFF086  }
0x1c: {  	p1 =	slt.u32 s9, $0xF7A;
	s5 =	simm.s32 @!p2 $0x0  }
0x1d: {  	s5 =	simm.s32 @p1 $0x1;
	p0 =	seq.s32 s7, s2  }
0x1e: {  	s7 =	smul.u32 @!p0 $0xF7A, s2;
	p2 =	seq.s32 @!p0 s5, $0x0  }
0x1f: {  	s9 =	smul.u32 $0xF7A, s1;
	s8 =	simm.s32 @!p0 $0x1BF5;
	p2 =	por !p2, p0  }
0x20: {  	[sflag:s8] =	ssyncset.s32 @!p0 $0xFFFFF086;
	s6 =	sadd.s32 @!p0 s3, s7;
	s7 =	simm.s32 @!p0 $0x108  }
0x21: {  	s3 =	sadd.s32 s3, s9;
	s6 =	sadd.s32 @!p0 $0x88, s6;
	s7 =	simm.s32 @p2 $0x1082  }
0x22: {  	[simem:s7], [sflag:s8] =	dma.local @!p0 [hbm:s6], $0xF7A  }
0x23: {  	s9 =	sor.u32 $0xD0000000, s2;
	s6 =	simm.s32 $0x108;
	_ =	swait.ge @!p0 [sflag:s8], $0x0  }
0x24: {  	s3 =	sadd.s32 $0x88, s3;
	s6 =	simm.s32 @!p1 $0x1082;
	[sflag:s4] =	ssyncset.s32 $0xFFFFF086  }
0x25: {  	[simem:s6], [sflag:s4] =	dma.local [hbm:s3], $0xF7A  }
0x26: {  	[smem:$0x3F8C] =	sst s1;
	(tag) =	ssettag s2;
	_ =	strace s9  }
0x27: {  	s1 =	sld [smem:$0x3F9C]  }
0x28: {  	s2 =	sld [smem:$0x3F9D]  }
0x29: {  	s4 =	sld [smem:$0x3F9F]  }
0x2a: {  	p0 =	seq.s32 s5, $0x0;
	s5 =	sld [smem:$0x3FA0]  }
0x2b: {  	s6 =	sld [smem:$0x3FA1]  }
0x2c: {  	s7 =	sld [smem:$0x3FA2]  }
0x2d: {  	s3 =	simm.s32 $0x108;
	s8 =	sld [smem:$0x3FA3]  }
0x2e: {  	s3 =	simm.s32 @!p0 $0x1082;
	s9 =	sld [smem:$0x3FA4]  }
0x2f: {  	lr =	sadd.s32 s0, s3;
	s0 =	sld [smem:$0x3F9B]  }
0x30: {  	s3 =	sld [smem:$0x3F9E]  }
0x31: {  	[smem:$0x3FA7] =	sst s10  }
0x32: {  	s10 =	sld [smem:$0x3FA5];
	_ =	sdelay $0x3  }
0x33: {  	p0 =	seq.s32 s10, $0x1;
	s10 =	sld [smem:$0x3FA7];
	_ =	sdelay $0x3  }
0x34: {  	[smem:$0x3FA7] =	sst s10  }
0x35: {  	s10 =	sld [smem:$0x3FA6];
	_ =	sdelay $0x3  }
0x36: {  	p1 =	seq.s32 s10, $0x1;
	s10 =	sld [smem:$0x3FA7];
	_ =	sdelay $0x3  }
0x37: {  	[smem:$0x3FA7] =	sst s10  }
0x38: {  	s10 =	sld [smem:$0x3FA8]  }
0x39: {  	_ = 	snop;
	(pc) =	sbr.ind lr, $3  }
0x3a: {  	_ = 	snop  }
0x3b: {  	_ = 	snop  }
0x3c: {  	p2 =	seq.s32 s10, $0x1;
	s10 =	sld [smem:$0x3FA7]  }
0x3d: {  	_ =	shalt  }
0x3e: {  	_ =	shalt  }
0x3f: {  	_ =	shalt  }
0x40: {  	_ =	shalt  }
0x41: {  	_ =	shalt  }
0x42: {  	_ =	shalt  }
0x43: {  	_ =	shalt  }
0x44: {  	_ =	shalt  }
0x45: {  	_ =	shalt  }
0x46: {  	_ =	shalt  }
0x47: {  	_ =	shalt  }
0x48: {  	_ =	shalt  }
0x49: {  	_ =	shalt  }
0x4a: {  	_ =	shalt  }
0x4b: {  	_ =	shalt  }
0x4c: {  	_ =	shalt  }
0x4d: {  	_ =	shalt  }
0x4e: {  	_ =	shalt  }
0x4f: {  	_ =	shalt  }
0x50: {  	_ =	shalt  }
0x51: {  	_ =	shalt  }
0x52: {  	_ =	shalt  }
0x53: {  	_ =	shalt  }
0x54: {  	_ =	shalt  }
0x55: {  	_ =	shalt  }
0x56: {  	_ =	shalt  }
0x57: {  	_ =	shalt  }
0x58: {  	_ =	shalt  }
0x59: {  	_ =	shalt  }
0x5a: {  	_ =	shalt  }
0x5b: {  	_ =	shalt  }
0x5c: {  	_ =	shalt  }
0x5d: {  	_ =	shalt  }
0x5e: {  	_ =	shalt  }
0x5f: {  	_ =	shalt  }
0x60: {  	_ =	shalt  }
0x61: {  	_ =	shalt  }
0x62: {  	_ =	shalt  }
0x63: {  	_ =	shalt  }
0x64: {  	_ =	shalt  }
0x65: {  	_ =	shalt  }
0x66: {  	_ =	shalt  }
0x67: {  	_ =	shalt  }
0x68: {  	_ =	shalt  }
0x69: {  	_ =	shalt  }
0x6a: {  	_ =	shalt  }
0x6b: {  	_ =	shalt  }
0x6c: {  	_ =	shalt  }
0x6d: {  	_ =	shalt  }
0x6e: {  	_ =	shalt  }
0x6f: {  	_ =	shalt  }
0x70: {  	_ =	shalt  }
0x71: {  	_ =	shalt  }
0x72: {  	_ =	shalt  }
0x73: {  	_ =	shalt  }
0x74: {  	_ =	shalt  }
0x75: {  	_ =	shalt  }
0x76: {  	_ =	shalt  }
0x77: {  	_ =	shalt  }
0x78: {  	_ =	shalt  }
0x79: {  	_ =	shalt  }
0x7a: {  	_ =	shalt  }
0x7b: {  	_ =	shalt  }
0x7c: {  	_ =	shalt  }
0x7d: {  	_ =	shalt  }
0x7e: {  	_ =	shalt  }
0x7f: {  	_ =	shalt  }
0x80: {  	_ =	shalt  }
0x81: {  	_ =	shalt  }
0x82: {  	_ =	shalt  }
0x83: {  	_ =	shalt  }
0x84: {  	_ =	shalt  }
0x85: {  	_ =	shalt  }
0x86: {  	_ =	shalt  }
0x87: {  	_ =	shalt  }
.Lfunc_end0:
.L_simem_size_0:
called_computation.2_lowered:
.L_overlay_start_0:
0x88: {  	s2 =	sld [smem:$0x3FD9]  }
0x89: {  	s3 =	sld [smem:$0x3FFE];
	_ =	sdelay $0x1  }
0x8a: {  	s1 =	srdreg.scid  }
0x8b: {  	s0 =	sand.u32 $0x1, s1  }
0x8c: {  	s16 =	sshll.u32 s0, $0xA;
	s2 =	sadd.s32 s3, s2  }
0x8d: {  	s2 =	sadd.s32 s2, s16  }
0x8e: {  	[smem:$0x3FB3] =	sst s2  }
0x8f: {  	_ = 	snop  }
0x90: {  	(tm) =	ssettm $0x1  }
0x91: {  	s17 =	sld [smem:$0x3FFB];
	_ =	sdelay $0x3  }
0x92: {  	_ =	strace s17  }
0x93: {  	s2 =	sld [smem:$0x3FFC];
	_ =	sdelay $0x3  }
0x94: {  	_ =	strace s2  }
0x95: {  	s2 =	sld [smem:$0x3FFD];
	_ =	sdelay $0x3  }
0x96: {  	_ =	strace s2  }
0x97: {  	_ =	strace $0x8FFFFFFF  }
0x98: {  	s18 =	sld [smem:$0x3FDB];
	_ =	sdelay $0x1  }
0x99: {  	s19 =	simm.s32 $_scs_section_size  }
0x9a: {  	s4 =	simm.s32 $_size__tile_overlayer_lowered;
	s5 =	simm.s32 $_tile_overlayer_lowered  }
0x9b: {  	s22 =	simm.s32 $0x1BFF;
	s21 =	sshll.u32 s5, $0x1;
	s2 =	sadd.s32 s19, s18  }
0x9c: {  	s6 =	simm.s32 $0x0;
	s20 =	sshll.u32 s4, $0x1;
	s4 =	sadd.s32 s21, s2  }
0x9d: {  	[timem:s6], [sflag:s22] =	dma.local [hbm:s4], s20  }
0x9e: {  	_ =	swait.ge [sflag:s22], s20  }
0x9f: {  	s3 =	ssub.s32 $0x0, s20;
	[sflag:s22] =	ssyncset.done $0x0  }
0xa0: {  	[sflag:s22] =	ssyncadd.s32 s3;
	_ =	sdelay $0x1  }
0xa1: {  	s23 =	simm.s32 $0x1B8B  }
0xa2: {  	_ =	swait.ge [sflag:s23], $0x1  }
0xa3: {  	[sflag:s23] =	ssyncset.done $0x0  }
0xa4: {  	s25 =	simm.s32 $0x1B8E;
	s24 =	sld [smem:$0x3FFE];
	[sflag:s23] =	ssyncadd.s32 $0xFFFFFFFF  }
0xa5: {  	s26 =	simm.s32 $execute0_lowered;
	[smem:$0x3FD2] =	sst s25  }
0xa6: {  	s4 =	sshll.u32 s26, $0x1;
	_ =	strace $0x8000004C;
	[dreg:$0x1] =	wrdreg $0xFFFFFFFF  }
0xa7: {  	s28 =	simm.s32 $_size_execute0_lowered;
	s2 =	sadd.s32 s2, s4;
	[dreg:$0x0] =	wrdreg $0x0  }
0xa8: {  	s4 =	sshll.u32 s28, $0x1;
	[dreg:$0x2] =	wrdreg s2  }
0xa9: {  	[dreg:$0x3] =	wrdreg s4  }
0xaa: {  	[dreg:$0x4] =	wrdreg $0xC0  }
0xab: {  	_ =	task [dreg:s6], $0x5FFFF  }
0xac: {  	[dreg:$0x1] =	wrdreg $0xFFFFFFFF  }
0xad: {  	[dreg:$0x0] =	wrdreg $0x60  }
0xae: {  	[dreg:$0x2] =	wrdreg s24  }
0xaf: {  	[dreg:$0x3] =	wrdreg $0x15F000  }
0xb0: {  	[dreg:$0x4] =	wrdreg $0x9  }
0xb1: {  	_ =	task.clear_ibuf [dreg:s6], $0x5FFFF;
	_ =	strace $0x9000004C  }
0xb2: {  	s29 =	simm.s32 $0x9;
	_ =	strace $0x8000004E  }
0xb3: {  	_ =	swait.ge [sflag:s29], $0x1  }
0xb4: {  	[sflag:s29] =	ssyncadd.s32 $0xFFFFFFFF  }
0xb5: {  	_ =	strace $0x9000004E  }
0xb6: {  	_ =	sfence  }
0xb7: {  	s30 =	sld [smem:$0x0];
	_ =	sdelay $0x2  }
0xb8: {  	s31 =	sshll.u32 s1, $0xD;
	s1 =	sshrl.u32 s1, $0x2  }
0xb9: {  	s3 =	sand.u32 $0x4000, s31;
	s1 =	sadd.s32 s1, s30  }
0xba: {  	s0 =	sor.u32 s3, s0;
	s1 =	sshll.u32 s1, $0x11  }
0xbb: {  	s0 =	sor.u32 s1, s0  }
0xbc: {  	s0 =	sadd.s32 $0x8F2B, s0  }
0xbd: {  	[sflag:s0] =	ssyncadd.remote.s32 $0x1  }
0xbe: {  	_ =	sfence.sel $0xFFFF  }
0xbf: {  	[dreg:$0x0] =	wrdreg $0xFFFFFFFF;
	(pc) =	sbr.abs _section_cstart, $3  }
0xc0: {  	[dreg:$0x1] =	wrdreg $0xFFFFFFFF  }
0xc1: {  	_ =	task.clear_ibuf [dreg:s6], $0x2FFFF;
	_ =	strace $0x9FFFFFFF  }
0xc2: {  	(tm) =	ssettm $0x7FFFFFFF  }
0xc3: {  	_ =	shalt  }
tec
execute0_lowered:
.L_overlay_start_1:
0x0: {  	(tag) =	ssettag $0x1  }
0x1: {  	s1 =	srdreg.scid  }
0x2: {  	s0 =	stileid.u32;
	s6 =	rddreg [dreg:$0x0]  }
0x3: {  	s2 =	rddreg [dreg:$0x1];
	s3 =	simm.s32 $0x0;
	s14 =	simm.s32 $0x4E80  }
0x4: {  	s15 =	simm.s32 $0xEF00;
	s16 =	simm.s32 $0x50;
	s17 =	simm.s32 $0x9D00  }
0x5: {  	s18 =	simm.s32 $0x9F00;
	s19 =	simm.s32 $0x9E00;
	s20 =	simm.s32 $0xC700  }
0x6: {  	s21 =	simm.s32 $0x1;
	s22 =	simm.s32 $0x9D80;
	s23 =	simm.s32 $0x2  }
0x7: {  	s24 =	simm.s32 $0x9E80;
	s25 =	simm.s32 $0x0;
	s5 =	sand.u32 $0x1, s1  }
0x8: {  	s29 =	sshll.u32 s0, $0x1;
	s8 =	smul.u32 $0xE0, s0;
	[smem:$0x7FF] =	sst s3  }
0x9: {  	s4 =	sadd.s32 $0x2D000, s6;
	s11 =	smul.u32 $0x1C000, s0;
	s1 =	sor.u32 s5, s29  }
0xa: {  	s9 =	smul.u32 $0x2A00, s5;
	s30 =	ssub.s32 $0x2, s5;
	s5 =	sadd.s32 $0x2C200, s6  }
0xb: {  	s7 =	smul.u32 $0x9C4, s1;
	s1 =	rddreg [dreg:$0x2];
	_ =	strace $0x8000004D  }
0xc: {  	s10 =	sshrl.u32 s30, $0x1;
	s31 =	sshrl.u32 s11, $0x2;
	s8 =	sadd.s32 s8, s9  }
0xd: {  	s13 =	ssub.s32 s30, s10;
	s7 =	sadd.s32 s7, s6;
	s8 =	sshll.u32 s8, $0x4  }
0xe: {  	s12 =	sadd.s32 s8, s6;
	s6 =	sadd.s32 $0x18800, s7;
	s7 =	sadd.s32 $0x4E00, s7  }
0xf: {  	s8 =	sadd.s32 s31, s2;
	s9 =	sadd.s32 $0xD5600, s12;
	s10 =	sadd.s32 $0xE3600, s12  }
0x10: {  	s11 =	sadd.s32 $0xF1600, s12;
	s12 =	smax.u32 s13, $0x1;
	s13 =	simm.s32 $0x3  }
.LBB2_1:
0x11: {  	[tilespmem:s3], [sflag:$0x3] =	stream.linear.gather [hbm4b:s6+s3], $0x4E20, $0x38;
	[tilespmem:$0x1CF00] =	vst v63  }
0x12: {  	_ =	swait.ge [sflag:s13], $0x4E20  }
0x13: {  	[sflag:s13] =	ssyncset.done $0x0  }
0x14: {  	[sflag:s13] =	ssyncadd.s32 $0xFFFFB1E0  }
0x15: {  	[tilespmem:s14], [sflag:$0x3] =	stream.linear.gather [hbm4b:s7+s3], $0x4E20, $0x38;
	[tilespmem:$0x1CF00] =	vst v63  }
0x16: {  	_ =	swait.ge [sflag:s13], $0x4E20  }
0x17: {  	[sflag:s13] =	ssyncset.done $0x0  }
0x18: {  	[sflag:s13] =	ssyncadd.s32 $0xFFFFB1E0  }
0x19: {  	[tilespmem:s15], [sflag:$0x3] =	stream.linear.gather [hbm4b:s5+s3], $0x7000, $0x38;
	[tilespmem:$0x1CF00] =	vst v63  }
0x1a: {  	_ =	swait.ge [sflag:s13], $0x7000  }
0x1b: {  	[sflag:s13] =	ssyncset.done $0x0  }
0x1c: {  	[sflag:s13] =	ssyncadd.s32 $0xFFFF9000  }
0x1d: {  	[spmem:s8] =	stream.linear.scatter [tilespmem:s15], [sflag:$0x3], $0x7000, $0x38;
	[tilespmem:$0x1CF00] =	vst v63  }
0x1e: {  	_ =	swait.ge [sflag:s13], $0x7000  }
0x1f: {  	[sflag:s13] =	ssyncset.done $0x0  }
0x20: {  	[sflag:s13] =	ssyncadd.s32 $0xFFFF9000  }
0x21: {  	s26 =	simm.s32 $0x90;
	[bflag:$0x0] =	sbarrier.arrive $0xFFFF  }
0x22: {  	v0 =	vld [tilespmem:s26+$0x4DF0]  }
0x23: {  	v1 =	vld [tilespmem:s26+$0xFFFFFF70];
	_ =	sdelay $0x3  }
0x24: {  	vm0 =	vlt.u32 v0, $0xE00  }
0x25: {  	v1 =	vnsel vm0, $0xFFFFFFFF, v1  }
0x26: {  	v0 =	vnsel vm0, $0xFFFFFFFF, v0;
	[tilespmem:$0x9D00] =	vst v1  }
0x27: {  	[tilespmem:$0x9D80] =	vst v0  }
0x28: {  	v0 =	vld [tilespmem:s26+$0x4E00]  }
0x29: {  	v1 =	vld [tilespmem:s26+$0xFFFFFF80];
	_ =	sdelay $0x3  }
0x2a: {  	vm7 =	vlt.u32 v0, $0xE00  }
0x2b: {  	v1 =	vnsel vm7, $0xFFFFFFFF, v1  }
0x2c: {  	v0 =	vnsel vm7, $0xFFFFFFFF, v0;
	[tilespmem:$0x9D10] =	vst v1  }
0x2d: {  	[tilespmem:$0x9D90] =	vst v0  }
0x2e: {  	v0 =	vld [tilespmem:s26+$0x4E10]  }
0x2f: {  	v1 =	vld [tilespmem:s26+$0xFFFFFF90];
	_ =	sdelay $0x3  }
0x30: {  	vm8 =	vlt.u32 v0, $0xE00  }
0x31: {  	v1 =	vnsel vm8, $0xFFFFFFFF, v1  }
0x32: {  	v0 =	vnsel vm8, $0xFFFFFFFF, v0;
	[tilespmem:$0x9D20] =	vst v1  }
0x33: {  	[tilespmem:$0x9DA0] =	vst v0  }
0x34: {  	v0 =	vld [tilespmem:s26+$0x4E20]  }
0x35: {  	v1 =	vld [tilespmem:s26+$0xFFFFFFA0];
	_ =	sdelay $0x3  }
0x36: {  	vm9 =	vlt.u32 v0, $0xE00  }
0x37: {  	v1 =	vnsel vm9, $0xFFFFFFFF, v1  }
0x38: {  	v0 =	vnsel vm9, $0xFFFFFFFF, v0;
	[tilespmem:$0x9D30] =	vst v1  }
0x39: {  	[tilespmem:$0x9DB0] =	vst v0  }
0x3a: {  	v0 =	vld [tilespmem:s26+$0x4E30]  }
0x3b: {  	v1 =	vld [tilespmem:s26+$0xFFFFFFB0];
	_ =	sdelay $0x3  }
0x3c: {  	vm10 =	vlt.u32 v0, $0xE00  }
0x3d: {  	v1 =	vnsel vm10, $0xFFFFFFFF, v1  }
0x3e: {  	v0 =	vnsel vm10, $0xFFFFFFFF, v0;
	[tilespmem:$0x9D40] =	vst v1  }
0x3f: {  	[tilespmem:$0x9DC0] =	vst v0;
	(ifvalue) =	ssetifvalue $0xFFFFFFFF  }
0x40: {  	(ifvalue) =	ssetifvalue $0xFFFFFFFF  }
0x41: {  	[tilespmem:s18], [sflag:$0x1] =	stream.indirect.gather [hbm4b:s4+s16], $0x80, s17, s16, $0x40b8;
	[tilespmem:$0x1CF00] =	vst v63  }
0x42: {  	v62 =	vld [tilespmem:s26+$0x4E40]  }
0x43: {  	v63 =	vld [tilespmem:s26+$0xFFFFFFC0];
	_ =	sdelay $0x3  }
0x44: {  	vm11 =	vlt.u32 v62, $0xE00  }
0x45: {  	v1 =	vnsel vm11, $0xFFFFFFFF, v63  }
0x46: {  	v0 =	vnsel vm11, $0xFFFFFFFF, v62;
	[tilespmem:$0x9E00] =	vst v1  }
0x47: {  	[tilespmem:$0x9E80] =	vst v0  }
0x48: {  	v0 =	vld [tilespmem:s26+$0x4E50]  }
0x49: {  	v1 =	vld [tilespmem:s26+$0xFFFFFFD0];
	_ =	sdelay $0x3  }
0x4a: {  	vm12 =	vlt.u32 v0, $0xE00  }
0x4b: {  	v1 =	vnsel vm12, $0xFFFFFFFF, v1  }
0x4c: {  	v0 =	vnsel vm12, $0xFFFFFFFF, v0;
	[tilespmem:$0x9E10] =	vst v1  }
0x4d: {  	[tilespmem:$0x9E90] =	vst v0  }
0x4e: {  	v0 =	vld [tilespmem:s26+$0x4E60]  }
0x4f: {  	v1 =	vld [tilespmem:s26+$0xFFFFFFE0];
	_ =	sdelay $0x3  }
0x50: {  	vm13 =	vlt.u32 v0, $0xE00  }
0x51: {  	v1 =	vnsel vm13, $0xFFFFFFFF, v1  }
0x52: {  	v0 =	vnsel vm13, $0xFFFFFFFF, v0;
	[tilespmem:$0x9E20] =	vst v1  }
0x53: {  	[tilespmem:$0x9EA0] =	vst v0  }
0x54: {  	v0 =	vld [tilespmem:s26+$0x4E70]  }
0x55: {  	v1 =	vld [tilespmem:s26+$0xFFFFFFF0];
	_ =	sdelay $0x3  }
0x56: {  	vm14 =	vlt.u32 v0, $0xE00  }
0x57: {  	v1 =	vnsel vm14, $0xFFFFFFFF, v1  }
0x58: {  	v0 =	vnsel vm14, $0xFFFFFFFF, v0;
	[tilespmem:$0x9E30] =	vst v1  }
0x59: {  	[tilespmem:$0x9EB0] =	vst v0  }
0x5a: {  	v0 =	vld [tilespmem:s26+$0x4E80]  }
0x5b: {  	v1 =	vld [tilespmem:s26+$0x0];
	_ =	sdelay $0x3  }
0x5c: {  	vm15 =	vlt.u32 v0, $0xE00  }
0x5d: {  	v1 =	vnsel vm15, $0xFFFFFFFF, v1  }
0x5e: {  	v0 =	vnsel vm15, $0xFFFFFFFF, v0;
	[tilespmem:$0x9E40] =	vst v1  }
0x5f: {  	[tilespmem:$0x9EC0] =	vst v0;
	(ifvalue) =	ssetifvalue $0xFFFFFFFF  }
0x60: {  	(ifvalue) =	ssetifvalue $0xFFFFFFFF  }
0x61: {  	[tilespmem:s20], [sflag:$0x2] =	stream.indirect.gather [hbm4b:s4+s16], $0x80, s19, s16, $0x40b8;
	[tilespmem:$0x1CF00] =	vst v63  }
0x62: {  	_ =	swait.ge [sflag:s21], $0x2800  }
0x63: {  	[sflag:s21] =	ssyncset.done $0x0  }
0x64: {  	s26 =	simm.s32 $0x4C0;
	[sflag:s21] =	ssyncadd.s32 $0xFFFFD800;
	(ifvalue) =	ssetifvalue $0xFFFFFFFF  }
0x65: {  	[spmem:s2] =	stream.indirect.scatter.add.f32 [tilespmem:s18], [sflag:$0x3], $0x80, s22, s16, $0x40b8;
	[tilespmem:$0x1CF00] =	vst v63  }
.LBB2_2:
0x66: {  	p0 =	sne.s32 s26, $0x13840  }
0x67: {  	_ =	swait.ge [sflag:s13], $0x2800;
	s28 =	smov.u32 s26;
	s26 =	sadd.s32 $0x280, s26  }
0x68: {  	[sflag:s13] =	ssyncset.done $0x0  }
0x69: {  	[sflag:s13] =	ssyncadd.s32 $0xFFFFD800  }
0x6a: {  	_ =	swait.ge [sflag:s23], $0x2800  }
0x6b: {  	[sflag:s23] =	ssyncset.done $0x0  }
0x6c: {  	[sflag:s23] =	ssyncadd.s32 $0xFFFFD800  }
0x6d: {  	(ifvalue) =	ssetifvalue $0xFFFFFFFF  }
0x6e: {  	[spmem:s2] =	stream.indirect.scatter.add.f32 [tilespmem:s20], [sflag:$0x3], $0x80, s24, s16, $0x40b8;
	[tilespmem:$0x1CF00] =	vst v63  }
0x6f: {  	_ =	swait.ge [sflag:s13], $0x2800  }
0x70: {  	[sflag:s13] =	ssyncset.done $0x0  }
0x71: {  	s28 =	sshra.s32 s28, $0x2;
	[sflag:s13] =	ssyncadd.s32 $0xFFFFD800  }
0x72: {  	v0 =	vld [tilespmem:s28+$0x4DF0]  }
0x73: {  	v1 =	vld [tilespmem:s28+$0xFFFFFF70];
	_ =	sdelay $0x3  }
0x74: {  	vm0 =	vlt.u32 v0, $0xE00  }
0x75: {  	v1 =	vnsel vm0, $0xFFFFFFFF, v1;
	v0 =	vnsel vm0, $0xFFFFFFFF, v0  }
0x76: {  	[tilespmem:$0x9D00] =	vst v1  }
0x77: {  	[tilespmem:$0x9D80] =	vst v0  }
0x78: {  	v0 =	vld [tilespmem:s28+$0x4E00]  }
0x79: {  	v1 =	vld [tilespmem:s28+$0xFFFFFF80];
	_ =	sdelay $0x3  }
0x7a: {  	vm0 =	vlt.u32 v0, $0xE00  }
0x7b: {  	v1 =	vnsel vm0, $0xFFFFFFFF, v1;
	v0 =	vnsel vm0, $0xFFFFFFFF, v0  }
0x7c: {  	[tilespmem:$0x9D10] =	vst v1  }
0x7d: {  	[tilespmem:$0x9D90] =	vst v0  }
0x7e: {  	v0 =	vld [tilespmem:s28+$0x4E10]  }
0x7f: {  	v1 =	vld [tilespmem:s28+$0xFFFFFF90];
	_ =	sdelay $0x3  }
0x80: {  	vm0 =	vlt.u32 v0, $0xE00  }
0x81: {  	v1 =	vnsel vm0, $0xFFFFFFFF, v1;
	v0 =	vnsel vm0, $0xFFFFFFFF, v0  }
0x82: {  	[tilespmem:$0x9D20] =	vst v1  }
0x83: {  	[tilespmem:$0x9DA0] =	vst v0  }
0x84: {  	v0 =	vld [tilespmem:s28+$0x4E20]  }
0x85: {  	v1 =	vld [tilespmem:s28+$0xFFFFFFA0];
	_ =	sdelay $0x3  }
0x86: {  	vm0 =	vlt.u32 v0, $0xE00  }
0x87: {  	v1 =	vnsel vm0, $0xFFFFFFFF, v1;
	v0 =	vnsel vm0, $0xFFFFFFFF, v0  }
0x88: {  	[tilespmem:$0x9D30] =	vst v1  }
0x89: {  	[tilespmem:$0x9DB0] =	vst v0  }
0x8a: {  	v0 =	vld [tilespmem:s28+$0x4E30]  }
0x8b: {  	v1 =	vld [tilespmem:s28+$0xFFFFFFB0];
	_ =	sdelay $0x3  }
0x8c: {  	vm0 =	vlt.u32 v0, $0xE00  }
0x8d: {  	v1 =	vnsel vm0, $0xFFFFFFFF, v1;
	v0 =	vnsel vm0, $0xFFFFFFFF, v0  }
0x8e: {  	[tilespmem:$0x9D40] =	vst v1  }
0x8f: {  	[tilespmem:$0x9DC0] =	vst v0  }
0x90: {  	(ifvalue) =	ssetifvalue $0xFFFFFFFF  }
0x91: {  	(ifvalue) =	ssetifvalue $0xFFFFFFFF  }
0x92: {  	[tilespmem:s18], [sflag:$0x1] =	stream.indirect.gather [hbm4b:s4+s16], $0x80, s17, s16, $0x40b8;
	[tilespmem:$0x1CF00] =	vst v63  }
0x93: {  	v0 =	vld [tilespmem:s28+$0x4E40]  }
0x94: {  	v1 =	vld [tilespmem:s28+$0xFFFFFFC0];
	_ =	sdelay $0x3  }
0x95: {  	vm0 =	vlt.u32 v0, $0xE00  }
0x96: {  	v1 =	vnsel vm0, $0xFFFFFFFF, v1;
	v0 =	vnsel vm0, $0xFFFFFFFF, v0  }
0x97: {  	[tilespmem:$0x9E00] =	vst v1  }
0x98: {  	[tilespmem:$0x9E80] =	vst v0  }
0x99: {  	v0 =	vld [tilespmem:s28+$0x4E50]  }
0x9a: {  	v1 =	vld [tilespmem:s28+$0xFFFFFFD0];
	_ =	sdelay $0x3  }
0x9b: {  	vm0 =	vlt.u32 v0, $0xE00  }
0x9c: {  	v1 =	vnsel vm0, $0xFFFFFFFF, v1;
	v0 =	vnsel vm0, $0xFFFFFFFF, v0  }
0x9d: {  	[tilespmem:$0x9E10] =	vst v1  }
0x9e: {  	[tilespmem:$0x9E90] =	vst v0  }
0x9f: {  	v0 =	vld [tilespmem:s28+$0x4E60]  }
0xa0: {  	v1 =	vld [tilespmem:s28+$0xFFFFFFE0];
	_ =	sdelay $0x3  }
0xa1: {  	vm0 =	vlt.u32 v0, $0xE00  }
0xa2: {  	v1 =	vnsel vm0, $0xFFFFFFFF, v1;
	v0 =	vnsel vm0, $0xFFFFFFFF, v0  }
0xa3: {  	[tilespmem:$0x9E20] =	vst v1  }
0xa4: {  	[tilespmem:$0x9EA0] =	vst v0  }
0xa5: {  	v0 =	vld [tilespmem:s28+$0x4E70]  }
0xa6: {  	v1 =	vld [tilespmem:s28+$0xFFFFFFF0];
	_ =	sdelay $0x3  }
0xa7: {  	vm0 =	vlt.u32 v0, $0xE00  }
0xa8: {  	v1 =	vnsel vm0, $0xFFFFFFFF, v1;
	v0 =	vnsel vm0, $0xFFFFFFFF, v0  }
0xa9: {  	[tilespmem:$0x9E30] =	vst v1  }
0xaa: {  	[tilespmem:$0x9EB0] =	vst v0  }
0xab: {  	v0 =	vld [tilespmem:s28+$0x4E80]  }
0xac: {  	v1 =	vld [tilespmem:s28+$0x0];
	_ =	sdelay $0x3  }
0xad: {  	vm0 =	vlt.u32 v0, $0xE00  }
0xae: {  	v1 =	vnsel vm0, $0xFFFFFFFF, v1;
	v0 =	vnsel vm0, $0xFFFFFFFF, v0  }
0xaf: {  	[tilespmem:$0x9E40] =	vst v1  }
0xb0: {  	[tilespmem:$0x9EC0] =	vst v0  }
0xb1: {  	(ifvalue) =	ssetifvalue $0xFFFFFFFF  }
0xb2: {  	(ifvalue) =	ssetifvalue $0xFFFFFFFF  }
0xb3: {  	[tilespmem:s20], [sflag:$0x2] =	stream.indirect.gather [hbm4b:s4+s16], $0x80, s19, s16, $0x40b8;
	[tilespmem:$0x1CF00] =	vst v63  }
.Ltmp0:
0xb4: {  	_ =	swait.ge [sflag:s21], $0x2800;
	(pc) =	sbr.rel @p0 .LBB2_2-.Ltmp0, $4  }
0xb5: {  	[sflag:s21] =	ssyncset.done $0x0  }
0xb6: {  	[sflag:s21] =	ssyncadd.s32 $0xFFFFD800  }
0xb7: {  	(ifvalue) =	ssetifvalue $0xFFFFFFFF  }
0xb8: {  	[spmem:s2] =	stream.indirect.scatter.add.f32 [tilespmem:s18], [sflag:$0x3], $0x80, s22, s16, $0x40b8;
	[tilespmem:$0x1CF00] =	vst v63  }
0xb9: {  	_ =	swait.ge [sflag:s13], $0x2800  }
0xba: {  	[sflag:s13] =	ssyncset.done $0x0  }
0xbb: {  	[sflag:s13] =	ssyncadd.s32 $0xFFFFD800  }
0xbc: {  	_ =	swait.ge [sflag:s23], $0x2800  }
0xbd: {  	[sflag:s23] =	ssyncset.done $0x0  }
0xbe: {  	[sflag:s23] =	ssyncadd.s32 $0xFFFFD800;
	(ifvalue) =	ssetifvalue $0xFFFFFFFF  }
0xbf: {  	[spmem:s2] =	stream.indirect.scatter.add.f32 [tilespmem:s20], [sflag:$0x3], $0x80, s24, s16, $0x40b8;
	[tilespmem:$0x1CF00] =	vst v63  }
0xc0: {  	_ =	swait.ge [sflag:s13], $0x2800  }
0xc1: {  	[sflag:s13] =	ssyncset.done $0x0  }
0xc2: {  	[sflag:s13] =	ssyncadd.s32 $0xFFFFD800  }
0xc3: {  	[bflag:$0x0] =	sbarrier.arrive $0xFFFF  }
0xc4: {  	[tilespmem:s15], [sflag:$0x3] =	stream.linear.gather [spmem:s8], $0x7000, $0x38;
	[tilespmem:$0x1CF00] =	vst v63  }
0xc5: {  	_ =	swait.ge [sflag:s13], $0x7000  }
0xc6: {  	[sflag:s13] =	ssyncset.done $0x0  }
0xc7: {  	[sflag:s13] =	ssyncadd.s32 $0xFFFF9000  }
0xc8: {  	[hbm4b:s9+s3] =	stream.linear.scatter [tilespmem:s15], [sflag:$0x3], $0x7000, $0x38;
	[tilespmem:$0x1CF00] =	vst v63  }
0xc9: {  	_ =	swait.ge [sflag:s13], $0x7000  }
0xca: {  	[sflag:s13] =	ssyncset.done $0x0  }
0xcb: {  	[sflag:s13] =	ssyncadd.s32 $0xFFFF9000  }
0xcc: {  	[bflag:$0x0] =	sbarrier.arrive $0xFFFF  }
0xcd: {  	[tilespmem:s15], [sflag:$0x3] =	stream.linear.gather [hbm4b:s5+s3], $0x7000, $0x38;
	[tilespmem:$0x1CF00] =	vst v63  }
0xce: {  	_ =	swait.ge [sflag:s13], $0x7000  }
0xcf: {  	[sflag:s13] =	ssyncset.done $0x0  }
0xd0: {  	[sflag:s13] =	ssyncadd.s32 $0xFFFF9000  }
0xd1: {  	[spmem:s8] =	stream.linear.scatter [tilespmem:s15], [sflag:$0x3], $0x7000, $0x38;
	[tilespmem:$0x1CF00] =	vst v63  }
0xd2: {  	_ =	swait.ge [sflag:s13], $0x7000  }
0xd3: {  	[sflag:s13] =	ssyncset.done $0x0  }
0xd4: {  	[sflag:s13] =	ssyncadd.s32 $0xFFFF9000  }
0xd5: {  	s26 =	simm.s32 $0x90;
	[bflag:$0x0] =	sbarrier.arrive $0xFFFF  }
0xd6: {  	v0 =	vld [tilespmem:s26+$0x4DF0];
	_ =	sdelay $0x1  }
0xd7: {  	v1 =	vld [tilespmem:s26+$0xFFFFFF70];
	_ =	sdelay $0x2  }
0xd8: {  	v0 =	vadd.s32 $0xFFFFF200, v0  }
0xd9: {  	vm0 =	vlt.u32 v0, $0xE00  }
0xda: {  	v1 =	vnsel vm0, $0xFFFFFFFF, v1  }
0xdb: {  	v0 =	vnsel vm0, $0xFFFFFFFF, v0;
	[tilespmem:$0x9D00] =	vst v1  }
0xdc: {  	[tilespmem:$0x9D80] =	vst v0  }
0xdd: {  	v0 =	vld [tilespmem:s26+$0x4E00];
	_ =	sdelay $0x1  }
0xde: {  	v1 =	vld [tilespmem:s26+$0xFFFFFF80];
	_ =	sdelay $0x2  }
0xdf: {  	v0 =	vadd.s32 $0xFFFFF200, v0  }
0xe0: {  	vm7 =	vlt.u32 v0, $0xE00  }
0xe1: {  	v1 =	vnsel vm7, $0xFFFFFFFF, v1  }
0xe2: {  	v0 =	vnsel vm7, $0xFFFFFFFF, v0;
	[tilespmem:$0x9D10] =	vst v1  }
0xe3: {  	[tilespmem:$0x9D90] =	vst v0  }
0xe4: {  	v0 =	vld [tilespmem:s26+$0x4E10];
	_ =	sdelay $0x1  }
0xe5: {  	v1 =	vld [tilespmem:s26+$0xFFFFFF90];
	_ =	sdelay $0x2  }
0xe6: {  	v0 =	vadd.s32 $0xFFFFF200, v0  }
0xe7: {  	vm8 =	vlt.u32 v0, $0xE00  }
0xe8: {  	v1 =	vnsel vm8, $0xFFFFFFFF, v1  }
0xe9: {  	v0 =	vnsel vm8, $0xFFFFFFFF, v0;
	[tilespmem:$0x9D20] =	vst v1  }
0xea: {  	[tilespmem:$0x9DA0] =	vst v0  }
0xeb: {  	v0 =	vld [tilespmem:s26+$0x4E20];
	_ =	sdelay $0x1  }
0xec: {  	v1 =	vld [tilespmem:s26+$0xFFFFFFA0];
	_ =	sdelay $0x2  }
0xed: {  	v0 =	vadd.s32 $0xFFFFF200, v0  }
0xee: {  	vm9 =	vlt.u32 v0, $0xE00  }
0xef: {  	v1 =	vnsel vm9, $0xFFFFFFFF, v1  }
0xf0: {  	v0 =	vnsel vm9, $0xFFFFFFFF, v0;
	[tilespmem:$0x9D30] =	vst v1  }
0xf1: {  	[tilespmem:$0x9DB0] =	vst v0  }
0xf2: {  	v0 =	vld [tilespmem:s26+$0x4E30];
	_ =	sdelay $0x1  }
0xf3: {  	v1 =	vld [tilespmem:s26+$0xFFFFFFB0];
	_ =	sdelay $0x2  }
0xf4: {  	v0 =	vadd.s32 $0xFFFFF200, v0  }
0xf5: {  	vm10 =	vlt.u32 v0, $0xE00  }
0xf6: {  	v1 =	vnsel vm10, $0xFFFFFFFF, v1  }
0xf7: {  	v0 =	vnsel vm10, $0xFFFFFFFF, v0;
	[tilespmem:$0x9D40] =	vst v1  }
0xf8: {  	[tilespmem:$0x9DC0] =	vst v0;
	(ifvalue) =	ssetifvalue $0xFFFFFFFF  }
0xf9: {  	(ifvalue) =	ssetifvalue $0xFFFFFFFF  }
0xfa: {  	[tilespmem:s18], [sflag:$0x1] =	stream.indirect.gather [hbm4b:s4+s16], $0x80, s17, s16, $0x40b8;
	[tilespmem:$0x1CF00] =	vst v63  }
0xfb: {  	v62 =	vld [tilespmem:s26+$0x4E40];
	_ =	sdelay $0x1  }
0xfc: {  	v63 =	vld [tilespmem:s26+$0xFFFFFFC0];
	_ =	sdelay $0x2  }
0xfd: {  	v0 =	vadd.s32 $0xFFFFF200, v62  }
0xfe: {  	vm11 =	vlt.u32 v0, $0xE00  }
0xff: {  	v1 =	vnsel vm11, $0xFFFFFFFF, v63  }
0x100: {  	v0 =	vnsel vm11, $0xFFFFFFFF, v0;
	[tilespmem:$0x9E00] =	vst v1  }
0x101: {  	[tilespmem:$0x9E80] =	vst v0  }
0x102: {  	v0 =	vld [tilespmem:s26+$0x4E50];
	_ =	sdelay $0x1  }
0x103: {  	v1 =	vld [tilespmem:s26+$0xFFFFFFD0];
	_ =	sdelay $0x2  }
0x104: {  	v0 =	vadd.s32 $0xFFFFF200, v0  }
0x105: {  	vm12 =	vlt.u32 v0, $0xE00  }
0x106: {  	v1 =	vnsel vm12, $0xFFFFFFFF, v1  }
0x107: {  	v0 =	vnsel vm12, $0xFFFFFFFF, v0;
	[tilespmem:$0x9E10] =	vst v1  }
0x108: {  	[tilespmem:$0x9E90] =	vst v0  }
0x109: {  	v0 =	vld [tilespmem:s26+$0x4E60];
	_ =	sdelay $0x1  }
0x10a: {  	v1 =	vld [tilespmem:s26+$0xFFFFFFE0];
	_ =	sdelay $0x2  }
0x10b: {  	v0 =	vadd.s32 $0xFFFFF200, v0  }
0x10c: {  	vm13 =	vlt.u32 v0, $0xE00  }
0x10d: {  	v1 =	vnsel vm13, $0xFFFFFFFF, v1  }
0x10e: {  	v0 =	vnsel vm13, $0xFFFFFFFF, v0;
	[tilespmem:$0x9E20] =	vst v1  }
0x10f: {  	[tilespmem:$0x9EA0] =	vst v0  }
0x110: {  	v0 =	vld [tilespmem:s26+$0x4E70];
	_ =	sdelay $0x1  }
0x111: {  	v1 =	vld [tilespmem:s26+$0xFFFFFFF0];
	_ =	sdelay $0x2  }
0x112: {  	v0 =	vadd.s32 $0xFFFFF200, v0  }
0x113: {  	vm14 =	vlt.u32 v0, $0xE00  }
0x114: {  	v1 =	vnsel vm14, $0xFFFFFFFF, v1  }
0x115: {  	v0 =	vnsel vm14, $0xFFFFFFFF, v0;
	[tilespmem:$0x9E30] =	vst v1  }
0x116: {  	[tilespmem:$0x9EB0] =	vst v0  }
0x117: {  	v0 =	vld [tilespmem:s26+$0x4E80];
	_ =	sdelay $0x1  }
0x118: {  	v1 =	vld [tilespmem:s26+$0x0];
	_ =	sdelay $0x2  }
0x119: {  	v0 =	vadd.s32 $0xFFFFF200, v0  }
0x11a: {  	vm15 =	vlt.u32 v0, $0xE00  }
0x11b: {  	v1 =	vnsel vm15, $0xFFFFFFFF, v1  }
0x11c: {  	v0 =	vnsel vm15, $0xFFFFFFFF, v0;
	[tilespmem:$0x9E40] =	vst v1  }
0x11d: {  	[tilespmem:$0x9EC0] =	vst v0;
	(ifvalue) =	ssetifvalue $0xFFFFFFFF  }
0x11e: {  	(ifvalue) =	ssetifvalue $0xFFFFFFFF  }
0x11f: {  	[tilespmem:s20], [sflag:$0x2] =	stream.indirect.gather [hbm4b:s4+s16], $0x80, s19, s16, $0x40b8;
	[tilespmem:$0x1CF00] =	vst v63  }
0x120: {  	_ =	swait.ge [sflag:s21], $0x2800  }
0x121: {  	[sflag:s21] =	ssyncset.done $0x0  }
0x122: {  	s26 =	simm.s32 $0x4C0;
	[sflag:s21] =	ssyncadd.s32 $0xFFFFD800;
	(ifvalue) =	ssetifvalue $0xFFFFFFFF  }
0x123: {  	[spmem:s2] =	stream.indirect.scatter.add.f32 [tilespmem:s18], [sflag:$0x3], $0x80, s22, s16, $0x40b8;
	[tilespmem:$0x1CF00] =	vst v63  }
.LBB2_4:
0x124: {  	p0 =	sne.s32 s26, $0x13840  }
0x125: {  	_ =	swait.ge [sflag:s13], $0x2800;
	s28 =	smov.u32 s26;
	s26 =	sadd.s32 $0x280, s26  }
0x126: {  	[sflag:s13] =	ssyncset.done $0x0  }
0x127: {  	[sflag:s13] =	ssyncadd.s32 $0xFFFFD800  }
0x128: {  	_ =	swait.ge [sflag:s23], $0x2800  }
0x129: {  	[sflag:s23] =	ssyncset.done $0x0  }
0x12a: {  	[sflag:s23] =	ssyncadd.s32 $0xFFFFD800  }
0x12b: {  	(ifvalue) =	ssetifvalue $0xFFFFFFFF  }
0x12c: {  	[spmem:s2] =	stream.indirect.scatter.add.f32 [tilespmem:s20], [sflag:$0x3], $0x80, s24, s16, $0x40b8;
	[tilespmem:$0x1CF00] =	vst v63  }
0x12d: {  	_ =	swait.ge [sflag:s13], $0x2800  }
0x12e: {  	[sflag:s13] =	ssyncset.done $0x0  }
0x12f: {  	s28 =	sshra.s32 s28, $0x2;
	[sflag:s13] =	ssyncadd.s32 $0xFFFFD800  }
0x130: {  	v0 =	vld [tilespmem:s28+$0x4DF0];
	_ =	sdelay $0x1  }
0x131: {  	v1 =	vld [tilespmem:s28+$0xFFFFFF70];
	_ =	sdelay $0x2  }
0x132: {  	v0 =	vadd.s32 $0xFFFFF200, v0  }
0x133: {  	vm0 =	vlt.u32 v0, $0xE00  }
0x134: {  	v1 =	vnsel vm0, $0xFFFFFFFF, v1;
	v0 =	vnsel vm0, $0xFFFFFFFF, v0  }
0x135: {  	[tilespmem:$0x9D00] =	vst v1  }
0x136: {  	[tilespmem:$0x9D80] =	vst v0  }
0x137: {  	v0 =	vld [tilespmem:s28+$0x4E00];
	_ =	sdelay $0x1  }
0x138: {  	v1 =	vld [tilespmem:s28+$0xFFFFFF80];
	_ =	sdelay $0x2  }
0x139: {  	v0 =	vadd.s32 $0xFFFFF200, v0  }
0x13a: {  	vm0 =	vlt.u32 v0, $0xE00  }
0x13b: {  	v1 =	vnsel vm0, $0xFFFFFFFF, v1;
	v0 =	vnsel vm0, $0xFFFFFFFF, v0  }
0x13c: {  	[tilespmem:$0x9D10] =	vst v1  }
0x13d: {  	[tilespmem:$0x9D90] =	vst v0  }
0x13e: {  	v0 =	vld [tilespmem:s28+$0x4E10];
	_ =	sdelay $0x1  }
0x13f: {  	v1 =	vld [tilespmem:s28+$0xFFFFFF90];
	_ =	sdelay $0x2  }
0x140: {  	v0 =	vadd.s32 $0xFFFFF200, v0  }
0x141: {  	vm0 =	vlt.u32 v0, $0xE00  }
0x142: {  	v1 =	vnsel vm0, $0xFFFFFFFF, v1;
	v0 =	vnsel vm0, $0xFFFFFFFF, v0  }
0x143: {  	[tilespmem:$0x9D20] =	vst v1  }
0x144: {  	[tilespmem:$0x9DA0] =	vst v0  }
0x145: {  	v0 =	vld [tilespmem:s28+$0x4E20]  }
0x146: {  	v1 =	vld [tilespmem:s28+$0xFFFFFFA0];
	_ =	sdelay $0x3  }
0x147: {  	v0 =	vadd.s32 $0xFFFFF200, v0  }
0x148: {  	vm0 =	vlt.u32 v0, $0xE00  }
0x149: {  	v1 =	vnsel vm0, $0xFFFFFFFF, v1;
	v0 =	vnsel vm0, $0xFFFFFFFF, v0  }
0x14a: {  	[tilespmem:$0x9D30] =	vst v1  }
0x14b: {  	[tilespmem:$0x9DB0] =	vst v0  }
0x14c: {  	v0 =	vld [tilespmem:s28+$0x4E30]  }
0x14d: {  	v1 =	vld [tilespmem:s28+$0xFFFFFFB0];
	_ =	sdelay $0x3  }
0x14e: {  	v0 =	vadd.s32 $0xFFFFF200, v0  }
0x14f: {  	vm0 =	vlt.u32 v0, $0xE00  }
0x150: {  	v1 =	vnsel vm0, $0xFFFFFFFF, v1;
	v0 =	vnsel vm0, $0xFFFFFFFF, v0  }
0x151: {  	[tilespmem:$0x9D40] =	vst v1  }
0x152: {  	[tilespmem:$0x9DC0] =	vst v0  }
0x153: {  	(ifvalue) =	ssetifvalue $0xFFFFFFFF  }
0x154: {  	(ifvalue) =	ssetifvalue $0xFFFFFFFF  }
0x155: {  	[tilespmem:s18], [sflag:$0x1] =	stream.indirect.gather [hbm4b:s4+s16], $0x80, s17, s16, $0x40b8;
	[tilespmem:$0x1CF00] =	vst v63  }
0x156: {  	v0 =	vld [tilespmem:s28+$0x4E40];
	_ =	sdelay $0x1  }
0x157: {  	v1 =	vld [tilespmem:s28+$0xFFFFFFC0];
	_ =	sdelay $0x2  }
0x158: {  	v0 =	vadd.s32 $0xFFFFF200, v0  }
0x159: {  	vm0 =	vlt.u32 v0, $0xE00  }
0x15a: {  	v1 =	vnsel vm0, $0xFFFFFFFF, v1;
	v0 =	vnsel vm0, $0xFFFFFFFF, v0  }
0x15b: {  	[tilespmem:$0x9E00] =	vst v1  }
0x15c: {  	[tilespmem:$0x9E80] =	vst v0  }
0x15d: {  	v0 =	vld [tilespmem:s28+$0x4E50];
	_ =	sdelay $0x1  }
0x15e: {  	v1 =	vld [tilespmem:s28+$0xFFFFFFD0];
	_ =	sdelay $0x2  }
0x15f: {  	v0 =	vadd.s32 $0xFFFFF200, v0  }
0x160: {  	vm0 =	vlt.u32 v0, $0xE00  }
0x161: {  	v1 =	vnsel vm0, $0xFFFFFFFF, v1;
	v0 =	vnsel vm0, $0xFFFFFFFF, v0  }
0x162: {  	[tilespmem:$0x9E10] =	vst v1  }
0x163: {  	[tilespmem:$0x9E90] =	vst v0  }
0x164: {  	v0 =	vld [tilespmem:s28+$0x4E60];
	_ =	sdelay $0x1  }
0x165: {  	v1 =	vld [tilespmem:s28+$0xFFFFFFE0];
	_ =	sdelay $0x2  }
0x166: {  	v0 =	vadd.s32 $0xFFFFF200, v0  }
0x167: {  	vm0 =	vlt.u32 v0, $0xE00  }
0x168: {  	v1 =	vnsel vm0, $0xFFFFFFFF, v1;
	v0 =	vnsel vm0, $0xFFFFFFFF, v0  }
0x169: {  	[tilespmem:$0x9E20] =	vst v1  }
0x16a: {  	[tilespmem:$0x9EA0] =	vst v0  }
0x16b: {  	v0 =	vld [tilespmem:s28+$0x4E70]  }
0x16c: {  	v1 =	vld [tilespmem:s28+$0xFFFFFFF0];
	_ =	sdelay $0x3  }
0x16d: {  	v0 =	vadd.s32 $0xFFFFF200, v0  }
0x16e: {  	vm0 =	vlt.u32 v0, $0xE00  }
0x16f: {  	v1 =	vnsel vm0, $0xFFFFFFFF, v1;
	v0 =	vnsel vm0, $0xFFFFFFFF, v0  }
0x170: {  	[tilespmem:$0x9E30] =	vst v1  }
0x171: {  	[tilespmem:$0x9EB0] =	vst v0  }
0x172: {  	v0 =	vld [tilespmem:s28+$0x4E80]  }
0x173: {  	v1 =	vld [tilespmem:s28+$0x0];
	_ =	sdelay $0x3  }
0x174: {  	v0 =	vadd.s32 $0xFFFFF200, v0  }
0x175: {  	vm0 =	vlt.u32 v0, $0xE00  }
0x176: {  	v1 =	vnsel vm0, $0xFFFFFFFF, v1;
	v0 =	vnsel vm0, $0xFFFFFFFF, v0  }
0x177: {  	[tilespmem:$0x9E40] =	vst v1  }
0x178: {  	[tilespmem:$0x9EC0] =	vst v0  }
0x179: {  	(ifvalue) =	ssetifvalue $0xFFFFFFFF  }
0x17a: {  	(ifvalue) =	ssetifvalue $0xFFFFFFFF  }
0x17b: {  	[tilespmem:s20], [sflag:$0x2] =	stream.indirect.gather [hbm4b:s4+s16], $0x80, s19, s16, $0x40b8;
	[tilespmem:$0x1CF00] =	vst v63  }
.Ltmp1:
0x17c: {  	_ =	swait.ge [sflag:s21], $0x2800;
	(pc) =	sbr.rel @p0 .LBB2_4-.Ltmp1, $4  }
0x17d: {  	[sflag:s21] =	ssyncset.done $0x0  }
0x17e: {  	[sflag:s21] =	ssyncadd.s32 $0xFFFFD800  }
0x17f: {  	(ifvalue) =	ssetifvalue $0xFFFFFFFF  }
0x180: {  	[spmem:s2] =	stream.indirect.scatter.add.f32 [tilespmem:s18], [sflag:$0x3], $0x80, s22, s16, $0x40b8;
	[tilespmem:$0x1CF00] =	vst v63  }
0x181: {  	_ =	swait.ge [sflag:s13], $0x2800  }
0x182: {  	[sflag:s13] =	ssyncset.done $0x0  }
0x183: {  	[sflag:s13] =	ssyncadd.s32 $0xFFFFD800  }
0x184: {  	_ =	swait.ge [sflag:s23], $0x2800  }
0x185: {  	[sflag:s23] =	ssyncset.done $0x0  }
0x186: {  	[sflag:s23] =	ssyncadd.s32 $0xFFFFD800;
	(ifvalue) =	ssetifvalue $0xFFFFFFFF  }
0x187: {  	[spmem:s2] =	stream.indirect.scatter.add.f32 [tilespmem:s20], [sflag:$0x3], $0x80, s24, s16, $0x40b8;
	[tilespmem:$0x1CF00] =	vst v63  }
0x188: {  	_ =	swait.ge [sflag:s13], $0x2800  }
0x189: {  	[sflag:s13] =	ssyncset.done $0x0  }
0x18a: {  	[sflag:s13] =	ssyncadd.s32 $0xFFFFD800  }
0x18b: {  	[bflag:$0x0] =	sbarrier.arrive $0xFFFF  }
0x18c: {  	[tilespmem:s15], [sflag:$0x3] =	stream.linear.gather [spmem:s8], $0x7000, $0x38;
	[tilespmem:$0x1CF00] =	vst v63  }
0x18d: {  	_ =	swait.ge [sflag:s13], $0x7000  }
0x18e: {  	[sflag:s13] =	ssyncset.done $0x0  }
0x18f: {  	[sflag:s13] =	ssyncadd.s32 $0xFFFF9000  }
0x190: {  	[hbm4b:s10+s3] =	stream.linear.scatter [tilespmem:s15], [sflag:$0x3], $0x7000, $0x38;
	[tilespmem:$0x1CF00] =	vst v63  }
0x191: {  	_ =	swait.ge [sflag:s13], $0x7000  }
0x192: {  	[sflag:s13] =	ssyncset.done $0x0  }
0x193: {  	[sflag:s13] =	ssyncadd.s32 $0xFFFF9000  }
0x194: {  	[bflag:$0x0] =	sbarrier.arrive $0xFFFF  }
0x195: {  	[tilespmem:s15], [sflag:$0x3] =	stream.linear.gather [hbm4b:s5+s3], $0x7000, $0x38;
	[tilespmem:$0x1CF00] =	vst v63  }
0x196: {  	_ =	swait.ge [sflag:s13], $0x7000  }
0x197: {  	[sflag:s13] =	ssyncset.done $0x0  }
0x198: {  	[sflag:s13] =	ssyncadd.s32 $0xFFFF9000  }
0x199: {  	[spmem:s8] =	stream.linear.scatter [tilespmem:s15], [sflag:$0x3], $0x7000, $0x38;
	[tilespmem:$0x1CF00] =	vst v63  }
0x19a: {  	_ =	swait.ge [sflag:s13], $0x7000  }
0x19b: {  	[sflag:s13] =	ssyncset.done $0x0  }
0x19c: {  	[sflag:s13] =	ssyncadd.s32 $0xFFFF9000  }
0x19d: {  	s26 =	simm.s32 $0x90;
	[bflag:$0x0] =	sbarrier.arrive $0xFFFF  }
0x19e: {  	v0 =	vld [tilespmem:s26+$0x4DF0];
	_ =	sdelay $0x1  }
0x19f: {  	v1 =	vld [tilespmem:s26+$0xFFFFFF70];
	_ =	sdelay $0x2  }
0x1a0: {  	v0 =	vadd.s32 $0xFFFFE400, v0  }
0x1a1: {  	vm0 =	vlt.u32 v0, $0xE00  }
0x1a2: {  	v1 =	vnsel vm0, $0xFFFFFFFF, v1  }
0x1a3: {  	v0 =	vnsel vm0, $0xFFFFFFFF, v0;
	[tilespmem:$0x9D00] =	vst v1  }
0x1a4: {  	[tilespmem:$0x9D80] =	vst v0  }
0x1a5: {  	v0 =	vld [tilespmem:s26+$0x4E00];
	_ =	sdelay $0x1  }
0x1a6: {  	v1 =	vld [tilespmem:s26+$0xFFFFFF80];
	_ =	sdelay $0x2  }
0x1a7: {  	v0 =	vadd.s32 $0xFFFFE400, v0  }
0x1a8: {  	vm7 =	vlt.u32 v0, $0xE00  }
0x1a9: {  	v1 =	vnsel vm7, $0xFFFFFFFF, v1  }
0x1aa: {  	v0 =	vnsel vm7, $0xFFFFFFFF, v0;
	[tilespmem:$0x9D10] =	vst v1  }
0x1ab: {  	[tilespmem:$0x9D90] =	vst v0  }
0x1ac: {  	v0 =	vld [tilespmem:s26+$0x4E10];
	_ =	sdelay $0x1  }
0x1ad: {  	v1 =	vld [tilespmem:s26+$0xFFFFFF90];
	_ =	sdelay $0x2  }
0x1ae: {  	v0 =	vadd.s32 $0xFFFFE400, v0  }
0x1af: {  	vm8 =	vlt.u32 v0, $0xE00  }
0x1b0: {  	v1 =	vnsel vm8, $0xFFFFFFFF, v1  }
0x1b1: {  	v0 =	vnsel vm8, $0xFFFFFFFF, v0;
	[tilespmem:$0x9D20] =	vst v1  }
0x1b2: {  	[tilespmem:$0x9DA0] =	vst v0  }
0x1b3: {  	v0 =	vld [tilespmem:s26+$0x4E20];
	_ =	sdelay $0x1  }
0x1b4: {  	v1 =	vld [tilespmem:s26+$0xFFFFFFA0];
	_ =	sdelay $0x2  }
0x1b5: {  	v0 =	vadd.s32 $0xFFFFE400, v0  }
0x1b6: {  	vm9 =	vlt.u32 v0, $0xE00  }
0x1b7: {  	v1 =	vnsel vm9, $0xFFFFFFFF, v1  }
0x1b8: {  	v0 =	vnsel vm9, $0xFFFFFFFF, v0;
	[tilespmem:$0x9D30] =	vst v1  }
0x1b9: {  	[tilespmem:$0x9DB0] =	vst v0  }
0x1ba: {  	v0 =	vld [tilespmem:s26+$0x4E30];
	_ =	sdelay $0x1  }
0x1bb: {  	v1 =	vld [tilespmem:s26+$0xFFFFFFB0];
	_ =	sdelay $0x2  }
0x1bc: {  	v0 =	vadd.s32 $0xFFFFE400, v0  }
0x1bd: {  	vm10 =	vlt.u32 v0, $0xE00  }
0x1be: {  	v1 =	vnsel vm10, $0xFFFFFFFF, v1  }
0x1bf: {  	v0 =	vnsel vm10, $0xFFFFFFFF, v0;
	[tilespmem:$0x9D40] =	vst v1  }
0x1c0: {  	[tilespmem:$0x9DC0] =	vst v0;
	(ifvalue) =	ssetifvalue $0xFFFFFFFF  }
0x1c1: {  	(ifvalue) =	ssetifvalue $0xFFFFFFFF  }
0x1c2: {  	[tilespmem:s18], [sflag:$0x1] =	stream.indirect.gather [hbm4b:s4+s16], $0x80, s17, s16, $0x40b8;
	[tilespmem:$0x1CF00] =	vst v63  }
0x1c3: {  	v62 =	vld [tilespmem:s26+$0x4E40];
	_ =	sdelay $0x1  }
0x1c4: {  	v63 =	vld [tilespmem:s26+$0xFFFFFFC0];
	_ =	sdelay $0x2  }
0x1c5: {  	v0 =	vadd.s32 $0xFFFFE400, v62  }
0x1c6: {  	vm11 =	vlt.u32 v0, $0xE00  }
0x1c7: {  	v1 =	vnsel vm11, $0xFFFFFFFF, v63  }
0x1c8: {  	v0 =	vnsel vm11, $0xFFFFFFFF, v0;
	[tilespmem:$0x9E00] =	vst v1  }
0x1c9: {  	[tilespmem:$0x9E80] =	vst v0  }
0x1ca: {  	v0 =	vld [tilespmem:s26+$0x4E50];
	_ =	sdelay $0x1  }
0x1cb: {  	v1 =	vld [tilespmem:s26+$0xFFFFFFD0];
	_ =	sdelay $0x2  }
0x1cc: {  	v0 =	vadd.s32 $0xFFFFE400, v0  }
0x1cd: {  	vm12 =	vlt.u32 v0, $0xE00  }
0x1ce: {  	v1 =	vnsel vm12, $0xFFFFFFFF, v1  }
0x1cf: {  	v0 =	vnsel vm12, $0xFFFFFFFF, v0;
	[tilespmem:$0x9E10] =	vst v1  }
0x1d0: {  	[tilespmem:$0x9E90] =	vst v0  }
0x1d1: {  	v0 =	vld [tilespmem:s26+$0x4E60];
	_ =	sdelay $0x1  }
0x1d2: {  	v1 =	vld [tilespmem:s26+$0xFFFFFFE0];
	_ =	sdelay $0x2  }
0x1d3: {  	v0 =	vadd.s32 $0xFFFFE400, v0  }
0x1d4: {  	vm13 =	vlt.u32 v0, $0xE00  }
0x1d5: {  	v1 =	vnsel vm13, $0xFFFFFFFF, v1  }
0x1d6: {  	v0 =	vnsel vm13, $0xFFFFFFFF, v0;
	[tilespmem:$0x9E20] =	vst v1  }
0x1d7: {  	[tilespmem:$0x9EA0] =	vst v0  }
0x1d8: {  	v0 =	vld [tilespmem:s26+$0x4E70];
	_ =	sdelay $0x1  }
0x1d9: {  	v1 =	vld [tilespmem:s26+$0xFFFFFFF0];
	_ =	sdelay $0x2  }
0x1da: {  	v0 =	vadd.s32 $0xFFFFE400, v0  }
0x1db: {  	vm14 =	vlt.u32 v0, $0xE00  }
0x1dc: {  	v1 =	vnsel vm14, $0xFFFFFFFF, v1  }
0x1dd: {  	v0 =	vnsel vm14, $0xFFFFFFFF, v0;
	[tilespmem:$0x9E30] =	vst v1  }
0x1de: {  	[tilespmem:$0x9EB0] =	vst v0  }
0x1df: {  	v0 =	vld [tilespmem:s26+$0x4E80];
	_ =	sdelay $0x1  }
0x1e0: {  	v1 =	vld [tilespmem:s26+$0x0];
	_ =	sdelay $0x2  }
0x1e1: {  	v0 =	vadd.s32 $0xFFFFE400, v0  }
0x1e2: {  	vm15 =	vlt.u32 v0, $0xE00  }
0x1e3: {  	v1 =	vnsel vm15, $0xFFFFFFFF, v1  }
0x1e4: {  	v0 =	vnsel vm15, $0xFFFFFFFF, v0;
	[tilespmem:$0x9E40] =	vst v1  }
0x1e5: {  	[tilespmem:$0x9EC0] =	vst v0;
	(ifvalue) =	ssetifvalue $0xFFFFFFFF  }
0x1e6: {  	(ifvalue) =	ssetifvalue $0xFFFFFFFF  }
0x1e7: {  	[tilespmem:s20], [sflag:$0x2] =	stream.indirect.gather [hbm4b:s4+s16], $0x80, s19, s16, $0x40b8;
	[tilespmem:$0x1CF00] =	vst v63  }
0x1e8: {  	_ =	swait.ge [sflag:s21], $0x2800  }
0x1e9: {  	[sflag:s21] =	ssyncset.done $0x0  }
0x1ea: {  	s26 =	simm.s32 $0x4C0;
	[sflag:s21] =	ssyncadd.s32 $0xFFFFD800;
	(ifvalue) =	ssetifvalue $0xFFFFFFFF  }
0x1eb: {  	[spmem:s2] =	stream.indirect.scatter.add.f32 [tilespmem:s18], [sflag:$0x3], $0x80, s22, s16, $0x40b8;
	[tilespmem:$0x1CF00] =	vst v63  }
.LBB2_6:
0x1ec: {  	p0 =	sne.s32 s26, $0x13840  }
0x1ed: {  	_ =	swait.ge [sflag:s13], $0x2800;
	s28 =	smov.u32 s26;
	s26 =	sadd.s32 $0x280, s26  }
0x1ee: {  	[sflag:s13] =	ssyncset.done $0x0  }
0x1ef: {  	[sflag:s13] =	ssyncadd.s32 $0xFFFFD800  }
0x1f0: {  	_ =	swait.ge [sflag:s23], $0x2800  }
0x1f1: {  	[sflag:s23] =	ssyncset.done $0x0  }
0x1f2: {  	[sflag:s23] =	ssyncadd.s32 $0xFFFFD800  }
0x1f3: {  	(ifvalue) =	ssetifvalue $0xFFFFFFFF  }
0x1f4: {  	[spmem:s2] =	stream.indirect.scatter.add.f32 [tilespmem:s20], [sflag:$0x3], $0x80, s24, s16, $0x40b8;
	[tilespmem:$0x1CF00] =	vst v63  }
0x1f5: {  	_ =	swait.ge [sflag:s13], $0x2800  }
0x1f6: {  	[sflag:s13] =	ssyncset.done $0x0  }
0x1f7: {  	s28 =	sshra.s32 s28, $0x2;
	[sflag:s13] =	ssyncadd.s32 $0xFFFFD800  }
0x1f8: {  	v0 =	vld [tilespmem:s28+$0x4DF0];
	_ =	sdelay $0x1  }
0x1f9: {  	v1 =	vld [tilespmem:s28+$0xFFFFFF70];
	_ =	sdelay $0x2  }
0x1fa: {  	v0 =	vadd.s32 $0xFFFFE400, v0  }
0x1fb: {  	vm0 =	vlt.u32 v0, $0xE00  }
0x1fc: {  	v1 =	vnsel vm0, $0xFFFFFFFF, v1;
	v0 =	vnsel vm0, $0xFFFFFFFF, v0  }
0x1fd: {  	[tilespmem:$0x9D00] =	vst v1  }
0x1fe: {  	[tilespmem:$0x9D80] =	vst v0  }
0x1ff: {  	v0 =	vld [tilespmem:s28+$0x4E00];
	_ =	sdelay $0x1  }
0x200: {  	v1 =	vld [tilespmem:s28+$0xFFFFFF80];
	_ =	sdelay $0x2  }
0x201: {  	v0 =	vadd.s32 $0xFFFFE400, v0  }
0x202: {  	vm0 =	vlt.u32 v0, $0xE00  }
0x203: {  	v1 =	vnsel vm0, $0xFFFFFFFF, v1;
	v0 =	vnsel vm0, $0xFFFFFFFF, v0  }
0x204: {  	[tilespmem:$0x9D10] =	vst v1  }
0x205: {  	[tilespmem:$0x9D90] =	vst v0  }
0x206: {  	v0 =	vld [tilespmem:s28+$0x4E10];
	_ =	sdelay $0x1  }
0x207: {  	v1 =	vld [tilespmem:s28+$0xFFFFFF90];
	_ =	sdelay $0x2  }
0x208: {  	v0 =	vadd.s32 $0xFFFFE400, v0  }
0x209: {  	vm0 =	vlt.u32 v0, $0xE00  }
0x20a: {  	v1 =	vnsel vm0, $0xFFFFFFFF, v1;
	v0 =	vnsel vm0, $0xFFFFFFFF, v0  }
0x20b: {  	[tilespmem:$0x9D20] =	vst v1  }
0x20c: {  	[tilespmem:$0x9DA0] =	vst v0  }
0x20d: {  	v0 =	vld [tilespmem:s28+$0x4E20]  }
0x20e: {  	v1 =	vld [tilespmem:s28+$0xFFFFFFA0];
	_ =	sdelay $0x3  }
0x20f: {  	v0 =	vadd.s32 $0xFFFFE400, v0  }
0x210: {  	vm0 =	vlt.u32 v0, $0xE00  }
0x211: {  	v1 =	vnsel vm0, $0xFFFFFFFF, v1;
	v0 =	vnsel vm0, $0xFFFFFFFF, v0  }
0x212: {  	[tilespmem:$0x9D30] =	vst v1  }
0x213: {  	[tilespmem:$0x9DB0] =	vst v0  }
0x214: {  	v0 =	vld [tilespmem:s28+$0x4E30]  }
0x215: {  	v1 =	vld [tilespmem:s28+$0xFFFFFFB0];
	_ =	sdelay $0x3  }
0x216: {  	v0 =	vadd.s32 $0xFFFFE400, v0  }
0x217: {  	vm0 =	vlt.u32 v0, $0xE00  }
0x218: {  	v1 =	vnsel vm0, $0xFFFFFFFF, v1;
	v0 =	vnsel vm0, $0xFFFFFFFF, v0  }
0x219: {  	[tilespmem:$0x9D40] =	vst v1  }
0x21a: {  	[tilespmem:$0x9DC0] =	vst v0  }
0x21b: {  	(ifvalue) =	ssetifvalue $0xFFFFFFFF  }
0x21c: {  	(ifvalue) =	ssetifvalue $0xFFFFFFFF  }
0x21d: {  	[tilespmem:s18], [sflag:$0x1] =	stream.indirect.gather [hbm4b:s4+s16], $0x80, s17, s16, $0x40b8;
	[tilespmem:$0x1CF00] =	vst v63  }
0x21e: {  	v0 =	vld [tilespmem:s28+$0x4E40];
	_ =	sdelay $0x1  }
0x21f: {  	v1 =	vld [tilespmem:s28+$0xFFFFFFC0];
	_ =	sdelay $0x2  }
0x220: {  	v0 =	vadd.s32 $0xFFFFE400, v0  }
0x221: {  	vm0 =	vlt.u32 v0, $0xE00  }
0x222: {  	v1 =	vnsel vm0, $0xFFFFFFFF, v1;
	v0 =	vnsel vm0, $0xFFFFFFFF, v0  }
0x223: {  	[tilespmem:$0x9E00] =	vst v1  }
0x224: {  	[tilespmem:$0x9E80] =	vst v0  }
0x225: {  	v0 =	vld [tilespmem:s28+$0x4E50];
	_ =	sdelay $0x1  }
0x226: {  	v1 =	vld [tilespmem:s28+$0xFFFFFFD0];
	_ =	sdelay $0x2  }
0x227: {  	v0 =	vadd.s32 $0xFFFFE400, v0  }
0x228: {  	vm0 =	vlt.u32 v0, $0xE00  }
0x229: {  	v1 =	vnsel vm0, $0xFFFFFFFF, v1;
	v0 =	vnsel vm0, $0xFFFFFFFF, v0  }
0x22a: {  	[tilespmem:$0x9E10] =	vst v1  }
0x22b: {  	[tilespmem:$0x9E90] =	vst v0  }
0x22c: {  	v0 =	vld [tilespmem:s28+$0x4E60];
	_ =	sdelay $0x1  }
0x22d: {  	v1 =	vld [tilespmem:s28+$0xFFFFFFE0];
	_ =	sdelay $0x2  }
0x22e: {  	v0 =	vadd.s32 $0xFFFFE400, v0  }
0x22f: {  	vm0 =	vlt.u32 v0, $0xE00  }
0x230: {  	v1 =	vnsel vm0, $0xFFFFFFFF, v1;
	v0 =	vnsel vm0, $0xFFFFFFFF, v0  }
0x231: {  	[tilespmem:$0x9E20] =	vst v1  }
0x232: {  	[tilespmem:$0x9EA0] =	vst v0  }
0x233: {  	v0 =	vld [tilespmem:s28+$0x4E70]  }
0x234: {  	v1 =	vld [tilespmem:s28+$0xFFFFFFF0];
	_ =	sdelay $0x3  }
0x235: {  	v0 =	vadd.s32 $0xFFFFE400, v0  }
0x236: {  	vm0 =	vlt.u32 v0, $0xE00  }
0x237: {  	v1 =	vnsel vm0, $0xFFFFFFFF, v1;
	v0 =	vnsel vm0, $0xFFFFFFFF, v0  }
0x238: {  	[tilespmem:$0x9E30] =	vst v1  }
0x239: {  	[tilespmem:$0x9EB0] =	vst v0  }
0x23a: {  	v0 =	vld [tilespmem:s28+$0x4E80]  }
0x23b: {  	v1 =	vld [tilespmem:s28+$0x0];
	_ =	sdelay $0x3  }
0x23c: {  	v0 =	vadd.s32 $0xFFFFE400, v0  }
0x23d: {  	vm0 =	vlt.u32 v0, $0xE00  }
0x23e: {  	v1 =	vnsel vm0, $0xFFFFFFFF, v1;
	v0 =	vnsel vm0, $0xFFFFFFFF, v0  }
0x23f: {  	[tilespmem:$0x9E40] =	vst v1  }
0x240: {  	[tilespmem:$0x9EC0] =	vst v0  }
0x241: {  	(ifvalue) =	ssetifvalue $0xFFFFFFFF  }
0x242: {  	(ifvalue) =	ssetifvalue $0xFFFFFFFF  }
0x243: {  	[tilespmem:s20], [sflag:$0x2] =	stream.indirect.gather [hbm4b:s4+s16], $0x80, s19, s16, $0x40b8;
	[tilespmem:$0x1CF00] =	vst v63  }
.Ltmp2:
0x244: {  	_ =	swait.ge [sflag:s21], $0x2800;
	(pc) =	sbr.rel @p0 .LBB2_6-.Ltmp2, $4  }
0x245: {  	[sflag:s21] =	ssyncset.done $0x0  }
0x246: {  	[sflag:s21] =	ssyncadd.s32 $0xFFFFD800  }
0x247: {  	(ifvalue) =	ssetifvalue $0xFFFFFFFF  }
0x248: {  	[spmem:s2] =	stream.indirect.scatter.add.f32 [tilespmem:s18], [sflag:$0x3], $0x80, s22, s16, $0x40b8;
	[tilespmem:$0x1CF00] =	vst v63  }
0x249: {  	_ =	swait.ge [sflag:s13], $0x2800  }
0x24a: {  	[sflag:s13] =	ssyncset.done $0x0  }
0x24b: {  	[sflag:s13] =	ssyncadd.s32 $0xFFFFD800  }
0x24c: {  	_ =	swait.ge [sflag:s23], $0x2800  }
0x24d: {  	[sflag:s23] =	ssyncset.done $0x0  }
0x24e: {  	[sflag:s23] =	ssyncadd.s32 $0xFFFFD800;
	(ifvalue) =	ssetifvalue $0xFFFFFFFF  }
0x24f: {  	[spmem:s2] =	stream.indirect.scatter.add.f32 [tilespmem:s20], [sflag:$0x3], $0x80, s24, s16, $0x40b8;
	[tilespmem:$0x1CF00] =	vst v63  }
0x250: {  	_ =	swait.ge [sflag:s13], $0x2800  }
0x251: {  	[sflag:s13] =	ssyncset.done $0x0  }
0x252: {  	[sflag:s13] =	ssyncadd.s32 $0xFFFFD800  }
0x253: {  	[bflag:$0x0] =	sbarrier.arrive $0xFFFF  }
0x254: {  	[tilespmem:s15], [sflag:$0x3] =	stream.linear.gather [spmem:s8], $0x7000, $0x38;
	[tilespmem:$0x1CF00] =	vst v63  }
0x255: {  	_ =	swait.ge [sflag:s13], $0x7000  }
0x256: {  	s25 =	sadd.s32 $0x1, s25;
	[sflag:s13] =	ssyncset.done $0x0  }
0x257: {  	p0 =	sne.s32 s25, s12;
	[sflag:s13] =	ssyncadd.s32 $0xFFFF9000  }
0x258: {  	[hbm4b:s11+s3] =	stream.linear.scatter [tilespmem:s15], [sflag:$0x3], $0x7000, $0x38;
	[tilespmem:$0x1CF00] =	vst v63  }
.Ltmp3:
0x259: {  	_ =	swait.ge [sflag:s13], $0x7000;
	(pc) =	sbr.rel @p0 .LBB2_1-.Ltmp3, $3  }
0x25a: {  	[sflag:s13] =	ssyncset.done $0x0  }
0x25b: {  	[sflag:s13] =	ssyncadd.s32 $0xFFFF9000  }
0x25c: {  	[bflag:$0x0] =	sbarrier.arrive $0xFFFF;
	_ =	sdelay $0x1  }
0x25d: {  	_ =	sfence.sel $0x180000  }
0x25e: {  	[bflag:$0x0] =	sbarrier.arrive $0xFFFF  }
0x25f: {  	p0 =	sne.s32 s0, $0x0;
	_ =	strace $0x9000004D  }
0x260: {  	s0 =	sadd.s32 @!p0 $0x100000, s1;
	[bflag:$0x2] =	sbarrier.arrive $0xFFFF  }
0x261: {  	[sflag:s0] =	ssyncadd.tile.s32 @!p0 $0x1;
	_ =	shalt  }
.Lfunc_end2:
_tile_overlayer_lowered:
.L_overlay_start_2:
0x262: {  	(tag) =	ssettag $0x2  }
0x263: {  	s0 =	rddreg [dreg:$0x0];
	s2 =	stileid.u32  }
0x264: {  	s1 =	rddreg [dreg:$0x1];
	p0 =	sne.s32 s2, $0x0  }
0x265: {  	s3 =	rddreg [dreg:$0x2];
	[bflag:$0x3] =	sbarrier.arrive $0xFFFF;
	s2 =	simm.s32 @!p0 $0x1C03  }
0x266: {  	[timem:s3], [sflag:s2] =	dma.local @!p0 [hbm:s0], s1  }
0x267: {  	s0 =	simm.s32 @!p0 $0x3  }
0x268: {  	_ =	swait.ge @!p0 [sflag:s0], s1  }
0x269: {  	s1 =	ssub.s32 @!p0 $0x0, s1;
	[sflag:s0] =	ssyncset.done @!p0 $0x0  }
0x26a: {  	[sflag:s0] =	ssyncadd.s32 @!p0 s1  }
0x26b: {  	[bflag:$0x3] =	sbarrier.arrive $0xFFFF  }
0x26c: {  	_ =	shalt  }

</sc_bundles>
